<compile_context>
chip_gen: v7x
topology: tpu7x:2x2x1
jax: 0.10.2.dev20260603
libtpu: 0.0.44.dev20260713+nightly
codegen_flags: <defaults>
</compile_context>

<pallas_src>
import jax
import jax.numpy as jnp
from jax import lax
from jax.experimental import pallas as pl
from jax.experimental.pallas import tpu as pltpu
from jax.experimental.pallas import tpu_sc as plsc

N = 65536
D = 128
B = 8192
NC = 2
NS = 16
L = 16
NW = NC * NS
ROWS_PER_W = N // NW
POS_PER_TILE = B // NS
CH = 128
NCH = POS_PER_TILE // CH
GPOS = B // NW
GCH = GPOS // CH
NK = D // L
LSZ = ROWS_PER_W + 2 * CH
PW = 512


def _body_a(x_hbm, idx0_hbm, idx1_hbm,
            part_hbm, t0_hbm, t1_hbm,
            idx0_v, idx1_v, g0i_v, g1i_v, ones_v, rows2_v, f0_v,
            sel_v, partial_v, pall_v, accv_v, zbuf_v, zbuf2_v,
            table0, table1, accspm, pspm, semg0, semg1, sem2):
    c = lax.axis_index("c")
    s = lax.axis_index("s")
    wid = s * NC + c

    def zb(i, _):
        zbuf_v[pl.ds(i * L, L)] = jnp.zeros((L,), jnp.float32)
        return 0
    lax.fori_loop(0, (N // NS) // L, zb, 0, unroll=4)
    pltpu.sync_copy(zbuf_v, table0.at[pl.ds(s * (N // NS), N // NS)])
    pltpu.sync_copy(zbuf_v, table1.at[pl.ds(s * (N // NS), N // NS)])
    def zb2(i, _):
        for k in range(NK):
            zbuf2_v[i, pl.ds(k * L, L)] = jnp.zeros((L,), jnp.float32)
        return 0
    lax.fori_loop(0, L, zb2, 0)
    for r in range(3):
        pltpu.sync_copy(zbuf2_v, accspm.at[pl.ds(48 * s + 16 * r, 16)])
    for k in range(CH // L):
        ones_v[pl.ds(k * L, L)] = jnp.ones((L,), jnp.float32)
    plsc.subcore_barrier()

    gbase = B // NC * c + GPOS * s
    idx_copies = []
    for j in range(NCH):
        idx_copies.append((idx0_hbm.at[pl.ds(POS_PER_TILE * s + CH * j, CH)],
                           idx0_v.at[j]))
        idx_copies.append((idx1_hbm.at[pl.ds(POS_PER_TILE * s + CH * j, CH)],
                           idx1_v.at[j]))
    for j in range(GCH):
        idx_copies.append((idx0_hbm.at[pl.ds(gbase + CH * j, CH)],
                           g0i_v.at[j]))
        idx_copies.append((idx1_hbm.at[pl.ds(gbase + CH * j, CH)],
                           g1i_v.at[j]))
    for src, dst in idx_copies:
        pltpu.async_copy(src, dst, semg0)
    for src, dst in idx_copies:
        pltpu.make_async_copy(src, dst, semg0).wait()

    add_copies = []
    for j in range(NCH):
        add_copies.append((ones_v, table0.at[idx0_v.at[j]]))
        add_copies.append((ones_v, table1.at[idx1_v.at[j]]))
    for src, dst in add_copies:
        pltpu.async_copy(src, dst, semg1, add=True)
    for src, dst in add_copies:
        pltpu.make_async_copy(src, dst, semg1).wait()
    plsc.subcore_barrier()

    pltpu.async_copy(table0.at[pl.ds(wid * ROWS_PER_W, ROWS_PER_W)],
                     t0_hbm.at[pl.ds(wid * ROWS_PER_W, ROWS_PER_W)], sem2)
    pltpu.async_copy(table1.at[pl.ds(wid * ROWS_PER_W, ROWS_PER_W)],
                     t1_hbm.at[pl.ds(wid * ROWS_PER_W, ROWS_PER_W)], sem2)
    sems = [semg0, semg1]

    lanei = lax.iota(jnp.int32, L)
    for k in range(CH // L):
        sel_v[0, pl.ds(k * L, L)] = jnp.full((L,), 48 * s, jnp.int32) + lanei
    for j in range(GCH):
        pltpu.async_copy(x_hbm.at[g0i_v.at[j]], rows2_v.at[j], sems[j])
    for j in range(GCH):
        pltpu.make_async_copy(x_hbm.at[g0i_v.at[j]],
                              rows2_v.at[j], sems[j]).wait()
        pltpu.sync_copy(rows2_v.at[j], accspm.at[sel_v.at[0]], add=True)

    for j in range(GCH):
        pltpu.async_copy(x_hbm.at[g1i_v.at[j]], rows2_v.at[j], sems[j])
    cvec = jnp.zeros((L,), jnp.float32)
    one = jnp.ones((L,), jnp.float32)
    zerov = jnp.zeros((L,), jnp.float32)
    hbase = jnp.full((L,), 48 * s + 16, jnp.int32) + lanei
    mbase = jnp.full((L,), 48 * s + 32, jnp.int32) + lanei
    for j in range(GCH):
        pltpu.sync_copy(table0.at[g1i_v.at[j]], f0_v.at[pl.ds(0, CH)])
        for k in range(CH // L):
            hit = f0_v[pl.ds(k * L, L)] > 0.0
            sel_v[1, pl.ds(k * L, L)] = jnp.where(hit, hbase, mbase)
            cvec = cvec + jnp.where(hit, one, zerov)
        pltpu.make_async_copy(x_hbm.at[g1i_v.at[j]],
                              rows2_v.at[j], sems[j]).wait()
        pltpu.sync_copy(rows2_v.at[j], accspm.at[sel_v.at[1]], add=True)

    pltpu.sync_copy(accspm.at[pl.ds(48 * s, 48)], accv_v)

    def redt(t, carry):
        res = []
        for g in range(3):
            for k in range(NK):
                res.append(carry[g * NK + k]
                           + accv_v[16 * g + t, pl.ds(k * L, L)])
        return tuple(res)
    tot = lax.fori_loop(0, L, redt,
                        tuple([jnp.zeros((L,), jnp.float32)] * (3 * NK)),
                        unroll=2)
    for k in range(NK):
        partial_v[pl.ds(k * L, L)] = tot[k]
        partial_v[pl.ds(D + k * L, L)] = tot[NK + k] + tot[2 * NK + k]
        partial_v[pl.ds(2 * D + k * L, L)] = tot[NK + k]
    partial_v[pl.ds(3 * D, L)] = cvec
    partial_v[pl.ds(3 * D + L, L)] = jnp.zeros((L,), jnp.float32)
    pltpu.sync_copy(partial_v, pspm.at[s])
    plsc.subcore_barrier()

    @pl.when(s == 0)
    def _():
        pltpu.sync_copy(pspm, pall_v)

        def redp(t, carry):
            return tuple(carry[k] + pall_v[t, pl.ds(k * L, L)]
                         for k in range(3 * NK + 1))
        tot2 = lax.fori_loop(0, NS, redp,
                             tuple([jnp.zeros((L,), jnp.float32)]
                                   * (3 * NK + 1)), unroll=2)
        for k in range(3 * NK + 1):
            partial_v[pl.ds(k * L, L)] = tot2[k]
        partial_v[pl.ds((3 * NK + 1) * L, L)] = jnp.zeros((L,), jnp.float32)
        pltpu.sync_copy(partial_v, part_hbm.at[c])

    pltpu.make_async_copy(
        table0.at[pl.ds(wid * ROWS_PER_W, ROWS_PER_W)],
        t0_hbm.at[pl.ds(wid * ROWS_PER_W, ROWS_PER_W)], sem2).wait()
    pltpu.make_async_copy(
        table1.at[pl.ds(wid * ROWS_PER_W, ROWS_PER_W)],
        t1_hbm.at[pl.ds(wid * ROWS_PER_W, ROWS_PER_W)], sem2).wait()


def _body_b(x_hbm, part_hbm, t0_hbm, t1_hbm, out_hbm,
            rows2_v, pall2_v, fl0_v, fl1_v, lst_v, idxw_v,
            semg0, semg1, semg2, semg3, sems0, sems1, sems2, sems3, semprt):
    c = lax.axis_index("c")
    s = lax.axis_index("s")
    wid = s * NC + c
    base = wid * ROWS_PER_W

    fl_copies = [
        (t0_hbm.at[pl.ds(base, ROWS_PER_W)], fl0_v.at[pl.ds(0, ROWS_PER_W)]),
        (t1_hbm.at[pl.ds(base, ROWS_PER_W)], fl1_v.at[pl.ds(0, ROWS_PER_W)]),
    ]
    pltpu.async_copy(part_hbm, pall2_v, semprt)
    for src, dst in fl_copies:
        pltpu.async_copy(src, dst, semg0)
    for src, dst in fl_copies:
        pltpu.make_async_copy(src, dst, semg0).wait()

    lane = lax.iota(jnp.int32, L)

    def bld(g, cnt):
        f0 = fl0_v[pl.ds(g * L, L)]
        f1 = fl1_v[pl.ds(g * L, L)]
        m = (f0 > 0.0) | (f1 > 0.0)
        key = jnp.where(m, 0, 1).astype(jnp.int32)
        ids = jnp.full((L,), base + g * L, jnp.int32) + lane
        val = ((ids << 2)
               | jnp.where(f0 > 0.0, 2, 0).astype(jnp.int32)
               | jnp.where(f1 > 0.0, 1, 0).astype(jnp.int32))
        _, vs = plsc.sort_key_val(key, val)
        lst_v[pl.ds(cnt, L)] = vs
        return cnt + plsc.all_reduce_population_count(m)[0]
    with jax.named_scope("bld"):
        cnt = lax.fori_loop(0, ROWS_PER_W // L, bld, jnp.int32(0), unroll=2)

    lastp = jnp.maximum(cnt - 1, 0)
    lid = jnp.full((L,), lst_v[pl.ds(lastp, L)][0], jnp.int32)
    for k in range(NK):
        lst_v[pl.ds(cnt + k * L, L)] = lid

    trip = lax.shift_right_logical(cnt + (CH - 1), 7)
    semg = [semg0, semg1, semg2, semg3]
    semsc = [sems0, sems1, sems2, sems3]

    def issue(ch, p):
        off = ch * CH
        for k in range(NK):
            idxw_v[p, pl.ds(k * L, L)] = lax.shift_right_logical(
                lst_v[pl.ds(off + k * L, L)], 2)
        pltpu.async_copy(x_hbm.at[idxw_v.at[p]], rows2_v.at[p], semg[p])

    @pl.when(trip > 0)
    def _():
        issue(0, 0)

    pltpu.make_async_copy(part_hbm, pall2_v, semprt).wait()

    def two(off):
        return pall2_v[0, pl.ds(off, L)] + pall2_v[1, pl.ds(off, L)]
    sum0 = [two(k * L) for k in range(NK)]
    s1x = [two(D + k * L) for k in range(NK)]
    sh = [two(2 * D + k * L) for k in range(NK)]
    cl = two(3 * D)
    cv = jnp.full((L,), lax.reduce_sum(cl, axes=(0,)), jnp.float32)

    inv_b = jnp.float32(1.0 / B)
    m0 = [sum0[k] * inv_b for k in range(NK)]
    ilo8 = lax.iota(jnp.int32, L) < 8
    zero = jnp.zeros((L,), jnp.float32)
    m1 = []
    for k in range(NK):
        if k == 0:
            r = jnp.where(ilo8, sh[0], cv * m0[0])
        elif k == 1:
            r = jnp.where(ilo8, zero, cv * m0[1])
        else:
            r = cv * m0[k]
        m1.append((s1x[k] - sh[k] + r) * inv_b)
    rowz1 = jnp.where(ilo8, zero, m0[1])
    rowz2 = jnp.where(ilo8, zero, m1[1])

    def sub(ch, p):
        pltpu.make_async_copy(x_hbm.at[idxw_v.at[p]],
                              rows2_v.at[p], semg[p]).wait()
        nxt = 1 - p

        @pl.when(ch >= 1)
        def _():
            pltpu.make_async_copy(rows2_v.at[nxt],
                                  out_hbm.at[idxw_v.at[nxt]],
                                  semsc[nxt]).wait()

        @pl.when(ch + 1 < trip)
        def _():
            issue(ch + 1, nxt)
        off = ch * CH

        def fix(i, _2):
            pv = lst_v[pl.ds(off + i, L)][0]
            g0 = (pv & 2) > 0
            g1 = (pv & 1) > 0
            v0 = rows2_v[p, i, pl.ds(0, L)]
            p1 = jnp.where(ilo8, v0, m0[0])
            p2 = jnp.where(ilo8, m1[0], jnp.where(g0, m0[0], v0))
            rows2_v[p, i, pl.ds(0, L)] = jnp.where(g1, p2, p1)
            rows2_v[p, i, pl.ds(L, L)] = jnp.where(g1, rowz2, rowz1)
            for k in range(2, NK):
                rows2_v[p, i, pl.ds(k * L, L)] = jnp.where(g1, m1[k], m0[k])
            return 0
        with jax.named_scope("fix"):
            lax.fori_loop(0, CH, fix, 0, unroll=2)
        pltpu.async_copy(rows2_v.at[p], out_hbm.at[idxw_v.at[p]], semsc[p])

    def pair(t, _):
        ch0 = 2 * t
        sub(ch0, 0)

        @pl.when(ch0 + 1 < trip)
        def _():
            sub(ch0 + 1, 1)
        return 0
    with jax.named_scope("chunks"):
        lax.fori_loop(0, (trip + 1) >> 1, pair, 0)

    @pl.when((trip & 1) == 1)
    def _():
        pltpu.make_async_copy(rows2_v.at[0], out_hbm.at[idxw_v.at[0]],
                              sems0).wait()

    @pl.when(((trip & 1) == 0) & (trip >= 2))
    def _():
        pltpu.make_async_copy(rows2_v.at[1], out_hbm.at[idxw_v.at[1]],
                              sems1).wait()


def _make_kernels():
    mesh = plsc.VectorSubcoreMesh(core_axis_name="c", subcore_axis_name="s")
    params = pltpu.CompilerParams(needs_layout_passes=False)
    ka = pl.kernel(
        _body_a,
        out_type=(
            jax.ShapeDtypeStruct((NC, PW), jnp.float32),
            jax.ShapeDtypeStruct((N,), jnp.float32),
            jax.ShapeDtypeStruct((N,), jnp.float32),
        ),
        mesh=mesh,
        compiler_params=params,
        scratch_types=[
            pltpu.VMEM((NCH, CH), jnp.int32),
            pltpu.VMEM((NCH, CH), jnp.int32),
            pltpu.VMEM((GCH, CH), jnp.int32),
            pltpu.VMEM((GCH, CH), jnp.int32),
            pltpu.VMEM((CH,), jnp.float32),
            pltpu.VMEM((GCH, CH, D), jnp.float32),
            pltpu.VMEM((NS * L + L,), jnp.float32),
            pltpu.VMEM((2, CH), jnp.int32),
            pltpu.VMEM((PW,), jnp.float32),
            pltpu.VMEM((NS, PW), jnp.float32),
            pltpu.VMEM((3 * L, D), jnp.float32),
            pltpu.VMEM((N // NS,), jnp.float32),
            pltpu.VMEM((L, D), jnp.float32),
            pltpu.VMEM_SHARED((N,), jnp.float32),
            pltpu.VMEM_SHARED((N,), jnp.float32),
            pltpu.VMEM_SHARED((NS * 48, D), jnp.float32),
            pltpu.VMEM_SHARED((NS, PW), jnp.float32),
            pltpu.SemaphoreType.DMA,
            pltpu.SemaphoreType.DMA,
            pltpu.SemaphoreType.DMA,
        ],
    )
    kb = pl.kernel(
        _body_b,
        out_type=(),
        mesh=mesh,
        compiler_params=params,
        scratch_types=[
            pltpu.VMEM((4, CH, D), jnp.float32),
            pltpu.VMEM((NC, PW), jnp.float32),
            pltpu.VMEM((ROWS_PER_W + L,), jnp.float32),
            pltpu.VMEM((ROWS_PER_W + L,), jnp.float32),
            pltpu.VMEM((LSZ,), jnp.int32),
            pltpu.VMEM((4, CH), jnp.int32),
            pltpu.SemaphoreType.DMA,
            pltpu.SemaphoreType.DMA,
            pltpu.SemaphoreType.DMA,
            pltpu.SemaphoreType.DMA,
            pltpu.SemaphoreType.DMA,
            pltpu.SemaphoreType.DMA,
            pltpu.SemaphoreType.DMA,
            pltpu.SemaphoreType.DMA,
            pltpu.SemaphoreType.DMA,
        ],
    )
    return ka, kb


_sc_sums, _sc_fixup = _make_kernels()


@jax.jit
def _selective_filter(x, idx0, idx1):
    out_ref = jax.new_ref(x)
    part, t0, t1 = _sc_sums(x, idx0, idx1)
    _sc_fixup(x, part, t0, t1, out_ref)
    return jax.freeze(out_ref)


def kernel(input, idx0, idx1):
    return _selective_filter(input, idx0, idx1)

# --- scband reference (transcript-rebuilt; emitter-appended) ---
"""Pipeline reference for scband-selective-filter-4707284156667 (READ-ONLY COPY).

The authoritative reference and input builder live on the scoring server;
editing this copy changes nothing except your own understanding.
"""

import jax, jax.numpy as jnp
import numpy as np

PASSTHROUGH = {"0": list(range(0, 8)), "1": list(range(8, 16)), "2": list(range(16, 24))}
INDICES_LABELS = ["0", "1"]  # labels present in indices_dict


def setup_inputs(seed: int = 0) -> dict:
    key = jax.random.key(seed)
    k1, k2, k3 = jax.random.split(key, 3)
    x = jax.random.normal(k1, (65536, 128), dtype=jnp.float32)
    idx0 = jax.random.randint(k2, (8192,), 0, 65536, dtype=jnp.int32)
    idx1 = jax.random.randint(k3, (8192,), 0, 65536, dtype=jnp.int32)
    return {"input": x, "idx0": idx0, "idx1": idx1}


def _forward(x, idx0, idx1):
    indices_dict = {"0": [idx0], "1": [idx1]}
    other_passthrough = [p for l, p in PASSTHROUGH.items() if l not in indices_dict.keys()]
    out = x
    for label, indices_list in indices_dict.items():
        passthrough = jnp.array(PASSTHROUGH[label], dtype=jnp.int32)
        for indices in indices_list:
            data = out[indices, :]
            mini_output = jnp.broadcast_to(jnp.mean(data, axis=0), data.shape)
            mini_output = mini_output.at[:, passthrough].set(data[:, passthrough])
            for p in other_passthrough:
                p_arr = jnp.array(p, dtype=jnp.int32)
                mini_output = mini_output.at[:, p_arr].set(0.0)
            out = out.at[indices, :].set(mini_output)
    return out


def reference(input, idx0, idx1):
    return _forward(input, idx0, idx1)

if __name__ == "__main__":
    import jax
    _d = setup_inputs()
    print(jax.jit(kernel)(*tuple(_d.values())))

</pallas_src>

<mosaic_0001>
#map = affine_map<(d0, d1) -> (0, 0)>
#map1 = affine_map<(d0, d1) -> (0)>
module attributes {stable_mosaic.version = 14 : i64} {
  func.func @_body_a(%arg0: i32, %arg1: i32, %arg2: memref<65536x128xf32, #tpu.memory_space<hbm>>, %arg3: memref<8192xi32, #tpu.memory_space<hbm>>, %arg4: memref<8192xi32, #tpu.memory_space<hbm>>, %arg5: memref<2x512xf32, #tpu.memory_space<hbm>>, %arg6: memref<65536xf32, #tpu.memory_space<hbm>>, %arg7: memref<65536xf32, #tpu.memory_space<hbm>>, %arg8: memref<4x128xi32, #tpu.memory_space<vmem>>, %arg9: memref<4x128xi32, #tpu.memory_space<vmem>>, %arg10: memref<2x128xi32, #tpu.memory_space<vmem>>, %arg11: memref<2x128xi32, #tpu.memory_space<vmem>>, %arg12: memref<128xf32, #tpu.memory_space<vmem>>, %arg13: memref<2x128x128xf32, #tpu.memory_space<vmem>>, %arg14: memref<272xf32, #tpu.memory_space<vmem>>, %arg15: memref<2x128xi32, #tpu.memory_space<vmem>>, %arg16: memref<512xf32, #tpu.memory_space<vmem>>, %arg17: memref<16x512xf32, #tpu.memory_space<vmem>>, %arg18: memref<48x128xf32, #tpu.memory_space<vmem>>, %arg19: memref<4096xf32, #tpu.memory_space<vmem>>, %arg20: memref<16x128xf32, #tpu.memory_space<vmem>>, %arg21: memref<65536xf32, #tpu.memory_space<vmem_shared>>, %arg22: memref<65536xf32, #tpu.memory_space<vmem_shared>>, %arg23: memref<768x128xf32, #tpu.memory_space<vmem_shared>>, %arg24: memref<16x512xf32, #tpu.memory_space<vmem_shared>>, %arg25: memref<!tpu.dma_semaphore, #tpu.memory_space<semaphore_mem>>, %arg26: memref<!tpu.dma_semaphore, #tpu.memory_space<semaphore_mem>>, %arg27: memref<!tpu.dma_semaphore, #tpu.memory_space<semaphore_mem>>) attributes {dimension_semantics = [#tpu.dimension_semantics<core_parallel>, #tpu.dimension_semantics<subcore_parallel>], iteration_bounds = array<i64: 2, 16>, scalar_prefetch = 0 : i64, scratch_operands = 20 : i64, tpu.core_type = #tpu.core_type<sc_vector_subcore>, window_params = [{transform_indices = #map}, {transform_indices = #map1}, {transform_indices = #map1}, {transform_indices = #map}, {transform_indices = #map1}, {transform_indices = #map1}]} {
    %mul3A = arith.constant 2 : i32
    %mul3A_0 = arith.muli %arg1, %mul3A : i32
    %add3A = arith.addi %mul3A_0, %arg0 : i32
    %scan3A = arith.constant 0 : i32
    %scan3A_1 = arith.constant 0 : i32
    %scan3A_2 = arith.constant 256 : i32
    %scan3A_3 = arith.addi %scan3A_1, %scan3A_2 : i32
    %scan3A_4 = arith.constant 4 : i32
    %scan3A_5 = scf.for %scan3A_891 = %scan3A_1 to %scan3A_3 step %scan3A_4 iter_args(%scan3A_892 = %scan3A) -> (i32)  : i32 {
      %broadcast_in_dim3A_893 = arith.constant 0.000000e+00 : f32
      %broadcast_in_dim3A_894 = vector.broadcast %broadcast_in_dim3A_893 : f32 to vector<16xf32>
      %mul3A_895 = arith.constant 16 : i32
      %mul3A_896 = arith.muli %scan3A_891, %mul3A_895 : i32
      %swap3A_897 = arith.index_cast %mul3A_896 : i32 to index
      %swap3A_898 = tpu.vector_load %arg19[%swap3A_897] {strides = array<i32>} : memref<4096xf32, #tpu.memory_space<vmem>>, vector<16xf32>,
      tpu.vector_store %arg19[%swap3A_897], %broadcast_in_dim3A_894 {strides = array<i32>} : memref<4096xf32, #tpu.memory_space<vmem>>, vector<16xf32>,
      %scan3A_899 = arith.constant 0 : i32
      %scan3A_900 = arith.constant 1 : i32
      %scan3A_901 = arith.addi %scan3A_891, %scan3A_900 : i32
      %broadcast_in_dim3A_902 = arith.constant 0.000000e+00 : f32
      %broadcast_in_dim3A_903 = vector.broadcast %broadcast_in_dim3A_902 : f32 to vector<16xf32>
      %mul3A_904 = arith.constant 16 : i32
      %mul3A_905 = arith.muli %scan3A_901, %mul3A_904 : i32
      %swap3A_906 = arith.index_cast %mul3A_905 : i32 to index
      %swap3A_907 = tpu.vector_load %arg19[%swap3A_906] {strides = array<i32>} : memref<4096xf32, #tpu.memory_space<vmem>>, vector<16xf32>,
      tpu.vector_store %arg19[%swap3A_906], %broadcast_in_dim3A_903 {strides = array<i32>} : memref<4096xf32, #tpu.memory_space<vmem>>, vector<16xf32>,
      %scan3A_908 = arith.constant 0 : i32
      %scan3A_909 = arith.constant 2 : i32
      %scan3A_910 = arith.addi %scan3A_891, %scan3A_909 : i32
      %broadcast_in_dim3A_911 = arith.constant 0.000000e+00 : f32
      %broadcast_in_dim3A_912 = vector.broadcast %broadcast_in_dim3A_911 : f32 to vector<16xf32>
      %mul3A_913 = arith.constant 16 : i32
      %mul3A_914 = arith.muli %scan3A_910, %mul3A_913 : i32
      %swap3A_915 = arith.index_cast %mul3A_914 : i32 to index
      %swap3A_916 = tpu.vector_load %arg19[%swap3A_915] {strides = array<i32>} : memref<4096xf32, #tpu.memory_space<vmem>>, vector<16xf32>,
      tpu.vector_store %arg19[%swap3A_915], %broadcast_in_dim3A_912 {strides = array<i32>} : memref<4096xf32, #tpu.memory_space<vmem>>, vector<16xf32>,
      %scan3A_917 = arith.constant 0 : i32
      %scan3A_918 = arith.constant 3 : i32
      %scan3A_919 = arith.addi %scan3A_891, %scan3A_918 : i32
      %broadcast_in_dim3A_920 = arith.constant 0.000000e+00 : f32
      %broadcast_in_dim3A_921 = vector.broadcast %broadcast_in_dim3A_920 : f32 to vector<16xf32>
      %mul3A_922 = arith.constant 16 : i32
      %mul3A_923 = arith.muli %scan3A_919, %mul3A_922 : i32
      %swap3A_924 = arith.index_cast %mul3A_923 : i32 to index
      %swap3A_925 = tpu.vector_load %arg19[%swap3A_924] {strides = array<i32>} : memref<4096xf32, #tpu.memory_space<vmem>>, vector<16xf32>,
      tpu.vector_store %arg19[%swap3A_924], %broadcast_in_dim3A_921 {strides = array<i32>} : memref<4096xf32, #tpu.memory_space<vmem>>, vector<16xf32>,
      %scan3A_926 = arith.constant 0 : i32
      scf.yield %scan3A_926 : i32
    }
    %scan3A_6 = arith.constant 256 : i32
    %mul3A_7 = arith.constant 4096 : i32
    %mul3A_8 = arith.muli %arg1, %mul3A_7 : i32
    "tpu.region"() ({
      %run_scoped3A_891 = tpu.sem_alloc : memref<!tpu.dma_semaphore, #tpu.memory_space<semaphore_mem>>
      %dma_start3A_892 = tpu.memref_slice %arg21[%mul3A_8] : memref<65536xf32, #tpu.memory_space<vmem_shared>> -> memref<4096xf32, #tpu.memory_space<vmem_shared>>
      %dma_start3A_893 = tpu.memref_slice %arg21[%mul3A_8] : memref<65536xf32, #tpu.memory_space<vmem_shared>> -> memref<4096xf32, #tpu.memory_space<vmem_shared>>
      tpu.enqueue_dma source(%arg19 : memref<4096xf32, #tpu.memory_space<vmem>>) target(%dma_start3A_893 : memref<4096xf32, #tpu.memory_space<vmem_shared>>) target_semaphore(%run_scoped3A_891 : memref<!tpu.dma_semaphore, #tpu.memory_space<semaphore_mem>>)
      %dma_wait3A_894 = tpu.memref_slice %arg21[%mul3A_8] : memref<65536xf32, #tpu.memory_space<vmem_shared>> -> memref<4096xf32, #tpu.memory_space<vmem_shared>>
      %dma_wait3A_895 = tpu.memref_slice %arg21[%mul3A_8] : memref<65536xf32, #tpu.memory_space<vmem_shared>> -> memref<4096xf32, #tpu.memory_space<vmem_shared>>
      tpu.wait_dma2 semaphore(%run_scoped3A_891 : memref<!tpu.dma_semaphore, #tpu.memory_space<semaphore_mem>>) src(%arg19 : memref<4096xf32, #tpu.memory_space<vmem>>) dst(%dma_wait3A_895 : memref<4096xf32, #tpu.memory_space<vmem_shared>>)
      tpu.yield
    }) : () -> ()
    %mul3A_9 = arith.constant 4096 : i32
    %mul3A_10 = arith.muli %arg1, %mul3A_9 : i32
    "tpu.region"() ({
      %run_scoped3A_891 = tpu.sem_alloc : memref<!tpu.dma_semaphore, #tpu.memory_space<semaphore_mem>>
      %dma_start3A_892 = tpu.memref_slice %arg22[%mul3A_10] : memref<65536xf32, #tpu.memory_space<vmem_shared>> -> memref<4096xf32, #tpu.memory_space<vmem_shared>>
      %dma_start3A_893 = tpu.memref_slice %arg22[%mul3A_10] : memref<65536xf32, #tpu.memory_space<vmem_shared>> -> memref<4096xf32, #tpu.memory_space<vmem_shared>>
      tpu.enqueue_dma source(%arg19 : memref<4096xf32, #tpu.memory_space<vmem>>) target(%dma_start3A_893 : memref<4096xf32, #tpu.memory_space<vmem_shared>>) target_semaphore(%run_scoped3A_891 : memref<!tpu.dma_semaphore, #tpu.memory_space<semaphore_mem>>)
      %dma_wait3A_894 = tpu.memref_slice %arg22[%mul3A_10] : memref<65536xf32, #tpu.memory_space<vmem_shared>> -> memref<4096xf32, #tpu.memory_space<vmem_shared>>
      %dma_wait3A_895 = tpu.memref_slice %arg22[%mul3A_10] : memref<65536xf32, #tpu.memory_space<vmem_shared>> -> memref<4096xf32, #tpu.memory_space<vmem_shared>>
      tpu.wait_dma2 semaphore(%run_scoped3A_891 : memref<!tpu.dma_semaphore, #tpu.memory_space<semaphore_mem>>) src(%arg19 : memref<4096xf32, #tpu.memory_space<vmem>>) dst(%dma_wait3A_895 : memref<4096xf32, #tpu.memory_space<vmem_shared>>)
      tpu.yield
    }) : () -> ()
    %scan3A_11 = arith.constant 0 : i32
    %scan3A_12 = arith.constant 0 : i32
    %scan3A_13 = arith.constant 16 : i32
    %scan3A_14 = arith.addi %scan3A_12, %scan3A_13 : i32
    %scan3A_15 = arith.constant 1 : i32
    %scan3A_16 = scf.for %scan3A_891 = %scan3A_12 to %scan3A_14 step %scan3A_15 iter_args(%scan3A_892 = %scan3A_11) -> (i32)  : i32 {
      %broadcast_in_dim3A_893 = arith.constant 0.000000e+00 : f32
      %broadcast_in_dim3A_894 = vector.broadcast %broadcast_in_dim3A_893 : f32 to vector<16xf32>
      %swap3A_895 = arith.index_cast %scan3A_891 : i32 to index
      %swap3A_896 = arith.constant 0 : index
      %swap3A_897 = tpu.vector_load %arg20[%swap3A_895, %swap3A_896] {strides = array<i32>} : memref<16x128xf32, #tpu.memory_space<vmem>>, vector<16xf32>,
      tpu.vector_store %arg20[%swap3A_895, %swap3A_896], %broadcast_in_dim3A_894 {strides = array<i32>} : memref<16x128xf32, #tpu.memory_space<vmem>>, vector<16xf32>,
      %broadcast_in_dim3A_898 = arith.constant 0.000000e+00 : f32
      %broadcast_in_dim3A_899 = vector.broadcast %broadcast_in_dim3A_898 : f32 to vector<16xf32>
      %swap3A_900 = arith.index_cast %scan3A_891 : i32 to index
      %swap3A_901 = arith.constant 16 : index
      %swap3A_902 = tpu.vector_load %arg20[%swap3A_900, %swap3A_901] {strides = array<i32>} : memref<16x128xf32, #tpu.memory_space<vmem>>, vector<16xf32>,
      tpu.vector_store %arg20[%swap3A_900, %swap3A_901], %broadcast_in_dim3A_899 {strides = array<i32>} : memref<16x128xf32, #tpu.memory_space<vmem>>, vector<16xf32>,
      %broadcast_in_dim3A_903 = arith.constant 0.000000e+00 : f32
      %broadcast_in_dim3A_904 = vector.broadcast %broadcast_in_dim3A_903 : f32 to vector<16xf32>
      %swap3A_905 = arith.index_cast %scan3A_891 : i32 to index
      %swap3A_906 = arith.constant 32 : index
      %swap3A_907 = tpu.vector_load %arg20[%swap3A_905, %swap3A_906] {strides = array<i32>} : memref<16x128xf32, #tpu.memory_space<vmem>>, vector<16xf32>,
      tpu.vector_store %arg20[%swap3A_905, %swap3A_906], %broadcast_in_dim3A_904 {strides = array<i32>} : memref<16x128xf32, #tpu.memory_space<vmem>>, vector<16xf32>,
      %broadcast_in_dim3A_908 = arith.constant 0.000000e+00 : f32
      %broadcast_in_dim3A_909 = vector.broadcast %broadcast_in_dim3A_908 : f32 to vector<16xf32>
      %swap3A_910 = arith.index_cast %scan3A_891 : i32 to index
      %swap3A_911 = arith.constant 48 : index
      %swap3A_912 = tpu.vector_load %arg20[%swap3A_910, %swap3A_911] {strides = array<i32>} : memref<16x128xf32, #tpu.memory_space<vmem>>, vector<16xf32>,
      tpu.vector_store %arg20[%swap3A_910, %swap3A_911], %broadcast_in_dim3A_909 {strides = array<i32>} : memref<16x128xf32, #tpu.memory_space<vmem>>, vector<16xf32>,
      %broadcast_in_dim3A_913 = arith.constant 0.000000e+00 : f32
      %broadcast_in_dim3A_914 = vector.broadcast %broadcast_in_dim3A_913 : f32 to vector<16xf32>
      %swap3A_915 = arith.index_cast %scan3A_891 : i32 to index
      %swap3A_916 = arith.constant 64 : index
      %swap3A_917 = tpu.vector_load %arg20[%swap3A_915, %swap3A_916] {strides = array<i32>} : memref<16x128xf32, #tpu.memory_space<vmem>>, vector<16xf32>,
      tpu.vector_store %arg20[%swap3A_915, %swap3A_916], %broadcast_in_dim3A_914 {strides = array<i32>} : memref<16x128xf32, #tpu.memory_space<vmem>>, vector<16xf32>,
      %broadcast_in_dim3A_918 = arith.constant 0.000000e+00 : f32
      %broadcast_in_dim3A_919 = vector.broadcast %broadcast_in_dim3A_918 : f32 to vector<16xf32>
      %swap3A_920 = arith.index_cast %scan3A_891 : i32 to index
      %swap3A_921 = arith.constant 80 : index
      %swap3A_922 = tpu.vector_load %arg20[%swap3A_920, %swap3A_921] {strides = array<i32>} : memref<16x128xf32, #tpu.memory_space<vmem>>, vector<16xf32>,
      tpu.vector_store %arg20[%swap3A_920, %swap3A_921], %broadcast_in_dim3A_919 {strides = array<i32>} : memref<16x128xf32, #tpu.memory_space<vmem>>, vector<16xf32>,
      %broadcast_in_dim3A_923 = arith.constant 0.000000e+00 : f32
      %broadcast_in_dim3A_924 = vector.broadcast %broadcast_in_dim3A_923 : f32 to vector<16xf32>
      %swap3A_925 = arith.index_cast %scan3A_891 : i32 to index
      %swap3A_926 = arith.constant 96 : index
      %swap3A_927 = tpu.vector_load %arg20[%swap3A_925, %swap3A_926] {strides = array<i32>} : memref<16x128xf32, #tpu.memory_space<vmem>>, vector<16xf32>,
      tpu.vector_store %arg20[%swap3A_925, %swap3A_926], %broadcast_in_dim3A_924 {strides = array<i32>} : memref<16x128xf32, #tpu.memory_space<vmem>>, vector<16xf32>,
      %broadcast_in_dim3A_928 = arith.constant 0.000000e+00 : f32
      %broadcast_in_dim3A_929 = vector.broadcast %broadcast_in_dim3A_928 : f32 to vector<16xf32>
      %swap3A_930 = arith.index_cast %scan3A_891 : i32 to index
      %swap3A_931 = arith.constant 112 : index
      %swap3A_932 = tpu.vector_load %arg20[%swap3A_930, %swap3A_931] {strides = array<i32>} : memref<16x128xf32, #tpu.memory_space<vmem>>, vector<16xf32>,
      tpu.vector_store %arg20[%swap3A_930, %swap3A_931], %broadcast_in_dim3A_929 {strides = array<i32>} : memref<16x128xf32, #tpu.memory_space<vmem>>, vector<16xf32>,
      %scan3A_933 = arith.constant 0 : i32
      scf.yield %scan3A_933 : i32
    }
    %scan3A_17 = arith.constant 16 : i32
    %mul3A_18 = arith.constant 48 : i32
    %mul3A_19 = arith.muli %mul3A_18, %arg1 : i32
    %add3A_20 = arith.constant 0 : i32
    %add3A_21 = arith.addi %mul3A_19, %add3A_20 : i32
    "tpu.region"() ({
      %run_scoped3A_891 = tpu.sem_alloc : memref<!tpu.dma_semaphore, #tpu.memory_space<semaphore_mem>>
      %dma_start3A_892 = arith.constant 0 : i32
      %dma_start3A_893 = tpu.memref_slice %arg23[%add3A_21, %dma_start3A_892] : memref<768x128xf32, #tpu.memory_space<vmem_shared>> -> memref<16x128xf32, #tpu.memory_space<vmem_shared>>
      %dma_start3A_894 = arith.constant 0 : i32
      %dma_start3A_895 = tpu.memref_slice %arg23[%add3A_21, %dma_start3A_894] : memref<768x128xf32, #tpu.memory_space<vmem_shared>> -> memref<16x128xf32, #tpu.memory_space<vmem_shared>>
      tpu.enqueue_dma source(%arg20 : memref<16x128xf32, #tpu.memory_space<vmem>>) target(%dma_start3A_895 : memref<16x128xf32, #tpu.memory_space<vmem_shared>>) target_semaphore(%run_scoped3A_891 : memref<!tpu.dma_semaphore, #tpu.memory_space<semaphore_mem>>)
      %dma_wait3A_896 = arith.constant 0 : i32
      %dma_wait3A_897 = tpu.memref_slice %arg23[%add3A_21, %dma_wait3A_896] : memref<768x128xf32, #tpu.memory_space<vmem_shared>> -> memref<16x128xf32, #tpu.memory_space<vmem_shared>>
      %dma_wait3A_898 = arith.constant 0 : i32
      %dma_wait3A_899 = tpu.memref_slice %arg23[%add3A_21, %dma_wait3A_898] : memref<768x128xf32, #tpu.memory_space<vmem_shared>> -> memref<16x128xf32, #tpu.memory_space<vmem_shared>>
      tpu.wait_dma2 semaphore(%run_scoped3A_891 : memref<!tpu.dma_semaphore, #tpu.memory_space<semaphore_mem>>) src(%arg20 : memref<16x128xf32, #tpu.memory_space<vmem>>) dst(%dma_wait3A_899 : memref<16x128xf32, #tpu.memory_space<vmem_shared>>)
      tpu.yield
    }) : () -> ()
    %mul3A_22 = arith.constant 48 : i32
    %mul3A_23 = arith.muli %mul3A_22, %arg1 : i32
    %add3A_24 = arith.constant 16 : i32
    %add3A_25 = arith.addi %mul3A_23, %add3A_24 : i32
    "tpu.region"() ({
      %run_scoped3A_891 = tpu.sem_alloc : memref<!tpu.dma_semaphore, #tpu.memory_space<semaphore_mem>>
      %dma_start3A_892 = arith.constant 0 : i32
      %dma_start3A_893 = tpu.memref_slice %arg23[%add3A_25, %dma_start3A_892] : memref<768x128xf32, #tpu.memory_space<vmem_shared>> -> memref<16x128xf32, #tpu.memory_space<vmem_shared>>
      %dma_start3A_894 = arith.constant 0 : i32
      %dma_start3A_895 = tpu.memref_slice %arg23[%add3A_25, %dma_start3A_894] : memref<768x128xf32, #tpu.memory_space<vmem_shared>> -> memref<16x128xf32, #tpu.memory_space<vmem_shared>>
      tpu.enqueue_dma source(%arg20 : memref<16x128xf32, #tpu.memory_space<vmem>>) target(%dma_start3A_895 : memref<16x128xf32, #tpu.memory_space<vmem_shared>>) target_semaphore(%run_scoped3A_891 : memref<!tpu.dma_semaphore, #tpu.memory_space<semaphore_mem>>)
      %dma_wait3A_896 = arith.constant 0 : i32
      %dma_wait3A_897 = tpu.memref_slice %arg23[%add3A_25, %dma_wait3A_896] : memref<768x128xf32, #tpu.memory_space<vmem_shared>> -> memref<16x128xf32, #tpu.memory_space<vmem_shared>>
      %dma_wait3A_898 = arith.constant 0 : i32
      %dma_wait3A_899 = tpu.memref_slice %arg23[%add3A_25, %dma_wait3A_898] : memref<768x128xf32, #tpu.memory_space<vmem_shared>> -> memref<16x128xf32, #tpu.memory_space<vmem_shared>>
      tpu.wait_dma2 semaphore(%run_scoped3A_891 : memref<!tpu.dma_semaphore, #tpu.memory_space<semaphore_mem>>) src(%arg20 : memref<16x128xf32, #tpu.memory_space<vmem>>) dst(%dma_wait3A_899 : memref<16x128xf32, #tpu.memory_space<vmem_shared>>)
      tpu.yield
    }) : () -> ()
    %mul3A_26 = arith.constant 48 : i32
    %mul3A_27 = arith.muli %mul3A_26, %arg1 : i32
    %add3A_28 = arith.constant 32 : i32
    %add3A_29 = arith.addi %mul3A_27, %add3A_28 : i32
    "tpu.region"() ({
      %run_scoped3A_891 = tpu.sem_alloc : memref<!tpu.dma_semaphore, #tpu.memory_space<semaphore_mem>>
      %dma_start3A_892 = arith.constant 0 : i32
      %dma_start3A_893 = tpu.memref_slice %arg23[%add3A_29, %dma_start3A_892] : memref<768x128xf32, #tpu.memory_space<vmem_shared>> -> memref<16x128xf32, #tpu.memory_space<vmem_shared>>
      %dma_start3A_894 = arith.constant 0 : i32
      %dma_start3A_895 = tpu.memref_slice %arg23[%add3A_29, %dma_start3A_894] : memref<768x128xf32, #tpu.memory_space<vmem_shared>> -> memref<16x128xf32, #tpu.memory_space<vmem_shared>>
      tpu.enqueue_dma source(%arg20 : memref<16x128xf32, #tpu.memory_space<vmem>>) target(%dma_start3A_895 : memref<16x128xf32, #tpu.memory_space<vmem_shared>>) target_semaphore(%run_scoped3A_891 : memref<!tpu.dma_semaphore, #tpu.memory_space<semaphore_mem>>)
      %dma_wait3A_896 = arith.constant 0 : i32
      %dma_wait3A_897 = tpu.memref_slice %arg23[%add3A_29, %dma_wait3A_896] : memref<768x128xf32, #tpu.memory_space<vmem_shared>> -> memref<16x128xf32, #tpu.memory_space<vmem_shared>>
      %dma_wait3A_898 = arith.constant 0 : i32
      %dma_wait3A_899 = tpu.memref_slice %arg23[%add3A_29, %dma_wait3A_898] : memref<768x128xf32, #tpu.memory_space<vmem_shared>> -> memref<16x128xf32, #tpu.memory_space<vmem_shared>>
      tpu.wait_dma2 semaphore(%run_scoped3A_891 : memref<!tpu.dma_semaphore, #tpu.memory_space<semaphore_mem>>) src(%arg20 : memref<16x128xf32, #tpu.memory_space<vmem>>) dst(%dma_wait3A_899 : memref<16x128xf32, #tpu.memory_space<vmem_shared>>)
      tpu.yield
    }) : () -> ()
    %broadcast_in_dim3A = arith.constant 1.000000e+00 : f32
    %broadcast_in_dim3A_30 = vector.broadcast %broadcast_in_dim3A : f32 to vector<16xf32>
    %swap3A = arith.constant 0 : index
    %swap3A_31 = tpu.vector_load %arg12[%swap3A] {strides = array<i32>} : memref<128xf32, #tpu.memory_space<vmem>>, vector<16xf32>,
    tpu.vector_store %arg12[%swap3A], %broadcast_in_dim3A_30 {strides = array<i32>} : memref<128xf32, #tpu.memory_space<vmem>>, vector<16xf32>,
    %broadcast_in_dim3A_32 = arith.constant 1.000000e+00 : f32
    %broadcast_in_dim3A_33 = vector.broadcast %broadcast_in_dim3A_32 : f32 to vector<16xf32>
    %swap3A_34 = arith.constant 16 : index
    %swap3A_35 = tpu.vector_load %arg12[%swap3A_34] {strides = array<i32>} : memref<128xf32, #tpu.memory_space<vmem>>, vector<16xf32>,
    tpu.vector_store %arg12[%swap3A_34], %broadcast_in_dim3A_33 {strides = array<i32>} : memref<128xf32, #tpu.memory_space<vmem>>, vector<16xf32>,
    %broadcast_in_dim3A_36 = arith.constant 1.000000e+00 : f32
    %broadcast_in_dim3A_37 = vector.broadcast %broadcast_in_dim3A_36 : f32 to vector<16xf32>
    %swap3A_38 = arith.constant 32 : index
    %swap3A_39 = tpu.vector_load %arg12[%swap3A_38] {strides = array<i32>} : memref<128xf32, #tpu.memory_space<vmem>>, vector<16xf32>,
    tpu.vector_store %arg12[%swap3A_38], %broadcast_in_dim3A_37 {strides = array<i32>} : memref<128xf32, #tpu.memory_space<vmem>>, vector<16xf32>,
    %broadcast_in_dim3A_40 = arith.constant 1.000000e+00 : f32
    %broadcast_in_dim3A_41 = vector.broadcast %broadcast_in_dim3A_40 : f32 to vector<16xf32>
    %swap3A_42 = arith.constant 48 : index
    %swap3A_43 = tpu.vector_load %arg12[%swap3A_42] {strides = array<i32>} : memref<128xf32, #tpu.memory_space<vmem>>, vector<16xf32>,
    tpu.vector_store %arg12[%swap3A_42], %broadcast_in_dim3A_41 {strides = array<i32>} : memref<128xf32, #tpu.memory_space<vmem>>, vector<16xf32>,
    %broadcast_in_dim3A_44 = arith.constant 1.000000e+00 : f32
    %broadcast_in_dim3A_45 = vector.broadcast %broadcast_in_dim3A_44 : f32 to vector<16xf32>
    %swap3A_46 = arith.constant 64 : index
    %swap3A_47 = tpu.vector_load %arg12[%swap3A_46] {strides = array<i32>} : memref<128xf32, #tpu.memory_space<vmem>>, vector<16xf32>,
    tpu.vector_store %arg12[%swap3A_46], %broadcast_in_dim3A_45 {strides = array<i32>} : memref<128xf32, #tpu.memory_space<vmem>>, vector<16xf32>,
    %broadcast_in_dim3A_48 = arith.constant 1.000000e+00 : f32
    %broadcast_in_dim3A_49 = vector.broadcast %broadcast_in_dim3A_48 : f32 to vector<16xf32>
    %swap3A_50 = arith.constant 80 : index
    %swap3A_51 = tpu.vector_load %arg12[%swap3A_50] {strides = array<i32>} : memref<128xf32, #tpu.memory_space<vmem>>, vector<16xf32>,
    tpu.vector_store %arg12[%swap3A_50], %broadcast_in_dim3A_49 {strides = array<i32>} : memref<128xf32, #tpu.memory_space<vmem>>, vector<16xf32>,
    %broadcast_in_dim3A_52 = arith.constant 1.000000e+00 : f32
    %broadcast_in_dim3A_53 = vector.broadcast %broadcast_in_dim3A_52 : f32 to vector<16xf32>
    %swap3A_54 = arith.constant 96 : index
    %swap3A_55 = tpu.vector_load %arg12[%swap3A_54] {strides = array<i32>} : memref<128xf32, #tpu.memory_space<vmem>>, vector<16xf32>,
    tpu.vector_store %arg12[%swap3A_54], %broadcast_in_dim3A_53 {strides = array<i32>} : memref<128xf32, #tpu.memory_space<vmem>>, vector<16xf32>,
    %broadcast_in_dim3A_56 = arith.constant 1.000000e+00 : f32
    %broadcast_in_dim3A_57 = vector.broadcast %broadcast_in_dim3A_56 : f32 to vector<16xf32>
    %swap3A_58 = arith.constant 112 : index
    %swap3A_59 = tpu.vector_load %arg12[%swap3A_58] {strides = array<i32>} : memref<128xf32, #tpu.memory_space<vmem>>, vector<16xf32>,
    tpu.vector_store %arg12[%swap3A_58], %broadcast_in_dim3A_57 {strides = array<i32>} : memref<128xf32, #tpu.memory_space<vmem>>, vector<16xf32>,
    %barrier3A = arith.constant 0 : index
    tpu.barrier barrier_id(%barrier3A)
    %mul3A_60 = arith.constant 4096 : i32
    %mul3A_61 = arith.muli %mul3A_60, %arg0 : i32
    %mul3A_62 = arith.constant 256 : i32
    %mul3A_63 = arith.muli %mul3A_62, %arg1 : i32
    %add3A_64 = arith.addi %mul3A_61, %mul3A_63 : i32
    %mul3A_65 = arith.constant 512 : i32
    %mul3A_66 = arith.muli %mul3A_65, %arg1 : i32
    %add3A_67 = arith.constant 0 : i32
    %add3A_68 = arith.addi %mul3A_66, %add3A_67 : i32
    %mul3A_69 = arith.constant 512 : i32
    %mul3A_70 = arith.muli %mul3A_69, %arg1 : i32
    %add3A_71 = arith.constant 0 : i32
    %add3A_72 = arith.addi %mul3A_70, %add3A_71 : i32
    %mul3A_73 = arith.constant 512 : i32
    %mul3A_74 = arith.muli %mul3A_73, %arg1 : i32
    %add3A_75 = arith.constant 128 : i32
    %add3A_76 = arith.addi %mul3A_74, %add3A_75 : i32
    %mul3A_77 = arith.constant 512 : i32
    %mul3A_78 = arith.muli %mul3A_77, %arg1 : i32
    %add3A_79 = arith.constant 128 : i32
    %add3A_80 = arith.addi %mul3A_78, %add3A_79 : i32
    %mul3A_81 = arith.constant 512 : i32
    %mul3A_82 = arith.muli %mul3A_81, %arg1 : i32
    %add3A_83 = arith.constant 256 : i32
    %add3A_84 = arith.addi %mul3A_82, %add3A_83 : i32
    %mul3A_85 = arith.constant 512 : i32
    %mul3A_86 = arith.muli %mul3A_85, %arg1 : i32
    %add3A_87 = arith.constant 256 : i32
    %add3A_88 = arith.addi %mul3A_86, %add3A_87 : i32
    %mul3A_89 = arith.constant 512 : i32
    %mul3A_90 = arith.muli %mul3A_89, %arg1 : i32
    %add3A_91 = arith.constant 384 : i32
    %add3A_92 = arith.addi %mul3A_90, %add3A_91 : i32
    %mul3A_93 = arith.constant 512 : i32
    %mul3A_94 = arith.muli %mul3A_93, %arg1 : i32
    %add3A_95 = arith.constant 384 : i32
    %add3A_96 = arith.addi %mul3A_94, %add3A_95 : i32
    %add3A_97 = arith.constant 0 : i32
    %add3A_98 = arith.addi %add3A_64, %add3A_97 : i32
    %add3A_99 = arith.constant 0 : i32
    %add3A_100 = arith.addi %add3A_64, %add3A_99 : i32
    %add3A_101 = arith.constant 128 : i32
    %add3A_102 = arith.addi %add3A_64, %add3A_101 : i32
    %add3A_103 = arith.constant 128 : i32
    %add3A_104 = arith.addi %add3A_64, %add3A_103 : i32
    %dma_start3A = arith.constant 0 : i32
    %dma_start3A_105 = arith.constant 0 : i32
    %dma_start3A_106 = tpu.memref_slice %arg8[%dma_start3A, %dma_start3A_105] : memref<4x128xi32, #tpu.memory_space<vmem>> -> memref<1x128xi32, #tpu.memory_space<vmem>>
    %dma_start3A_107 = tpu.memref_squeeze %dma_start3A_106 : memref<1x128xi32, #tpu.memory_space<vmem>> -> memref<128xi32, #tpu.memory_space<vmem>>
    %dma_start3A_108 = tpu.memref_slice %arg3[%add3A_68] : memref<8192xi32, #tpu.memory_space<hbm>> -> memref<128xi32, #tpu.memory_space<hbm>>
    %dma_start3A_109 = arith.constant 0 : i32
    %dma_start3A_110 = tpu.memref_slice %arg8[%dma_start3A, %dma_start3A_109] : memref<4x128xi32, #tpu.memory_space<vmem>> -> memref<1x128xi32, #tpu.memory_space<vmem>>
    %dma_start3A_111 = tpu.memref_squeeze %dma_start3A_110 : memref<1x128xi32, #tpu.memory_space<vmem>> -> memref<128xi32, #tpu.memory_space<vmem>>
    %dma_start3A_112 = tpu.memref_slice %arg3[%add3A_68] : memref<8192xi32, #tpu.memory_space<hbm>> -> memref<128xi32, #tpu.memory_space<hbm>>
    tpu.enqueue_dma source(%dma_start3A_112 : memref<128xi32, #tpu.memory_space<hbm>>) target(%dma_start3A_111 : memref<128xi32, #tpu.memory_space<vmem>>) target_semaphore(%arg25 : memref<!tpu.dma_semaphore, #tpu.memory_space<semaphore_mem>>)
    %dma_start3A_113 = arith.constant 0 : i32
    %dma_start3A_114 = arith.constant 0 : i32
    %dma_start3A_115 = tpu.memref_slice %arg9[%dma_start3A_113, %dma_start3A_114] : memref<4x128xi32, #tpu.memory_space<vmem>> -> memref<1x128xi32, #tpu.memory_space<vmem>>
    %dma_start3A_116 = tpu.memref_squeeze %dma_start3A_115 : memref<1x128xi32, #tpu.memory_space<vmem>> -> memref<128xi32, #tpu.memory_space<vmem>>
    %dma_start3A_117 = tpu.memref_slice %arg4[%add3A_72] : memref<8192xi32, #tpu.memory_space<hbm>> -> memref<128xi32, #tpu.memory_space<hbm>>
    %dma_start3A_118 = arith.constant 0 : i32
    %dma_start3A_119 = tpu.memref_slice %arg9[%dma_start3A_113, %dma_start3A_118] : memref<4x128xi32, #tpu.memory_space<vmem>> -> memref<1x128xi32, #tpu.memory_space<vmem>>
    %dma_start3A_120 = tpu.memref_squeeze %dma_start3A_119 : memref<1x128xi32, #tpu.memory_space<vmem>> -> memref<128xi32, #tpu.memory_space<vmem>>
    %dma_start3A_121 = tpu.memref_slice %arg4[%add3A_72] : memref<8192xi32, #tpu.memory_space<hbm>> -> memref<128xi32, #tpu.memory_space<hbm>>
    tpu.enqueue_dma source(%dma_start3A_121 : memref<128xi32, #tpu.memory_space<hbm>>) target(%dma_start3A_120 : memref<128xi32, #tpu.memory_space<vmem>>) target_semaphore(%arg25 : memref<!tpu.dma_semaphore, #tpu.memory_space<semaphore_mem>>)
    %dma_start3A_122 = arith.constant 1 : i32
    %dma_start3A_123 = arith.constant 0 : i32
    %dma_start3A_124 = tpu.memref_slice %arg8[%dma_start3A_122, %dma_start3A_123] : memref<4x128xi32, #tpu.memory_space<vmem>> -> memref<1x128xi32, #tpu.memory_space<vmem>>
    %dma_start3A_125 = tpu.memref_squeeze %dma_start3A_124 : memref<1x128xi32, #tpu.memory_space<vmem>> -> memref<128xi32, #tpu.memory_space<vmem>>
    %dma_start3A_126 = tpu.memref_slice %arg3[%add3A_76] : memref<8192xi32, #tpu.memory_space<hbm>> -> memref<128xi32, #tpu.memory_space<hbm>>
    %dma_start3A_127 = arith.constant 0 : i32
    %dma_start3A_128 = tpu.memref_slice %arg8[%dma_start3A_122, %dma_start3A_127] : memref<4x128xi32, #tpu.memory_space<vmem>> -> memref<1x128xi32, #tpu.memory_space<vmem>>
    %dma_start3A_129 = tpu.memref_squeeze %dma_start3A_128 : memref<1x128xi32, #tpu.memory_space<vmem>> -> memref<128xi32, #tpu.memory_space<vmem>>
    %dma_start3A_130 = tpu.memref_slice %arg3[%add3A_76] : memref<8192xi32, #tpu.memory_space<hbm>> -> memref<128xi32, #tpu.memory_space<hbm>>
    tpu.enqueue_dma source(%dma_start3A_130 : memref<128xi32, #tpu.memory_space<hbm>>) target(%dma_start3A_129 : memref<128xi32, #tpu.memory_space<vmem>>) target_semaphore(%arg25 : memref<!tpu.dma_semaphore, #tpu.memory_space<semaphore_mem>>)
    %dma_start3A_131 = arith.constant 1 : i32
    %dma_start3A_132 = arith.constant 0 : i32
    %dma_start3A_133 = tpu.memref_slice %arg9[%dma_start3A_131, %dma_start3A_132] : memref<4x128xi32, #tpu.memory_space<vmem>> -> memref<1x128xi32, #tpu.memory_space<vmem>>
    %dma_start3A_134 = tpu.memref_squeeze %dma_start3A_133 : memref<1x128xi32, #tpu.memory_space<vmem>> -> memref<128xi32, #tpu.memory_space<vmem>>
    %dma_start3A_135 = tpu.memref_slice %arg4[%add3A_80] : memref<8192xi32, #tpu.memory_space<hbm>> -> memref<128xi32, #tpu.memory_space<hbm>>
    %dma_start3A_136 = arith.constant 0 : i32
    %dma_start3A_137 = tpu.memref_slice %arg9[%dma_start3A_131, %dma_start3A_136] : memref<4x128xi32, #tpu.memory_space<vmem>> -> memref<1x128xi32, #tpu.memory_space<vmem>>
    %dma_start3A_138 = tpu.memref_squeeze %dma_start3A_137 : memref<1x128xi32, #tpu.memory_space<vmem>> -> memref<128xi32, #tpu.memory_space<vmem>>
    %dma_start3A_139 = tpu.memref_slice %arg4[%add3A_80] : memref<8192xi32, #tpu.memory_space<hbm>> -> memref<128xi32, #tpu.memory_space<hbm>>
    tpu.enqueue_dma source(%dma_start3A_139 : memref<128xi32, #tpu.memory_space<hbm>>) target(%dma_start3A_138 : memref<128xi32, #tpu.memory_space<vmem>>) target_semaphore(%arg25 : memref<!tpu.dma_semaphore, #tpu.memory_space<semaphore_mem>>)
    %dma_start3A_140 = arith.constant 2 : i32
    %dma_start3A_141 = arith.constant 0 : i32
    %dma_start3A_142 = tpu.memref_slice %arg8[%dma_start3A_140, %dma_start3A_141] : memref<4x128xi32, #tpu.memory_space<vmem>> -> memref<1x128xi32, #tpu.memory_space<vmem>>
    %dma_start3A_143 = tpu.memref_squeeze %dma_start3A_142 : memref<1x128xi32, #tpu.memory_space<vmem>> -> memref<128xi32, #tpu.memory_space<vmem>>
    %dma_start3A_144 = tpu.memref_slice %arg3[%add3A_84] : memref<8192xi32, #tpu.memory_space<hbm>> -> memref<128xi32, #tpu.memory_space<hbm>>
    %dma_start3A_145 = arith.constant 0 : i32
    %dma_start3A_146 = tpu.memref_slice %arg8[%dma_start3A_140, %dma_start3A_145] : memref<4x128xi32, #tpu.memory_space<vmem>> -> memref<1x128xi32, #tpu.memory_space<vmem>>
    %dma_start3A_147 = tpu.memref_squeeze %dma_start3A_146 : memref<1x128xi32, #tpu.memory_space<vmem>> -> memref<128xi32, #tpu.memory_space<vmem>>
    %dma_start3A_148 = tpu.memref_slice %arg3[%add3A_84] : memref<8192xi32, #tpu.memory_space<hbm>> -> memref<128xi32, #tpu.memory_space<hbm>>
    tpu.enqueue_dma source(%dma_start3A_148 : memref<128xi32, #tpu.memory_space<hbm>>) target(%dma_start3A_147 : memref<128xi32, #tpu.memory_space<vmem>>) target_semaphore(%arg25 : memref<!tpu.dma_semaphore, #tpu.memory_space<semaphore_mem>>)
    %dma_start3A_149 = arith.constant 2 : i32
    %dma_start3A_150 = arith.constant 0 : i32
    %dma_start3A_151 = tpu.memref_slice %arg9[%dma_start3A_149, %dma_start3A_150] : memref<4x128xi32, #tpu.memory_space<vmem>> -> memref<1x128xi32, #tpu.memory_space<vmem>>
    %dma_start3A_152 = tpu.memref_squeeze %dma_start3A_151 : memref<1x128xi32, #tpu.memory_space<vmem>> -> memref<128xi32, #tpu.memory_space<vmem>>
    %dma_start3A_153 = tpu.memref_slice %arg4[%add3A_88] : memref<8192xi32, #tpu.memory_space<hbm>> -> memref<128xi32, #tpu.memory_space<hbm>>
    %dma_start3A_154 = arith.constant 0 : i32
    %dma_start3A_155 = tpu.memref_slice %arg9[%dma_start3A_149, %dma_start3A_154] : memref<4x128xi32, #tpu.memory_space<vmem>> -> memref<1x128xi32, #tpu.memory_space<vmem>>
    %dma_start3A_156 = tpu.memref_squeeze %dma_start3A_155 : memref<1x128xi32, #tpu.memory_space<vmem>> -> memref<128xi32, #tpu.memory_space<vmem>>
    %dma_start3A_157 = tpu.memref_slice %arg4[%add3A_88] : memref<8192xi32, #tpu.memory_space<hbm>> -> memref<128xi32, #tpu.memory_space<hbm>>
    tpu.enqueue_dma source(%dma_start3A_157 : memref<128xi32, #tpu.memory_space<hbm>>) target(%dma_start3A_156 : memref<128xi32, #tpu.memory_space<vmem>>) target_semaphore(%arg25 : memref<!tpu.dma_semaphore, #tpu.memory_space<semaphore_mem>>)
    %dma_start3A_158 = arith.constant 3 : i32
    %dma_start3A_159 = arith.constant 0 : i32
    %dma_start3A_160 = tpu.memref_slice %arg8[%dma_start3A_158, %dma_start3A_159] : memref<4x128xi32, #tpu.memory_space<vmem>> -> memref<1x128xi32, #tpu.memory_space<vmem>>
    %dma_start3A_161 = tpu.memref_squeeze %dma_start3A_160 : memref<1x128xi32, #tpu.memory_space<vmem>> -> memref<128xi32, #tpu.memory_space<vmem>>
    %dma_start3A_162 = tpu.memref_slice %arg3[%add3A_92] : memref<8192xi32, #tpu.memory_space<hbm>> -> memref<128xi32, #tpu.memory_space<hbm>>
    %dma_start3A_163 = arith.constant 0 : i32
    %dma_start3A_164 = tpu.memref_slice %arg8[%dma_start3A_158, %dma_start3A_163] : memref<4x128xi32, #tpu.memory_space<vmem>> -> memref<1x128xi32, #tpu.memory_space<vmem>>
    %dma_start3A_165 = tpu.memref_squeeze %dma_start3A_164 : memref<1x128xi32, #tpu.memory_space<vmem>> -> memref<128xi32, #tpu.memory_space<vmem>>
    %dma_start3A_166 = tpu.memref_slice %arg3[%add3A_92] : memref<8192xi32, #tpu.memory_space<hbm>> -> memref<128xi32, #tpu.memory_space<hbm>>
    tpu.enqueue_dma source(%dma_start3A_166 : memref<128xi32, #tpu.memory_space<hbm>>) target(%dma_start3A_165 : memref<128xi32, #tpu.memory_space<vmem>>) target_semaphore(%arg25 : memref<!tpu.dma_semaphore, #tpu.memory_space<semaphore_mem>>)
    %dma_start3A_167 = arith.constant 3 : i32
    %dma_start3A_168 = arith.constant 0 : i32
    %dma_start3A_169 = tpu.memref_slice %arg9[%dma_start3A_167, %dma_start3A_168] : memref<4x128xi32, #tpu.memory_space<vmem>> -> memref<1x128xi32, #tpu.memory_space<vmem>>
    %dma_start3A_170 = tpu.memref_squeeze %dma_start3A_169 : memref<1x128xi32, #tpu.memory_space<vmem>> -> memref<128xi32, #tpu.memory_space<vmem>>
    %dma_start3A_171 = tpu.memref_slice %arg4[%add3A_96] : memref<8192xi32, #tpu.memory_space<hbm>> -> memref<128xi32, #tpu.memory_space<hbm>>
    %dma_start3A_172 = arith.constant 0 : i32
    %dma_start3A_173 = tpu.memref_slice %arg9[%dma_start3A_167, %dma_start3A_172] : memref<4x128xi32, #tpu.memory_space<vmem>> -> memref<1x128xi32, #tpu.memory_space<vmem>>
    %dma_start3A_174 = tpu.memref_squeeze %dma_start3A_173 : memref<1x128xi32, #tpu.memory_space<vmem>> -> memref<128xi32, #tpu.memory_space<vmem>>
    %dma_start3A_175 = tpu.memref_slice %arg4[%add3A_96] : memref<8192xi32, #tpu.memory_space<hbm>> -> memref<128xi32, #tpu.memory_space<hbm>>
    tpu.enqueue_dma source(%dma_start3A_175 : memref<128xi32, #tpu.memory_space<hbm>>) target(%dma_start3A_174 : memref<128xi32, #tpu.memory_space<vmem>>) target_semaphore(%arg25 : memref<!tpu.dma_semaphore, #tpu.memory_space<semaphore_mem>>)
    %dma_start3A_176 = arith.constant 0 : i32
    %dma_start3A_177 = arith.constant 0 : i32
    %dma_start3A_178 = tpu.memref_slice %arg10[%dma_start3A_176, %dma_start3A_177] : memref<2x128xi32, #tpu.memory_space<vmem>> -> memref<1x128xi32, #tpu.memory_space<vmem>>
    %dma_start3A_179 = tpu.memref_squeeze %dma_start3A_178 : memref<1x128xi32, #tpu.memory_space<vmem>> -> memref<128xi32, #tpu.memory_space<vmem>>
    %dma_start3A_180 = tpu.memref_slice %arg3[%add3A_98] : memref<8192xi32, #tpu.memory_space<hbm>> -> memref<128xi32, #tpu.memory_space<hbm>>
    %dma_start3A_181 = arith.constant 0 : i32
    %dma_start3A_182 = tpu.memref_slice %arg10[%dma_start3A_176, %dma_start3A_181] : memref<2x128xi32, #tpu.memory_space<vmem>> -> memref<1x128xi32, #tpu.memory_space<vmem>>
    %dma_start3A_183 = tpu.memref_squeeze %dma_start3A_182 : memref<1x128xi32, #tpu.memory_space<vmem>> -> memref<128xi32, #tpu.memory_space<vmem>>
    %dma_start3A_184 = tpu.memref_slice %arg3[%add3A_98] : memref<8192xi32, #tpu.memory_space<hbm>> -> memref<128xi32, #tpu.memory_space<hbm>>
    tpu.enqueue_dma source(%dma_start3A_184 : memref<128xi32, #tpu.memory_space<hbm>>) target(%dma_start3A_183 : memref<128xi32, #tpu.memory_space<vmem>>) target_semaphore(%arg25 : memref<!tpu.dma_semaphore, #tpu.memory_space<semaphore_mem>>)
    %dma_start3A_185 = arith.constant 0 : i32
    %dma_start3A_186 = arith.constant 0 : i32
    %dma_start3A_187 = tpu.memref_slice %arg11[%dma_start3A_185, %dma_start3A_186] : memref<2x128xi32, #tpu.memory_space<vmem>> -> memref<1x128xi32, #tpu.memory_space<vmem>>
    %dma_start3A_188 = tpu.memref_squeeze %dma_start3A_187 : memref<1x128xi32, #tpu.memory_space<vmem>> -> memref<128xi32, #tpu.memory_space<vmem>>
    %dma_start3A_189 = tpu.memref_slice %arg4[%add3A_100] : memref<8192xi32, #tpu.memory_space<hbm>> -> memref<128xi32, #tpu.memory_space<hbm>>
    %dma_start3A_190 = arith.constant 0 : i32
    %dma_start3A_191 = tpu.memref_slice %arg11[%dma_start3A_185, %dma_start3A_190] : memref<2x128xi32, #tpu.memory_space<vmem>> -> memref<1x128xi32, #tpu.memory_space<vmem>>
    %dma_start3A_192 = tpu.memref_squeeze %dma_start3A_191 : memref<1x128xi32, #tpu.memory_space<vmem>> -> memref<128xi32, #tpu.memory_space<vmem>>
    %dma_start3A_193 = tpu.memref_slice %arg4[%add3A_100] : memref<8192xi32, #tpu.memory_space<hbm>> -> memref<128xi32, #tpu.memory_space<hbm>>
    tpu.enqueue_dma source(%dma_start3A_193 : memref<128xi32, #tpu.memory_space<hbm>>) target(%dma_start3A_192 : memref<128xi32, #tpu.memory_space<vmem>>) target_semaphore(%arg25 : memref<!tpu.dma_semaphore, #tpu.memory_space<semaphore_mem>>)
    %dma_start3A_194 = arith.constant 1 : i32
    %dma_start3A_195 = arith.constant 0 : i32
    %dma_start3A_196 = tpu.memref_slice %arg10[%dma_start3A_194, %dma_start3A_195] : memref<2x128xi32, #tpu.memory_space<vmem>> -> memref<1x128xi32, #tpu.memory_space<vmem>>
    %dma_start3A_197 = tpu.memref_squeeze %dma_start3A_196 : memref<1x128xi32, #tpu.memory_space<vmem>> -> memref<128xi32, #tpu.memory_space<vmem>>
    %dma_start3A_198 = tpu.memref_slice %arg3[%add3A_102] : memref<8192xi32, #tpu.memory_space<hbm>> -> memref<128xi32, #tpu.memory_space<hbm>>
    %dma_start3A_199 = arith.constant 0 : i32
    %dma_start3A_200 = tpu.memref_slice %arg10[%dma_start3A_194, %dma_start3A_199] : memref<2x128xi32, #tpu.memory_space<vmem>> -> memref<1x128xi32, #tpu.memory_space<vmem>>
    %dma_start3A_201 = tpu.memref_squeeze %dma_start3A_200 : memref<1x128xi32, #tpu.memory_space<vmem>> -> memref<128xi32, #tpu.memory_space<vmem>>
    %dma_start3A_202 = tpu.memref_slice %arg3[%add3A_102] : memref<8192xi32, #tpu.memory_space<hbm>> -> memref<128xi32, #tpu.memory_space<hbm>>
    tpu.enqueue_dma source(%dma_start3A_202 : memref<128xi32, #tpu.memory_space<hbm>>) target(%dma_start3A_201 : memref<128xi32, #tpu.memory_space<vmem>>) target_semaphore(%arg25 : memref<!tpu.dma_semaphore, #tpu.memory_space<semaphore_mem>>)
    %dma_start3A_203 = arith.constant 1 : i32
    %dma_start3A_204 = arith.constant 0 : i32
    %dma_start3A_205 = tpu.memref_slice %arg11[%dma_start3A_203, %dma_start3A_204] : memref<2x128xi32, #tpu.memory_space<vmem>> -> memref<1x128xi32, #tpu.memory_space<vmem>>
    %dma_start3A_206 = tpu.memref_squeeze %dma_start3A_205 : memref<1x128xi32, #tpu.memory_space<vmem>> -> memref<128xi32, #tpu.memory_space<vmem>>
    %dma_start3A_207 = tpu.memref_slice %arg4[%add3A_104] : memref<8192xi32, #tpu.memory_space<hbm>> -> memref<128xi32, #tpu.memory_space<hbm>>
    %dma_start3A_208 = arith.constant 0 : i32
    %dma_start3A_209 = tpu.memref_slice %arg11[%dma_start3A_203, %dma_start3A_208] : memref<2x128xi32, #tpu.memory_space<vmem>> -> memref<1x128xi32, #tpu.memory_space<vmem>>
    %dma_start3A_210 = tpu.memref_squeeze %dma_start3A_209 : memref<1x128xi32, #tpu.memory_space<vmem>> -> memref<128xi32, #tpu.memory_space<vmem>>
    %dma_start3A_211 = tpu.memref_slice %arg4[%add3A_104] : memref<8192xi32, #tpu.memory_space<hbm>> -> memref<128xi32, #tpu.memory_space<hbm>>
    tpu.enqueue_dma source(%dma_start3A_211 : memref<128xi32, #tpu.memory_space<hbm>>) target(%dma_start3A_210 : memref<128xi32, #tpu.memory_space<vmem>>) target_semaphore(%arg25 : memref<!tpu.dma_semaphore, #tpu.memory_space<semaphore_mem>>)
    %dma_wait3A = arith.constant 0 : i32
    %dma_wait3A_212 = arith.constant 0 : i32
    %dma_wait3A_213 = tpu.memref_slice %arg8[%dma_wait3A, %dma_wait3A_212] : memref<4x128xi32, #tpu.memory_space<vmem>> -> memref<1x128xi32, #tpu.memory_space<vmem>>
    %dma_wait3A_214 = tpu.memref_squeeze %dma_wait3A_213 : memref<1x128xi32, #tpu.memory_space<vmem>> -> memref<128xi32, #tpu.memory_space<vmem>>
    %dma_wait3A_215 = tpu.memref_slice %arg3[%add3A_68] : memref<8192xi32, #tpu.memory_space<hbm>> -> memref<128xi32, #tpu.memory_space<hbm>>
    %dma_wait3A_216 = arith.constant 0 : i32
    %dma_wait3A_217 = tpu.memref_slice %arg8[%dma_wait3A, %dma_wait3A_216] : memref<4x128xi32, #tpu.memory_space<vmem>> -> memref<1x128xi32, #tpu.memory_space<vmem>>
    %dma_wait3A_218 = tpu.memref_squeeze %dma_wait3A_217 : memref<1x128xi32, #tpu.memory_space<vmem>> -> memref<128xi32, #tpu.memory_space<vmem>>
    %dma_wait3A_219 = tpu.memref_slice %arg3[%add3A_68] : memref<8192xi32, #tpu.memory_space<hbm>> -> memref<128xi32, #tpu.memory_space<hbm>>
    tpu.wait_dma2 semaphore(%arg25 : memref<!tpu.dma_semaphore, #tpu.memory_space<semaphore_mem>>) src(%dma_wait3A_219 : memref<128xi32, #tpu.memory_space<hbm>>) dst(%dma_wait3A_218 : memref<128xi32, #tpu.memory_space<vmem>>)
    %dma_wait3A_220 = arith.constant 0 : i32
    %dma_wait3A_221 = arith.constant 0 : i32
    %dma_wait3A_222 = tpu.memref_slice %arg9[%dma_wait3A_220, %dma_wait3A_221] : memref<4x128xi32, #tpu.memory_space<vmem>> -> memref<1x128xi32, #tpu.memory_space<vmem>>
    %dma_wait3A_223 = tpu.memref_squeeze %dma_wait3A_222 : memref<1x128xi32, #tpu.memory_space<vmem>> -> memref<128xi32, #tpu.memory_space<vmem>>
    %dma_wait3A_224 = tpu.memref_slice %arg4[%add3A_72] : memref<8192xi32, #tpu.memory_space<hbm>> -> memref<128xi32, #tpu.memory_space<hbm>>
    %dma_wait3A_225 = arith.constant 0 : i32
    %dma_wait3A_226 = tpu.memref_slice %arg9[%dma_wait3A_220, %dma_wait3A_225] : memref<4x128xi32, #tpu.memory_space<vmem>> -> memref<1x128xi32, #tpu.memory_space<vmem>>
    %dma_wait3A_227 = tpu.memref_squeeze %dma_wait3A_226 : memref<1x128xi32, #tpu.memory_space<vmem>> -> memref<128xi32, #tpu.memory_space<vmem>>
    %dma_wait3A_228 = tpu.memref_slice %arg4[%add3A_72] : memref<8192xi32, #tpu.memory_space<hbm>> -> memref<128xi32, #tpu.memory_space<hbm>>
    tpu.wait_dma2 semaphore(%arg25 : memref<!tpu.dma_semaphore, #tpu.memory_space<semaphore_mem>>) src(%dma_wait3A_228 : memref<128xi32, #tpu.memory_space<hbm>>) dst(%dma_wait3A_227 : memref<128xi32, #tpu.memory_space<vmem>>)
    %dma_wait3A_229 = arith.constant 1 : i32
    %dma_wait3A_230 = arith.constant 0 : i32
    %dma_wait3A_231 = tpu.memref_slice %arg8[%dma_wait3A_229, %dma_wait3A_230] : memref<4x128xi32, #tpu.memory_space<vmem>> -> memref<1x128xi32, #tpu.memory_space<vmem>>
    %dma_wait3A_232 = tpu.memref_squeeze %dma_wait3A_231 : memref<1x128xi32, #tpu.memory_space<vmem>> -> memref<128xi32, #tpu.memory_space<vmem>>
    %dma_wait3A_233 = tpu.memref_slice %arg3[%add3A_76] : memref<8192xi32, #tpu.memory_space<hbm>> -> memref<128xi32, #tpu.memory_space<hbm>>
    %dma_wait3A_234 = arith.constant 0 : i32
    %dma_wait3A_235 = tpu.memref_slice %arg8[%dma_wait3A_229, %dma_wait3A_234] : memref<4x128xi32, #tpu.memory_space<vmem>> -> memref<1x128xi32, #tpu.memory_space<vmem>>
    %dma_wait3A_236 = tpu.memref_squeeze %dma_wait3A_235 : memref<1x128xi32, #tpu.memory_space<vmem>> -> memref<128xi32, #tpu.memory_space<vmem>>
    %dma_wait3A_237 = tpu.memref_slice %arg3[%add3A_76] : memref<8192xi32, #tpu.memory_space<hbm>> -> memref<128xi32, #tpu.memory_space<hbm>>
    tpu.wait_dma2 semaphore(%arg25 : memref<!tpu.dma_semaphore, #tpu.memory_space<semaphore_mem>>) src(%dma_wait3A_237 : memref<128xi32, #tpu.memory_space<hbm>>) dst(%dma_wait3A_236 : memref<128xi32, #tpu.memory_space<vmem>>)
    %dma_wait3A_238 = arith.constant 1 : i32
    %dma_wait3A_239 = arith.constant 0 : i32
    %dma_wait3A_240 = tpu.memref_slice %arg9[%dma_wait3A_238, %dma_wait3A_239] : memref<4x128xi32, #tpu.memory_space<vmem>> -> memref<1x128xi32, #tpu.memory_space<vmem>>
    %dma_wait3A_241 = tpu.memref_squeeze %dma_wait3A_240 : memref<1x128xi32, #tpu.memory_space<vmem>> -> memref<128xi32, #tpu.memory_space<vmem>>
    %dma_wait3A_242 = tpu.memref_slice %arg4[%add3A_80] : memref<8192xi32, #tpu.memory_space<hbm>> -> memref<128xi32, #tpu.memory_space<hbm>>
    %dma_wait3A_243 = arith.constant 0 : i32
    %dma_wait3A_244 = tpu.memref_slice %arg9[%dma_wait3A_238, %dma_wait3A_243] : memref<4x128xi32, #tpu.memory_space<vmem>> -> memref<1x128xi32, #tpu.memory_space<vmem>>
    %dma_wait3A_245 = tpu.memref_squeeze %dma_wait3A_244 : memref<1x128xi32, #tpu.memory_space<vmem>> -> memref<128xi32, #tpu.memory_space<vmem>>
    %dma_wait3A_246 = tpu.memref_slice %arg4[%add3A_80] : memref<8192xi32, #tpu.memory_space<hbm>> -> memref<128xi32, #tpu.memory_space<hbm>>
    tpu.wait_dma2 semaphore(%arg25 : memref<!tpu.dma_semaphore, #tpu.memory_space<semaphore_mem>>) src(%dma_wait3A_246 : memref<128xi32, #tpu.memory_space<hbm>>) dst(%dma_wait3A_245 : memref<128xi32, #tpu.memory_space<vmem>>)
    %dma_wait3A_247 = arith.constant 2 : i32
    %dma_wait3A_248 = arith.constant 0 : i32
    %dma_wait3A_249 = tpu.memref_slice %arg8[%dma_wait3A_247, %dma_wait3A_248] : memref<4x128xi32, #tpu.memory_space<vmem>> -> memref<1x128xi32, #tpu.memory_space<vmem>>
    %dma_wait3A_250 = tpu.memref_squeeze %dma_wait3A_249 : memref<1x128xi32, #tpu.memory_space<vmem>> -> memref<128xi32, #tpu.memory_space<vmem>>
    %dma_wait3A_251 = tpu.memref_slice %arg3[%add3A_84] : memref<8192xi32, #tpu.memory_space<hbm>> -> memref<128xi32, #tpu.memory_space<hbm>>
    %dma_wait3A_252 = arith.constant 0 : i32
    %dma_wait3A_253 = tpu.memref_slice %arg8[%dma_wait3A_247, %dma_wait3A_252] : memref<4x128xi32, #tpu.memory_space<vmem>> -> memref<1x128xi32, #tpu.memory_space<vmem>>
    %dma_wait3A_254 = tpu.memref_squeeze %dma_wait3A_253 : memref<1x128xi32, #tpu.memory_space<vmem>> -> memref<128xi32, #tpu.memory_space<vmem>>
    %dma_wait3A_255 = tpu.memref_slice %arg3[%add3A_84] : memref<8192xi32, #tpu.memory_space<hbm>> -> memref<128xi32, #tpu.memory_space<hbm>>
    tpu.wait_dma2 semaphore(%arg25 : memref<!tpu.dma_semaphore, #tpu.memory_space<semaphore_mem>>) src(%dma_wait3A_255 : memref<128xi32, #tpu.memory_space<hbm>>) dst(%dma_wait3A_254 : memref<128xi32, #tpu.memory_space<vmem>>)
    %dma_wait3A_256 = arith.constant 2 : i32
    %dma_wait3A_257 = arith.constant 0 : i32
    %dma_wait3A_258 = tpu.memref_slice %arg9[%dma_wait3A_256, %dma_wait3A_257] : memref<4x128xi32, #tpu.memory_space<vmem>> -> memref<1x128xi32, #tpu.memory_space<vmem>>
    %dma_wait3A_259 = tpu.memref_squeeze %dma_wait3A_258 : memref<1x128xi32, #tpu.memory_space<vmem>> -> memref<128xi32, #tpu.memory_space<vmem>>
    %dma_wait3A_260 = tpu.memref_slice %arg4[%add3A_88] : memref<8192xi32, #tpu.memory_space<hbm>> -> memref<128xi32, #tpu.memory_space<hbm>>
    %dma_wait3A_261 = arith.constant 0 : i32
    %dma_wait3A_262 = tpu.memref_slice %arg9[%dma_wait3A_256, %dma_wait3A_261] : memref<4x128xi32, #tpu.memory_space<vmem>> -> memref<1x128xi32, #tpu.memory_space<vmem>>
    %dma_wait3A_263 = tpu.memref_squeeze %dma_wait3A_262 : memref<1x128xi32, #tpu.memory_space<vmem>> -> memref<128xi32, #tpu.memory_space<vmem>>
    %dma_wait3A_264 = tpu.memref_slice %arg4[%add3A_88] : memref<8192xi32, #tpu.memory_space<hbm>> -> memref<128xi32, #tpu.memory_space<hbm>>
    tpu.wait_dma2 semaphore(%arg25 : memref<!tpu.dma_semaphore, #tpu.memory_space<semaphore_mem>>) src(%dma_wait3A_264 : memref<128xi32, #tpu.memory_space<hbm>>) dst(%dma_wait3A_263 : memref<128xi32, #tpu.memory_space<vmem>>)
    %dma_wait3A_265 = arith.constant 3 : i32
    %dma_wait3A_266 = arith.constant 0 : i32
    %dma_wait3A_267 = tpu.memref_slice %arg8[%dma_wait3A_265, %dma_wait3A_266] : memref<4x128xi32, #tpu.memory_space<vmem>> -> memref<1x128xi32, #tpu.memory_space<vmem>>
    %dma_wait3A_268 = tpu.memref_squeeze %dma_wait3A_267 : memref<1x128xi32, #tpu.memory_space<vmem>> -> memref<128xi32, #tpu.memory_space<vmem>>
    %dma_wait3A_269 = tpu.memref_slice %arg3[%add3A_92] : memref<8192xi32, #tpu.memory_space<hbm>> -> memref<128xi32, #tpu.memory_space<hbm>>
    %dma_wait3A_270 = arith.constant 0 : i32
    %dma_wait3A_271 = tpu.memref_slice %arg8[%dma_wait3A_265, %dma_wait3A_270] : memref<4x128xi32, #tpu.memory_space<vmem>> -> memref<1x128xi32, #tpu.memory_space<vmem>>
    %dma_wait3A_272 = tpu.memref_squeeze %dma_wait3A_271 : memref<1x128xi32, #tpu.memory_space<vmem>> -> memref<128xi32, #tpu.memory_space<vmem>>
    %dma_wait3A_273 = tpu.memref_slice %arg3[%add3A_92] : memref<8192xi32, #tpu.memory_space<hbm>> -> memref<128xi32, #tpu.memory_space<hbm>>
    tpu.wait_dma2 semaphore(%arg25 : memref<!tpu.dma_semaphore, #tpu.memory_space<semaphore_mem>>) src(%dma_wait3A_273 : memref<128xi32, #tpu.memory_space<hbm>>) dst(%dma_wait3A_272 : memref<128xi32, #tpu.memory_space<vmem>>)
    %dma_wait3A_274 = arith.constant 3 : i32
    %dma_wait3A_275 = arith.constant 0 : i32
    %dma_wait3A_276 = tpu.memref_slice %arg9[%dma_wait3A_274, %dma_wait3A_275] : memref<4x128xi32, #tpu.memory_space<vmem>> -> memref<1x128xi32, #tpu.memory_space<vmem>>
    %dma_wait3A_277 = tpu.memref_squeeze %dma_wait3A_276 : memref<1x128xi32, #tpu.memory_space<vmem>> -> memref<128xi32, #tpu.memory_space<vmem>>
    %dma_wait3A_278 = tpu.memref_slice %arg4[%add3A_96] : memref<8192xi32, #tpu.memory_space<hbm>> -> memref<128xi32, #tpu.memory_space<hbm>>
    %dma_wait3A_279 = arith.constant 0 : i32
    %dma_wait3A_280 = tpu.memref_slice %arg9[%dma_wait3A_274, %dma_wait3A_279] : memref<4x128xi32, #tpu.memory_space<vmem>> -> memref<1x128xi32, #tpu.memory_space<vmem>>
    %dma_wait3A_281 = tpu.memref_squeeze %dma_wait3A_280 : memref<1x128xi32, #tpu.memory_space<vmem>> -> memref<128xi32, #tpu.memory_space<vmem>>
    %dma_wait3A_282 = tpu.memref_slice %arg4[%add3A_96] : memref<8192xi32, #tpu.memory_space<hbm>> -> memref<128xi32, #tpu.memory_space<hbm>>
    tpu.wait_dma2 semaphore(%arg25 : memref<!tpu.dma_semaphore, #tpu.memory_space<semaphore_mem>>) src(%dma_wait3A_282 : memref<128xi32, #tpu.memory_space<hbm>>) dst(%dma_wait3A_281 : memref<128xi32, #tpu.memory_space<vmem>>)
    %dma_wait3A_283 = arith.constant 0 : i32
    %dma_wait3A_284 = arith.constant 0 : i32
    %dma_wait3A_285 = tpu.memref_slice %arg10[%dma_wait3A_283, %dma_wait3A_284] : memref<2x128xi32, #tpu.memory_space<vmem>> -> memref<1x128xi32, #tpu.memory_space<vmem>>
    %dma_wait3A_286 = tpu.memref_squeeze %dma_wait3A_285 : memref<1x128xi32, #tpu.memory_space<vmem>> -> memref<128xi32, #tpu.memory_space<vmem>>
    %dma_wait3A_287 = tpu.memref_slice %arg3[%add3A_98] : memref<8192xi32, #tpu.memory_space<hbm>> -> memref<128xi32, #tpu.memory_space<hbm>>
    %dma_wait3A_288 = arith.constant 0 : i32
    %dma_wait3A_289 = tpu.memref_slice %arg10[%dma_wait3A_283, %dma_wait3A_288] : memref<2x128xi32, #tpu.memory_space<vmem>> -> memref<1x128xi32, #tpu.memory_space<vmem>>
    %dma_wait3A_290 = tpu.memref_squeeze %dma_wait3A_289 : memref<1x128xi32, #tpu.memory_space<vmem>> -> memref<128xi32, #tpu.memory_space<vmem>>
    %dma_wait3A_291 = tpu.memref_slice %arg3[%add3A_98] : memref<8192xi32, #tpu.memory_space<hbm>> -> memref<128xi32, #tpu.memory_space<hbm>>
    tpu.wait_dma2 semaphore(%arg25 : memref<!tpu.dma_semaphore, #tpu.memory_space<semaphore_mem>>) src(%dma_wait3A_291 : memref<128xi32, #tpu.memory_space<hbm>>) dst(%dma_wait3A_290 : memref<128xi32, #tpu.memory_space<vmem>>)
    %dma_wait3A_292 = arith.constant 0 : i32
    %dma_wait3A_293 = arith.constant 0 : i32
    %dma_wait3A_294 = tpu.memref_slice %arg11[%dma_wait3A_292, %dma_wait3A_293] : memref<2x128xi32, #tpu.memory_space<vmem>> -> memref<1x128xi32, #tpu.memory_space<vmem>>
    %dma_wait3A_295 = tpu.memref_squeeze %dma_wait3A_294 : memref<1x128xi32, #tpu.memory_space<vmem>> -> memref<128xi32, #tpu.memory_space<vmem>>
    %dma_wait3A_296 = tpu.memref_slice %arg4[%add3A_100] : memref<8192xi32, #tpu.memory_space<hbm>> -> memref<128xi32, #tpu.memory_space<hbm>>
    %dma_wait3A_297 = arith.constant 0 : i32
    %dma_wait3A_298 = tpu.memref_slice %arg11[%dma_wait3A_292, %dma_wait3A_297] : memref<2x128xi32, #tpu.memory_space<vmem>> -> memref<1x128xi32, #tpu.memory_space<vmem>>
    %dma_wait3A_299 = tpu.memref_squeeze %dma_wait3A_298 : memref<1x128xi32, #tpu.memory_space<vmem>> -> memref<128xi32, #tpu.memory_space<vmem>>
    %dma_wait3A_300 = tpu.memref_slice %arg4[%add3A_100] : memref<8192xi32, #tpu.memory_space<hbm>> -> memref<128xi32, #tpu.memory_space<hbm>>
    tpu.wait_dma2 semaphore(%arg25 : memref<!tpu.dma_semaphore, #tpu.memory_space<semaphore_mem>>) src(%dma_wait3A_300 : memref<128xi32, #tpu.memory_space<hbm>>) dst(%dma_wait3A_299 : memref<128xi32, #tpu.memory_space<vmem>>)
    %dma_wait3A_301 = arith.constant 1 : i32
    %dma_wait3A_302 = arith.constant 0 : i32
    %dma_wait3A_303 = tpu.memref_slice %arg10[%dma_wait3A_301, %dma_wait3A_302] : memref<2x128xi32, #tpu.memory_space<vmem>> -> memref<1x128xi32, #tpu.memory_space<vmem>>
    %dma_wait3A_304 = tpu.memref_squeeze %dma_wait3A_303 : memref<1x128xi32, #tpu.memory_space<vmem>> -> memref<128xi32, #tpu.memory_space<vmem>>
    %dma_wait3A_305 = tpu.memref_slice %arg3[%add3A_102] : memref<8192xi32, #tpu.memory_space<hbm>> -> memref<128xi32, #tpu.memory_space<hbm>>
    %dma_wait3A_306 = arith.constant 0 : i32
    %dma_wait3A_307 = tpu.memref_slice %arg10[%dma_wait3A_301, %dma_wait3A_306] : memref<2x128xi32, #tpu.memory_space<vmem>> -> memref<1x128xi32, #tpu.memory_space<vmem>>
    %dma_wait3A_308 = tpu.memref_squeeze %dma_wait3A_307 : memref<1x128xi32, #tpu.memory_space<vmem>> -> memref<128xi32, #tpu.memory_space<vmem>>
    %dma_wait3A_309 = tpu.memref_slice %arg3[%add3A_102] : memref<8192xi32, #tpu.memory_space<hbm>> -> memref<128xi32, #tpu.memory_space<hbm>>
    tpu.wait_dma2 semaphore(%arg25 : memref<!tpu.dma_semaphore, #tpu.memory_space<semaphore_mem>>) src(%dma_wait3A_309 : memref<128xi32, #tpu.memory_space<hbm>>) dst(%dma_wait3A_308 : memref<128xi32, #tpu.memory_space<vmem>>)
    %dma_wait3A_310 = arith.constant 1 : i32
    %dma_wait3A_311 = arith.constant 0 : i32
    %dma_wait3A_312 = tpu.memref_slice %arg11[%dma_wait3A_310, %dma_wait3A_311] : memref<2x128xi32, #tpu.memory_space<vmem>> -> memref<1x128xi32, #tpu.memory_space<vmem>>
    %dma_wait3A_313 = tpu.memref_squeeze %dma_wait3A_312 : memref<1x128xi32, #tpu.memory_space<vmem>> -> memref<128xi32, #tpu.memory_space<vmem>>
    %dma_wait3A_314 = tpu.memref_slice %arg4[%add3A_104] : memref<8192xi32, #tpu.memory_space<hbm>> -> memref<128xi32, #tpu.memory_space<hbm>>
    %dma_wait3A_315 = arith.constant 0 : i32
    %dma_wait3A_316 = tpu.memref_slice %arg11[%dma_wait3A_310, %dma_wait3A_315] : memref<2x128xi32, #tpu.memory_space<vmem>> -> memref<1x128xi32, #tpu.memory_space<vmem>>
    %dma_wait3A_317 = tpu.memref_squeeze %dma_wait3A_316 : memref<1x128xi32, #tpu.memory_space<vmem>> -> memref<128xi32, #tpu.memory_space<vmem>>
    %dma_wait3A_318 = tpu.memref_slice %arg4[%add3A_104] : memref<8192xi32, #tpu.memory_space<hbm>> -> memref<128xi32, #tpu.memory_space<hbm>>
    tpu.wait_dma2 semaphore(%arg25 : memref<!tpu.dma_semaphore, #tpu.memory_space<semaphore_mem>>) src(%dma_wait3A_318 : memref<128xi32, #tpu.memory_space<hbm>>) dst(%dma_wait3A_317 : memref<128xi32, #tpu.memory_space<vmem>>)
    %dma_start3A_319 = arith.constant 0 : i32
    %dma_start3A_320 = arith.constant 0 : i32
    %dma_start3A_321 = tpu.memref_slice %arg8[%dma_start3A_319, %dma_start3A_320] : memref<4x128xi32, #tpu.memory_space<vmem>> -> memref<1x128xi32, #tpu.memory_space<vmem>>
    %dma_start3A_322 = tpu.memref_squeeze %dma_start3A_321 : memref<1x128xi32, #tpu.memory_space<vmem>> -> memref<128xi32, #tpu.memory_space<vmem>>
    %dma_start3A_323 = arith.constant 0 : i32
    %dma_start3A_324 = tpu.memref_slice %arg21[%dma_start3A_323] : memref<65536xf32, #tpu.memory_space<vmem_shared>> -> memref<65536xf32, #tpu.memory_space<vmem_shared>>
    tpu.enqueue_indirect_dma source(%arg12 : memref<128xf32, #tpu.memory_space<vmem>>) target(%dma_start3A_324 : memref<65536xf32, #tpu.memory_space<vmem_shared>>) offsets(%dma_start3A_322 : memref<128xi32, #tpu.memory_space<vmem>>) semaphore(%arg26 : memref<!tpu.dma_semaphore, #tpu.memory_space<semaphore_mem>>) {add = true}
    %dma_start3A_325 = arith.constant 0 : i32
    %dma_start3A_326 = arith.constant 0 : i32
    %dma_start3A_327 = tpu.memref_slice %arg9[%dma_start3A_325, %dma_start3A_326] : memref<4x128xi32, #tpu.memory_space<vmem>> -> memref<1x128xi32, #tpu.memory_space<vmem>>
    %dma_start3A_328 = tpu.memref_squeeze %dma_start3A_327 : memref<1x128xi32, #tpu.memory_space<vmem>> -> memref<128xi32, #tpu.memory_space<vmem>>
    %dma_start3A_329 = arith.constant 0 : i32
    %dma_start3A_330 = tpu.memref_slice %arg22[%dma_start3A_329] : memref<65536xf32, #tpu.memory_space<vmem_shared>> -> memref<65536xf32, #tpu.memory_space<vmem_shared>>
    tpu.enqueue_indirect_dma source(%arg12 : memref<128xf32, #tpu.memory_space<vmem>>) target(%dma_start3A_330 : memref<65536xf32, #tpu.memory_space<vmem_shared>>) offsets(%dma_start3A_328 : memref<128xi32, #tpu.memory_space<vmem>>) semaphore(%arg26 : memref<!tpu.dma_semaphore, #tpu.memory_space<semaphore_mem>>) {add = true}
    %dma_start3A_331 = arith.constant 1 : i32
    %dma_start3A_332 = arith.constant 0 : i32
    %dma_start3A_333 = tpu.memref_slice %arg8[%dma_start3A_331, %dma_start3A_332] : memref<4x128xi32, #tpu.memory_space<vmem>> -> memref<1x128xi32, #tpu.memory_space<vmem>>
    %dma_start3A_334 = tpu.memref_squeeze %dma_start3A_333 : memref<1x128xi32, #tpu.memory_space<vmem>> -> memref<128xi32, #tpu.memory_space<vmem>>
    %dma_start3A_335 = arith.constant 0 : i32
    %dma_start3A_336 = tpu.memref_slice %arg21[%dma_start3A_335] : memref<65536xf32, #tpu.memory_space<vmem_shared>> -> memref<65536xf32, #tpu.memory_space<vmem_shared>>
    tpu.enqueue_indirect_dma source(%arg12 : memref<128xf32, #tpu.memory_space<vmem>>) target(%dma_start3A_336 : memref<65536xf32, #tpu.memory_space<vmem_shared>>) offsets(%dma_start3A_334 : memref<128xi32, #tpu.memory_space<vmem>>) semaphore(%arg26 : memref<!tpu.dma_semaphore, #tpu.memory_space<semaphore_mem>>) {add = true}
    %dma_start3A_337 = arith.constant 1 : i32
    %dma_start3A_338 = arith.constant 0 : i32
    %dma_start3A_339 = tpu.memref_slice %arg9[%dma_start3A_337, %dma_start3A_338] : memref<4x128xi32, #tpu.memory_space<vmem>> -> memref<1x128xi32, #tpu.memory_space<vmem>>
    %dma_start3A_340 = tpu.memref_squeeze %dma_start3A_339 : memref<1x128xi32, #tpu.memory_space<vmem>> -> memref<128xi32, #tpu.memory_space<vmem>>
    %dma_start3A_341 = arith.constant 0 : i32
    %dma_start3A_342 = tpu.memref_slice %arg22[%dma_start3A_341] : memref<65536xf32, #tpu.memory_space<vmem_shared>> -> memref<65536xf32, #tpu.memory_space<vmem_shared>>
    tpu.enqueue_indirect_dma source(%arg12 : memref<128xf32, #tpu.memory_space<vmem>>) target(%dma_start3A_342 : memref<65536xf32, #tpu.memory_space<vmem_shared>>) offsets(%dma_start3A_340 : memref<128xi32, #tpu.memory_space<vmem>>) semaphore(%arg26 : memref<!tpu.dma_semaphore, #tpu.memory_space<semaphore_mem>>) {add = true}
    %dma_start3A_343 = arith.constant 2 : i32
    %dma_start3A_344 = arith.constant 0 : i32
    %dma_start3A_345 = tpu.memref_slice %arg8[%dma_start3A_343, %dma_start3A_344] : memref<4x128xi32, #tpu.memory_space<vmem>> -> memref<1x128xi32, #tpu.memory_space<vmem>>
    %dma_start3A_346 = tpu.memref_squeeze %dma_start3A_345 : memref<1x128xi32, #tpu.memory_space<vmem>> -> memref<128xi32, #tpu.memory_space<vmem>>
    %dma_start3A_347 = arith.constant 0 : i32
    %dma_start3A_348 = tpu.memref_slice %arg21[%dma_start3A_347] : memref<65536xf32, #tpu.memory_space<vmem_shared>> -> memref<65536xf32, #tpu.memory_space<vmem_shared>>
    tpu.enqueue_indirect_dma source(%arg12 : memref<128xf32, #tpu.memory_space<vmem>>) target(%dma_start3A_348 : memref<65536xf32, #tpu.memory_space<vmem_shared>>) offsets(%dma_start3A_346 : memref<128xi32, #tpu.memory_space<vmem>>) semaphore(%arg26 : memref<!tpu.dma_semaphore, #tpu.memory_space<semaphore_mem>>) {add = true}
    %dma_start3A_349 = arith.constant 2 : i32
    %dma_start3A_350 = arith.constant 0 : i32
    %dma_start3A_351 = tpu.memref_slice %arg9[%dma_start3A_349, %dma_start3A_350] : memref<4x128xi32, #tpu.memory_space<vmem>> -> memref<1x128xi32, #tpu.memory_space<vmem>>
    %dma_start3A_352 = tpu.memref_squeeze %dma_start3A_351 : memref<1x128xi32, #tpu.memory_space<vmem>> -> memref<128xi32, #tpu.memory_space<vmem>>
    %dma_start3A_353 = arith.constant 0 : i32
    %dma_start3A_354 = tpu.memref_slice %arg22[%dma_start3A_353] : memref<65536xf32, #tpu.memory_space<vmem_shared>> -> memref<65536xf32, #tpu.memory_space<vmem_shared>>
    tpu.enqueue_indirect_dma source(%arg12 : memref<128xf32, #tpu.memory_space<vmem>>) target(%dma_start3A_354 : memref<65536xf32, #tpu.memory_space<vmem_shared>>) offsets(%dma_start3A_352 : memref<128xi32, #tpu.memory_space<vmem>>) semaphore(%arg26 : memref<!tpu.dma_semaphore, #tpu.memory_space<semaphore_mem>>) {add = true}
    %dma_start3A_355 = arith.constant 3 : i32
    %dma_start3A_356 = arith.constant 0 : i32
    %dma_start3A_357 = tpu.memref_slice %arg8[%dma_start3A_355, %dma_start3A_356] : memref<4x128xi32, #tpu.memory_space<vmem>> -> memref<1x128xi32, #tpu.memory_space<vmem>>
    %dma_start3A_358 = tpu.memref_squeeze %dma_start3A_357 : memref<1x128xi32, #tpu.memory_space<vmem>> -> memref<128xi32, #tpu.memory_space<vmem>>
    %dma_start3A_359 = arith.constant 0 : i32
    %dma_start3A_360 = tpu.memref_slice %arg21[%dma_start3A_359] : memref<65536xf32, #tpu.memory_space<vmem_shared>> -> memref<65536xf32, #tpu.memory_space<vmem_shared>>
    tpu.enqueue_indirect_dma source(%arg12 : memref<128xf32, #tpu.memory_space<vmem>>) target(%dma_start3A_360 : memref<65536xf32, #tpu.memory_space<vmem_shared>>) offsets(%dma_start3A_358 : memref<128xi32, #tpu.memory_space<vmem>>) semaphore(%arg26 : memref<!tpu.dma_semaphore, #tpu.memory_space<semaphore_mem>>) {add = true}
    %dma_start3A_361 = arith.constant 3 : i32
    %dma_start3A_362 = arith.constant 0 : i32
    %dma_start3A_363 = tpu.memref_slice %arg9[%dma_start3A_361, %dma_start3A_362] : memref<4x128xi32, #tpu.memory_space<vmem>> -> memref<1x128xi32, #tpu.memory_space<vmem>>
    %dma_start3A_364 = tpu.memref_squeeze %dma_start3A_363 : memref<1x128xi32, #tpu.memory_space<vmem>> -> memref<128xi32, #tpu.memory_space<vmem>>
    %dma_start3A_365 = arith.constant 0 : i32
    %dma_start3A_366 = tpu.memref_slice %arg22[%dma_start3A_365] : memref<65536xf32, #tpu.memory_space<vmem_shared>> -> memref<65536xf32, #tpu.memory_space<vmem_shared>>
    tpu.enqueue_indirect_dma source(%arg12 : memref<128xf32, #tpu.memory_space<vmem>>) target(%dma_start3A_366 : memref<65536xf32, #tpu.memory_space<vmem_shared>>) offsets(%dma_start3A_364 : memref<128xi32, #tpu.memory_space<vmem>>) semaphore(%arg26 : memref<!tpu.dma_semaphore, #tpu.memory_space<semaphore_mem>>) {add = true}
    %dma_wait3A_367 = arith.constant 0 : i32
    %dma_wait3A_368 = arith.constant 0 : i32
    %dma_wait3A_369 = tpu.memref_slice %arg8[%dma_wait3A_367, %dma_wait3A_368] : memref<4x128xi32, #tpu.memory_space<vmem>> -> memref<1x128xi32, #tpu.memory_space<vmem>>
    %dma_wait3A_370 = tpu.memref_squeeze %dma_wait3A_369 : memref<1x128xi32, #tpu.memory_space<vmem>> -> memref<128xi32, #tpu.memory_space<vmem>>
    %dma_wait3A_371 = arith.constant 0 : i32
    %dma_wait3A_372 = tpu.memref_slice %arg21[%dma_wait3A_371] : memref<65536xf32, #tpu.memory_space<vmem_shared>> -> memref<65536xf32, #tpu.memory_space<vmem_shared>>
    tpu.wait_indirect_dma semaphore(%arg26 : memref<!tpu.dma_semaphore, #tpu.memory_space<semaphore_mem>>) src(%arg12 : memref<128xf32, #tpu.memory_space<vmem>>) dst(%dma_wait3A_372 : memref<65536xf32, #tpu.memory_space<vmem_shared>>)
    %dma_wait3A_373 = arith.constant 0 : i32
    %dma_wait3A_374 = arith.constant 0 : i32
    %dma_wait3A_375 = tpu.memref_slice %arg9[%dma_wait3A_373, %dma_wait3A_374] : memref<4x128xi32, #tpu.memory_space<vmem>> -> memref<1x128xi32, #tpu.memory_space<vmem>>
    %dma_wait3A_376 = tpu.memref_squeeze %dma_wait3A_375 : memref<1x128xi32, #tpu.memory_space<vmem>> -> memref<128xi32, #tpu.memory_space<vmem>>
    %dma_wait3A_377 = arith.constant 0 : i32
    %dma_wait3A_378 = tpu.memref_slice %arg22[%dma_wait3A_377] : memref<65536xf32, #tpu.memory_space<vmem_shared>> -> memref<65536xf32, #tpu.memory_space<vmem_shared>>
    tpu.wait_indirect_dma semaphore(%arg26 : memref<!tpu.dma_semaphore, #tpu.memory_space<semaphore_mem>>) src(%arg12 : memref<128xf32, #tpu.memory_space<vmem>>) dst(%dma_wait3A_378 : memref<65536xf32, #tpu.memory_space<vmem_shared>>)
    %dma_wait3A_379 = arith.constant 1 : i32
    %dma_wait3A_380 = arith.constant 0 : i32
    %dma_wait3A_381 = tpu.memref_slice %arg8[%dma_wait3A_379, %dma_wait3A_380] : memref<4x128xi32, #tpu.memory_space<vmem>> -> memref<1x128xi32, #tpu.memory_space<vmem>>
    %dma_wait3A_382 = tpu.memref_squeeze %dma_wait3A_381 : memref<1x128xi32, #tpu.memory_space<vmem>> -> memref<128xi32, #tpu.memory_space<vmem>>
    %dma_wait3A_383 = arith.constant 0 : i32
    %dma_wait3A_384 = tpu.memref_slice %arg21[%dma_wait3A_383] : memref<65536xf32, #tpu.memory_space<vmem_shared>> -> memref<65536xf32, #tpu.memory_space<vmem_shared>>
    tpu.wait_indirect_dma semaphore(%arg26 : memref<!tpu.dma_semaphore, #tpu.memory_space<semaphore_mem>>) src(%arg12 : memref<128xf32, #tpu.memory_space<vmem>>) dst(%dma_wait3A_384 : memref<65536xf32, #tpu.memory_space<vmem_shared>>)
    %dma_wait3A_385 = arith.constant 1 : i32
    %dma_wait3A_386 = arith.constant 0 : i32
    %dma_wait3A_387 = tpu.memref_slice %arg9[%dma_wait3A_385, %dma_wait3A_386] : memref<4x128xi32, #tpu.memory_space<vmem>> -> memref<1x128xi32, #tpu.memory_space<vmem>>
    %dma_wait3A_388 = tpu.memref_squeeze %dma_wait3A_387 : memref<1x128xi32, #tpu.memory_space<vmem>> -> memref<128xi32, #tpu.memory_space<vmem>>
    %dma_wait3A_389 = arith.constant 0 : i32
    %dma_wait3A_390 = tpu.memref_slice %arg22[%dma_wait3A_389] : memref<65536xf32, #tpu.memory_space<vmem_shared>> -> memref<65536xf32, #tpu.memory_space<vmem_shared>>
    tpu.wait_indirect_dma semaphore(%arg26 : memref<!tpu.dma_semaphore, #tpu.memory_space<semaphore_mem>>) src(%arg12 : memref<128xf32, #tpu.memory_space<vmem>>) dst(%dma_wait3A_390 : memref<65536xf32, #tpu.memory_space<vmem_shared>>)
    %dma_wait3A_391 = arith.constant 2 : i32
    %dma_wait3A_392 = arith.constant 0 : i32
    %dma_wait3A_393 = tpu.memref_slice %arg8[%dma_wait3A_391, %dma_wait3A_392] : memref<4x128xi32, #tpu.memory_space<vmem>> -> memref<1x128xi32, #tpu.memory_space<vmem>>
    %dma_wait3A_394 = tpu.memref_squeeze %dma_wait3A_393 : memref<1x128xi32, #tpu.memory_space<vmem>> -> memref<128xi32, #tpu.memory_space<vmem>>
    %dma_wait3A_395 = arith.constant 0 : i32
    %dma_wait3A_396 = tpu.memref_slice %arg21[%dma_wait3A_395] : memref<65536xf32, #tpu.memory_space<vmem_shared>> -> memref<65536xf32, #tpu.memory_space<vmem_shared>>
    tpu.wait_indirect_dma semaphore(%arg26 : memref<!tpu.dma_semaphore, #tpu.memory_space<semaphore_mem>>) src(%arg12 : memref<128xf32, #tpu.memory_space<vmem>>) dst(%dma_wait3A_396 : memref<65536xf32, #tpu.memory_space<vmem_shared>>)
    %dma_wait3A_397 = arith.constant 2 : i32
    %dma_wait3A_398 = arith.constant 0 : i32
    %dma_wait3A_399 = tpu.memref_slice %arg9[%dma_wait3A_397, %dma_wait3A_398] : memref<4x128xi32, #tpu.memory_space<vmem>> -> memref<1x128xi32, #tpu.memory_space<vmem>>
    %dma_wait3A_400 = tpu.memref_squeeze %dma_wait3A_399 : memref<1x128xi32, #tpu.memory_space<vmem>> -> memref<128xi32, #tpu.memory_space<vmem>>
    %dma_wait3A_401 = arith.constant 0 : i32
    %dma_wait3A_402 = tpu.memref_slice %arg22[%dma_wait3A_401] : memref<65536xf32, #tpu.memory_space<vmem_shared>> -> memref<65536xf32, #tpu.memory_space<vmem_shared>>
    tpu.wait_indirect_dma semaphore(%arg26 : memref<!tpu.dma_semaphore, #tpu.memory_space<semaphore_mem>>) src(%arg12 : memref<128xf32, #tpu.memory_space<vmem>>) dst(%dma_wait3A_402 : memref<65536xf32, #tpu.memory_space<vmem_shared>>)
    %dma_wait3A_403 = arith.constant 3 : i32
    %dma_wait3A_404 = arith.constant 0 : i32
    %dma_wait3A_405 = tpu.memref_slice %arg8[%dma_wait3A_403, %dma_wait3A_404] : memref<4x128xi32, #tpu.memory_space<vmem>> -> memref<1x128xi32, #tpu.memory_space<vmem>>
    %dma_wait3A_406 = tpu.memref_squeeze %dma_wait3A_405 : memref<1x128xi32, #tpu.memory_space<vmem>> -> memref<128xi32, #tpu.memory_space<vmem>>
    %dma_wait3A_407 = arith.constant 0 : i32
    %dma_wait3A_408 = tpu.memref_slice %arg21[%dma_wait3A_407] : memref<65536xf32, #tpu.memory_space<vmem_shared>> -> memref<65536xf32, #tpu.memory_space<vmem_shared>>
    tpu.wait_indirect_dma semaphore(%arg26 : memref<!tpu.dma_semaphore, #tpu.memory_space<semaphore_mem>>) src(%arg12 : memref<128xf32, #tpu.memory_space<vmem>>) dst(%dma_wait3A_408 : memref<65536xf32, #tpu.memory_space<vmem_shared>>)
    %dma_wait3A_409 = arith.constant 3 : i32
    %dma_wait3A_410 = arith.constant 0 : i32
    %dma_wait3A_411 = tpu.memref_slice %arg9[%dma_wait3A_409, %dma_wait3A_410] : memref<4x128xi32, #tpu.memory_space<vmem>> -> memref<1x128xi32, #tpu.memory_space<vmem>>
    %dma_wait3A_412 = tpu.memref_squeeze %dma_wait3A_411 : memref<1x128xi32, #tpu.memory_space<vmem>> -> memref<128xi32, #tpu.memory_space<vmem>>
    %dma_wait3A_413 = arith.constant 0 : i32
    %dma_wait3A_414 = tpu.memref_slice %arg22[%dma_wait3A_413] : memref<65536xf32, #tpu.memory_space<vmem_shared>> -> memref<65536xf32, #tpu.memory_space<vmem_shared>>
    tpu.wait_indirect_dma semaphore(%arg26 : memref<!tpu.dma_semaphore, #tpu.memory_space<semaphore_mem>>) src(%arg12 : memref<128xf32, #tpu.memory_space<vmem>>) dst(%dma_wait3A_414 : memref<65536xf32, #tpu.memory_space<vmem_shared>>)
    %barrier3A_415 = arith.constant 0 : index
    tpu.barrier barrier_id(%barrier3A_415)
    %mul3A_416 = arith.constant 2048 : i32
    %mul3A_417 = arith.muli %add3A, %mul3A_416 : i32
    %mul3A_418 = arith.constant 2048 : i32
    %mul3A_419 = arith.muli %add3A, %mul3A_418 : i32
    %dma_start3A_420 = tpu.memref_slice %arg6[%mul3A_419] : memref<65536xf32, #tpu.memory_space<hbm>> -> memref<2048xf32, #tpu.memory_space<hbm>>
    %dma_start3A_421 = tpu.memref_slice %arg21[%mul3A_417] : memref<65536xf32, #tpu.memory_space<vmem_shared>> -> memref<2048xf32, #tpu.memory_space<vmem_shared>>
    tpu.enqueue_dma source(%dma_start3A_421 : memref<2048xf32, #tpu.memory_space<vmem_shared>>) target(%dma_start3A_420 : memref<2048xf32, #tpu.memory_space<hbm>>) target_semaphore(%arg27 : memref<!tpu.dma_semaphore, #tpu.memory_space<semaphore_mem>>)
    %mul3A_422 = arith.constant 2048 : i32
    %mul3A_423 = arith.muli %add3A, %mul3A_422 : i32
    %mul3A_424 = arith.constant 2048 : i32
    %mul3A_425 = arith.muli %add3A, %mul3A_424 : i32
    %dma_start3A_426 = tpu.memref_slice %arg7[%mul3A_425] : memref<65536xf32, #tpu.memory_space<hbm>> -> memref<2048xf32, #tpu.memory_space<hbm>>
    %dma_start3A_427 = tpu.memref_slice %arg22[%mul3A_423] : memref<65536xf32, #tpu.memory_space<vmem_shared>> -> memref<2048xf32, #tpu.memory_space<vmem_shared>>
    tpu.enqueue_dma source(%dma_start3A_427 : memref<2048xf32, #tpu.memory_space<vmem_shared>>) target(%dma_start3A_426 : memref<2048xf32, #tpu.memory_space<hbm>>) target_semaphore(%arg27 : memref<!tpu.dma_semaphore, #tpu.memory_space<semaphore_mem>>)
    %iota3A = tpu.iota {dimensions = array<i32: 0>} : vector<16xi32>
    %mul3A_428 = arith.constant 48 : i32
    %mul3A_429 = arith.muli %mul3A_428, %arg1 : i32
    %broadcast_in_dim3A_430 = vector.broadcast %mul3A_429 : i32 to vector<16xi32>
    %add3A_431 = arith.addi %broadcast_in_dim3A_430, %iota3A : vector<16xi32>
    %swap3A_432 = arith.constant 0 : i32
    %swap3A_433 = arith.index_cast %swap3A_432 : i32 to index
    %swap3A_434 = arith.constant 0 : index
    %swap3A_435 = tpu.vector_load %arg15[%swap3A_433, %swap3A_434] {strides = array<i32>} : memref<2x128xi32, #tpu.memory_space<vmem>>, vector<16xi32>,
    tpu.vector_store %arg15[%swap3A_433, %swap3A_434], %add3A_431 {strides = array<i32>} : memref<2x128xi32, #tpu.memory_space<vmem>>, vector<16xi32>,
    %mul3A_436 = arith.constant 48 : i32
    %mul3A_437 = arith.muli %mul3A_436, %arg1 : i32
    %broadcast_in_dim3A_438 = vector.broadcast %mul3A_437 : i32 to vector<16xi32>
    %add3A_439 = arith.addi %broadcast_in_dim3A_438, %iota3A : vector<16xi32>
    %swap3A_440 = arith.constant 0 : i32
    %swap3A_441 = arith.index_cast %swap3A_440 : i32 to index
    %swap3A_442 = arith.constant 16 : index
    %swap3A_443 = tpu.vector_load %arg15[%swap3A_441, %swap3A_442] {strides = array<i32>} : memref<2x128xi32, #tpu.memory_space<vmem>>, vector<16xi32>,
    tpu.vector_store %arg15[%swap3A_441, %swap3A_442], %add3A_439 {strides = array<i32>} : memref<2x128xi32, #tpu.memory_space<vmem>>, vector<16xi32>,
    %mul3A_444 = arith.constant 48 : i32
    %mul3A_445 = arith.muli %mul3A_444, %arg1 : i32
    %broadcast_in_dim3A_446 = vector.broadcast %mul3A_445 : i32 to vector<16xi32>
    %add3A_447 = arith.addi %broadcast_in_dim3A_446, %iota3A : vector<16xi32>
    %swap3A_448 = arith.constant 0 : i32
    %swap3A_449 = arith.index_cast %swap3A_448 : i32 to index
    %swap3A_450 = arith.constant 32 : index
    %swap3A_451 = tpu.vector_load %arg15[%swap3A_449, %swap3A_450] {strides = array<i32>} : memref<2x128xi32, #tpu.memory_space<vmem>>, vector<16xi32>,
    tpu.vector_store %arg15[%swap3A_449, %swap3A_450], %add3A_447 {strides = array<i32>} : memref<2x128xi32, #tpu.memory_space<vmem>>, vector<16xi32>,
    %mul3A_452 = arith.constant 48 : i32
    %mul3A_453 = arith.muli %mul3A_452, %arg1 : i32
    %broadcast_in_dim3A_454 = vector.broadcast %mul3A_453 : i32 to vector<16xi32>
    %add3A_455 = arith.addi %broadcast_in_dim3A_454, %iota3A : vector<16xi32>
    %swap3A_456 = arith.constant 0 : i32
    %swap3A_457 = arith.index_cast %swap3A_456 : i32 to index
    %swap3A_458 = arith.constant 48 : index
    %swap3A_459 = tpu.vector_load %arg15[%swap3A_457, %swap3A_458] {strides = array<i32>} : memref<2x128xi32, #tpu.memory_space<vmem>>, vector<16xi32>,
    tpu.vector_store %arg15[%swap3A_457, %swap3A_458], %add3A_455 {strides = array<i32>} : memref<2x128xi32, #tpu.memory_space<vmem>>, vector<16xi32>,
    %mul3A_460 = arith.constant 48 : i32
    %mul3A_461 = arith.muli %mul3A_460, %arg1 : i32
    %broadcast_in_dim3A_462 = vector.broadcast %mul3A_461 : i32 to vector<16xi32>
    %add3A_463 = arith.addi %broadcast_in_dim3A_462, %iota3A : vector<16xi32>
    %swap3A_464 = arith.constant 0 : i32
    %swap3A_465 = arith.index_cast %swap3A_464 : i32 to index
    %swap3A_466 = arith.constant 64 : index
    %swap3A_467 = tpu.vector_load %arg15[%swap3A_465, %swap3A_466] {strides = array<i32>} : memref<2x128xi32, #tpu.memory_space<vmem>>, vector<16xi32>,
    tpu.vector_store %arg15[%swap3A_465, %swap3A_466], %add3A_463 {strides = array<i32>} : memref<2x128xi32, #tpu.memory_space<vmem>>, vector<16xi32>,
    %mul3A_468 = arith.constant 48 : i32
    %mul3A_469 = arith.muli %mul3A_468, %arg1 : i32
    %broadcast_in_dim3A_470 = vector.broadcast %mul3A_469 : i32 to vector<16xi32>
    %add3A_471 = arith.addi %broadcast_in_dim3A_470, %iota3A : vector<16xi32>
    %swap3A_472 = arith.constant 0 : i32
    %swap3A_473 = arith.index_cast %swap3A_472 : i32 to index
    %swap3A_474 = arith.constant 80 : index
    %swap3A_475 = tpu.vector_load %arg15[%swap3A_473, %swap3A_474] {strides = array<i32>} : memref<2x128xi32, #tpu.memory_space<vmem>>, vector<16xi32>,
    tpu.vector_store %arg15[%swap3A_473, %swap3A_474], %add3A_471 {strides = array<i32>} : memref<2x128xi32, #tpu.memory_space<vmem>>, vector<16xi32>,
    %mul3A_476 = arith.constant 48 : i32
    %mul3A_477 = arith.muli %mul3A_476, %arg1 : i32
    %broadcast_in_dim3A_478 = vector.broadcast %mul3A_477 : i32 to vector<16xi32>
    %add3A_479 = arith.addi %broadcast_in_dim3A_478, %iota3A : vector<16xi32>
    %swap3A_480 = arith.constant 0 : i32
    %swap3A_481 = arith.index_cast %swap3A_480 : i32 to index
    %swap3A_482 = arith.constant 96 : index
    %swap3A_483 = tpu.vector_load %arg15[%swap3A_481, %swap3A_482] {strides = array<i32>} : memref<2x128xi32, #tpu.memory_space<vmem>>, vector<16xi32>,
    tpu.vector_store %arg15[%swap3A_481, %swap3A_482], %add3A_479 {strides = array<i32>} : memref<2x128xi32, #tpu.memory_space<vmem>>, vector<16xi32>,
    %mul3A_484 = arith.constant 48 : i32
    %mul3A_485 = arith.muli %mul3A_484, %arg1 : i32
    %broadcast_in_dim3A_486 = vector.broadcast %mul3A_485 : i32 to vector<16xi32>
    %add3A_487 = arith.addi %broadcast_in_dim3A_486, %iota3A : vector<16xi32>
    %swap3A_488 = arith.constant 0 : i32
    %swap3A_489 = arith.index_cast %swap3A_488 : i32 to index
    %swap3A_490 = arith.constant 112 : index
    %swap3A_491 = tpu.vector_load %arg15[%swap3A_489, %swap3A_490] {strides = array<i32>} : memref<2x128xi32, #tpu.memory_space<vmem>>, vector<16xi32>,
    tpu.vector_store %arg15[%swap3A_489, %swap3A_490], %add3A_487 {strides = array<i32>} : memref<2x128xi32, #tpu.memory_space<vmem>>, vector<16xi32>,
    %dma_start3A_492 = arith.constant 0 : i32
    %dma_start3A_493 = arith.constant 0 : i32
    %dma_start3A_494 = arith.constant 0 : i32
    %dma_start3A_495 = arith.constant 0 : i32
    %dma_start3A_496 = tpu.memref_slice %arg13[%dma_start3A_493, %dma_start3A_494, %dma_start3A_495] : memref<2x128x128xf32, #tpu.memory_space<vmem>> -> memref<1x128x128xf32, #tpu.memory_space<vmem>>
    %dma_start3A_497 = tpu.memref_squeeze %dma_start3A_496 : memref<1x128x128xf32, #tpu.memory_space<vmem>> -> memref<128x128xf32, #tpu.memory_space<vmem>>
    %dma_start3A_498 = arith.constant 0 : i32
    %dma_start3A_499 = tpu.memref_slice %arg10[%dma_start3A_492, %dma_start3A_498] : memref<2x128xi32, #tpu.memory_space<vmem>> -> memref<1x128xi32, #tpu.memory_space<vmem>>
    %dma_start3A_500 = tpu.memref_squeeze %dma_start3A_499 : memref<1x128xi32, #tpu.memory_space<vmem>> -> memref<128xi32, #tpu.memory_space<vmem>>
    %dma_start3A_501 = arith.constant 0 : i32
    %dma_start3A_502 = arith.constant 0 : i32
    %dma_start3A_503 = tpu.memref_slice %arg2[%dma_start3A_501, %dma_start3A_502] : memref<65536x128xf32, #tpu.memory_space<hbm>> -> memref<65536x128xf32, #tpu.memory_space<hbm>>
    tpu.enqueue_indirect_dma source(%dma_start3A_503 : memref<65536x128xf32, #tpu.memory_space<hbm>>) target(%dma_start3A_497 : memref<128x128xf32, #tpu.memory_space<vmem>>) offsets(%dma_start3A_500 : memref<128xi32, #tpu.memory_space<vmem>>) semaphore(%arg25 : memref<!tpu.dma_semaphore, #tpu.memory_space<semaphore_mem>>)
    %dma_start3A_504 = arith.constant 1 : i32
    %dma_start3A_505 = arith.constant 1 : i32
    %dma_start3A_506 = arith.constant 0 : i32
    %dma_start3A_507 = arith.constant 0 : i32
    %dma_start3A_508 = tpu.memref_slice %arg13[%dma_start3A_505, %dma_start3A_506, %dma_start3A_507] : memref<2x128x128xf32, #tpu.memory_space<vmem>> -> memref<1x128x128xf32, #tpu.memory_space<vmem>>
    %dma_start3A_509 = tpu.memref_squeeze %dma_start3A_508 : memref<1x128x128xf32, #tpu.memory_space<vmem>> -> memref<128x128xf32, #tpu.memory_space<vmem>>
    %dma_start3A_510 = arith.constant 0 : i32
    %dma_start3A_511 = tpu.memref_slice %arg10[%dma_start3A_504, %dma_start3A_510] : memref<2x128xi32, #tpu.memory_space<vmem>> -> memref<1x128xi32, #tpu.memory_space<vmem>>
    %dma_start3A_512 = tpu.memref_squeeze %dma_start3A_511 : memref<1x128xi32, #tpu.memory_space<vmem>> -> memref<128xi32, #tpu.memory_space<vmem>>
    %dma_start3A_513 = arith.constant 0 : i32
    %dma_start3A_514 = arith.constant 0 : i32
    %dma_start3A_515 = tpu.memref_slice %arg2[%dma_start3A_513, %dma_start3A_514] : memref<65536x128xf32, #tpu.memory_space<hbm>> -> memref<65536x128xf32, #tpu.memory_space<hbm>>
    tpu.enqueue_indirect_dma source(%dma_start3A_515 : memref<65536x128xf32, #tpu.memory_space<hbm>>) target(%dma_start3A_509 : memref<128x128xf32, #tpu.memory_space<vmem>>) offsets(%dma_start3A_512 : memref<128xi32, #tpu.memory_space<vmem>>) semaphore(%arg26 : memref<!tpu.dma_semaphore, #tpu.memory_space<semaphore_mem>>)
    %dma_wait3A_516 = arith.constant 0 : i32
    %dma_wait3A_517 = arith.constant 0 : i32
    %dma_wait3A_518 = arith.constant 0 : i32
    %dma_wait3A_519 = arith.constant 0 : i32
    %dma_wait3A_520 = tpu.memref_slice %arg13[%dma_wait3A_517, %dma_wait3A_518, %dma_wait3A_519] : memref<2x128x128xf32, #tpu.memory_space<vmem>> -> memref<1x128x128xf32, #tpu.memory_space<vmem>>
    %dma_wait3A_521 = tpu.memref_squeeze %dma_wait3A_520 : memref<1x128x128xf32, #tpu.memory_space<vmem>> -> memref<128x128xf32, #tpu.memory_space<vmem>>
    %dma_wait3A_522 = arith.constant 0 : i32
    %dma_wait3A_523 = tpu.memref_slice %arg10[%dma_wait3A_516, %dma_wait3A_522] : memref<2x128xi32, #tpu.memory_space<vmem>> -> memref<1x128xi32, #tpu.memory_space<vmem>>
    %dma_wait3A_524 = tpu.memref_squeeze %dma_wait3A_523 : memref<1x128xi32, #tpu.memory_space<vmem>> -> memref<128xi32, #tpu.memory_space<vmem>>
    %dma_wait3A_525 = arith.constant 0 : i32
    %dma_wait3A_526 = arith.constant 0 : i32
    %dma_wait3A_527 = tpu.memref_slice %arg2[%dma_wait3A_525, %dma_wait3A_526] : memref<65536x128xf32, #tpu.memory_space<hbm>> -> memref<65536x128xf32, #tpu.memory_space<hbm>>
    tpu.wait_indirect_dma semaphore(%arg25 : memref<!tpu.dma_semaphore, #tpu.memory_space<semaphore_mem>>) src(%dma_wait3A_527 : memref<65536x128xf32, #tpu.memory_space<hbm>>) dst(%dma_wait3A_521 : memref<128x128xf32, #tpu.memory_space<vmem>>)
    %run_scoped3A = arith.constant 0 : i32
    %run_scoped3A_528 = arith.constant 0 : i32
    "tpu.region"() ({
      %run_scoped3A_891 = tpu.sem_alloc : memref<!tpu.dma_semaphore, #tpu.memory_space<semaphore_mem>>
      %dma_start3A_892 = arith.constant 0 : i32
      %dma_start3A_893 = arith.constant 0 : i32
      %dma_start3A_894 = tpu.memref_slice %arg13[%run_scoped3A, %dma_start3A_892, %dma_start3A_893] : memref<2x128x128xf32, #tpu.memory_space<vmem>> -> memref<1x128x128xf32, #tpu.memory_space<vmem>>
      %dma_start3A_895 = tpu.memref_squeeze %dma_start3A_894 : memref<1x128x128xf32, #tpu.memory_space<vmem>> -> memref<128x128xf32, #tpu.memory_space<vmem>>
      %dma_start3A_896 = arith.constant 0 : i32
      %dma_start3A_897 = tpu.memref_slice %arg15[%run_scoped3A_528, %dma_start3A_896] : memref<2x128xi32, #tpu.memory_space<vmem>> -> memref<1x128xi32, #tpu.memory_space<vmem>>
      %dma_start3A_898 = tpu.memref_squeeze %dma_start3A_897 : memref<1x128xi32, #tpu.memory_space<vmem>> -> memref<128xi32, #tpu.memory_space<vmem>>
      %dma_start3A_899 = arith.constant 0 : i32
      %dma_start3A_900 = arith.constant 0 : i32
      %dma_start3A_901 = tpu.memref_slice %arg23[%dma_start3A_899, %dma_start3A_900] : memref<768x128xf32, #tpu.memory_space<vmem_shared>> -> memref<768x128xf32, #tpu.memory_space<vmem_shared>>
      tpu.enqueue_indirect_dma source(%dma_start3A_895 : memref<128x128xf32, #tpu.memory_space<vmem>>) target(%dma_start3A_901 : memref<768x128xf32, #tpu.memory_space<vmem_shared>>) offsets(%dma_start3A_898 : memref<128xi32, #tpu.memory_space<vmem>>) semaphore(%run_scoped3A_891 : memref<!tpu.dma_semaphore, #tpu.memory_space<semaphore_mem>>) {add = true}
      %dma_wait3A_902 = arith.constant 0 : i32
      %dma_wait3A_903 = arith.constant 0 : i32
      %dma_wait3A_904 = tpu.memref_slice %arg13[%run_scoped3A, %dma_wait3A_902, %dma_wait3A_903] : memref<2x128x128xf32, #tpu.memory_space<vmem>> -> memref<1x128x128xf32, #tpu.memory_space<vmem>>
      %dma_wait3A_905 = tpu.memref_squeeze %dma_wait3A_904 : memref<1x128x128xf32, #tpu.memory_space<vmem>> -> memref<128x128xf32, #tpu.memory_space<vmem>>
      %dma_wait3A_906 = arith.constant 0 : i32
      %dma_wait3A_907 = tpu.memref_slice %arg15[%run_scoped3A_528, %dma_wait3A_906] : memref<2x128xi32, #tpu.memory_space<vmem>> -> memref<1x128xi32, #tpu.memory_space<vmem>>
      %dma_wait3A_908 = tpu.memref_squeeze %dma_wait3A_907 : memref<1x128xi32, #tpu.memory_space<vmem>> -> memref<128xi32, #tpu.memory_space<vmem>>
      %dma_wait3A_909 = arith.constant 0 : i32
      %dma_wait3A_910 = arith.constant 0 : i32
      %dma_wait3A_911 = tpu.memref_slice %arg23[%dma_wait3A_909, %dma_wait3A_910] : memref<768x128xf32, #tpu.memory_space<vmem_shared>> -> memref<768x128xf32, #tpu.memory_space<vmem_shared>>
      tpu.wait_indirect_dma semaphore(%run_scoped3A_891 : memref<!tpu.dma_semaphore, #tpu.memory_space<semaphore_mem>>) src(%dma_wait3A_905 : memref<128x128xf32, #tpu.memory_space<vmem>>) dst(%dma_wait3A_911 : memref<768x128xf32, #tpu.memory_space<vmem_shared>>)
      tpu.yield
    }) : () -> ()
    %dma_wait3A_529 = arith.constant 1 : i32
    %dma_wait3A_530 = arith.constant 1 : i32
    %dma_wait3A_531 = arith.constant 0 : i32
    %dma_wait3A_532 = arith.constant 0 : i32
    %dma_wait3A_533 = tpu.memref_slice %arg13[%dma_wait3A_530, %dma_wait3A_531, %dma_wait3A_532] : memref<2x128x128xf32, #tpu.memory_space<vmem>> -> memref<1x128x128xf32, #tpu.memory_space<vmem>>
    %dma_wait3A_534 = tpu.memref_squeeze %dma_wait3A_533 : memref<1x128x128xf32, #tpu.memory_space<vmem>> -> memref<128x128xf32, #tpu.memory_space<vmem>>
    %dma_wait3A_535 = arith.constant 0 : i32
    %dma_wait3A_536 = tpu.memref_slice %arg10[%dma_wait3A_529, %dma_wait3A_535] : memref<2x128xi32, #tpu.memory_space<vmem>> -> memref<1x128xi32, #tpu.memory_space<vmem>>
    %dma_wait3A_537 = tpu.memref_squeeze %dma_wait3A_536 : memref<1x128xi32, #tpu.memory_space<vmem>> -> memref<128xi32, #tpu.memory_space<vmem>>
    %dma_wait3A_538 = arith.constant 0 : i32
    %dma_wait3A_539 = arith.constant 0 : i32
    %dma_wait3A_540 = tpu.memref_slice %arg2[%dma_wait3A_538, %dma_wait3A_539] : memref<65536x128xf32, #tpu.memory_space<hbm>> -> memref<65536x128xf32, #tpu.memory_space<hbm>>
    tpu.wait_indirect_dma semaphore(%arg26 : memref<!tpu.dma_semaphore, #tpu.memory_space<semaphore_mem>>) src(%dma_wait3A_540 : memref<65536x128xf32, #tpu.memory_space<hbm>>) dst(%dma_wait3A_534 : memref<128x128xf32, #tpu.memory_space<vmem>>)
    %run_scoped3A_541 = arith.constant 1 : i32
    %run_scoped3A_542 = arith.constant 0 : i32
    "tpu.region"() ({
      %run_scoped3A_891 = tpu.sem_alloc : memref<!tpu.dma_semaphore, #tpu.memory_space<semaphore_mem>>
      %dma_start3A_892 = arith.constant 0 : i32
      %dma_start3A_893 = arith.constant 0 : i32
      %dma_start3A_894 = tpu.memref_slice %arg13[%run_scoped3A_541, %dma_start3A_892, %dma_start3A_893] : memref<2x128x128xf32, #tpu.memory_space<vmem>> -> memref<1x128x128xf32, #tpu.memory_space<vmem>>
      %dma_start3A_895 = tpu.memref_squeeze %dma_start3A_894 : memref<1x128x128xf32, #tpu.memory_space<vmem>> -> memref<128x128xf32, #tpu.memory_space<vmem>>
      %dma_start3A_896 = arith.constant 0 : i32
      %dma_start3A_897 = tpu.memref_slice %arg15[%run_scoped3A_542, %dma_start3A_896] : memref<2x128xi32, #tpu.memory_space<vmem>> -> memref<1x128xi32, #tpu.memory_space<vmem>>
      %dma_start3A_898 = tpu.memref_squeeze %dma_start3A_897 : memref<1x128xi32, #tpu.memory_space<vmem>> -> memref<128xi32, #tpu.memory_space<vmem>>
      %dma_start3A_899 = arith.constant 0 : i32
      %dma_start3A_900 = arith.constant 0 : i32
      %dma_start3A_901 = tpu.memref_slice %arg23[%dma_start3A_899, %dma_start3A_900] : memref<768x128xf32, #tpu.memory_space<vmem_shared>> -> memref<768x128xf32, #tpu.memory_space<vmem_shared>>
      tpu.enqueue_indirect_dma source(%dma_start3A_895 : memref<128x128xf32, #tpu.memory_space<vmem>>) target(%dma_start3A_901 : memref<768x128xf32, #tpu.memory_space<vmem_shared>>) offsets(%dma_start3A_898 : memref<128xi32, #tpu.memory_space<vmem>>) semaphore(%run_scoped3A_891 : memref<!tpu.dma_semaphore, #tpu.memory_space<semaphore_mem>>) {add = true}
      %dma_wait3A_902 = arith.constant 0 : i32
      %dma_wait3A_903 = arith.constant 0 : i32
      %dma_wait3A_904 = tpu.memref_slice %arg13[%run_scoped3A_541, %dma_wait3A_902, %dma_wait3A_903] : memref<2x128x128xf32, #tpu.memory_space<vmem>> -> memref<1x128x128xf32, #tpu.memory_space<vmem>>
      %dma_wait3A_905 = tpu.memref_squeeze %dma_wait3A_904 : memref<1x128x128xf32, #tpu.memory_space<vmem>> -> memref<128x128xf32, #tpu.memory_space<vmem>>
      %dma_wait3A_906 = arith.constant 0 : i32
      %dma_wait3A_907 = tpu.memref_slice %arg15[%run_scoped3A_542, %dma_wait3A_906] : memref<2x128xi32, #tpu.memory_space<vmem>> -> memref<1x128xi32, #tpu.memory_space<vmem>>
      %dma_wait3A_908 = tpu.memref_squeeze %dma_wait3A_907 : memref<1x128xi32, #tpu.memory_space<vmem>> -> memref<128xi32, #tpu.memory_space<vmem>>
      %dma_wait3A_909 = arith.constant 0 : i32
      %dma_wait3A_910 = arith.constant 0 : i32
      %dma_wait3A_911 = tpu.memref_slice %arg23[%dma_wait3A_909, %dma_wait3A_910] : memref<768x128xf32, #tpu.memory_space<vmem_shared>> -> memref<768x128xf32, #tpu.memory_space<vmem_shared>>
      tpu.wait_indirect_dma semaphore(%run_scoped3A_891 : memref<!tpu.dma_semaphore, #tpu.memory_space<semaphore_mem>>) src(%dma_wait3A_905 : memref<128x128xf32, #tpu.memory_space<vmem>>) dst(%dma_wait3A_911 : memref<768x128xf32, #tpu.memory_space<vmem_shared>>)
      tpu.yield
    }) : () -> ()
    %dma_start3A_543 = arith.constant 0 : i32
    %dma_start3A_544 = arith.constant 0 : i32
    %dma_start3A_545 = arith.constant 0 : i32
    %dma_start3A_546 = arith.constant 0 : i32
    %dma_start3A_547 = tpu.memref_slice %arg13[%dma_start3A_544, %dma_start3A_545, %dma_start3A_546] : memref<2x128x128xf32, #tpu.memory_space<vmem>> -> memref<1x128x128xf32, #tpu.memory_space<vmem>>
    %dma_start3A_548 = tpu.memref_squeeze %dma_start3A_547 : memref<1x128x128xf32, #tpu.memory_space<vmem>> -> memref<128x128xf32, #tpu.memory_space<vmem>>
    %dma_start3A_549 = arith.constant 0 : i32
    %dma_start3A_550 = tpu.memref_slice %arg11[%dma_start3A_543, %dma_start3A_549] : memref<2x128xi32, #tpu.memory_space<vmem>> -> memref<1x128xi32, #tpu.memory_space<vmem>>
    %dma_start3A_551 = tpu.memref_squeeze %dma_start3A_550 : memref<1x128xi32, #tpu.memory_space<vmem>> -> memref<128xi32, #tpu.memory_space<vmem>>
    %dma_start3A_552 = arith.constant 0 : i32
    %dma_start3A_553 = arith.constant 0 : i32
    %dma_start3A_554 = tpu.memref_slice %arg2[%dma_start3A_552, %dma_start3A_553] : memref<65536x128xf32, #tpu.memory_space<hbm>> -> memref<65536x128xf32, #tpu.memory_space<hbm>>
    tpu.enqueue_indirect_dma source(%dma_start3A_554 : memref<65536x128xf32, #tpu.memory_space<hbm>>) target(%dma_start3A_548 : memref<128x128xf32, #tpu.memory_space<vmem>>) offsets(%dma_start3A_551 : memref<128xi32, #tpu.memory_space<vmem>>) semaphore(%arg25 : memref<!tpu.dma_semaphore, #tpu.memory_space<semaphore_mem>>)
    %dma_start3A_555 = arith.constant 1 : i32
    %dma_start3A_556 = arith.constant 1 : i32
    %dma_start3A_557 = arith.constant 0 : i32
    %dma_start3A_558 = arith.constant 0 : i32
    %dma_start3A_559 = tpu.memref_slice %arg13[%dma_start3A_556, %dma_start3A_557, %dma_start3A_558] : memref<2x128x128xf32, #tpu.memory_space<vmem>> -> memref<1x128x128xf32, #tpu.memory_space<vmem>>
    %dma_start3A_560 = tpu.memref_squeeze %dma_start3A_559 : memref<1x128x128xf32, #tpu.memory_space<vmem>> -> memref<128x128xf32, #tpu.memory_space<vmem>>
    %dma_start3A_561 = arith.constant 0 : i32
    %dma_start3A_562 = tpu.memref_slice %arg11[%dma_start3A_555, %dma_start3A_561] : memref<2x128xi32, #tpu.memory_space<vmem>> -> memref<1x128xi32, #tpu.memory_space<vmem>>
    %dma_start3A_563 = tpu.memref_squeeze %dma_start3A_562 : memref<1x128xi32, #tpu.memory_space<vmem>> -> memref<128xi32, #tpu.memory_space<vmem>>
    %dma_start3A_564 = arith.constant 0 : i32
    %dma_start3A_565 = arith.constant 0 : i32
    %dma_start3A_566 = tpu.memref_slice %arg2[%dma_start3A_564, %dma_start3A_565] : memref<65536x128xf32, #tpu.memory_space<hbm>> -> memref<65536x128xf32, #tpu.memory_space<hbm>>
    tpu.enqueue_indirect_dma source(%dma_start3A_566 : memref<65536x128xf32, #tpu.memory_space<hbm>>) target(%dma_start3A_560 : memref<128x128xf32, #tpu.memory_space<vmem>>) offsets(%dma_start3A_563 : memref<128xi32, #tpu.memory_space<vmem>>) semaphore(%arg26 : memref<!tpu.dma_semaphore, #tpu.memory_space<semaphore_mem>>)
    %broadcast_in_dim3A_567 = arith.constant 0.000000e+00 : f32
    %broadcast_in_dim3A_568 = vector.broadcast %broadcast_in_dim3A_567 : f32 to vector<16xf32>
    %broadcast_in_dim3A_569 = arith.constant 1.000000e+00 : f32
    %broadcast_in_dim3A_570 = vector.broadcast %broadcast_in_dim3A_569 : f32 to vector<16xf32>
    %broadcast_in_dim3A_571 = arith.constant 0.000000e+00 : f32
    %broadcast_in_dim3A_572 = vector.broadcast %broadcast_in_dim3A_571 : f32 to vector<16xf32>
    %mul3A_573 = arith.constant 48 : i32
    %mul3A_574 = arith.muli %mul3A_573, %arg1 : i32
    %add3A_575 = arith.constant 16 : i32
    %add3A_576 = arith.addi %mul3A_574, %add3A_575 : i32
    %broadcast_in_dim3A_577 = vector.broadcast %add3A_576 : i32 to vector<16xi32>
    %add3A_578 = arith.addi %broadcast_in_dim3A_577, %iota3A : vector<16xi32>
    %mul3A_579 = arith.constant 48 : i32
    %mul3A_580 = arith.muli %mul3A_579, %arg1 : i32
    %add3A_581 = arith.constant 32 : i32
    %add3A_582 = arith.addi %mul3A_580, %add3A_581 : i32
    %broadcast_in_dim3A_583 = vector.broadcast %add3A_582 : i32 to vector<16xi32>
    %add3A_584 = arith.addi %broadcast_in_dim3A_583, %iota3A : vector<16xi32>
    %run_scoped3A_585 = arith.constant 0 : i32
    "tpu.region"() ({
      %run_scoped3A_891 = tpu.sem_alloc : memref<!tpu.dma_semaphore, #tpu.memory_space<semaphore_mem>>
      %dma_start3A_892 = arith.constant 0 : i32
      %dma_start3A_893 = tpu.memref_slice %arg14[%dma_start3A_892] : memref<272xf32, #tpu.memory_space<vmem>> -> memref<128xf32, #tpu.memory_space<vmem>>
      %dma_start3A_894 = arith.constant 0 : i32
      %dma_start3A_895 = tpu.memref_slice %arg11[%run_scoped3A_585, %dma_start3A_894] : memref<2x128xi32, #tpu.memory_space<vmem>> -> memref<1x128xi32, #tpu.memory_space<vmem>>
      %dma_start3A_896 = tpu.memref_squeeze %dma_start3A_895 : memref<1x128xi32, #tpu.memory_space<vmem>> -> memref<128xi32, #tpu.memory_space<vmem>>
      %dma_start3A_897 = arith.constant 0 : i32
      %dma_start3A_898 = tpu.memref_slice %arg21[%dma_start3A_897] : memref<65536xf32, #tpu.memory_space<vmem_shared>> -> memref<65536xf32, #tpu.memory_space<vmem_shared>>
      tpu.enqueue_indirect_dma source(%dma_start3A_898 : memref<65536xf32, #tpu.memory_space<vmem_shared>>) target(%dma_start3A_893 : memref<128xf32, #tpu.memory_space<vmem>>) offsets(%dma_start3A_896 : memref<128xi32, #tpu.memory_space<vmem>>) semaphore(%run_scoped3A_891 : memref<!tpu.dma_semaphore, #tpu.memory_space<semaphore_mem>>)
      %dma_wait3A_899 = arith.constant 0 : i32
      %dma_wait3A_900 = tpu.memref_slice %arg14[%dma_wait3A_899] : memref<272xf32, #tpu.memory_space<vmem>> -> memref<128xf32, #tpu.memory_space<vmem>>
      %dma_wait3A_901 = arith.constant 0 : i32
      %dma_wait3A_902 = tpu.memref_slice %arg11[%run_scoped3A_585, %dma_wait3A_901] : memref<2x128xi32, #tpu.memory_space<vmem>> -> memref<1x128xi32, #tpu.memory_space<vmem>>
      %dma_wait3A_903 = tpu.memref_squeeze %dma_wait3A_902 : memref<1x128xi32, #tpu.memory_space<vmem>> -> memref<128xi32, #tpu.memory_space<vmem>>
      %dma_wait3A_904 = arith.constant 0 : i32
      %dma_wait3A_905 = tpu.memref_slice %arg21[%dma_wait3A_904] : memref<65536xf32, #tpu.memory_space<vmem_shared>> -> memref<65536xf32, #tpu.memory_space<vmem_shared>>
      tpu.wait_indirect_dma semaphore(%run_scoped3A_891 : memref<!tpu.dma_semaphore, #tpu.memory_space<semaphore_mem>>) src(%dma_wait3A_905 : memref<65536xf32, #tpu.memory_space<vmem_shared>>) dst(%dma_wait3A_900 : memref<128xf32, #tpu.memory_space<vmem>>)
      tpu.yield
    }) : () -> ()
    %get3A = arith.constant 0 : index
    %get3A_586 = tpu.vector_load %arg14[%get3A] {strides = array<i32>} : memref<272xf32, #tpu.memory_space<vmem>>, vector<16xf32>,
    %gt3A = arith.constant 0.000000e+00 : f32
    %gt3A_587 = vector.broadcast %gt3A : f32 to vector<16xf32>
    %gt3A_588 = arith.cmpf ogt, %get3A_586, %gt3A_587 : vector<16xf32>
    %select_n3A = arith.select %gt3A_588, %add3A_578, %add3A_584 : vector<16xi1>, vector<16xi32>
    %swap3A_589 = arith.constant 1 : i32
    %swap3A_590 = arith.index_cast %swap3A_589 : i32 to index
    %swap3A_591 = arith.constant 0 : index
    %swap3A_592 = tpu.vector_load %arg15[%swap3A_590, %swap3A_591] {strides = array<i32>} : memref<2x128xi32, #tpu.memory_space<vmem>>, vector<16xi32>,
    tpu.vector_store %arg15[%swap3A_590, %swap3A_591], %select_n3A {strides = array<i32>} : memref<2x128xi32, #tpu.memory_space<vmem>>, vector<16xi32>,
    %select_n3A_593 = arith.select %gt3A_588, %broadcast_in_dim3A_570, %broadcast_in_dim3A_572 : vector<16xi1>, vector<16xf32>
    %add3A_594 = arith.addf %broadcast_in_dim3A_568, %select_n3A_593 : vector<16xf32>
    %get3A_595 = arith.constant 16 : index
    %get3A_596 = tpu.vector_load %arg14[%get3A_595] {strides = array<i32>} : memref<272xf32, #tpu.memory_space<vmem>>, vector<16xf32>,
    %gt3A_597 = arith.constant 0.000000e+00 : f32
    %gt3A_598 = vector.broadcast %gt3A_597 : f32 to vector<16xf32>
    %gt3A_599 = arith.cmpf ogt, %get3A_596, %gt3A_598 : vector<16xf32>
    %select_n3A_600 = arith.select %gt3A_599, %add3A_578, %add3A_584 : vector<16xi1>, vector<16xi32>
    %swap3A_601 = arith.constant 1 : i32
    %swap3A_602 = arith.index_cast %swap3A_601 : i32 to index
    %swap3A_603 = arith.constant 16 : index
    %swap3A_604 = tpu.vector_load %arg15[%swap3A_602, %swap3A_603] {strides = array<i32>} : memref<2x128xi32, #tpu.memory_space<vmem>>, vector<16xi32>,
    tpu.vector_store %arg15[%swap3A_602, %swap3A_603], %select_n3A_600 {strides = array<i32>} : memref<2x128xi32, #tpu.memory_space<vmem>>, vector<16xi32>,
    %select_n3A_605 = arith.select %gt3A_599, %broadcast_in_dim3A_570, %broadcast_in_dim3A_572 : vector<16xi1>, vector<16xf32>
    %add3A_606 = arith.addf %add3A_594, %select_n3A_605 : vector<16xf32>
    %get3A_607 = arith.constant 32 : index
    %get3A_608 = tpu.vector_load %arg14[%get3A_607] {strides = array<i32>} : memref<272xf32, #tpu.memory_space<vmem>>, vector<16xf32>,
    %gt3A_609 = arith.constant 0.000000e+00 : f32
    %gt3A_610 = vector.broadcast %gt3A_609 : f32 to vector<16xf32>
    %gt3A_611 = arith.cmpf ogt, %get3A_608, %gt3A_610 : vector<16xf32>
    %select_n3A_612 = arith.select %gt3A_611, %add3A_578, %add3A_584 : vector<16xi1>, vector<16xi32>
    %swap3A_613 = arith.constant 1 : i32
    %swap3A_614 = arith.index_cast %swap3A_613 : i32 to index
    %swap3A_615 = arith.constant 32 : index
    %swap3A_616 = tpu.vector_load %arg15[%swap3A_614, %swap3A_615] {strides = array<i32>} : memref<2x128xi32, #tpu.memory_space<vmem>>, vector<16xi32>,
    tpu.vector_store %arg15[%swap3A_614, %swap3A_615], %select_n3A_612 {strides = array<i32>} : memref<2x128xi32, #tpu.memory_space<vmem>>, vector<16xi32>,
    %select_n3A_617 = arith.select %gt3A_611, %broadcast_in_dim3A_570, %broadcast_in_dim3A_572 : vector<16xi1>, vector<16xf32>
    %add3A_618 = arith.addf %add3A_606, %select_n3A_617 : vector<16xf32>
    %get3A_619 = arith.constant 48 : index
    %get3A_620 = tpu.vector_load %arg14[%get3A_619] {strides = array<i32>} : memref<272xf32, #tpu.memory_space<vmem>>, vector<16xf32>,
    %gt3A_621 = arith.constant 0.000000e+00 : f32
    %gt3A_622 = vector.broadcast %gt3A_621 : f32 to vector<16xf32>
    %gt3A_623 = arith.cmpf ogt, %get3A_620, %gt3A_622 : vector<16xf32>
    %select_n3A_624 = arith.select %gt3A_623, %add3A_578, %add3A_584 : vector<16xi1>, vector<16xi32>
    %swap3A_625 = arith.constant 1 : i32
    %swap3A_626 = arith.index_cast %swap3A_625 : i32 to index
    %swap3A_627 = arith.constant 48 : index
    %swap3A_628 = tpu.vector_load %arg15[%swap3A_626, %swap3A_627] {strides = array<i32>} : memref<2x128xi32, #tpu.memory_space<vmem>>, vector<16xi32>,
    tpu.vector_store %arg15[%swap3A_626, %swap3A_627], %select_n3A_624 {strides = array<i32>} : memref<2x128xi32, #tpu.memory_space<vmem>>, vector<16xi32>,
    %select_n3A_629 = arith.select %gt3A_623, %broadcast_in_dim3A_570, %broadcast_in_dim3A_572 : vector<16xi1>, vector<16xf32>
    %add3A_630 = arith.addf %add3A_618, %select_n3A_629 : vector<16xf32>
    %get3A_631 = arith.constant 64 : index
    %get3A_632 = tpu.vector_load %arg14[%get3A_631] {strides = array<i32>} : memref<272xf32, #tpu.memory_space<vmem>>, vector<16xf32>,
    %gt3A_633 = arith.constant 0.000000e+00 : f32
    %gt3A_634 = vector.broadcast %gt3A_633 : f32 to vector<16xf32>
    %gt3A_635 = arith.cmpf ogt, %get3A_632, %gt3A_634 : vector<16xf32>
    %select_n3A_636 = arith.select %gt3A_635, %add3A_578, %add3A_584 : vector<16xi1>, vector<16xi32>
    %swap3A_637 = arith.constant 1 : i32
    %swap3A_638 = arith.index_cast %swap3A_637 : i32 to index
    %swap3A_639 = arith.constant 64 : index
    %swap3A_640 = tpu.vector_load %arg15[%swap3A_638, %swap3A_639] {strides = array<i32>} : memref<2x128xi32, #tpu.memory_space<vmem>>, vector<16xi32>,
    tpu.vector_store %arg15[%swap3A_638, %swap3A_639], %select_n3A_636 {strides = array<i32>} : memref<2x128xi32, #tpu.memory_space<vmem>>, vector<16xi32>,
    %select_n3A_641 = arith.select %gt3A_635, %broadcast_in_dim3A_570, %broadcast_in_dim3A_572 : vector<16xi1>, vector<16xf32>
    %add3A_642 = arith.addf %add3A_630, %select_n3A_641 : vector<16xf32>
    %get3A_643 = arith.constant 80 : index
    %get3A_644 = tpu.vector_load %arg14[%get3A_643] {strides = array<i32>} : memref<272xf32, #tpu.memory_space<vmem>>, vector<16xf32>,
    %gt3A_645 = arith.constant 0.000000e+00 : f32
    %gt3A_646 = vector.broadcast %gt3A_645 : f32 to vector<16xf32>
    %gt3A_647 = arith.cmpf ogt, %get3A_644, %gt3A_646 : vector<16xf32>
    %select_n3A_648 = arith.select %gt3A_647, %add3A_578, %add3A_584 : vector<16xi1>, vector<16xi32>
    %swap3A_649 = arith.constant 1 : i32
    %swap3A_650 = arith.index_cast %swap3A_649 : i32 to index
    %swap3A_651 = arith.constant 80 : index
    %swap3A_652 = tpu.vector_load %arg15[%swap3A_650, %swap3A_651] {strides = array<i32>} : memref<2x128xi32, #tpu.memory_space<vmem>>, vector<16xi32>,
    tpu.vector_store %arg15[%swap3A_650, %swap3A_651], %select_n3A_648 {strides = array<i32>} : memref<2x128xi32, #tpu.memory_space<vmem>>, vector<16xi32>,
    %select_n3A_653 = arith.select %gt3A_647, %broadcast_in_dim3A_570, %broadcast_in_dim3A_572 : vector<16xi1>, vector<16xf32>
    %add3A_654 = arith.addf %add3A_642, %select_n3A_653 : vector<16xf32>
    %get3A_655 = arith.constant 96 : index
    %get3A_656 = tpu.vector_load %arg14[%get3A_655] {strides = array<i32>} : memref<272xf32, #tpu.memory_space<vmem>>, vector<16xf32>,
    %gt3A_657 = arith.constant 0.000000e+00 : f32
    %gt3A_658 = vector.broadcast %gt3A_657 : f32 to vector<16xf32>
    %gt3A_659 = arith.cmpf ogt, %get3A_656, %gt3A_658 : vector<16xf32>
    %select_n3A_660 = arith.select %gt3A_659, %add3A_578, %add3A_584 : vector<16xi1>, vector<16xi32>
    %swap3A_661 = arith.constant 1 : i32
    %swap3A_662 = arith.index_cast %swap3A_661 : i32 to index
    %swap3A_663 = arith.constant 96 : index
    %swap3A_664 = tpu.vector_load %arg15[%swap3A_662, %swap3A_663] {strides = array<i32>} : memref<2x128xi32, #tpu.memory_space<vmem>>, vector<16xi32>,
    tpu.vector_store %arg15[%swap3A_662, %swap3A_663], %select_n3A_660 {strides = array<i32>} : memref<2x128xi32, #tpu.memory_space<vmem>>, vector<16xi32>,
    %select_n3A_665 = arith.select %gt3A_659, %broadcast_in_dim3A_570, %broadcast_in_dim3A_572 : vector<16xi1>, vector<16xf32>
    %add3A_666 = arith.addf %add3A_654, %select_n3A_665 : vector<16xf32>
    %get3A_667 = arith.constant 112 : index
    %get3A_668 = tpu.vector_load %arg14[%get3A_667] {strides = array<i32>} : memref<272xf32, #tpu.memory_space<vmem>>, vector<16xf32>,
    %gt3A_669 = arith.constant 0.000000e+00 : f32
    %gt3A_670 = vector.broadcast %gt3A_669 : f32 to vector<16xf32>
    %gt3A_671 = arith.cmpf ogt, %get3A_668, %gt3A_670 : vector<16xf32>
    %select_n3A_672 = arith.select %gt3A_671, %add3A_578, %add3A_584 : vector<16xi1>, vector<16xi32>
    %swap3A_673 = arith.constant 1 : i32
    %swap3A_674 = arith.index_cast %swap3A_673 : i32 to index
    %swap3A_675 = arith.constant 112 : index
    %swap3A_676 = tpu.vector_load %arg15[%swap3A_674, %swap3A_675] {strides = array<i32>} : memref<2x128xi32, #tpu.memory_space<vmem>>, vector<16xi32>,
    tpu.vector_store %arg15[%swap3A_674, %swap3A_675], %select_n3A_672 {strides = array<i32>} : memref<2x128xi32, #tpu.memory_space<vmem>>, vector<16xi32>,
    %select_n3A_677 = arith.select %gt3A_671, %broadcast_in_dim3A_570, %broadcast_in_dim3A_572 : vector<16xi1>, vector<16xf32>
    %add3A_678 = arith.addf %add3A_666, %select_n3A_677 : vector<16xf32>
    %dma_wait3A_679 = arith.constant 0 : i32
    %dma_wait3A_680 = arith.constant 0 : i32
    %dma_wait3A_681 = arith.constant 0 : i32
    %dma_wait3A_682 = arith.constant 0 : i32
    %dma_wait3A_683 = tpu.memref_slice %arg13[%dma_wait3A_680, %dma_wait3A_681, %dma_wait3A_682] : memref<2x128x128xf32, #tpu.memory_space<vmem>> -> memref<1x128x128xf32, #tpu.memory_space<vmem>>
    %dma_wait3A_684 = tpu.memref_squeeze %dma_wait3A_683 : memref<1x128x128xf32, #tpu.memory_space<vmem>> -> memref<128x128xf32, #tpu.memory_space<vmem>>
    %dma_wait3A_685 = arith.constant 0 : i32
    %dma_wait3A_686 = tpu.memref_slice %arg11[%dma_wait3A_679, %dma_wait3A_685] : memref<2x128xi32, #tpu.memory_space<vmem>> -> memref<1x128xi32, #tpu.memory_space<vmem>>
    %dma_wait3A_687 = tpu.memref_squeeze %dma_wait3A_686 : memref<1x128xi32, #tpu.memory_space<vmem>> -> memref<128xi32, #tpu.memory_space<vmem>>
    %dma_wait3A_688 = arith.constant 0 : i32
    %dma_wait3A_689 = arith.constant 0 : i32
    %dma_wait3A_690 = tpu.memref_slice %arg2[%dma_wait3A_688, %dma_wait3A_689] : memref<65536x128xf32, #tpu.memory_space<hbm>> -> memref<65536x128xf32, #tpu.memory_space<hbm>>
    tpu.wait_indirect_dma semaphore(%arg25 : memref<!tpu.dma_semaphore, #tpu.memory_space<semaphore_mem>>) src(%dma_wait3A_690 : memref<65536x128xf32, #tpu.memory_space<hbm>>) dst(%dma_wait3A_684 : memref<128x128xf32, #tpu.memory_space<vmem>>)
    %run_scoped3A_691 = arith.constant 0 : i32
    %run_scoped3A_692 = arith.constant 1 : i32
    "tpu.region"() ({
      %run_scoped3A_891 = tpu.sem_alloc : memref<!tpu.dma_semaphore, #tpu.memory_space<semaphore_mem>>
      %dma_start3A_892 = arith.constant 0 : i32
      %dma_start3A_893 = arith.constant 0 : i32
      %dma_start3A_894 = tpu.memref_slice %arg13[%run_scoped3A_691, %dma_start3A_892, %dma_start3A_893] : memref<2x128x128xf32, #tpu.memory_space<vmem>> -> memref<1x128x128xf32, #tpu.memory_space<vmem>>
      %dma_start3A_895 = tpu.memref_squeeze %dma_start3A_894 : memref<1x128x128xf32, #tpu.memory_space<vmem>> -> memref<128x128xf32, #tpu.memory_space<vmem>>
      %dma_start3A_896 = arith.constant 0 : i32
      %dma_start3A_897 = tpu.memref_slice %arg15[%run_scoped3A_692, %dma_start3A_896] : memref<2x128xi32, #tpu.memory_space<vmem>> -> memref<1x128xi32, #tpu.memory_space<vmem>>
      %dma_start3A_898 = tpu.memref_squeeze %dma_start3A_897 : memref<1x128xi32, #tpu.memory_space<vmem>> -> memref<128xi32, #tpu.memory_space<vmem>>
      %dma_start3A_899 = arith.constant 0 : i32
      %dma_start3A_900 = arith.constant 0 : i32
      %dma_start3A_901 = tpu.memref_slice %arg23[%dma_start3A_899, %dma_start3A_900] : memref<768x128xf32, #tpu.memory_space<vmem_shared>> -> memref<768x128xf32, #tpu.memory_space<vmem_shared>>
      tpu.enqueue_indirect_dma source(%dma_start3A_895 : memref<128x128xf32, #tpu.memory_space<vmem>>) target(%dma_start3A_901 : memref<768x128xf32, #tpu.memory_space<vmem_shared>>) offsets(%dma_start3A_898 : memref<128xi32, #tpu.memory_space<vmem>>) semaphore(%run_scoped3A_891 : memref<!tpu.dma_semaphore, #tpu.memory_space<semaphore_mem>>) {add = true}
      %dma_wait3A_902 = arith.constant 0 : i32
      %dma_wait3A_903 = arith.constant 0 : i32
      %dma_wait3A_904 = tpu.memref_slice %arg13[%run_scoped3A_691, %dma_wait3A_902, %dma_wait3A_903] : memref<2x128x128xf32, #tpu.memory_space<vmem>> -> memref<1x128x128xf32, #tpu.memory_space<vmem>>
      %dma_wait3A_905 = tpu.memref_squeeze %dma_wait3A_904 : memref<1x128x128xf32, #tpu.memory_space<vmem>> -> memref<128x128xf32, #tpu.memory_space<vmem>>
      %dma_wait3A_906 = arith.constant 0 : i32
      %dma_wait3A_907 = tpu.memref_slice %arg15[%run_scoped3A_692, %dma_wait3A_906] : memref<2x128xi32, #tpu.memory_space<vmem>> -> memref<1x128xi32, #tpu.memory_space<vmem>>
      %dma_wait3A_908 = tpu.memref_squeeze %dma_wait3A_907 : memref<1x128xi32, #tpu.memory_space<vmem>> -> memref<128xi32, #tpu.memory_space<vmem>>
      %dma_wait3A_909 = arith.constant 0 : i32
      %dma_wait3A_910 = arith.constant 0 : i32
      %dma_wait3A_911 = tpu.memref_slice %arg23[%dma_wait3A_909, %dma_wait3A_910] : memref<768x128xf32, #tpu.memory_space<vmem_shared>> -> memref<768x128xf32, #tpu.memory_space<vmem_shared>>
      tpu.wait_indirect_dma semaphore(%run_scoped3A_891 : memref<!tpu.dma_semaphore, #tpu.memory_space<semaphore_mem>>) src(%dma_wait3A_905 : memref<128x128xf32, #tpu.memory_space<vmem>>) dst(%dma_wait3A_911 : memref<768x128xf32, #tpu.memory_space<vmem_shared>>)
      tpu.yield
    }) : () -> ()
    %run_scoped3A_693 = arith.constant 1 : i32
    "tpu.region"() ({
      %run_scoped3A_891 = tpu.sem_alloc : memref<!tpu.dma_semaphore, #tpu.memory_space<semaphore_mem>>
      %dma_start3A_892 = arith.constant 0 : i32
      %dma_start3A_893 = tpu.memref_slice %arg14[%dma_start3A_892] : memref<272xf32, #tpu.memory_space<vmem>> -> memref<128xf32, #tpu.memory_space<vmem>>
      %dma_start3A_894 = arith.constant 0 : i32
      %dma_start3A_895 = tpu.memref_slice %arg11[%run_scoped3A_693, %dma_start3A_894] : memref<2x128xi32, #tpu.memory_space<vmem>> -> memref<1x128xi32, #tpu.memory_space<vmem>>
      %dma_start3A_896 = tpu.memref_squeeze %dma_start3A_895 : memref<1x128xi32, #tpu.memory_space<vmem>> -> memref<128xi32, #tpu.memory_space<vmem>>
      %dma_start3A_897 = arith.constant 0 : i32
      %dma_start3A_898 = tpu.memref_slice %arg21[%dma_start3A_897] : memref<65536xf32, #tpu.memory_space<vmem_shared>> -> memref<65536xf32, #tpu.memory_space<vmem_shared>>
      tpu.enqueue_indirect_dma source(%dma_start3A_898 : memref<65536xf32, #tpu.memory_space<vmem_shared>>) target(%dma_start3A_893 : memref<128xf32, #tpu.memory_space<vmem>>) offsets(%dma_start3A_896 : memref<128xi32, #tpu.memory_space<vmem>>) semaphore(%run_scoped3A_891 : memref<!tpu.dma_semaphore, #tpu.memory_space<semaphore_mem>>)
      %dma_wait3A_899 = arith.constant 0 : i32
      %dma_wait3A_900 = tpu.memref_slice %arg14[%dma_wait3A_899] : memref<272xf32, #tpu.memory_space<vmem>> -> memref<128xf32, #tpu.memory_space<vmem>>
      %dma_wait3A_901 = arith.constant 0 : i32
      %dma_wait3A_902 = tpu.memref_slice %arg11[%run_scoped3A_693, %dma_wait3A_901] : memref<2x128xi32, #tpu.memory_space<vmem>> -> memref<1x128xi32, #tpu.memory_space<vmem>>
      %dma_wait3A_903 = tpu.memref_squeeze %dma_wait3A_902 : memref<1x128xi32, #tpu.memory_space<vmem>> -> memref<128xi32, #tpu.memory_space<vmem>>
      %dma_wait3A_904 = arith.constant 0 : i32
      %dma_wait3A_905 = tpu.memref_slice %arg21[%dma_wait3A_904] : memref<65536xf32, #tpu.memory_space<vmem_shared>> -> memref<65536xf32, #tpu.memory_space<vmem_shared>>
      tpu.wait_indirect_dma semaphore(%run_scoped3A_891 : memref<!tpu.dma_semaphore, #tpu.memory_space<semaphore_mem>>) src(%dma_wait3A_905 : memref<65536xf32, #tpu.memory_space<vmem_shared>>) dst(%dma_wait3A_900 : memref<128xf32, #tpu.memory_space<vmem>>)
      tpu.yield
    }) : () -> ()
    %get3A_694 = arith.constant 0 : index
    %get3A_695 = tpu.vector_load %arg14[%get3A_694] {strides = array<i32>} : memref<272xf32, #tpu.memory_space<vmem>>, vector<16xf32>,
    %gt3A_696 = arith.constant 0.000000e+00 : f32
    %gt3A_697 = vector.broadcast %gt3A_696 : f32 to vector<16xf32>
    %gt3A_698 = arith.cmpf ogt, %get3A_695, %gt3A_697 : vector<16xf32>
    %select_n3A_699 = arith.select %gt3A_698, %add3A_578, %add3A_584 : vector<16xi1>, vector<16xi32>
    %swap3A_700 = arith.constant 1 : i32
    %swap3A_701 = arith.index_cast %swap3A_700 : i32 to index
    %swap3A_702 = arith.constant 0 : index
    %swap3A_703 = tpu.vector_load %arg15[%swap3A_701, %swap3A_702] {strides = array<i32>} : memref<2x128xi32, #tpu.memory_space<vmem>>, vector<16xi32>,
    tpu.vector_store %arg15[%swap3A_701, %swap3A_702], %select_n3A_699 {strides = array<i32>} : memref<2x128xi32, #tpu.memory_space<vmem>>, vector<16xi32>,
    %select_n3A_704 = arith.select %gt3A_698, %broadcast_in_dim3A_570, %broadcast_in_dim3A_572 : vector<16xi1>, vector<16xf32>
    %add3A_705 = arith.addf %add3A_678, %select_n3A_704 : vector<16xf32>
    %get3A_706 = arith.constant 16 : index
    %get3A_707 = tpu.vector_load %arg14[%get3A_706] {strides = array<i32>} : memref<272xf32, #tpu.memory_space<vmem>>, vector<16xf32>,
    %gt3A_708 = arith.constant 0.000000e+00 : f32
    %gt3A_709 = vector.broadcast %gt3A_708 : f32 to vector<16xf32>
    %gt3A_710 = arith.cmpf ogt, %get3A_707, %gt3A_709 : vector<16xf32>
    %select_n3A_711 = arith.select %gt3A_710, %add3A_578, %add3A_584 : vector<16xi1>, vector<16xi32>
    %swap3A_712 = arith.constant 1 : i32
    %swap3A_713 = arith.index_cast %swap3A_712 : i32 to index
    %swap3A_714 = arith.constant 16 : index
    %swap3A_715 = tpu.vector_load %arg15[%swap3A_713, %swap3A_714] {strides = array<i32>} : memref<2x128xi32, #tpu.memory_space<vmem>>, vector<16xi32>,
    tpu.vector_store %arg15[%swap3A_713, %swap3A_714], %select_n3A_711 {strides = array<i32>} : memref<2x128xi32, #tpu.memory_space<vmem>>, vector<16xi32>,
    %select_n3A_716 = arith.select %gt3A_710, %broadcast_in_dim3A_570, %broadcast_in_dim3A_572 : vector<16xi1>, vector<16xf32>
    %add3A_717 = arith.addf %add3A_705, %select_n3A_716 : vector<16xf32>
    %get3A_718 = arith.constant 32 : index
    %get3A_719 = tpu.vector_load %arg14[%get3A_718] {strides = array<i32>} : memref<272xf32, #tpu.memory_space<vmem>>, vector<16xf32>,
    %gt3A_720 = arith.constant 0.000000e+00 : f32
    %gt3A_721 = vector.broadcast %gt3A_720 : f32 to vector<16xf32>
    %gt3A_722 = arith.cmpf ogt, %get3A_719, %gt3A_721 : vector<16xf32>
    %select_n3A_723 = arith.select %gt3A_722, %add3A_578, %add3A_584 : vector<16xi1>, vector<16xi32>
    %swap3A_724 = arith.constant 1 : i32
    %swap3A_725 = arith.index_cast %swap3A_724 : i32 to index
    %swap3A_726 = arith.constant 32 : index
    %swap3A_727 = tpu.vector_load %arg15[%swap3A_725, %swap3A_726] {strides = array<i32>} : memref<2x128xi32, #tpu.memory_space<vmem>>, vector<16xi32>,
    tpu.vector_store %arg15[%swap3A_725, %swap3A_726], %select_n3A_723 {strides = array<i32>} : memref<2x128xi32, #tpu.memory_space<vmem>>, vector<16xi32>,
    %select_n3A_728 = arith.select %gt3A_722, %broadcast_in_dim3A_570, %broadcast_in_dim3A_572 : vector<16xi1>, vector<16xf32>
    %add3A_729 = arith.addf %add3A_717, %select_n3A_728 : vector<16xf32>
    %get3A_730 = arith.constant 48 : index
    %get3A_731 = tpu.vector_load %arg14[%get3A_730] {strides = array<i32>} : memref<272xf32, #tpu.memory_space<vmem>>, vector<16xf32>,
    %gt3A_732 = arith.constant 0.000000e+00 : f32
    %gt3A_733 = vector.broadcast %gt3A_732 : f32 to vector<16xf32>
    %gt3A_734 = arith.cmpf ogt, %get3A_731, %gt3A_733 : vector<16xf32>
    %select_n3A_735 = arith.select %gt3A_734, %add3A_578, %add3A_584 : vector<16xi1>, vector<16xi32>
    %swap3A_736 = arith.constant 1 : i32
    %swap3A_737 = arith.index_cast %swap3A_736 : i32 to index
    %swap3A_738 = arith.constant 48 : index
    %swap3A_739 = tpu.vector_load %arg15[%swap3A_737, %swap3A_738] {strides = array<i32>} : memref<2x128xi32, #tpu.memory_space<vmem>>, vector<16xi32>,
    tpu.vector_store %arg15[%swap3A_737, %swap3A_738], %select_n3A_735 {strides = array<i32>} : memref<2x128xi32, #tpu.memory_space<vmem>>, vector<16xi32>,
    %select_n3A_740 = arith.select %gt3A_734, %broadcast_in_dim3A_570, %broadcast_in_dim3A_572 : vector<16xi1>, vector<16xf32>
    %add3A_741 = arith.addf %add3A_729, %select_n3A_740 : vector<16xf32>
    %get3A_742 = arith.constant 64 : index
    %get3A_743 = tpu.vector_load %arg14[%get3A_742] {strides = array<i32>} : memref<272xf32, #tpu.memory_space<vmem>>, vector<16xf32>,
    %gt3A_744 = arith.constant 0.000000e+00 : f32
    %gt3A_745 = vector.broadcast %gt3A_744 : f32 to vector<16xf32>
    %gt3A_746 = arith.cmpf ogt, %get3A_743, %gt3A_745 : vector<16xf32>
    %select_n3A_747 = arith.select %gt3A_746, %add3A_578, %add3A_584 : vector<16xi1>, vector<16xi32>
    %swap3A_748 = arith.constant 1 : i32
    %swap3A_749 = arith.index_cast %swap3A_748 : i32 to index
    %swap3A_750 = arith.constant 64 : index
    %swap3A_751 = tpu.vector_load %arg15[%swap3A_749, %swap3A_750] {strides = array<i32>} : memref<2x128xi32, #tpu.memory_space<vmem>>, vector<16xi32>,
    tpu.vector_store %arg15[%swap3A_749, %swap3A_750], %select_n3A_747 {strides = array<i32>} : memref<2x128xi32, #tpu.memory_space<vmem>>, vector<16xi32>,
    %select_n3A_752 = arith.select %gt3A_746, %broadcast_in_dim3A_570, %broadcast_in_dim3A_572 : vector<16xi1>, vector<16xf32>
    %add3A_753 = arith.addf %add3A_741, %select_n3A_752 : vector<16xf32>
    %get3A_754 = arith.constant 80 : index
    %get3A_755 = tpu.vector_load %arg14[%get3A_754] {strides = array<i32>} : memref<272xf32, #tpu.memory_space<vmem>>, vector<16xf32>,
    %gt3A_756 = arith.constant 0.000000e+00 : f32
    %gt3A_757 = vector.broadcast %gt3A_756 : f32 to vector<16xf32>
    %gt3A_758 = arith.cmpf ogt, %get3A_755, %gt3A_757 : vector<16xf32>
    %select_n3A_759 = arith.select %gt3A_758, %add3A_578, %add3A_584 : vector<16xi1>, vector<16xi32>
    %swap3A_760 = arith.constant 1 : i32
    %swap3A_761 = arith.index_cast %swap3A_760 : i32 to index
    %swap3A_762 = arith.constant 80 : index
    %swap3A_763 = tpu.vector_load %arg15[%swap3A_761, %swap3A_762] {strides = array<i32>} : memref<2x128xi32, #tpu.memory_space<vmem>>, vector<16xi32>,
    tpu.vector_store %arg15[%swap3A_761, %swap3A_762], %select_n3A_759 {strides = array<i32>} : memref<2x128xi32, #tpu.memory_space<vmem>>, vector<16xi32>,
    %select_n3A_764 = arith.select %gt3A_758, %broadcast_in_dim3A_570, %broadcast_in_dim3A_572 : vector<16xi1>, vector<16xf32>
    %add3A_765 = arith.addf %add3A_753, %select_n3A_764 : vector<16xf32>
    %get3A_766 = arith.constant 96 : index
    %get3A_767 = tpu.vector_load %arg14[%get3A_766] {strides = array<i32>} : memref<272xf32, #tpu.memory_space<vmem>>, vector<16xf32>,
    %gt3A_768 = arith.constant 0.000000e+00 : f32
    %gt3A_769 = vector.broadcast %gt3A_768 : f32 to vector<16xf32>
    %gt3A_770 = arith.cmpf ogt, %get3A_767, %gt3A_769 : vector<16xf32>
    %select_n3A_771 = arith.select %gt3A_770, %add3A_578, %add3A_584 : vector<16xi1>, vector<16xi32>
    %swap3A_772 = arith.constant 1 : i32
    %swap3A_773 = arith.index_cast %swap3A_772 : i32 to index
    %swap3A_774 = arith.constant 96 : index
    %swap3A_775 = tpu.vector_load %arg15[%swap3A_773, %swap3A_774] {strides = array<i32>} : memref<2x128xi32, #tpu.memory_space<vmem>>, vector<16xi32>,
    tpu.vector_store %arg15[%swap3A_773, %swap3A_774], %select_n3A_771 {strides = array<i32>} : memref<2x128xi32, #tpu.memory_space<vmem>>, vector<16xi32>,
    %select_n3A_776 = arith.select %gt3A_770, %broadcast_in_dim3A_570, %broadcast_in_dim3A_572 : vector<16xi1>, vector<16xf32>
    %add3A_777 = arith.addf %add3A_765, %select_n3A_776 : vector<16xf32>
    %get3A_778 = arith.constant 112 : index
    %get3A_779 = tpu.vector_load %arg14[%get3A_778] {strides = array<i32>} : memref<272xf32, #tpu.memory_space<vmem>>, vector<16xf32>,
    %gt3A_780 = arith.constant 0.000000e+00 : f32
    %gt3A_781 = vector.broadcast %gt3A_780 : f32 to vector<16xf32>
    %gt3A_782 = arith.cmpf ogt, %get3A_779, %gt3A_781 : vector<16xf32>
    %select_n3A_783 = arith.select %gt3A_782, %add3A_578, %add3A_584 : vector<16xi1>, vector<16xi32>
    %swap3A_784 = arith.constant 1 : i32
    %swap3A_785 = arith.index_cast %swap3A_784 : i32 to index
    %swap3A_786 = arith.constant 112 : index
    %swap3A_787 = tpu.vector_load %arg15[%swap3A_785, %swap3A_786] {strides = array<i32>} : memref<2x128xi32, #tpu.memory_space<vmem>>, vector<16xi32>,
    tpu.vector_store %arg15[%swap3A_785, %swap3A_786], %select_n3A_783 {strides = array<i32>} : memref<2x128xi32, #tpu.memory_space<vmem>>, vector<16xi32>,
    %select_n3A_788 = arith.select %gt3A_782, %broadcast_in_dim3A_570, %broadcast_in_dim3A_572 : vector<16xi1>, vector<16xf32>
    %add3A_789 = arith.addf %add3A_777, %select_n3A_788 : vector<16xf32>
    %dma_wait3A_790 = arith.constant 1 : i32
    %dma_wait3A_791 = arith.constant 1 : i32
    %dma_wait3A_792 = arith.constant 0 : i32
    %dma_wait3A_793 = arith.constant 0 : i32
    %dma_wait3A_794 = tpu.memref_slice %arg13[%dma_wait3A_791, %dma_wait3A_792, %dma_wait3A_793] : memref<2x128x128xf32, #tpu.memory_space<vmem>> -> memref<1x128x128xf32, #tpu.memory_space<vmem>>
    %dma_wait3A_795 = tpu.memref_squeeze %dma_wait3A_794 : memref<1x128x128xf32, #tpu.memory_space<vmem>> -> memref<128x128xf32, #tpu.memory_space<vmem>>
    %dma_wait3A_796 = arith.constant 0 : i32
    %dma_wait3A_797 = tpu.memref_slice %arg11[%dma_wait3A_790, %dma_wait3A_796] : memref<2x128xi32, #tpu.memory_space<vmem>> -> memref<1x128xi32, #tpu.memory_space<vmem>>
    %dma_wait3A_798 = tpu.memref_squeeze %dma_wait3A_797 : memref<1x128xi32, #tpu.memory_space<vmem>> -> memref<128xi32, #tpu.memory_space<vmem>>
    %dma_wait3A_799 = arith.constant 0 : i32
    %dma_wait3A_800 = arith.constant 0 : i32
    %dma_wait3A_801 = tpu.memref_slice %arg2[%dma_wait3A_799, %dma_wait3A_800] : memref<65536x128xf32, #tpu.memory_space<hbm>> -> memref<65536x128xf32, #tpu.memory_space<hbm>>
    tpu.wait_indirect_dma semaphore(%arg26 : memref<!tpu.dma_semaphore, #tpu.memory_space<semaphore_mem>>) src(%dma_wait3A_801 : memref<65536x128xf32, #tpu.memory_space<hbm>>) dst(%dma_wait3A_795 : memref<128x128xf32, #tpu.memory_space<vmem>>)
    %run_scoped3A_802 = arith.constant 1 : i32
    %run_scoped3A_803 = arith.constant 1 : i32
    "tpu.region"() ({
      %run_scoped3A_891 = tpu.sem_alloc : memref<!tpu.dma_semaphore, #tpu.memory_space<semaphore_mem>>
      %dma_start3A_892 = arith.constant 0 : i32
      %dma_start3A_893 = arith.constant 0 : i32
      %dma_start3A_894 = tpu.memref_slice %arg13[%run_scoped3A_802, %dma_start3A_892, %dma_start3A_893] : memref<2x128x128xf32, #tpu.memory_space<vmem>> -> memref<1x128x128xf32, #tpu.memory_space<vmem>>
      %dma_start3A_895 = tpu.memref_squeeze %dma_start3A_894 : memref<1x128x128xf32, #tpu.memory_space<vmem>> -> memref<128x128xf32, #tpu.memory_space<vmem>>
      %dma_start3A_896 = arith.constant 0 : i32
      %dma_start3A_897 = tpu.memref_slice %arg15[%run_scoped3A_803, %dma_start3A_896] : memref<2x128xi32, #tpu.memory_space<vmem>> -> memref<1x128xi32, #tpu.memory_space<vmem>>
      %dma_start3A_898 = tpu.memref_squeeze %dma_start3A_897 : memref<1x128xi32, #tpu.memory_space<vmem>> -> memref<128xi32, #tpu.memory_space<vmem>>
      %dma_start3A_899 = arith.constant 0 : i32
      %dma_start3A_900 = arith.constant 0 : i32
      %dma_start3A_901 = tpu.memref_slice %arg23[%dma_start3A_899, %dma_start3A_900] : memref<768x128xf32, #tpu.memory_space<vmem_shared>> -> memref<768x128xf32, #tpu.memory_space<vmem_shared>>
      tpu.enqueue_indirect_dma source(%dma_start3A_895 : memref<128x128xf32, #tpu.memory_space<vmem>>) target(%dma_start3A_901 : memref<768x128xf32, #tpu.memory_space<vmem_shared>>) offsets(%dma_start3A_898 : memref<128xi32, #tpu.memory_space<vmem>>) semaphore(%run_scoped3A_891 : memref<!tpu.dma_semaphore, #tpu.memory_space<semaphore_mem>>) {add = true}
      %dma_wait3A_902 = arith.constant 0 : i32
      %dma_wait3A_903 = arith.constant 0 : i32
      %dma_wait3A_904 = tpu.memref_slice %arg13[%run_scoped3A_802, %dma_wait3A_902, %dma_wait3A_903] : memref<2x128x128xf32, #tpu.memory_space<vmem>> -> memref<1x128x128xf32, #tpu.memory_space<vmem>>
      %dma_wait3A_905 = tpu.memref_squeeze %dma_wait3A_904 : memref<1x128x128xf32, #tpu.memory_space<vmem>> -> memref<128x128xf32, #tpu.memory_space<vmem>>
      %dma_wait3A_906 = arith.constant 0 : i32
      %dma_wait3A_907 = tpu.memref_slice %arg15[%run_scoped3A_803, %dma_wait3A_906] : memref<2x128xi32, #tpu.memory_space<vmem>> -> memref<1x128xi32, #tpu.memory_space<vmem>>
      %dma_wait3A_908 = tpu.memref_squeeze %dma_wait3A_907 : memref<1x128xi32, #tpu.memory_space<vmem>> -> memref<128xi32, #tpu.memory_space<vmem>>
      %dma_wait3A_909 = arith.constant 0 : i32
      %dma_wait3A_910 = arith.constant 0 : i32
      %dma_wait3A_911 = tpu.memref_slice %arg23[%dma_wait3A_909, %dma_wait3A_910] : memref<768x128xf32, #tpu.memory_space<vmem_shared>> -> memref<768x128xf32, #tpu.memory_space<vmem_shared>>
      tpu.wait_indirect_dma semaphore(%run_scoped3A_891 : memref<!tpu.dma_semaphore, #tpu.memory_space<semaphore_mem>>) src(%dma_wait3A_905 : memref<128x128xf32, #tpu.memory_space<vmem>>) dst(%dma_wait3A_911 : memref<768x128xf32, #tpu.memory_space<vmem_shared>>)
      tpu.yield
    }) : () -> ()
    %mul3A_804 = arith.constant 48 : i32
    %mul3A_805 = arith.muli %mul3A_804, %arg1 : i32
    "tpu.region"() ({
      %run_scoped3A_891 = tpu.sem_alloc : memref<!tpu.dma_semaphore, #tpu.memory_space<semaphore_mem>>
      %dma_start3A_892 = arith.constant 0 : i32
      %dma_start3A_893 = tpu.memref_slice %arg23[%mul3A_805, %dma_start3A_892] : memref<768x128xf32, #tpu.memory_space<vmem_shared>> -> memref<48x128xf32, #tpu.memory_space<vmem_shared>>
      %dma_start3A_894 = arith.constant 0 : i32
      %dma_start3A_895 = tpu.memref_slice %arg23[%mul3A_805, %dma_start3A_894] : memref<768x128xf32, #tpu.memory_space<vmem_shared>> -> memref<48x128xf32, #tpu.memory_space<vmem_shared>>
      tpu.enqueue_dma source(%dma_start3A_895 : memref<48x128xf32, #tpu.memory_space<vmem_shared>>) target(%arg18 : memref<48x128xf32, #tpu.memory_space<vmem>>) target_semaphore(%run_scoped3A_891 : memref<!tpu.dma_semaphore, #tpu.memory_space<semaphore_mem>>)
      %dma_wait3A_896 = arith.constant 0 : i32
      %dma_wait3A_897 = tpu.memref_slice %arg23[%mul3A_805, %dma_wait3A_896] : memref<768x128xf32, #tpu.memory_space<vmem_shared>> -> memref<48x128xf32, #tpu.memory_space<vmem_shared>>
      %dma_wait3A_898 = arith.constant 0 : i32
      %dma_wait3A_899 = tpu.memref_slice %arg23[%mul3A_805, %dma_wait3A_898] : memref<768x128xf32, #tpu.memory_space<vmem_shared>> -> memref<48x128xf32, #tpu.memory_space<vmem_shared>>
      tpu.wait_dma2 semaphore(%run_scoped3A_891 : memref<!tpu.dma_semaphore, #tpu.memory_space<semaphore_mem>>) src(%dma_wait3A_899 : memref<48x128xf32, #tpu.memory_space<vmem_shared>>) dst(%arg18 : memref<48x128xf32, #tpu.memory_space<vmem>>)
      tpu.yield
    }) : () -> ()
    %broadcast_in_dim3A_806 = arith.constant 0.000000e+00 : f32
    %broadcast_in_dim3A_807 = vector.broadcast %broadcast_in_dim3A_806 : f32 to vector<16xf32>
    %scan3A_808 = arith.constant 0 : i32
    %scan3A_809 = arith.constant 16 : i32
    %scan3A_810 = arith.addi %scan3A_808, %scan3A_809 : i32
    %scan3A_811 = arith.constant 2 : i32
    %scan3A_812:24 = scf.for %scan3A_891 = %scan3A_808 to %scan3A_810 step %scan3A_811 iter_args(%scan3A_892 = %broadcast_in_dim3A_807, %scan3A_893 = %broadcast_in_dim3A_807, %scan3A_894 = %broadcast_in_dim3A_807, %scan3A_895 = %broadcast_in_dim3A_807, %scan3A_896 = %broadcast_in_dim3A_807, %scan3A_897 = %broadcast_in_dim3A_807, %scan3A_898 = %broadcast_in_dim3A_807, %scan3A_899 = %broadcast_in_dim3A_807, %scan3A_900 = %broadcast_in_dim3A_807, %scan3A_901 = %broadcast_in_dim3A_807, %scan3A_902 = %broadcast_in_dim3A_807, %scan3A_903 = %broadcast_in_dim3A_807, %scan3A_904 = %broadcast_in_dim3A_807, %scan3A_905 = %broadcast_in_dim3A_807, %scan3A_906 = %broadcast_in_dim3A_807, %scan3A_907 = %broadcast_in_dim3A_807, %scan3A_908 = %broadcast_in_dim3A_807, %scan3A_909 = %broadcast_in_dim3A_807, %scan3A_910 = %broadcast_in_dim3A_807, %scan3A_911 = %broadcast_in_dim3A_807, %scan3A_912 = %broadcast_in_dim3A_807, %scan3A_913 = %broadcast_in_dim3A_807, %scan3A_914 = %broadcast_in_dim3A_807, %scan3A_915 = %broadcast_in_dim3A_807) -> (vector<16xf32>, vector<16xf32>, vector<16xf32>, vector<16xf32>, vector<16xf32>, vector<16xf32>, vector<16xf32>, vector<16xf32>, vector<16xf32>, vector<16xf32>, vector<16xf32>, vector<16xf32>, vector<16xf32>, vector<16xf32>, vector<16xf32>, vector<16xf32>, vector<16xf32>, vector<16xf32>, vector<16xf32>, vector<16xf32>, vector<16xf32>, vector<16xf32>, vector<16xf32>, vector<16xf32>)  : i32 {
      %add3A_916 = arith.constant 0 : i32
      %add3A_917 = arith.addi %add3A_916, %scan3A_891 : i32
      %get3A_918 = arith.index_cast %add3A_917 : i32 to index
      %get3A_919 = arith.constant 0 : index
      %get3A_920 = tpu.vector_load %arg18[%get3A_918, %get3A_919] {strides = array<i32>} : memref<48x128xf32, #tpu.memory_space<vmem>>, vector<16xf32>,
      %add3A_921 = arith.addf %scan3A_892, %get3A_920 : vector<16xf32>
      %add3A_922 = arith.constant 0 : i32
      %add3A_923 = arith.addi %add3A_922, %scan3A_891 : i32
      %get3A_924 = arith.index_cast %add3A_923 : i32 to index
      %get3A_925 = arith.constant 16 : index
      %get3A_926 = tpu.vector_load %arg18[%get3A_924, %get3A_925] {strides = array<i32>} : memref<48x128xf32, #tpu.memory_space<vmem>>, vector<16xf32>,
      %add3A_927 = arith.addf %scan3A_893, %get3A_926 : vector<16xf32>
      %add3A_928 = arith.constant 0 : i32
      %add3A_929 = arith.addi %add3A_928, %scan3A_891 : i32
      %get3A_930 = arith.index_cast %add3A_929 : i32 to index
      %get3A_931 = arith.constant 32 : index
      %get3A_932 = tpu.vector_load %arg18[%get3A_930, %get3A_931] {strides = array<i32>} : memref<48x128xf32, #tpu.memory_space<vmem>>, vector<16xf32>,
      %add3A_933 = arith.addf %scan3A_894, %get3A_932 : vector<16xf32>
      %add3A_934 = arith.constant 0 : i32
      %add3A_935 = arith.addi %add3A_934, %scan3A_891 : i32
      %get3A_936 = arith.index_cast %add3A_935 : i32 to index
      %get3A_937 = arith.constant 48 : index
      %get3A_938 = tpu.vector_load %arg18[%get3A_936, %get3A_937] {strides = array<i32>} : memref<48x128xf32, #tpu.memory_space<vmem>>, vector<16xf32>,
      %add3A_939 = arith.addf %scan3A_895, %get3A_938 : vector<16xf32>
      %add3A_940 = arith.constant 0 : i32
      %add3A_941 = arith.addi %add3A_940, %scan3A_891 : i32
      %get3A_942 = arith.index_cast %add3A_941 : i32 to index
      %get3A_943 = arith.constant 64 : index
      %get3A_944 = tpu.vector_load %arg18[%get3A_942, %get3A_943] {strides = array<i32>} : memref<48x128xf32, #tpu.memory_space<vmem>>, vector<16xf32>,
      %add3A_945 = arith.addf %scan3A_896, %get3A_944 : vector<16xf32>
      %add3A_946 = arith.constant 0 : i32
      %add3A_947 = arith.addi %add3A_946, %scan3A_891 : i32
      %get3A_948 = arith.index_cast %add3A_947 : i32 to index
      %get3A_949 = arith.constant 80 : index
      %get3A_950 = tpu.vector_load %arg18[%get3A_948, %get3A_949] {strides = array<i32>} : memref<48x128xf32, #tpu.memory_space<vmem>>, vector<16xf32>,
      %add3A_951 = arith.addf %scan3A_897, %get3A_950 : vector<16xf32>
      %add3A_952 = arith.constant 0 : i32
      %add3A_953 = arith.addi %add3A_952, %scan3A_891 : i32
      %get3A_954 = arith.index_cast %add3A_953 : i32 to index
      %get3A_955 = arith.constant 96 : index
      %get3A_956 = tpu.vector_load %arg18[%get3A_954, %get3A_955] {strides = array<i32>} : memref<48x128xf32, #tpu.memory_space<vmem>>, vector<16xf32>,
      %add3A_957 = arith.addf %scan3A_898, %get3A_956 : vector<16xf32>
      %add3A_958 = arith.constant 0 : i32
      %add3A_959 = arith.addi %add3A_958, %scan3A_891 : i32
      %get3A_960 = arith.index_cast %add3A_959 : i32 to index
      %get3A_961 = arith.constant 112 : index
      %get3A_962 = tpu.vector_load %arg18[%get3A_960, %get3A_961] {strides = array<i32>} : memref<48x128xf32, #tpu.memory_space<vmem>>, vector<16xf32>,
      %add3A_963 = arith.addf %scan3A_899, %get3A_962 : vector<16xf32>
      %add3A_964 = arith.constant 16 : i32
      %add3A_965 = arith.addi %add3A_964, %scan3A_891 : i32
      %get3A_966 = arith.index_cast %add3A_965 : i32 to index
      %get3A_967 = arith.constant 0 : index
      %get3A_968 = tpu.vector_load %arg18[%get3A_966, %get3A_967] {strides = array<i32>} : memref<48x128xf32, #tpu.memory_space<vmem>>, vector<16xf32>,
      %add3A_969 = arith.addf %scan3A_900, %get3A_968 : vector<16xf32>
      %add3A_970 = arith.constant 16 : i32
      %add3A_971 = arith.addi %add3A_970, %scan3A_891 : i32
      %get3A_972 = arith.index_cast %add3A_971 : i32 to index
      %get3A_973 = arith.constant 16 : index
      %get3A_974 = tpu.vector_load %arg18[%get3A_972, %get3A_973] {strides = array<i32>} : memref<48x128xf32, #tpu.memory_space<vmem>>, vector<16xf32>,
      %add3A_975 = arith.addf %scan3A_901, %get3A_974 : vector<16xf32>
      %add3A_976 = arith.constant 16 : i32
      %add3A_977 = arith.addi %add3A_976, %scan3A_891 : i32
      %get3A_978 = arith.index_cast %add3A_977 : i32 to index
      %get3A_979 = arith.constant 32 : index
      %get3A_980 = tpu.vector_load %arg18[%get3A_978, %get3A_979] {strides = array<i32>} : memref<48x128xf32, #tpu.memory_space<vmem>>, vector<16xf32>,
      %add3A_981 = arith.addf %scan3A_902, %get3A_980 : vector<16xf32>
      %add3A_982 = arith.constant 16 : i32
      %add3A_983 = arith.addi %add3A_982, %scan3A_891 : i32
      %get3A_984 = arith.index_cast %add3A_983 : i32 to index
      %get3A_985 = arith.constant 48 : index
      %get3A_986 = tpu.vector_load %arg18[%get3A_984, %get3A_985] {strides = array<i32>} : memref<48x128xf32, #tpu.memory_space<vmem>>, vector<16xf32>,
      %add3A_987 = arith.addf %scan3A_903, %get3A_986 : vector<16xf32>
      %add3A_988 = arith.constant 16 : i32
      %add3A_989 = arith.addi %add3A_988, %scan3A_891 : i32
      %get3A_990 = arith.index_cast %add3A_989 : i32 to index
      %get3A_991 = arith.constant 64 : index
      %get3A_992 = tpu.vector_load %arg18[%get3A_990, %get3A_991] {strides = array<i32>} : memref<48x128xf32, #tpu.memory_space<vmem>>, vector<16xf32>,
      %add3A_993 = arith.addf %scan3A_904, %get3A_992 : vector<16xf32>
      %add3A_994 = arith.constant 16 : i32
      %add3A_995 = arith.addi %add3A_994, %scan3A_891 : i32
      %get3A_996 = arith.index_cast %add3A_995 : i32 to index
      %get3A_997 = arith.constant 80 : index
      %get3A_998 = tpu.vector_load %arg18[%get3A_996, %get3A_997] {strides = array<i32>} : memref<48x128xf32, #tpu.memory_space<vmem>>, vector<16xf32>,
      %add3A_999 = arith.addf %scan3A_905, %get3A_998 : vector<16xf32>
      %add3A_1000 = arith.constant 16 : i32
      %add3A_1001 = arith.addi %add3A_1000, %scan3A_891 : i32
      %get3A_1002 = arith.index_cast %add3A_1001 : i32 to index
      %get3A_1003 = arith.constant 96 : index
      %get3A_1004 = tpu.vector_load %arg18[%get3A_1002, %get3A_1003] {strides = array<i32>} : memref<48x128xf32, #tpu.memory_space<vmem>>, vector<16xf32>,
      %add3A_1005 = arith.addf %scan3A_906, %get3A_1004 : vector<16xf32>
      %add3A_1006 = arith.constant 16 : i32
      %add3A_1007 = arith.addi %add3A_1006, %scan3A_891 : i32
      %get3A_1008 = arith.index_cast %add3A_1007 : i32 to index
      %get3A_1009 = arith.constant 112 : index
      %get3A_1010 = tpu.vector_load %arg18[%get3A_1008, %get3A_1009] {strides = array<i32>} : memref<48x128xf32, #tpu.memory_space<vmem>>, vector<16xf32>,
      %add3A_1011 = arith.addf %scan3A_907, %get3A_1010 : vector<16xf32>
      %add3A_1012 = arith.constant 32 : i32
      %add3A_1013 = arith.addi %add3A_1012, %scan3A_891 : i32
      %get3A_1014 = arith.index_cast %add3A_1013 : i32 to index
      %get3A_1015 = arith.constant 0 : index
      %get3A_1016 = tpu.vector_load %arg18[%get3A_1014, %get3A_1015] {strides = array<i32>} : memref<48x128xf32, #tpu.memory_space<vmem>>, vector<16xf32>,
      %add3A_1017 = arith.addf %scan3A_908, %get3A_1016 : vector<16xf32>
      %add3A_1018 = arith.constant 32 : i32
      %add3A_1019 = arith.addi %add3A_1018, %scan3A_891 : i32
      %get3A_1020 = arith.index_cast %add3A_1019 : i32 to index
      %get3A_1021 = arith.constant 16 : index
      %get3A_1022 = tpu.vector_load %arg18[%get3A_1020, %get3A_1021] {strides = array<i32>} : memref<48x128xf32, #tpu.memory_space<vmem>>, vector<16xf32>,
      %add3A_1023 = arith.addf %scan3A_909, %get3A_1022 : vector<16xf32>
      %add3A_1024 = arith.constant 32 : i32
      %add3A_1025 = arith.addi %add3A_1024, %scan3A_891 : i32
      %get3A_1026 = arith.index_cast %add3A_1025 : i32 to index
      %get3A_1027 = arith.constant 32 : index
      %get3A_1028 = tpu.vector_load %arg18[%get3A_1026, %get3A_1027] {strides = array<i32>} : memref<48x128xf32, #tpu.memory_space<vmem>>, vector<16xf32>,
      %add3A_1029 = arith.addf %scan3A_910, %get3A_1028 : vector<16xf32>
      %add3A_1030 = arith.constant 32 : i32
      %add3A_1031 = arith.addi %add3A_1030, %scan3A_891 : i32
      %get3A_1032 = arith.index_cast %add3A_1031 : i32 to index
      %get3A_1033 = arith.constant 48 : index
      %get3A_1034 = tpu.vector_load %arg18[%get3A_1032, %get3A_1033] {strides = array<i32>} : memref<48x128xf32, #tpu.memory_space<vmem>>, vector<16xf32>,
      %add3A_1035 = arith.addf %scan3A_911, %get3A_1034 : vector<16xf32>
      %add3A_1036 = arith.constant 32 : i32
      %add3A_1037 = arith.addi %add3A_1036, %scan3A_891 : i32
      %get3A_1038 = arith.index_cast %add3A_1037 : i32 to index
      %get3A_1039 = arith.constant 64 : index
      %get3A_1040 = tpu.vector_load %arg18[%get3A_1038, %get3A_1039] {strides = array<i32>} : memref<48x128xf32, #tpu.memory_space<vmem>>, vector<16xf32>,
      %add3A_1041 = arith.addf %scan3A_912, %get3A_1040 : vector<16xf32>
      %add3A_1042 = arith.constant 32 : i32
      %add3A_1043 = arith.addi %add3A_1042, %scan3A_891 : i32
      %get3A_1044 = arith.index_cast %add3A_1043 : i32 to index
      %get3A_1045 = arith.constant 80 : index
      %get3A_1046 = tpu.vector_load %arg18[%get3A_1044, %get3A_1045] {strides = array<i32>} : memref<48x128xf32, #tpu.memory_space<vmem>>, vector<16xf32>,
      %add3A_1047 = arith.addf %scan3A_913, %get3A_1046 : vector<16xf32>
      %add3A_1048 = arith.constant 32 : i32
      %add3A_1049 = arith.addi %add3A_1048, %scan3A_891 : i32
      %get3A_1050 = arith.index_cast %add3A_1049 : i32 to index
      %get3A_1051 = arith.constant 96 : index
      %get3A_1052 = tpu.vector_load %arg18[%get3A_1050, %get3A_1051] {strides = array<i32>} : memref<48x128xf32, #tpu.memory_space<vmem>>, vector<16xf32>,
      %add3A_1053 = arith.addf %scan3A_914, %get3A_1052 : vector<16xf32>
      %add3A_1054 = arith.constant 32 : i32
      %add3A_1055 = arith.addi %add3A_1054, %scan3A_891 : i32
      %get3A_1056 = arith.index_cast %add3A_1055 : i32 to index
      %get3A_1057 = arith.constant 112 : index
      %get3A_1058 = tpu.vector_load %arg18[%get3A_1056, %get3A_1057] {strides = array<i32>} : memref<48x128xf32, #tpu.memory_space<vmem>>, vector<16xf32>,
      %add3A_1059 = arith.addf %scan3A_915, %get3A_1058 : vector<16xf32>
      %scan3A_1060 = arith.constant 1 : i32
      %scan3A_1061 = arith.addi %scan3A_891, %scan3A_1060 : i32
      %add3A_1062 = arith.constant 0 : i32
      %add3A_1063 = arith.addi %add3A_1062, %scan3A_1061 : i32
      %get3A_1064 = arith.index_cast %add3A_1063 : i32 to index
      %get3A_1065 = arith.constant 0 : index
      %get3A_1066 = tpu.vector_load %arg18[%get3A_1064, %get3A_1065] {strides = array<i32>} : memref<48x128xf32, #tpu.memory_space<vmem>>, vector<16xf32>,
      %add3A_1067 = arith.addf %add3A_921, %get3A_1066 : vector<16xf32>
      %add3A_1068 = arith.constant 0 : i32
      %add3A_1069 = arith.addi %add3A_1068, %scan3A_1061 : i32
      %get3A_1070 = arith.index_cast %add3A_1069 : i32 to index
      %get3A_1071 = arith.constant 16 : index
      %get3A_1072 = tpu.vector_load %arg18[%get3A_1070, %get3A_1071] {strides = array<i32>} : memref<48x128xf32, #tpu.memory_space<vmem>>, vector<16xf32>,
      %add3A_1073 = arith.addf %add3A_927, %get3A_1072 : vector<16xf32>
      %add3A_1074 = arith.constant 0 : i32
      %add3A_1075 = arith.addi %add3A_1074, %scan3A_1061 : i32
      %get3A_1076 = arith.index_cast %add3A_1075 : i32 to index
      %get3A_1077 = arith.constant 32 : index
      %get3A_1078 = tpu.vector_load %arg18[%get3A_1076, %get3A_1077] {strides = array<i32>} : memref<48x128xf32, #tpu.memory_space<vmem>>, vector<16xf32>,
      %add3A_1079 = arith.addf %add3A_933, %get3A_1078 : vector<16xf32>
      %add3A_1080 = arith.constant 0 : i32
      %add3A_1081 = arith.addi %add3A_1080, %scan3A_1061 : i32
      %get3A_1082 = arith.index_cast %add3A_1081 : i32 to index
      %get3A_1083 = arith.constant 48 : index
      %get3A_1084 = tpu.vector_load %arg18[%get3A_1082, %get3A_1083] {strides = array<i32>} : memref<48x128xf32, #tpu.memory_space<vmem>>, vector<16xf32>,
      %add3A_1085 = arith.addf %add3A_939, %get3A_1084 : vector<16xf32>
      %add3A_1086 = arith.constant 0 : i32
      %add3A_1087 = arith.addi %add3A_1086, %scan3A_1061 : i32
      %get3A_1088 = arith.index_cast %add3A_1087 : i32 to index
      %get3A_1089 = arith.constant 64 : index
      %get3A_1090 = tpu.vector_load %arg18[%get3A_1088, %get3A_1089] {strides = array<i32>} : memref<48x128xf32, #tpu.memory_space<vmem>>, vector<16xf32>,
      %add3A_1091 = arith.addf %add3A_945, %get3A_1090 : vector<16xf32>
      %add3A_1092 = arith.constant 0 : i32
      %add3A_1093 = arith.addi %add3A_1092, %scan3A_1061 : i32
      %get3A_1094 = arith.index_cast %add3A_1093 : i32 to index
      %get3A_1095 = arith.constant 80 : index
      %get3A_1096 = tpu.vector_load %arg18[%get3A_1094, %get3A_1095] {strides = array<i32>} : memref<48x128xf32, #tpu.memory_space<vmem>>, vector<16xf32>,
      %add3A_1097 = arith.addf %add3A_951, %get3A_1096 : vector<16xf32>
      %add3A_1098 = arith.constant 0 : i32
      %add3A_1099 = arith.addi %add3A_1098, %scan3A_1061 : i32
      %get3A_1100 = arith.index_cast %add3A_1099 : i32 to index
      %get3A_1101 = arith.constant 96 : index
      %get3A_1102 = tpu.vector_load %arg18[%get3A_1100, %get3A_1101] {strides = array<i32>} : memref<48x128xf32, #tpu.memory_space<vmem>>, vector<16xf32>,
      %add3A_1103 = arith.addf %add3A_957, %get3A_1102 : vector<16xf32>
      %add3A_1104 = arith.constant 0 : i32
      %add3A_1105 = arith.addi %add3A_1104, %scan3A_1061 : i32
      %get3A_1106 = arith.index_cast %add3A_1105 : i32 to index
      %get3A_1107 = arith.constant 112 : index
      %get3A_1108 = tpu.vector_load %arg18[%get3A_1106, %get3A_1107] {strides = array<i32>} : memref<48x128xf32, #tpu.memory_space<vmem>>, vector<16xf32>,
      %add3A_1109 = arith.addf %add3A_963, %get3A_1108 : vector<16xf32>
      %add3A_1110 = arith.constant 16 : i32
      %add3A_1111 = arith.addi %add3A_1110, %scan3A_1061 : i32
      %get3A_1112 = arith.index_cast %add3A_1111 : i32 to index
      %get3A_1113 = arith.constant 0 : index
      %get3A_1114 = tpu.vector_load %arg18[%get3A_1112, %get3A_1113] {strides = array<i32>} : memref<48x128xf32, #tpu.memory_space<vmem>>, vector<16xf32>,
      %add3A_1115 = arith.addf %add3A_969, %get3A_1114 : vector<16xf32>
      %add3A_1116 = arith.constant 16 : i32
      %add3A_1117 = arith.addi %add3A_1116, %scan3A_1061 : i32
      %get3A_1118 = arith.index_cast %add3A_1117 : i32 to index
      %get3A_1119 = arith.constant 16 : index
      %get3A_1120 = tpu.vector_load %arg18[%get3A_1118, %get3A_1119] {strides = array<i32>} : memref<48x128xf32, #tpu.memory_space<vmem>>, vector<16xf32>,
      %add3A_1121 = arith.addf %add3A_975, %get3A_1120 : vector<16xf32>
      %add3A_1122 = arith.constant 16 : i32
      %add3A_1123 = arith.addi %add3A_1122, %scan3A_1061 : i32
      %get3A_1124 = arith.index_cast %add3A_1123 : i32 to index
      %get3A_1125 = arith.constant 32 : index
      %get3A_1126 = tpu.vector_load %arg18[%get3A_1124, %get3A_1125] {strides = array<i32>} : memref<48x128xf32, #tpu.memory_space<vmem>>, vector<16xf32>,
      %add3A_1127 = arith.addf %add3A_981, %get3A_1126 : vector<16xf32>
      %add3A_1128 = arith.constant 16 : i32
      %add3A_1129 = arith.addi %add3A_1128, %scan3A_1061 : i32
      %get3A_1130 = arith.index_cast %add3A_1129 : i32 to index
      %get3A_1131 = arith.constant 48 : index
      %get3A_1132 = tpu.vector_load %arg18[%get3A_1130, %get3A_1131] {strides = array<i32>} : memref<48x128xf32, #tpu.memory_space<vmem>>, vector<16xf32>,
      %add3A_1133 = arith.addf %add3A_987, %get3A_1132 : vector<16xf32>
      %add3A_1134 = arith.constant 16 : i32
      %add3A_1135 = arith.addi %add3A_1134, %scan3A_1061 : i32
      %get3A_1136 = arith.index_cast %add3A_1135 : i32 to index
      %get3A_1137 = arith.constant 64 : index
      %get3A_1138 = tpu.vector_load %arg18[%get3A_1136, %get3A_1137] {strides = array<i32>} : memref<48x128xf32, #tpu.memory_space<vmem>>, vector<16xf32>,
      %add3A_1139 = arith.addf %add3A_993, %get3A_1138 : vector<16xf32>
      %add3A_1140 = arith.constant 16 : i32
      %add3A_1141 = arith.addi %add3A_1140, %scan3A_1061 : i32
      %get3A_1142 = arith.index_cast %add3A_1141 : i32 to index
      %get3A_1143 = arith.constant 80 : index
      %get3A_1144 = tpu.vector_load %arg18[%get3A_1142, %get3A_1143] {strides = array<i32>} : memref<48x128xf32, #tpu.memory_space<vmem>>, vector<16xf32>,
      %add3A_1145 = arith.addf %add3A_999, %get3A_1144 : vector<16xf32>
      %add3A_1146 = arith.constant 16 : i32
      %add3A_1147 = arith.addi %add3A_1146, %scan3A_1061 : i32
      %get3A_1148 = arith.index_cast %add3A_1147 : i32 to index
      %get3A_1149 = arith.constant 96 : index
      %get3A_1150 = tpu.vector_load %arg18[%get3A_1148, %get3A_1149] {strides = array<i32>} : memref<48x128xf32, #tpu.memory_space<vmem>>, vector<16xf32>,
      %add3A_1151 = arith.addf %add3A_1005, %get3A_1150 : vector<16xf32>
      %add3A_1152 = arith.constant 16 : i32
      %add3A_1153 = arith.addi %add3A_1152, %scan3A_1061 : i32
      %get3A_1154 = arith.index_cast %add3A_1153 : i32 to index
      %get3A_1155 = arith.constant 112 : index
      %get3A_1156 = tpu.vector_load %arg18[%get3A_1154, %get3A_1155] {strides = array<i32>} : memref<48x128xf32, #tpu.memory_space<vmem>>, vector<16xf32>,
      %add3A_1157 = arith.addf %add3A_1011, %get3A_1156 : vector<16xf32>
      %add3A_1158 = arith.constant 32 : i32
      %add3A_1159 = arith.addi %add3A_1158, %scan3A_1061 : i32
      %get3A_1160 = arith.index_cast %add3A_1159 : i32 to index
      %get3A_1161 = arith.constant 0 : index
      %get3A_1162 = tpu.vector_load %arg18[%get3A_1160, %get3A_1161] {strides = array<i32>} : memref<48x128xf32, #tpu.memory_space<vmem>>, vector<16xf32>,
      %add3A_1163 = arith.addf %add3A_1017, %get3A_1162 : vector<16xf32>
      %add3A_1164 = arith.constant 32 : i32
      %add3A_1165 = arith.addi %add3A_1164, %scan3A_1061 : i32
      %get3A_1166 = arith.index_cast %add3A_1165 : i32 to index
      %get3A_1167 = arith.constant 16 : index
      %get3A_1168 = tpu.vector_load %arg18[%get3A_1166, %get3A_1167] {strides = array<i32>} : memref<48x128xf32, #tpu.memory_space<vmem>>, vector<16xf32>,
      %add3A_1169 = arith.addf %add3A_1023, %get3A_1168 : vector<16xf32>
      %add3A_1170 = arith.constant 32 : i32
      %add3A_1171 = arith.addi %add3A_1170, %scan3A_1061 : i32
      %get3A_1172 = arith.index_cast %add3A_1171 : i32 to index
      %get3A_1173 = arith.constant 32 : index
      %get3A_1174 = tpu.vector_load %arg18[%get3A_1172, %get3A_1173] {strides = array<i32>} : memref<48x128xf32, #tpu.memory_space<vmem>>, vector<16xf32>,
      %add3A_1175 = arith.addf %add3A_1029, %get3A_1174 : vector<16xf32>
      %add3A_1176 = arith.constant 32 : i32
      %add3A_1177 = arith.addi %add3A_1176, %scan3A_1061 : i32
      %get3A_1178 = arith.index_cast %add3A_1177 : i32 to index
      %get3A_1179 = arith.constant 48 : index
      %get3A_1180 = tpu.vector_load %arg18[%get3A_1178, %get3A_1179] {strides = array<i32>} : memref<48x128xf32, #tpu.memory_space<vmem>>, vector<16xf32>,
      %add3A_1181 = arith.addf %add3A_1035, %get3A_1180 : vector<16xf32>
      %add3A_1182 = arith.constant 32 : i32
      %add3A_1183 = arith.addi %add3A_1182, %scan3A_1061 : i32
      %get3A_1184 = arith.index_cast %add3A_1183 : i32 to index
      %get3A_1185 = arith.constant 64 : index
      %get3A_1186 = tpu.vector_load %arg18[%get3A_1184, %get3A_1185] {strides = array<i32>} : memref<48x128xf32, #tpu.memory_space<vmem>>, vector<16xf32>,
      %add3A_1187 = arith.addf %add3A_1041, %get3A_1186 : vector<16xf32>
      %add3A_1188 = arith.constant 32 : i32
      %add3A_1189 = arith.addi %add3A_1188, %scan3A_1061 : i32
      %get3A_1190 = arith.index_cast %add3A_1189 : i32 to index
      %get3A_1191 = arith.constant 80 : index
      %get3A_1192 = tpu.vector_load %arg18[%get3A_1190, %get3A_1191] {strides = array<i32>} : memref<48x128xf32, #tpu.memory_space<vmem>>, vector<16xf32>,
      %add3A_1193 = arith.addf %add3A_1047, %get3A_1192 : vector<16xf32>
      %add3A_1194 = arith.constant 32 : i32
      %add3A_1195 = arith.addi %add3A_1194, %scan3A_1061 : i32
      %get3A_1196 = arith.index_cast %add3A_1195 : i32 to index
      %get3A_1197 = arith.constant 96 : index
      %get3A_1198 = tpu.vector_load %arg18[%get3A_1196, %get3A_1197] {strides = array<i32>} : memref<48x128xf32, #tpu.memory_space<vmem>>, vector<16xf32>,
      %add3A_1199 = arith.addf %add3A_1053, %get3A_1198 : vector<16xf32>
      %add3A_1200 = arith.constant 32 : i32
      %add3A_1201 = arith.addi %add3A_1200, %scan3A_1061 : i32
      %get3A_1202 = arith.index_cast %add3A_1201 : i32 to index
      %get3A_1203 = arith.constant 112 : index
      %get3A_1204 = tpu.vector_load %arg18[%get3A_1202, %get3A_1203] {strides = array<i32>} : memref<48x128xf32, #tpu.memory_space<vmem>>, vector<16xf32>,
      %add3A_1205 = arith.addf %add3A_1059, %get3A_1204 : vector<16xf32>
      scf.yield %add3A_1067, %add3A_1073, %add3A_1079, %add3A_1085, %add3A_1091, %add3A_1097, %add3A_1103, %add3A_1109, %add3A_1115, %add3A_1121, %add3A_1127, %add3A_1133, %add3A_1139, %add3A_1145, %add3A_1151, %add3A_1157, %add3A_1163, %add3A_1169, %add3A_1175, %add3A_1181, %add3A_1187, %add3A_1193, %add3A_1199, %add3A_1205 : vector<16xf32>, vector<16xf32>, vector<16xf32>, vector<16xf32>, vector<16xf32>, vector<16xf32>, vector<16xf32>, vector<16xf32>, vector<16xf32>, vector<16xf32>, vector<16xf32>, vector<16xf32>, vector<16xf32>, vector<16xf32>, vector<16xf32>, vector<16xf32>, vector<16xf32>, vector<16xf32>, vector<16xf32>, vector<16xf32>, vector<16xf32>, vector<16xf32>, vector<16xf32>, vector<16xf32>
    }
    %scan3A_813 = arith.constant 16 : i32
    %swap3A_814 = arith.constant 0 : index
    %swap3A_815 = tpu.vector_load %arg16[%swap3A_814] {strides = array<i32>} : memref<512xf32, #tpu.memory_space<vmem>>, vector<16xf32>,
    tpu.vector_store %arg16[%swap3A_814], %scan3A_812#0 {strides = array<i32>} : memref<512xf32, #tpu.memory_space<vmem>>, vector<16xf32>,
    %add3A_816 = arith.addf %scan3A_812#8, %scan3A_812#16 : vector<16xf32>
    %swap3A_817 = arith.constant 128 : index
    %swap3A_818 = tpu.vector_load %arg16[%swap3A_817] {strides = array<i32>} : memref<512xf32, #tpu.memory_space<vmem>>, vector<16xf32>,
    tpu.vector_store %arg16[%swap3A_817], %add3A_816 {strides = array<i32>} : memref<512xf32, #tpu.memory_space<vmem>>, vector<16xf32>,
    %swap3A_819 = arith.constant 256 : index
    %swap3A_820 = tpu.vector_load %arg16[%swap3A_819] {strides = array<i32>} : memref<512xf32, #tpu.memory_space<vmem>>, vector<16xf32>,
    tpu.vector_store %arg16[%swap3A_819], %scan3A_812#8 {strides = array<i32>} : memref<512xf32, #tpu.memory_space<vmem>>, vector<16xf32>,
    %swap3A_821 = arith.constant 16 : index
    %swap3A_822 = tpu.vector_load %arg16[%swap3A_821] {strides = array<i32>} : memref<512xf32, #tpu.memory_space<vmem>>, vector<16xf32>,
    tpu.vector_store %arg16[%swap3A_821], %scan3A_812#1 {strides = array<i32>} : memref<512xf32, #tpu.memory_space<vmem>>, vector<16xf32>,
    %add3A_823 = arith.addf %scan3A_812#9, %scan3A_812#17 : vector<16xf32>
    %swap3A_824 = arith.constant 144 : index
    %swap3A_825 = tpu.vector_load %arg16[%swap3A_824] {strides = array<i32>} : memref<512xf32, #tpu.memory_space<vmem>>, vector<16xf32>,
    tpu.vector_store %arg16[%swap3A_824], %add3A_823 {strides = array<i32>} : memref<512xf32, #tpu.memory_space<vmem>>, vector<16xf32>,
    %swap3A_826 = arith.constant 272 : index
    %swap3A_827 = tpu.vector_load %arg16[%swap3A_826] {strides = array<i32>} : memref<512xf32, #tpu.memory_space<vmem>>, vector<16xf32>,
    tpu.vector_store %arg16[%swap3A_826], %scan3A_812#9 {strides = array<i32>} : memref<512xf32, #tpu.memory_space<vmem>>, vector<16xf32>,
    %swap3A_828 = arith.constant 32 : index
    %swap3A_829 = tpu.vector_load %arg16[%swap3A_828] {strides = array<i32>} : memref<512xf32, #tpu.memory_space<vmem>>, vector<16xf32>,
    tpu.vector_store %arg16[%swap3A_828], %scan3A_812#2 {strides = array<i32>} : memref<512xf32, #tpu.memory_space<vmem>>, vector<16xf32>,
    %add3A_830 = arith.addf %scan3A_812#10, %scan3A_812#18 : vector<16xf32>
    %swap3A_831 = arith.constant 160 : index
    %swap3A_832 = tpu.vector_load %arg16[%swap3A_831] {strides = array<i32>} : memref<512xf32, #tpu.memory_space<vmem>>, vector<16xf32>,
    tpu.vector_store %arg16[%swap3A_831], %add3A_830 {strides = array<i32>} : memref<512xf32, #tpu.memory_space<vmem>>, vector<16xf32>,
    %swap3A_833 = arith.constant 288 : index
    %swap3A_834 = tpu.vector_load %arg16[%swap3A_833] {strides = array<i32>} : memref<512xf32, #tpu.memory_space<vmem>>, vector<16xf32>,
    tpu.vector_store %arg16[%swap3A_833], %scan3A_812#10 {strides = array<i32>} : memref<512xf32, #tpu.memory_space<vmem>>, vector<16xf32>,
    %swap3A_835 = arith.constant 48 : index
    %swap3A_836 = tpu.vector_load %arg16[%swap3A_835] {strides = array<i32>} : memref<512xf32, #tpu.memory_space<vmem>>, vector<16xf32>,
    tpu.vector_store %arg16[%swap3A_835], %scan3A_812#3 {strides = array<i32>} : memref<512xf32, #tpu.memory_space<vmem>>, vector<16xf32>,
    %add3A_837 = arith.addf %scan3A_812#11, %scan3A_812#19 : vector<16xf32>
    %swap3A_838 = arith.constant 176 : index
    %swap3A_839 = tpu.vector_load %arg16[%swap3A_838] {strides = array<i32>} : memref<512xf32, #tpu.memory_space<vmem>>, vector<16xf32>,
    tpu.vector_store %arg16[%swap3A_838], %add3A_837 {strides = array<i32>} : memref<512xf32, #tpu.memory_space<vmem>>, vector<16xf32>,
    %swap3A_840 = arith.constant 304 : index
    %swap3A_841 = tpu.vector_load %arg16[%swap3A_840] {strides = array<i32>} : memref<512xf32, #tpu.memory_space<vmem>>, vector<16xf32>,
    tpu.vector_store %arg16[%swap3A_840], %scan3A_812#11 {strides = array<i32>} : memref<512xf32, #tpu.memory_space<vmem>>, vector<16xf32>,
    %swap3A_842 = arith.constant 64 : index
    %swap3A_843 = tpu.vector_load %arg16[%swap3A_842] {strides = array<i32>} : memref<512xf32, #tpu.memory_space<vmem>>, vector<16xf32>,
    tpu.vector_store %arg16[%swap3A_842], %scan3A_812#4 {strides = array<i32>} : memref<512xf32, #tpu.memory_space<vmem>>, vector<16xf32>,
    %add3A_844 = arith.addf %scan3A_812#12, %scan3A_812#20 : vector<16xf32>
    %swap3A_845 = arith.constant 192 : index
    %swap3A_846 = tpu.vector_load %arg16[%swap3A_845] {strides = array<i32>} : memref<512xf32, #tpu.memory_space<vmem>>, vector<16xf32>,
    tpu.vector_store %arg16[%swap3A_845], %add3A_844 {strides = array<i32>} : memref<512xf32, #tpu.memory_space<vmem>>, vector<16xf32>,
    %swap3A_847 = arith.constant 320 : index
    %swap3A_848 = tpu.vector_load %arg16[%swap3A_847] {strides = array<i32>} : memref<512xf32, #tpu.memory_space<vmem>>, vector<16xf32>,
    tpu.vector_store %arg16[%swap3A_847], %scan3A_812#12 {strides = array<i32>} : memref<512xf32, #tpu.memory_space<vmem>>, vector<16xf32>,
    %swap3A_849 = arith.constant 80 : index
    %swap3A_850 = tpu.vector_load %arg16[%swap3A_849] {strides = array<i32>} : memref<512xf32, #tpu.memory_space<vmem>>, vector<16xf32>,
    tpu.vector_store %arg16[%swap3A_849], %scan3A_812#5 {strides = array<i32>} : memref<512xf32, #tpu.memory_space<vmem>>, vector<16xf32>,
    %add3A_851 = arith.addf %scan3A_812#13, %scan3A_812#21 : vector<16xf32>
    %swap3A_852 = arith.constant 208 : index
    %swap3A_853 = tpu.vector_load %arg16[%swap3A_852] {strides = array<i32>} : memref<512xf32, #tpu.memory_space<vmem>>, vector<16xf32>,
    tpu.vector_store %arg16[%swap3A_852], %add3A_851 {strides = array<i32>} : memref<512xf32, #tpu.memory_space<vmem>>, vector<16xf32>,
    %swap3A_854 = arith.constant 336 : index
    %swap3A_855 = tpu.vector_load %arg16[%swap3A_854] {strides = array<i32>} : memref<512xf32, #tpu.memory_space<vmem>>, vector<16xf32>,
    tpu.vector_store %arg16[%swap3A_854], %scan3A_812#13 {strides = array<i32>} : memref<512xf32, #tpu.memory_space<vmem>>, vector<16xf32>,
    %swap3A_856 = arith.constant 96 : index
    %swap3A_857 = tpu.vector_load %arg16[%swap3A_856] {strides = array<i32>} : memref<512xf32, #tpu.memory_space<vmem>>, vector<16xf32>,
    tpu.vector_store %arg16[%swap3A_856], %scan3A_812#6 {strides = array<i32>} : memref<512xf32, #tpu.memory_space<vmem>>, vector<16xf32>,
    %add3A_858 = arith.addf %scan3A_812#14, %scan3A_812#22 : vector<16xf32>
    %swap3A_859 = arith.constant 224 : index
    %swap3A_860 = tpu.vector_load %arg16[%swap3A_859] {strides = array<i32>} : memref<512xf32, #tpu.memory_space<vmem>>, vector<16xf32>,
    tpu.vector_store %arg16[%swap3A_859], %add3A_858 {strides = array<i32>} : memref<512xf32, #tpu.memory_space<vmem>>, vector<16xf32>,
    %swap3A_861 = arith.constant 352 : index
    %swap3A_862 = tpu.vector_load %arg16[%swap3A_861] {strides = array<i32>} : memref<512xf32, #tpu.memory_space<vmem>>, vector<16xf32>,
    tpu.vector_store %arg16[%swap3A_861], %scan3A_812#14 {strides = array<i32>} : memref<512xf32, #tpu.memory_space<vmem>>, vector<16xf32>,
    %swap3A_863 = arith.constant 112 : index
    %swap3A_864 = tpu.vector_load %arg16[%swap3A_863] {strides = array<i32>} : memref<512xf32, #tpu.memory_space<vmem>>, vector<16xf32>,
    tpu.vector_store %arg16[%swap3A_863], %scan3A_812#7 {strides = array<i32>} : memref<512xf32, #tpu.memory_space<vmem>>, vector<16xf32>,
    %add3A_865 = arith.addf %scan3A_812#15, %scan3A_812#23 : vector<16xf32>
    %swap3A_866 = arith.constant 240 : index
    %swap3A_867 = tpu.vector_load %arg16[%swap3A_866] {strides = array<i32>} : memref<512xf32, #tpu.memory_space<vmem>>, vector<16xf32>,
    tpu.vector_store %arg16[%swap3A_866], %add3A_865 {strides = array<i32>} : memref<512xf32, #tpu.memory_space<vmem>>, vector<16xf32>,
    %swap3A_868 = arith.constant 368 : index
    %swap3A_869 = tpu.vector_load %arg16[%swap3A_868] {strides = array<i32>} : memref<512xf32, #tpu.memory_space<vmem>>, vector<16xf32>,
    tpu.vector_store %arg16[%swap3A_868], %scan3A_812#15 {strides = array<i32>} : memref<512xf32, #tpu.memory_space<vmem>>, vector<16xf32>,
    %swap3A_870 = arith.constant 384 : index
    %swap3A_871 = tpu.vector_load %arg16[%swap3A_870] {strides = array<i32>} : memref<512xf32, #tpu.memory_space<vmem>>, vector<16xf32>,
    tpu.vector_store %arg16[%swap3A_870], %add3A_789 {strides = array<i32>} : memref<512xf32, #tpu.memory_space<vmem>>, vector<16xf32>,
    %broadcast_in_dim3A_872 = arith.constant 0.000000e+00 : f32
    %broadcast_in_dim3A_873 = vector.broadcast %broadcast_in_dim3A_872 : f32 to vector<16xf32>
    %swap3A_874 = arith.constant 400 : index
    %swap3A_875 = tpu.vector_load %arg16[%swap3A_874] {strides = array<i32>} : memref<512xf32, #tpu.memory_space<vmem>>, vector<16xf32>,
    tpu.vector_store %arg16[%swap3A_874], %broadcast_in_dim3A_873 {strides = array<i32>} : memref<512xf32, #tpu.memory_space<vmem>>, vector<16xf32>,
    "tpu.region"() ({
      %run_scoped3A_891 = tpu.sem_alloc : memref<!tpu.dma_semaphore, #tpu.memory_space<semaphore_mem>>
      %dma_start3A_892 = arith.constant 0 : i32
      %dma_start3A_893 = tpu.memref_slice %arg24[%arg1, %dma_start3A_892] : memref<16x512xf32, #tpu.memory_space<vmem_shared>> -> memref<1x512xf32, #tpu.memory_space<vmem_shared>>
      %dma_start3A_894 = tpu.memref_squeeze %dma_start3A_893 : memref<1x512xf32, #tpu.memory_space<vmem_shared>> -> memref<512xf32, #tpu.memory_space<vmem_shared>>
      %dma_start3A_895 = arith.constant 0 : i32
      %dma_start3A_896 = tpu.memref_slice %arg24[%arg1, %dma_start3A_895] : memref<16x512xf32, #tpu.memory_space<vmem_shared>> -> memref<1x512xf32, #tpu.memory_space<vmem_shared>>
      %dma_start3A_897 = tpu.memref_squeeze %dma_start3A_896 : memref<1x512xf32, #tpu.memory_space<vmem_shared>> -> memref<512xf32, #tpu.memory_space<vmem_shared>>
      tpu.enqueue_dma source(%arg16 : memref<512xf32, #tpu.memory_space<vmem>>) target(%dma_start3A_897 : memref<512xf32, #tpu.memory_space<vmem_shared>>) target_semaphore(%run_scoped3A_891 : memref<!tpu.dma_semaphore, #tpu.memory_space<semaphore_mem>>)
      %dma_wait3A_898 = arith.constant 0 : i32
      %dma_wait3A_899 = tpu.memref_slice %arg24[%arg1, %dma_wait3A_898] : memref<16x512xf32, #tpu.memory_space<vmem_shared>> -> memref<1x512xf32, #tpu.memory_space<vmem_shared>>
      %dma_wait3A_900 = tpu.memref_squeeze %dma_wait3A_899 : memref<1x512xf32, #tpu.memory_space<vmem_shared>> -> memref<512xf32, #tpu.memory_space<vmem_shared>>
      %dma_wait3A_901 = arith.constant 0 : i32
      %dma_wait3A_902 = tpu.memref_slice %arg24[%arg1, %dma_wait3A_901] : memref<16x512xf32, #tpu.memory_space<vmem_shared>> -> memref<1x512xf32, #tpu.memory_space<vmem_shared>>
      %dma_wait3A_903 = tpu.memref_squeeze %dma_wait3A_902 : memref<1x512xf32, #tpu.memory_space<vmem_shared>> -> memref<512xf32, #tpu.memory_space<vmem_shared>>
      tpu.wait_dma2 semaphore(%run_scoped3A_891 : memref<!tpu.dma_semaphore, #tpu.memory_space<semaphore_mem>>) src(%arg16 : memref<512xf32, #tpu.memory_space<vmem>>) dst(%dma_wait3A_903 : memref<512xf32, #tpu.memory_space<vmem_shared>>)
      tpu.yield
    }) : () -> ()
    %barrier3A_876 = arith.constant 0 : index
    tpu.barrier barrier_id(%barrier3A_876)
    %eq3A = arith.constant 0 : i32
    %eq3A_877 = arith.cmpi eq, %arg1, %eq3A : i32
    %convert_element_type3A = arith.extui %eq3A_877 : i1 to i32
    %cond3A = arith.constant 0 : i32
    %cond3A_878 = arith.cmpi ne, %convert_element_type3A, %cond3A : i32
    scf.if %cond3A_878 {
      "tpu.region"() ({
        %run_scoped3A_953 = tpu.sem_alloc : memref<!tpu.dma_semaphore, #tpu.memory_space<semaphore_mem>>
        tpu.enqueue_dma source(%arg24 : memref<16x512xf32, #tpu.memory_space<vmem_shared>>) target(%arg17 : memref<16x512xf32, #tpu.memory_space<vmem>>) target_semaphore(%run_scoped3A_953 : memref<!tpu.dma_semaphore, #tpu.memory_space<semaphore_mem>>)
        tpu.wait_dma2 semaphore(%run_scoped3A_953 : memref<!tpu.dma_semaphore, #tpu.memory_space<semaphore_mem>>) src(%arg24 : memref<16x512xf32, #tpu.memory_space<vmem_shared>>) dst(%arg17 : memref<16x512xf32, #tpu.memory_space<vmem>>)
        tpu.yield
      }) : () -> ()
      %broadcast_in_dim3A_891 = arith.constant 0.000000e+00 : f32
      %broadcast_in_dim3A_892 = vector.broadcast %broadcast_in_dim3A_891 : f32 to vector<16xf32>
      %scan3A_893 = arith.constant 0 : i32
      %scan3A_894 = arith.constant 16 : i32
      %scan3A_895 = arith.addi %scan3A_893, %scan3A_894 : i32
      %scan3A_896 = arith.constant 2 : i32
      %scan3A_897:25 = scf.for %scan3A_953 = %scan3A_893 to %scan3A_895 step %scan3A_896 iter_args(%scan3A_954 = %broadcast_in_dim3A_892, %scan3A_955 = %broadcast_in_dim3A_892, %scan3A_956 = %broadcast_in_dim3A_892, %scan3A_957 = %broadcast_in_dim3A_892, %scan3A_958 = %broadcast_in_dim3A_892, %scan3A_959 = %broadcast_in_dim3A_892, %scan3A_960 = %broadcast_in_dim3A_892, %scan3A_961 = %broadcast_in_dim3A_892, %scan3A_962 = %broadcast_in_dim3A_892, %scan3A_963 = %broadcast_in_dim3A_892, %scan3A_964 = %broadcast_in_dim3A_892, %scan3A_965 = %broadcast_in_dim3A_892, %scan3A_966 = %broadcast_in_dim3A_892, %scan3A_967 = %broadcast_in_dim3A_892, %scan3A_968 = %broadcast_in_dim3A_892, %scan3A_969 = %broadcast_in_dim3A_892, %scan3A_970 = %broadcast_in_dim3A_892, %scan3A_971 = %broadcast_in_dim3A_892, %scan3A_972 = %broadcast_in_dim3A_892, %scan3A_973 = %broadcast_in_dim3A_892, %scan3A_974 = %broadcast_in_dim3A_892, %scan3A_975 = %broadcast_in_dim3A_892, %scan3A_976 = %broadcast_in_dim3A_892, %scan3A_977 = %broadcast_in_dim3A_892, %scan3A_978 = %broadcast_in_dim3A_892) -> (vector<16xf32>, vector<16xf32>, vector<16xf32>, vector<16xf32>, vector<16xf32>, vector<16xf32>, vector<16xf32>, vector<16xf32>, vector<16xf32>, vector<16xf32>, vector<16xf32>, vector<16xf32>, vector<16xf32>, vector<16xf32>, vector<16xf32>, vector<16xf32>, vector<16xf32>, vector<16xf32>, vector<16xf32>, vector<16xf32>, vector<16xf32>, vector<16xf32>, vector<16xf32>, vector<16xf32>, vector<16xf32>)  : i32 {
        %get3A_979 = arith.index_cast %scan3A_953 : i32 to index
        %get3A_980 = arith.constant 0 : index
        %get3A_981 = tpu.vector_load %arg17[%get3A_979, %get3A_980] {strides = array<i32>} : memref<16x512xf32, #tpu.memory_space<vmem>>, vector<16xf32>,
        %add3A_982 = arith.addf %scan3A_954, %get3A_981 : vector<16xf32>
        %get3A_983 = arith.index_cast %scan3A_953 : i32 to index
        %get3A_984 = arith.constant 16 : index
        %get3A_985 = tpu.vector_load %arg17[%get3A_983, %get3A_984] {strides = array<i32>} : memref<16x512xf32, #tpu.memory_space<vmem>>, vector<16xf32>,
        %add3A_986 = arith.addf %scan3A_955, %get3A_985 : vector<16xf32>
        %get3A_987 = arith.index_cast %scan3A_953 : i32 to index
        %get3A_988 = arith.constant 32 : index
        %get3A_989 = tpu.vector_load %arg17[%get3A_987, %get3A_988] {strides = array<i32>} : memref<16x512xf32, #tpu.memory_space<vmem>>, vector<16xf32>,
        %add3A_990 = arith.addf %scan3A_956, %get3A_989 : vector<16xf32>
        %get3A_991 = arith.index_cast %scan3A_953 : i32 to index
        %get3A_992 = arith.constant 48 : index
        %get3A_993 = tpu.vector_load %arg17[%get3A_991, %get3A_992] {strides = array<i32>} : memref<16x512xf32, #tpu.memory_space<vmem>>, vector<16xf32>,
        %add3A_994 = arith.addf %scan3A_957, %get3A_993 : vector<16xf32>
        %get3A_995 = arith.index_cast %scan3A_953 : i32 to index
        %get3A_996 = arith.constant 64 : index
        %get3A_997 = tpu.vector_load %arg17[%get3A_995, %get3A_996] {strides = array<i32>} : memref<16x512xf32, #tpu.memory_space<vmem>>, vector<16xf32>,
        %add3A_998 = arith.addf %scan3A_958, %get3A_997 : vector<16xf32>
        %get3A_999 = arith.index_cast %scan3A_953 : i32 to index
        %get3A_1000 = arith.constant 80 : index
        %get3A_1001 = tpu.vector_load %arg17[%get3A_999, %get3A_1000] {strides = array<i32>} : memref<16x512xf32, #tpu.memory_space<vmem>>, vector<16xf32>,
        %add3A_1002 = arith.addf %scan3A_959, %get3A_1001 : vector<16xf32>
        %get3A_1003 = arith.index_cast %scan3A_953 : i32 to index
        %get3A_1004 = arith.constant 96 : index
        %get3A_1005 = tpu.vector_load %arg17[%get3A_1003, %get3A_1004] {strides = array<i32>} : memref<16x512xf32, #tpu.memory_space<vmem>>, vector<16xf32>,
        %add3A_1006 = arith.addf %scan3A_960, %get3A_1005 : vector<16xf32>
        %get3A_1007 = arith.index_cast %scan3A_953 : i32 to index
        %get3A_1008 = arith.constant 112 : index
        %get3A_1009 = tpu.vector_load %arg17[%get3A_1007, %get3A_1008] {strides = array<i32>} : memref<16x512xf32, #tpu.memory_space<vmem>>, vector<16xf32>,
        %add3A_1010 = arith.addf %scan3A_961, %get3A_1009 : vector<16xf32>
        %get3A_1011 = arith.index_cast %scan3A_953 : i32 to index
        %get3A_1012 = arith.constant 128 : index
        %get3A_1013 = tpu.vector_load %arg17[%get3A_1011, %get3A_1012] {strides = array<i32>} : memref<16x512xf32, #tpu.memory_space<vmem>>, vector<16xf32>,
        %add3A_1014 = arith.addf %scan3A_962, %get3A_1013 : vector<16xf32>
        %get3A_1015 = arith.index_cast %scan3A_953 : i32 to index
        %get3A_1016 = arith.constant 144 : index
        %get3A_1017 = tpu.vector_load %arg17[%get3A_1015, %get3A_1016] {strides = array<i32>} : memref<16x512xf32, #tpu.memory_space<vmem>>, vector<16xf32>,
        %add3A_1018 = arith.addf %scan3A_963, %get3A_1017 : vector<16xf32>
        %get3A_1019 = arith.index_cast %scan3A_953 : i32 to index
        %get3A_1020 = arith.constant 160 : index
        %get3A_1021 = tpu.vector_load %arg17[%get3A_1019, %get3A_1020] {strides = array<i32>} : memref<16x512xf32, #tpu.memory_space<vmem>>, vector<16xf32>,
        %add3A_1022 = arith.addf %scan3A_964, %get3A_1021 : vector<16xf32>
        %get3A_1023 = arith.index_cast %scan3A_953 : i32 to index
        %get3A_1024 = arith.constant 176 : index
        %get3A_1025 = tpu.vector_load %arg17[%get3A_1023, %get3A_1024] {strides = array<i32>} : memref<16x512xf32, #tpu.memory_space<vmem>>, vector<16xf32>,
        %add3A_1026 = arith.addf %scan3A_965, %get3A_1025 : vector<16xf32>
        %get3A_1027 = arith.index_cast %scan3A_953 : i32 to index
        %get3A_1028 = arith.constant 192 : index
        %get3A_1029 = tpu.vector_load %arg17[%get3A_1027, %get3A_1028] {strides = array<i32>} : memref<16x512xf32, #tpu.memory_space<vmem>>, vector<16xf32>,
        %add3A_1030 = arith.addf %scan3A_966, %get3A_1029 : vector<16xf32>
        %get3A_1031 = arith.index_cast %scan3A_953 : i32 to index
        %get3A_1032 = arith.constant 208 : index
        %get3A_1033 = tpu.vector_load %arg17[%get3A_1031, %get3A_1032] {strides = array<i32>} : memref<16x512xf32, #tpu.memory_space<vmem>>, vector<16xf32>,
        %add3A_1034 = arith.addf %scan3A_967, %get3A_1033 : vector<16xf32>
        %get3A_1035 = arith.index_cast %scan3A_953 : i32 to index
        %get3A_1036 = arith.constant 224 : index
        %get3A_1037 = tpu.vector_load %arg17[%get3A_1035, %get3A_1036] {strides = array<i32>} : memref<16x512xf32, #tpu.memory_space<vmem>>, vector<16xf32>,
        %add3A_1038 = arith.addf %scan3A_968, %get3A_1037 : vector<16xf32>
        %get3A_1039 = arith.index_cast %scan3A_953 : i32 to index
        %get3A_1040 = arith.constant 240 : index
        %get3A_1041 = tpu.vector_load %arg17[%get3A_1039, %get3A_1040] {strides = array<i32>} : memref<16x512xf32, #tpu.memory_space<vmem>>, vector<16xf32>,
        %add3A_1042 = arith.addf %scan3A_969, %get3A_1041 : vector<16xf32>
        %get3A_1043 = arith.index_cast %scan3A_953 : i32 to index
        %get3A_1044 = arith.constant 256 : index
        %get3A_1045 = tpu.vector_load %arg17[%get3A_1043, %get3A_1044] {strides = array<i32>} : memref<16x512xf32, #tpu.memory_space<vmem>>, vector<16xf32>,
        %add3A_1046 = arith.addf %scan3A_970, %get3A_1045 : vector<16xf32>
        %get3A_1047 = arith.index_cast %scan3A_953 : i32 to index
        %get3A_1048 = arith.constant 272 : index
        %get3A_1049 = tpu.vector_load %arg17[%get3A_1047, %get3A_1048] {strides = array<i32>} : memref<16x512xf32, #tpu.memory_space<vmem>>, vector<16xf32>,
        %add3A_1050 = arith.addf %scan3A_971, %get3A_1049 : vector<16xf32>
        %get3A_1051 = arith.index_cast %scan3A_953 : i32 to index
        %get3A_1052 = arith.constant 288 : index
        %get3A_1053 = tpu.vector_load %arg17[%get3A_1051, %get3A_1052] {strides = array<i32>} : memref<16x512xf32, #tpu.memory_space<vmem>>, vector<16xf32>,
        %add3A_1054 = arith.addf %scan3A_972, %get3A_1053 : vector<16xf32>
        %get3A_1055 = arith.index_cast %scan3A_953 : i32 to index
        %get3A_1056 = arith.constant 304 : index
        %get3A_1057 = tpu.vector_load %arg17[%get3A_1055, %get3A_1056] {strides = array<i32>} : memref<16x512xf32, #tpu.memory_space<vmem>>, vector<16xf32>,
        %add3A_1058 = arith.addf %scan3A_973, %get3A_1057 : vector<16xf32>
        %get3A_1059 = arith.index_cast %scan3A_953 : i32 to index
        %get3A_1060 = arith.constant 320 : index
        %get3A_1061 = tpu.vector_load %arg17[%get3A_1059, %get3A_1060] {strides = array<i32>} : memref<16x512xf32, #tpu.memory_space<vmem>>, vector<16xf32>,
        %add3A_1062 = arith.addf %scan3A_974, %get3A_1061 : vector<16xf32>
        %get3A_1063 = arith.index_cast %scan3A_953 : i32 to index
        %get3A_1064 = arith.constant 336 : index
        %get3A_1065 = tpu.vector_load %arg17[%get3A_1063, %get3A_1064] {strides = array<i32>} : memref<16x512xf32, #tpu.memory_space<vmem>>, vector<16xf32>,
        %add3A_1066 = arith.addf %scan3A_975, %get3A_1065 : vector<16xf32>
        %get3A_1067 = arith.index_cast %scan3A_953 : i32 to index
        %get3A_1068 = arith.constant 352 : index
        %get3A_1069 = tpu.vector_load %arg17[%get3A_1067, %get3A_1068] {strides = array<i32>} : memref<16x512xf32, #tpu.memory_space<vmem>>, vector<16xf32>,
        %add3A_1070 = arith.addf %scan3A_976, %get3A_1069 : vector<16xf32>
        %get3A_1071 = arith.index_cast %scan3A_953 : i32 to index
        %get3A_1072 = arith.constant 368 : index
        %get3A_1073 = tpu.vector_load %arg17[%get3A_1071, %get3A_1072] {strides = array<i32>} : memref<16x512xf32, #tpu.memory_space<vmem>>, vector<16xf32>,
        %add3A_1074 = arith.addf %scan3A_977, %get3A_1073 : vector<16xf32>
        %get3A_1075 = arith.index_cast %scan3A_953 : i32 to index
        %get3A_1076 = arith.constant 384 : index
        %get3A_1077 = tpu.vector_load %arg17[%get3A_1075, %get3A_1076] {strides = array<i32>} : memref<16x512xf32, #tpu.memory_space<vmem>>, vector<16xf32>,
        %add3A_1078 = arith.addf %scan3A_978, %get3A_1077 : vector<16xf32>
        %scan3A_1079 = arith.constant 1 : i32
        %scan3A_1080 = arith.addi %scan3A_953, %scan3A_1079 : i32
        %get3A_1081 = arith.index_cast %scan3A_1080 : i32 to index
        %get3A_1082 = arith.constant 0 : index
        %get3A_1083 = tpu.vector_load %arg17[%get3A_1081, %get3A_1082] {strides = array<i32>} : memref<16x512xf32, #tpu.memory_space<vmem>>, vector<16xf32>,
        %add3A_1084 = arith.addf %add3A_982, %get3A_1083 : vector<16xf32>
        %get3A_1085 = arith.index_cast %scan3A_1080 : i32 to index
        %get3A_1086 = arith.constant 16 : index
        %get3A_1087 = tpu.vector_load %arg17[%get3A_1085, %get3A_1086] {strides = array<i32>} : memref<16x512xf32, #tpu.memory_space<vmem>>, vector<16xf32>,
        %add3A_1088 = arith.addf %add3A_986, %get3A_1087 : vector<16xf32>
        %get3A_1089 = arith.index_cast %scan3A_1080 : i32 to index
        %get3A_1090 = arith.constant 32 : index
        %get3A_1091 = tpu.vector_load %arg17[%get3A_1089, %get3A_1090] {strides = array<i32>} : memref<16x512xf32, #tpu.memory_space<vmem>>, vector<16xf32>,
        %add3A_1092 = arith.addf %add3A_990, %get3A_1091 : vector<16xf32>
        %get3A_1093 = arith.index_cast %scan3A_1080 : i32 to index
        %get3A_1094 = arith.constant 48 : index
        %get3A_1095 = tpu.vector_load %arg17[%get3A_1093, %get3A_1094] {strides = array<i32>} : memref<16x512xf32, #tpu.memory_space<vmem>>, vector<16xf32>,
        %add3A_1096 = arith.addf %add3A_994, %get3A_1095 : vector<16xf32>
        %get3A_1097 = arith.index_cast %scan3A_1080 : i32 to index
        %get3A_1098 = arith.constant 64 : index
        %get3A_1099 = tpu.vector_load %arg17[%get3A_1097, %get3A_1098] {strides = array<i32>} : memref<16x512xf32, #tpu.memory_space<vmem>>, vector<16xf32>,
        %add3A_1100 = arith.addf %add3A_998, %get3A_1099 : vector<16xf32>
        %get3A_1101 = arith.index_cast %scan3A_1080 : i32 to index
        %get3A_1102 = arith.constant 80 : index
        %get3A_1103 = tpu.vector_load %arg17[%get3A_1101, %get3A_1102] {strides = array<i32>} : memref<16x512xf32, #tpu.memory_space<vmem>>, vector<16xf32>,
        %add3A_1104 = arith.addf %add3A_1002, %get3A_1103 : vector<16xf32>
        %get3A_1105 = arith.index_cast %scan3A_1080 : i32 to index
        %get3A_1106 = arith.constant 96 : index
        %get3A_1107 = tpu.vector_load %arg17[%get3A_1105, %get3A_1106] {strides = array<i32>} : memref<16x512xf32, #tpu.memory_space<vmem>>, vector<16xf32>,
        %add3A_1108 = arith.addf %add3A_1006, %get3A_1107 : vector<16xf32>
        %get3A_1109 = arith.index_cast %scan3A_1080 : i32 to index
        %get3A_1110 = arith.constant 112 : index
        %get3A_1111 = tpu.vector_load %arg17[%get3A_1109, %get3A_1110] {strides = array<i32>} : memref<16x512xf32, #tpu.memory_space<vmem>>, vector<16xf32>,
        %add3A_1112 = arith.addf %add3A_1010, %get3A_1111 : vector<16xf32>
        %get3A_1113 = arith.index_cast %scan3A_1080 : i32 to index
        %get3A_1114 = arith.constant 128 : index
        %get3A_1115 = tpu.vector_load %arg17[%get3A_1113, %get3A_1114] {strides = array<i32>} : memref<16x512xf32, #tpu.memory_space<vmem>>, vector<16xf32>,
        %add3A_1116 = arith.addf %add3A_1014, %get3A_1115 : vector<16xf32>
        %get3A_1117 = arith.index_cast %scan3A_1080 : i32 to index
        %get3A_1118 = arith.constant 144 : index
        %get3A_1119 = tpu.vector_load %arg17[%get3A_1117, %get3A_1118] {strides = array<i32>} : memref<16x512xf32, #tpu.memory_space<vmem>>, vector<16xf32>,
        %add3A_1120 = arith.addf %add3A_1018, %get3A_1119 : vector<16xf32>
        %get3A_1121 = arith.index_cast %scan3A_1080 : i32 to index
        %get3A_1122 = arith.constant 160 : index
        %get3A_1123 = tpu.vector_load %arg17[%get3A_1121, %get3A_1122] {strides = array<i32>} : memref<16x512xf32, #tpu.memory_space<vmem>>, vector<16xf32>,
        %add3A_1124 = arith.addf %add3A_1022, %get3A_1123 : vector<16xf32>
        %get3A_1125 = arith.index_cast %scan3A_1080 : i32 to index
        %get3A_1126 = arith.constant 176 : index
        %get3A_1127 = tpu.vector_load %arg17[%get3A_1125, %get3A_1126] {strides = array<i32>} : memref<16x512xf32, #tpu.memory_space<vmem>>, vector<16xf32>,
        %add3A_1128 = arith.addf %add3A_1026, %get3A_1127 : vector<16xf32>
        %get3A_1129 = arith.index_cast %scan3A_1080 : i32 to index
        %get3A_1130 = arith.constant 192 : index
        %get3A_1131 = tpu.vector_load %arg17[%get3A_1129, %get3A_1130] {strides = array<i32>} : memref<16x512xf32, #tpu.memory_space<vmem>>, vector<16xf32>,
        %add3A_1132 = arith.addf %add3A_1030, %get3A_1131 : vector<16xf32>
        %get3A_1133 = arith.index_cast %scan3A_1080 : i32 to index
        %get3A_1134 = arith.constant 208 : index
        %get3A_1135 = tpu.vector_load %arg17[%get3A_1133, %get3A_1134] {strides = array<i32>} : memref<16x512xf32, #tpu.memory_space<vmem>>, vector<16xf32>,
        %add3A_1136 = arith.addf %add3A_1034, %get3A_1135 : vector<16xf32>
        %get3A_1137 = arith.index_cast %scan3A_1080 : i32 to index
        %get3A_1138 = arith.constant 224 : index
        %get3A_1139 = tpu.vector_load %arg17[%get3A_1137, %get3A_1138] {strides = array<i32>} : memref<16x512xf32, #tpu.memory_space<vmem>>, vector<16xf32>,
        %add3A_1140 = arith.addf %add3A_1038, %get3A_1139 : vector<16xf32>
        %get3A_1141 = arith.index_cast %scan3A_1080 : i32 to index
        %get3A_1142 = arith.constant 240 : index
        %get3A_1143 = tpu.vector_load %arg17[%get3A_1141, %get3A_1142] {strides = array<i32>} : memref<16x512xf32, #tpu.memory_space<vmem>>, vector<16xf32>,
        %add3A_1144 = arith.addf %add3A_1042, %get3A_1143 : vector<16xf32>
        %get3A_1145 = arith.index_cast %scan3A_1080 : i32 to index
        %get3A_1146 = arith.constant 256 : index
        %get3A_1147 = tpu.vector_load %arg17[%get3A_1145, %get3A_1146] {strides = array<i32>} : memref<16x512xf32, #tpu.memory_space<vmem>>, vector<16xf32>,
        %add3A_1148 = arith.addf %add3A_1046, %get3A_1147 : vector<16xf32>
        %get3A_1149 = arith.index_cast %scan3A_1080 : i32 to index
        %get3A_1150 = arith.constant 272 : index
        %get3A_1151 = tpu.vector_load %arg17[%get3A_1149, %get3A_1150] {strides = array<i32>} : memref<16x512xf32, #tpu.memory_space<vmem>>, vector<16xf32>,
        %add3A_1152 = arith.addf %add3A_1050, %get3A_1151 : vector<16xf32>
        %get3A_1153 = arith.index_cast %scan3A_1080 : i32 to index
        %get3A_1154 = arith.constant 288 : index
        %get3A_1155 = tpu.vector_load %arg17[%get3A_1153, %get3A_1154] {strides = array<i32>} : memref<16x512xf32, #tpu.memory_space<vmem>>, vector<16xf32>,
        %add3A_1156 = arith.addf %add3A_1054, %get3A_1155 : vector<16xf32>
        %get3A_1157 = arith.index_cast %scan3A_1080 : i32 to index
        %get3A_1158 = arith.constant 304 : index
        %get3A_1159 = tpu.vector_load %arg17[%get3A_1157, %get3A_1158] {strides = array<i32>} : memref<16x512xf32, #tpu.memory_space<vmem>>, vector<16xf32>,
        %add3A_1160 = arith.addf %add3A_1058, %get3A_1159 : vector<16xf32>
        %get3A_1161 = arith.index_cast %scan3A_1080 : i32 to index
        %get3A_1162 = arith.constant 320 : index
        %get3A_1163 = tpu.vector_load %arg17[%get3A_1161, %get3A_1162] {strides = array<i32>} : memref<16x512xf32, #tpu.memory_space<vmem>>, vector<16xf32>,
        %add3A_1164 = arith.addf %add3A_1062, %get3A_1163 : vector<16xf32>
        %get3A_1165 = arith.index_cast %scan3A_1080 : i32 to index
        %get3A_1166 = arith.constant 336 : index
        %get3A_1167 = tpu.vector_load %arg17[%get3A_1165, %get3A_1166] {strides = array<i32>} : memref<16x512xf32, #tpu.memory_space<vmem>>, vector<16xf32>,
        %add3A_1168 = arith.addf %add3A_1066, %get3A_1167 : vector<16xf32>
        %get3A_1169 = arith.index_cast %scan3A_1080 : i32 to index
        %get3A_1170 = arith.constant 352 : index
        %get3A_1171 = tpu.vector_load %arg17[%get3A_1169, %get3A_1170] {strides = array<i32>} : memref<16x512xf32, #tpu.memory_space<vmem>>, vector<16xf32>,
        %add3A_1172 = arith.addf %add3A_1070, %get3A_1171 : vector<16xf32>
        %get3A_1173 = arith.index_cast %scan3A_1080 : i32 to index
        %get3A_1174 = arith.constant 368 : index
        %get3A_1175 = tpu.vector_load %arg17[%get3A_1173, %get3A_1174] {strides = array<i32>} : memref<16x512xf32, #tpu.memory_space<vmem>>, vector<16xf32>,
        %add3A_1176 = arith.addf %add3A_1074, %get3A_1175 : vector<16xf32>
        %get3A_1177 = arith.index_cast %scan3A_1080 : i32 to index
        %get3A_1178 = arith.constant 384 : index
        %get3A_1179 = tpu.vector_load %arg17[%get3A_1177, %get3A_1178] {strides = array<i32>} : memref<16x512xf32, #tpu.memory_space<vmem>>, vector<16xf32>,
        %add3A_1180 = arith.addf %add3A_1078, %get3A_1179 : vector<16xf32>
        scf.yield %add3A_1084, %add3A_1088, %add3A_1092, %add3A_1096, %add3A_1100, %add3A_1104, %add3A_1108, %add3A_1112, %add3A_1116, %add3A_1120, %add3A_1124, %add3A_1128, %add3A_1132, %add3A_1136, %add3A_1140, %add3A_1144, %add3A_1148, %add3A_1152, %add3A_1156, %add3A_1160, %add3A_1164, %add3A_1168, %add3A_1172, %add3A_1176, %add3A_1180 : vector<16xf32>, vector<16xf32>, vector<16xf32>, vector<16xf32>, vector<16xf32>, vector<16xf32>, vector<16xf32>, vector<16xf32>, vector<16xf32>, vector<16xf32>, vector<16xf32>, vector<16xf32>, vector<16xf32>, vector<16xf32>, vector<16xf32>, vector<16xf32>, vector<16xf32>, vector<16xf32>, vector<16xf32>, vector<16xf32>, vector<16xf32>, vector<16xf32>, vector<16xf32>, vector<16xf32>, vector<16xf32>
      }
      %scan3A_898 = arith.constant 16 : i32
      %swap3A_899 = arith.constant 0 : index
      %swap3A_900 = tpu.vector_load %arg16[%swap3A_899] {strides = array<i32>} : memref<512xf32, #tpu.memory_space<vmem>>, vector<16xf32>,
      tpu.vector_store %arg16[%swap3A_899], %scan3A_897#0 {strides = array<i32>} : memref<512xf32, #tpu.memory_space<vmem>>, vector<16xf32>,
      %swap3A_901 = arith.constant 16 : index
      %swap3A_902 = tpu.vector_load %arg16[%swap3A_901] {strides = array<i32>} : memref<512xf32, #tpu.memory_space<vmem>>, vector<16xf32>,
      tpu.vector_store %arg16[%swap3A_901], %scan3A_897#1 {strides = array<i32>} : memref<512xf32, #tpu.memory_space<vmem>>, vector<16xf32>,
      %swap3A_903 = arith.constant 32 : index
      %swap3A_904 = tpu.vector_load %arg16[%swap3A_903] {strides = array<i32>} : memref<512xf32, #tpu.memory_space<vmem>>, vector<16xf32>,
      tpu.vector_store %arg16[%swap3A_903], %scan3A_897#2 {strides = array<i32>} : memref<512xf32, #tpu.memory_space<vmem>>, vector<16xf32>,
      %swap3A_905 = arith.constant 48 : index
      %swap3A_906 = tpu.vector_load %arg16[%swap3A_905] {strides = array<i32>} : memref<512xf32, #tpu.memory_space<vmem>>, vector<16xf32>,
      tpu.vector_store %arg16[%swap3A_905], %scan3A_897#3 {strides = array<i32>} : memref<512xf32, #tpu.memory_space<vmem>>, vector<16xf32>,
      %swap3A_907 = arith.constant 64 : index
      %swap3A_908 = tpu.vector_load %arg16[%swap3A_907] {strides = array<i32>} : memref<512xf32, #tpu.memory_space<vmem>>, vector<16xf32>,
      tpu.vector_store %arg16[%swap3A_907], %scan3A_897#4 {strides = array<i32>} : memref<512xf32, #tpu.memory_space<vmem>>, vector<16xf32>,
      %swap3A_909 = arith.constant 80 : index
      %swap3A_910 = tpu.vector_load %arg16[%swap3A_909] {strides = array<i32>} : memref<512xf32, #tpu.memory_space<vmem>>, vector<16xf32>,
      tpu.vector_store %arg16[%swap3A_909], %scan3A_897#5 {strides = array<i32>} : memref<512xf32, #tpu.memory_space<vmem>>, vector<16xf32>,
      %swap3A_911 = arith.constant 96 : index
      %swap3A_912 = tpu.vector_load %arg16[%swap3A_911] {strides = array<i32>} : memref<512xf32, #tpu.memory_space<vmem>>, vector<16xf32>,
      tpu.vector_store %arg16[%swap3A_911], %scan3A_897#6 {strides = array<i32>} : memref<512xf32, #tpu.memory_space<vmem>>, vector<16xf32>,
      %swap3A_913 = arith.constant 112 : index
      %swap3A_914 = tpu.vector_load %arg16[%swap3A_913] {strides = array<i32>} : memref<512xf32, #tpu.memory_space<vmem>>, vector<16xf32>,
      tpu.vector_store %arg16[%swap3A_913], %scan3A_897#7 {strides = array<i32>} : memref<512xf32, #tpu.memory_space<vmem>>, vector<16xf32>,
      %swap3A_915 = arith.constant 128 : index
      %swap3A_916 = tpu.vector_load %arg16[%swap3A_915] {strides = array<i32>} : memref<512xf32, #tpu.memory_space<vmem>>, vector<16xf32>,
      tpu.vector_store %arg16[%swap3A_915], %scan3A_897#8 {strides = array<i32>} : memref<512xf32, #tpu.memory_space<vmem>>, vector<16xf32>,
      %swap3A_917 = arith.constant 144 : index
      %swap3A_918 = tpu.vector_load %arg16[%swap3A_917] {strides = array<i32>} : memref<512xf32, #tpu.memory_space<vmem>>, vector<16xf32>,
      tpu.vector_store %arg16[%swap3A_917], %scan3A_897#9 {strides = array<i32>} : memref<512xf32, #tpu.memory_space<vmem>>, vector<16xf32>,
      %swap3A_919 = arith.constant 160 : index
      %swap3A_920 = tpu.vector_load %arg16[%swap3A_919] {strides = array<i32>} : memref<512xf32, #tpu.memory_space<vmem>>, vector<16xf32>,
      tpu.vector_store %arg16[%swap3A_919], %scan3A_897#10 {strides = array<i32>} : memref<512xf32, #tpu.memory_space<vmem>>, vector<16xf32>,
      %swap3A_921 = arith.constant 176 : index
      %swap3A_922 = tpu.vector_load %arg16[%swap3A_921] {strides = array<i32>} : memref<512xf32, #tpu.memory_space<vmem>>, vector<16xf32>,
      tpu.vector_store %arg16[%swap3A_921], %scan3A_897#11 {strides = array<i32>} : memref<512xf32, #tpu.memory_space<vmem>>, vector<16xf32>,
      %swap3A_923 = arith.constant 192 : index
      %swap3A_924 = tpu.vector_load %arg16[%swap3A_923] {strides = array<i32>} : memref<512xf32, #tpu.memory_space<vmem>>, vector<16xf32>,
      tpu.vector_store %arg16[%swap3A_923], %scan3A_897#12 {strides = array<i32>} : memref<512xf32, #tpu.memory_space<vmem>>, vector<16xf32>,
      %swap3A_925 = arith.constant 208 : index
      %swap3A_926 = tpu.vector_load %arg16[%swap3A_925] {strides = array<i32>} : memref<512xf32, #tpu.memory_space<vmem>>, vector<16xf32>,
      tpu.vector_store %arg16[%swap3A_925], %scan3A_897#13 {strides = array<i32>} : memref<512xf32, #tpu.memory_space<vmem>>, vector<16xf32>,
      %swap3A_927 = arith.constant 224 : index
      %swap3A_928 = tpu.vector_load %arg16[%swap3A_927] {strides = array<i32>} : memref<512xf32, #tpu.memory_space<vmem>>, vector<16xf32>,
      tpu.vector_store %arg16[%swap3A_927], %scan3A_897#14 {strides = array<i32>} : memref<512xf32, #tpu.memory_space<vmem>>, vector<16xf32>,
      %swap3A_929 = arith.constant 240 : index
      %swap3A_930 = tpu.vector_load %arg16[%swap3A_929] {strides = array<i32>} : memref<512xf32, #tpu.memory_space<vmem>>, vector<16xf32>,
      tpu.vector_store %arg16[%swap3A_929], %scan3A_897#15 {strides = array<i32>} : memref<512xf32, #tpu.memory_space<vmem>>, vector<16xf32>,
      %swap3A_931 = arith.constant 256 : index
      %swap3A_932 = tpu.vector_load %arg16[%swap3A_931] {strides = array<i32>} : memref<512xf32, #tpu.memory_space<vmem>>, vector<16xf32>,
      tpu.vector_store %arg16[%swap3A_931], %scan3A_897#16 {strides = array<i32>} : memref<512xf32, #tpu.memory_space<vmem>>, vector<16xf32>,
      %swap3A_933 = arith.constant 272 : index
      %swap3A_934 = tpu.vector_load %arg16[%swap3A_933] {strides = array<i32>} : memref<512xf32, #tpu.memory_space<vmem>>, vector<16xf32>,
      tpu.vector_store %arg16[%swap3A_933], %scan3A_897#17 {strides = array<i32>} : memref<512xf32, #tpu.memory_space<vmem>>, vector<16xf32>,
      %swap3A_935 = arith.constant 288 : index
      %swap3A_936 = tpu.vector_load %arg16[%swap3A_935] {strides = array<i32>} : memref<512xf32, #tpu.memory_space<vmem>>, vector<16xf32>,
      tpu.vector_store %arg16[%swap3A_935], %scan3A_897#18 {strides = array<i32>} : memref<512xf32, #tpu.memory_space<vmem>>, vector<16xf32>,
      %swap3A_937 = arith.constant 304 : index
      %swap3A_938 = tpu.vector_load %arg16[%swap3A_937] {strides = array<i32>} : memref<512xf32, #tpu.memory_space<vmem>>, vector<16xf32>,
      tpu.vector_store %arg16[%swap3A_937], %scan3A_897#19 {strides = array<i32>} : memref<512xf32, #tpu.memory_space<vmem>>, vector<16xf32>,
      %swap3A_939 = arith.constant 320 : index
      %swap3A_940 = tpu.vector_load %arg16[%swap3A_939] {strides = array<i32>} : memref<512xf32, #tpu.memory_space<vmem>>, vector<16xf32>,
      tpu.vector_store %arg16[%swap3A_939], %scan3A_897#20 {strides = array<i32>} : memref<512xf32, #tpu.memory_space<vmem>>, vector<16xf32>,
      %swap3A_941 = arith.constant 336 : index
      %swap3A_942 = tpu.vector_load %arg16[%swap3A_941] {strides = array<i32>} : memref<512xf32, #tpu.memory_space<vmem>>, vector<16xf32>,
      tpu.vector_store %arg16[%swap3A_941], %scan3A_897#21 {strides = array<i32>} : memref<512xf32, #tpu.memory_space<vmem>>, vector<16xf32>,
      %swap3A_943 = arith.constant 352 : index
      %swap3A_944 = tpu.vector_load %arg16[%swap3A_943] {strides = array<i32>} : memref<512xf32, #tpu.memory_space<vmem>>, vector<16xf32>,
      tpu.vector_store %arg16[%swap3A_943], %scan3A_897#22 {strides = array<i32>} : memref<512xf32, #tpu.memory_space<vmem>>, vector<16xf32>,
      %swap3A_945 = arith.constant 368 : index
      %swap3A_946 = tpu.vector_load %arg16[%swap3A_945] {strides = array<i32>} : memref<512xf32, #tpu.memory_space<vmem>>, vector<16xf32>,
      tpu.vector_store %arg16[%swap3A_945], %scan3A_897#23 {strides = array<i32>} : memref<512xf32, #tpu.memory_space<vmem>>, vector<16xf32>,
      %swap3A_947 = arith.constant 384 : index
      %swap3A_948 = tpu.vector_load %arg16[%swap3A_947] {strides = array<i32>} : memref<512xf32, #tpu.memory_space<vmem>>, vector<16xf32>,
      tpu.vector_store %arg16[%swap3A_947], %scan3A_897#24 {strides = array<i32>} : memref<512xf32, #tpu.memory_space<vmem>>, vector<16xf32>,
      %broadcast_in_dim3A_949 = arith.constant 0.000000e+00 : f32
      %broadcast_in_dim3A_950 = vector.broadcast %broadcast_in_dim3A_949 : f32 to vector<16xf32>
      %swap3A_951 = arith.constant 400 : index
      %swap3A_952 = tpu.vector_load %arg16[%swap3A_951] {strides = array<i32>} : memref<512xf32, #tpu.memory_space<vmem>>, vector<16xf32>,
      tpu.vector_store %arg16[%swap3A_951], %broadcast_in_dim3A_950 {strides = array<i32>} : memref<512xf32, #tpu.memory_space<vmem>>, vector<16xf32>,
      "tpu.region"() ({
        %run_scoped3A_953 = tpu.sem_alloc : memref<!tpu.dma_semaphore, #tpu.memory_space<semaphore_mem>>
        %dma_start3A_954 = arith.constant 0 : i32
        %dma_start3A_955 = tpu.memref_slice %arg5[%arg0, %dma_start3A_954] : memref<2x512xf32, #tpu.memory_space<hbm>> -> memref<1x512xf32, #tpu.memory_space<hbm>>
        %dma_start3A_956 = tpu.memref_squeeze %dma_start3A_955 : memref<1x512xf32, #tpu.memory_space<hbm>> -> memref<512xf32, #tpu.memory_space<hbm>>
        %dma_start3A_957 = arith.constant 0 : i32
        %dma_start3A_958 = tpu.memref_slice %arg5[%arg0, %dma_start3A_957] : memref<2x512xf32, #tpu.memory_space<hbm>> -> memref<1x512xf32, #tpu.memory_space<hbm>>
        %dma_start3A_959 = tpu.memref_squeeze %dma_start3A_958 : memref<1x512xf32, #tpu.memory_space<hbm>> -> memref<512xf32, #tpu.memory_space<hbm>>
        tpu.enqueue_dma source(%arg16 : memref<512xf32, #tpu.memory_space<vmem>>) target(%dma_start3A_959 : memref<512xf32, #tpu.memory_space<hbm>>) target_semaphore(%run_scoped3A_953 : memref<!tpu.dma_semaphore, #tpu.memory_space<semaphore_mem>>)
        %dma_wait3A_960 = arith.constant 0 : i32
        %dma_wait3A_961 = tpu.memref_slice %arg5[%arg0, %dma_wait3A_960] : memref<2x512xf32, #tpu.memory_space<hbm>> -> memref<1x512xf32, #tpu.memory_space<hbm>>
        %dma_wait3A_962 = tpu.memref_squeeze %dma_wait3A_961 : memref<1x512xf32, #tpu.memory_space<hbm>> -> memref<512xf32, #tpu.memory_space<hbm>>
        %dma_wait3A_963 = arith.constant 0 : i32
        %dma_wait3A_964 = tpu.memref_slice %arg5[%arg0, %dma_wait3A_963] : memref<2x512xf32, #tpu.memory_space<hbm>> -> memref<1x512xf32, #tpu.memory_space<hbm>>
        %dma_wait3A_965 = tpu.memref_squeeze %dma_wait3A_964 : memref<1x512xf32, #tpu.memory_space<hbm>> -> memref<512xf32, #tpu.memory_space<hbm>>
        tpu.wait_dma2 semaphore(%run_scoped3A_953 : memref<!tpu.dma_semaphore, #tpu.memory_space<semaphore_mem>>) src(%arg16 : memref<512xf32, #tpu.memory_space<vmem>>) dst(%dma_wait3A_965 : memref<512xf32, #tpu.memory_space<hbm>>)
        tpu.yield
      }) : () -> ()
    } else {
    }
    %mul3A_879 = arith.constant 2048 : i32
    %mul3A_880 = arith.muli %add3A, %mul3A_879 : i32
    %mul3A_881 = arith.constant 2048 : i32
    %mul3A_882 = arith.muli %add3A, %mul3A_881 : i32
    %dma_wait3A_883 = tpu.memref_slice %arg6[%mul3A_882] : memref<65536xf32, #tpu.memory_space<hbm>> -> memref<2048xf32, #tpu.memory_space<hbm>>
    %dma_wait3A_884 = tpu.memref_slice %arg21[%mul3A_880] : memref<65536xf32, #tpu.memory_space<vmem_shared>> -> memref<2048xf32, #tpu.memory_space<vmem_shared>>
    tpu.wait_dma2 semaphore(%arg27 : memref<!tpu.dma_semaphore, #tpu.memory_space<semaphore_mem>>) src(%dma_wait3A_884 : memref<2048xf32, #tpu.memory_space<vmem_shared>>) dst(%dma_wait3A_883 : memref<2048xf32, #tpu.memory_space<hbm>>)
    %mul3A_885 = arith.constant 2048 : i32
    %mul3A_886 = arith.muli %add3A, %mul3A_885 : i32
    %mul3A_887 = arith.constant 2048 : i32
    %mul3A_888 = arith.muli %add3A, %mul3A_887 : i32
    %dma_wait3A_889 = tpu.memref_slice %arg7[%mul3A_888] : memref<65536xf32, #tpu.memory_space<hbm>> -> memref<2048xf32, #tpu.memory_space<hbm>>
    %dma_wait3A_890 = tpu.memref_slice %arg22[%mul3A_886] : memref<65536xf32, #tpu.memory_space<vmem_shared>> -> memref<2048xf32, #tpu.memory_space<vmem_shared>>
    tpu.wait_dma2 semaphore(%arg27 : memref<!tpu.dma_semaphore, #tpu.memory_space<semaphore_mem>>) src(%dma_wait3A_890 : memref<2048xf32, #tpu.memory_space<vmem_shared>>) dst(%dma_wait3A_889 : memref<2048xf32, #tpu.memory_space<hbm>>)
    return
  }
}

#map = affine_map<(d0, d1) -> (0, 0)>
#map1 = affine_map<(d0, d1) -> (0)>
module attributes {stable_mosaic.version = 14 : i64} {
  func.func @new_body(%arg0: i32, %arg1: i32, %arg2: memref<65536x128xf32, #tpu.memory_space<hbm>>, %arg3: memref<2x512xf32, #tpu.memory_space<hbm>>, %arg4: memref<65536xf32, #tpu.memory_space<hbm>>, %arg5: memref<65536xf32, #tpu.memory_space<hbm>>, %arg6: memref<65536x128xf32, #tpu.memory_space<hbm>>, %arg7: memref<65536x128xf32, #tpu.memory_space<hbm>>, %arg8: memref<4x128x128xf32, #tpu.memory_space<vmem>>, %arg9: memref<2x512xf32, #tpu.memory_space<vmem>>, %arg10: memref<2064xf32, #tpu.memory_space<vmem>>, %arg11: memref<2064xf32, #tpu.memory_space<vmem>>, %arg12: memref<2304xi32, #tpu.memory_space<vmem>>, %arg13: memref<4x128xi32, #tpu.memory_space<vmem>>, %arg14: memref<!tpu.dma_semaphore, #tpu.memory_space<semaphore_mem>>, %arg15: memref<!tpu.dma_semaphore, #tpu.memory_space<semaphore_mem>>, %arg16: memref<!tpu.dma_semaphore, #tpu.memory_space<semaphore_mem>>, %arg17: memref<!tpu.dma_semaphore, #tpu.memory_space<semaphore_mem>>, %arg18: memref<!tpu.dma_semaphore, #tpu.memory_space<semaphore_mem>>, %arg19: memref<!tpu.dma_semaphore, #tpu.memory_space<semaphore_mem>>, %arg20: memref<!tpu.dma_semaphore, #tpu.memory_space<semaphore_mem>>, %arg21: memref<!tpu.dma_semaphore, #tpu.memory_space<semaphore_mem>>, %arg22: memref<!tpu.dma_semaphore, #tpu.memory_space<semaphore_mem>>) attributes {dimension_semantics = [#tpu.dimension_semantics<core_parallel>, #tpu.dimension_semantics<subcore_parallel>], iteration_bounds = array<i64: 2, 16>, scalar_prefetch = 0 : i64, scratch_operands = 15 : i64, tpu.core_type = #tpu.core_type<sc_vector_subcore>, window_params = [{transform_indices = #map}, {transform_indices = #map}, {transform_indices = #map1}, {transform_indices = #map1}, {transform_indices = #map}, {transform_indices = #map}]} {
    %mul3A = arith.constant 2 : i32
    %mul3A_0 = arith.muli %arg1, %mul3A : i32
    %add3A = arith.addi %mul3A_0, %arg0 : i32
    %mul3A_1 = arith.constant 2048 : i32
    %mul3A_2 = arith.muli %add3A, %mul3A_1 : i32
    tpu.enqueue_dma source(%arg3 : memref<2x512xf32, #tpu.memory_space<hbm>>) target(%arg9 : memref<2x512xf32, #tpu.memory_space<vmem>>) target_semaphore(%arg22 : memref<!tpu.dma_semaphore, #tpu.memory_space<semaphore_mem>>)
    %dma_start3A = arith.constant 0 : i32
    %dma_start3A_3 = tpu.memref_slice %arg10[%dma_start3A] : memref<2064xf32, #tpu.memory_space<vmem>> -> memref<2048xf32, #tpu.memory_space<vmem>>
    %dma_start3A_4 = tpu.memref_slice %arg4[%mul3A_2] : memref<65536xf32, #tpu.memory_space<hbm>> -> memref<2048xf32, #tpu.memory_space<hbm>>
    %dma_start3A_5 = arith.constant 0 : i32
    %dma_start3A_6 = tpu.memref_slice %arg10[%dma_start3A_5] : memref<2064xf32, #tpu.memory_space<vmem>> -> memref<2048xf32, #tpu.memory_space<vmem>>
    %dma_start3A_7 = tpu.memref_slice %arg4[%mul3A_2] : memref<65536xf32, #tpu.memory_space<hbm>> -> memref<2048xf32, #tpu.memory_space<hbm>>
    tpu.enqueue_dma source(%dma_start3A_7 : memref<2048xf32, #tpu.memory_space<hbm>>) target(%dma_start3A_6 : memref<2048xf32, #tpu.memory_space<vmem>>) target_semaphore(%arg14 : memref<!tpu.dma_semaphore, #tpu.memory_space<semaphore_mem>>)
    %dma_start3A_8 = arith.constant 0 : i32
    %dma_start3A_9 = tpu.memref_slice %arg11[%dma_start3A_8] : memref<2064xf32, #tpu.memory_space<vmem>> -> memref<2048xf32, #tpu.memory_space<vmem>>
    %dma_start3A_10 = tpu.memref_slice %arg5[%mul3A_2] : memref<65536xf32, #tpu.memory_space<hbm>> -> memref<2048xf32, #tpu.memory_space<hbm>>
    %dma_start3A_11 = arith.constant 0 : i32
    %dma_start3A_12 = tpu.memref_slice %arg11[%dma_start3A_11] : memref<2064xf32, #tpu.memory_space<vmem>> -> memref<2048xf32, #tpu.memory_space<vmem>>
    %dma_start3A_13 = tpu.memref_slice %arg5[%mul3A_2] : memref<65536xf32, #tpu.memory_space<hbm>> -> memref<2048xf32, #tpu.memory_space<hbm>>
    tpu.enqueue_dma source(%dma_start3A_13 : memref<2048xf32, #tpu.memory_space<hbm>>) target(%dma_start3A_12 : memref<2048xf32, #tpu.memory_space<vmem>>) target_semaphore(%arg14 : memref<!tpu.dma_semaphore, #tpu.memory_space<semaphore_mem>>)
    %dma_wait3A = arith.constant 0 : i32
    %dma_wait3A_14 = tpu.memref_slice %arg10[%dma_wait3A] : memref<2064xf32, #tpu.memory_space<vmem>> -> memref<2048xf32, #tpu.memory_space<vmem>>
    %dma_wait3A_15 = tpu.memref_slice %arg4[%mul3A_2] : memref<65536xf32, #tpu.memory_space<hbm>> -> memref<2048xf32, #tpu.memory_space<hbm>>
    %dma_wait3A_16 = arith.constant 0 : i32
    %dma_wait3A_17 = tpu.memref_slice %arg10[%dma_wait3A_16] : memref<2064xf32, #tpu.memory_space<vmem>> -> memref<2048xf32, #tpu.memory_space<vmem>>
    %dma_wait3A_18 = tpu.memref_slice %arg4[%mul3A_2] : memref<65536xf32, #tpu.memory_space<hbm>> -> memref<2048xf32, #tpu.memory_space<hbm>>
    tpu.wait_dma2 semaphore(%arg14 : memref<!tpu.dma_semaphore, #tpu.memory_space<semaphore_mem>>) src(%dma_wait3A_18 : memref<2048xf32, #tpu.memory_space<hbm>>) dst(%dma_wait3A_17 : memref<2048xf32, #tpu.memory_space<vmem>>)
    %dma_wait3A_19 = arith.constant 0 : i32
    %dma_wait3A_20 = tpu.memref_slice %arg11[%dma_wait3A_19] : memref<2064xf32, #tpu.memory_space<vmem>> -> memref<2048xf32, #tpu.memory_space<vmem>>
    %dma_wait3A_21 = tpu.memref_slice %arg5[%mul3A_2] : memref<65536xf32, #tpu.memory_space<hbm>> -> memref<2048xf32, #tpu.memory_space<hbm>>
    %dma_wait3A_22 = arith.constant 0 : i32
    %dma_wait3A_23 = tpu.memref_slice %arg11[%dma_wait3A_22] : memref<2064xf32, #tpu.memory_space<vmem>> -> memref<2048xf32, #tpu.memory_space<vmem>>
    %dma_wait3A_24 = tpu.memref_slice %arg5[%mul3A_2] : memref<65536xf32, #tpu.memory_space<hbm>> -> memref<2048xf32, #tpu.memory_space<hbm>>
    tpu.wait_dma2 semaphore(%arg14 : memref<!tpu.dma_semaphore, #tpu.memory_space<semaphore_mem>>) src(%dma_wait3A_24 : memref<2048xf32, #tpu.memory_space<hbm>>) dst(%dma_wait3A_23 : memref<2048xf32, #tpu.memory_space<vmem>>)
    %iota3A = tpu.iota {dimensions = array<i32: 0>} : vector<16xi32>
    "tpu.trace_start"() <{level = 10 : i32, message = "bld"}> : () -> ()
    %scan3A = arith.constant 0 : i32
    %scan3A_25 = arith.constant 0 : i32
    %scan3A_26 = arith.constant 128 : i32
    %scan3A_27 = arith.addi %scan3A_25, %scan3A_26 : i32
    %scan3A_28 = arith.constant 2 : i32
    %scan3A_29 = scf.for %scan3A_407 = %scan3A_25 to %scan3A_27 step %scan3A_28 iter_args(%scan3A_408 = %scan3A) -> (i32)  : i32 {
      %mul3A_409 = arith.constant 16 : i32
      %mul3A_410 = arith.muli %scan3A_407, %mul3A_409 : i32
      %get3A_411 = arith.index_cast %mul3A_410 : i32 to index
      %get3A_412 = tpu.vector_load %arg10[%get3A_411] {strides = array<i32>} : memref<2064xf32, #tpu.memory_space<vmem>>, vector<16xf32>,
      %mul3A_413 = arith.constant 16 : i32
      %mul3A_414 = arith.muli %scan3A_407, %mul3A_413 : i32
      %get3A_415 = arith.index_cast %mul3A_414 : i32 to index
      %get3A_416 = tpu.vector_load %arg11[%get3A_415] {strides = array<i32>} : memref<2064xf32, #tpu.memory_space<vmem>>, vector<16xf32>,
      %gt3A_417 = arith.constant 0.000000e+00 : f32
      %gt3A_418 = vector.broadcast %gt3A_417 : f32 to vector<16xf32>
      %gt3A_419 = arith.cmpf ogt, %get3A_412, %gt3A_418 : vector<16xf32>
      %gt3A_420 = arith.constant 0.000000e+00 : f32
      %gt3A_421 = vector.broadcast %gt3A_420 : f32 to vector<16xf32>
      %gt3A_422 = arith.cmpf ogt, %get3A_416, %gt3A_421 : vector<16xf32>
      %or3A = arith.ori %gt3A_419, %gt3A_422 : vector<16xi1>
      %jit3A = arith.constant 0 : i32
      %jit3A_423 = arith.constant 1 : i32
      %broadcast_in_dim3A_424 = vector.broadcast %jit3A : i32 to vector<16xi32>
      %broadcast_in_dim3A_425 = vector.broadcast %jit3A_423 : i32 to vector<16xi32>
      %select_n3A_426 = arith.select %or3A, %broadcast_in_dim3A_424, %broadcast_in_dim3A_425 : vector<16xi1>, vector<16xi32>
      %mul3A_427 = arith.constant 16 : i32
      %mul3A_428 = arith.muli %scan3A_407, %mul3A_427 : i32
      %add3A_429 = arith.addi %mul3A_2, %mul3A_428 : i32
      %broadcast_in_dim3A_430 = vector.broadcast %add3A_429 : i32 to vector<16xi32>
      %add3A_431 = arith.addi %broadcast_in_dim3A_430, %iota3A : vector<16xi32>
      %shift_left3A = arith.constant 2 : i32
      %shift_left3A_432 = vector.broadcast %shift_left3A : i32 to vector<16xi32>
      %shift_left3A_433 = arith.shli %add3A_431, %shift_left3A_432 : vector<16xi32>
      %gt3A_434 = arith.constant 0.000000e+00 : f32
      %gt3A_435 = vector.broadcast %gt3A_434 : f32 to vector<16xf32>
      %gt3A_436 = arith.cmpf ogt, %get3A_412, %gt3A_435 : vector<16xf32>
      %jit3A_437 = arith.constant 2 : i32
      %jit3A_438 = arith.constant 0 : i32
      %broadcast_in_dim3A_439 = vector.broadcast %jit3A_437 : i32 to vector<16xi32>
      %broadcast_in_dim3A_440 = vector.broadcast %jit3A_438 : i32 to vector<16xi32>
      %select_n3A_441 = arith.select %gt3A_436, %broadcast_in_dim3A_439, %broadcast_in_dim3A_440 : vector<16xi1>, vector<16xi32>
      %or3A_442 = arith.ori %shift_left3A_433, %select_n3A_441 : vector<16xi32>
      %gt3A_443 = arith.constant 0.000000e+00 : f32
      %gt3A_444 = vector.broadcast %gt3A_443 : f32 to vector<16xf32>
      %gt3A_445 = arith.cmpf ogt, %get3A_416, %gt3A_444 : vector<16xf32>
      %jit3A_446 = arith.constant 1 : i32
      %jit3A_447 = arith.constant 0 : i32
      %broadcast_in_dim3A_448 = vector.broadcast %jit3A_446 : i32 to vector<16xi32>
      %broadcast_in_dim3A_449 = vector.broadcast %jit3A_447 : i32 to vector<16xi32>
      %select_n3A_450 = arith.select %gt3A_445, %broadcast_in_dim3A_448, %broadcast_in_dim3A_449 : vector<16xi1>, vector<16xi32>
      %or3A_451 = arith.ori %or3A_442, %select_n3A_450 : vector<16xi32>
      %masked_sort3A = arith.constant dense<true> : vector<16xi1>
      %masked_sort3A_452 = arith.constant -2147483648 : i32
      %masked_sort3A_453 = vector.broadcast %masked_sort3A_452 : i32 to vector<16xi32>
      %masked_sort3A_454 = arith.xori %select_n3A_426, %masked_sort3A_453 : vector<16xi32>
      %masked_sort3A_455, %masked_sort3A_456, %masked_sort3A_457 = tpu.sort %masked_sort3A_454, %or3A_451 masked %masked_sort3A : (vector<16xi32>, vector<16xi32>, vector<16xi1>) -> (vector<16xi1>, vector<16xi32>, vector<16xi32>)
      %masked_sort3A_458 = arith.xori %masked_sort3A_456, %masked_sort3A_453 : vector<16xi32>
      %swap3A_459 = arith.index_cast %scan3A_408 : i32 to index
      %swap3A_460 = tpu.vector_load %arg12[%swap3A_459] {strides = array<i32>} : memref<2304xi32, #tpu.memory_space<vmem>>, vector<16xi32>,
      tpu.vector_store %arg12[%swap3A_459], %masked_sort3A_457 {strides = array<i32>} : memref<2304xi32, #tpu.memory_space<vmem>>, vector<16xi32>,
      %all_reduce_population_count3A = tpu.all_reduce %or3A {dim = 0 : i64, kind = #tpu.reduction_kind<sum>} : vector<16xi1> -> vector<16xi32>
      %slice3A_461 = vector.extract_strided_slice %all_reduce_population_count3A {offsets = [0], sizes = [1], strides = [1]} : vector<16xi32> to vector<1xi32>
      %squeeze3A_462 = vector.extract %slice3A_461[0] : i32 from vector<1xi32>
      %add3A_463 = arith.addi %scan3A_408, %squeeze3A_462 : i32
      %scan3A_464 = arith.constant 1 : i32
      %scan3A_465 = arith.addi %scan3A_407, %scan3A_464 : i32
      %mul3A_466 = arith.constant 16 : i32
      %mul3A_467 = arith.muli %scan3A_465, %mul3A_466 : i32
      %get3A_468 = arith.index_cast %mul3A_467 : i32 to index
      %get3A_469 = tpu.vector_load %arg10[%get3A_468] {strides = array<i32>} : memref<2064xf32, #tpu.memory_space<vmem>>, vector<16xf32>,
      %mul3A_470 = arith.constant 16 : i32
      %mul3A_471 = arith.muli %scan3A_465, %mul3A_470 : i32
      %get3A_472 = arith.index_cast %mul3A_471 : i32 to index
      %get3A_473 = tpu.vector_load %arg11[%get3A_472] {strides = array<i32>} : memref<2064xf32, #tpu.memory_space<vmem>>, vector<16xf32>,
      %gt3A_474 = arith.constant 0.000000e+00 : f32
      %gt3A_475 = vector.broadcast %gt3A_474 : f32 to vector<16xf32>
      %gt3A_476 = arith.cmpf ogt, %get3A_469, %gt3A_475 : vector<16xf32>
      %gt3A_477 = arith.constant 0.000000e+00 : f32
      %gt3A_478 = vector.broadcast %gt3A_477 : f32 to vector<16xf32>
      %gt3A_479 = arith.cmpf ogt, %get3A_473, %gt3A_478 : vector<16xf32>
      %or3A_480 = arith.ori %gt3A_476, %gt3A_479 : vector<16xi1>
      %jit3A_481 = arith.constant 0 : i32
      %jit3A_482 = arith.constant 1 : i32
      %broadcast_in_dim3A_483 = vector.broadcast %jit3A_481 : i32 to vector<16xi32>
      %broadcast_in_dim3A_484 = vector.broadcast %jit3A_482 : i32 to vector<16xi32>
      %select_n3A_485 = arith.select %or3A_480, %broadcast_in_dim3A_483, %broadcast_in_dim3A_484 : vector<16xi1>, vector<16xi32>
      %mul3A_486 = arith.constant 16 : i32
      %mul3A_487 = arith.muli %scan3A_465, %mul3A_486 : i32
      %add3A_488 = arith.addi %mul3A_2, %mul3A_487 : i32
      %broadcast_in_dim3A_489 = vector.broadcast %add3A_488 : i32 to vector<16xi32>
      %add3A_490 = arith.addi %broadcast_in_dim3A_489, %iota3A : vector<16xi32>
      %shift_left3A_491 = arith.constant 2 : i32
      %shift_left3A_492 = vector.broadcast %shift_left3A_491 : i32 to vector<16xi32>
      %shift_left3A_493 = arith.shli %add3A_490, %shift_left3A_492 : vector<16xi32>
      %gt3A_494 = arith.constant 0.000000e+00 : f32
      %gt3A_495 = vector.broadcast %gt3A_494 : f32 to vector<16xf32>
      %gt3A_496 = arith.cmpf ogt, %get3A_469, %gt3A_495 : vector<16xf32>
      %jit3A_497 = arith.constant 2 : i32
      %jit3A_498 = arith.constant 0 : i32
      %broadcast_in_dim3A_499 = vector.broadcast %jit3A_497 : i32 to vector<16xi32>
      %broadcast_in_dim3A_500 = vector.broadcast %jit3A_498 : i32 to vector<16xi32>
      %select_n3A_501 = arith.select %gt3A_496, %broadcast_in_dim3A_499, %broadcast_in_dim3A_500 : vector<16xi1>, vector<16xi32>
      %or3A_502 = arith.ori %shift_left3A_493, %select_n3A_501 : vector<16xi32>
      %gt3A_503 = arith.constant 0.000000e+00 : f32
      %gt3A_504 = vector.broadcast %gt3A_503 : f32 to vector<16xf32>
      %gt3A_505 = arith.cmpf ogt, %get3A_473, %gt3A_504 : vector<16xf32>
      %jit3A_506 = arith.constant 1 : i32
      %jit3A_507 = arith.constant 0 : i32
      %broadcast_in_dim3A_508 = vector.broadcast %jit3A_506 : i32 to vector<16xi32>
      %broadcast_in_dim3A_509 = vector.broadcast %jit3A_507 : i32 to vector<16xi32>
      %select_n3A_510 = arith.select %gt3A_505, %broadcast_in_dim3A_508, %broadcast_in_dim3A_509 : vector<16xi1>, vector<16xi32>
      %or3A_511 = arith.ori %or3A_502, %select_n3A_510 : vector<16xi32>
      %masked_sort3A_512 = arith.constant dense<true> : vector<16xi1>
      %masked_sort3A_513 = arith.constant -2147483648 : i32
      %masked_sort3A_514 = vector.broadcast %masked_sort3A_513 : i32 to vector<16xi32>
      %masked_sort3A_515 = arith.xori %select_n3A_485, %masked_sort3A_514 : vector<16xi32>
      %masked_sort3A_516, %masked_sort3A_517, %masked_sort3A_518 = tpu.sort %masked_sort3A_515, %or3A_511 masked %masked_sort3A_512 : (vector<16xi32>, vector<16xi32>, vector<16xi1>) -> (vector<16xi1>, vector<16xi32>, vector<16xi32>)
      %masked_sort3A_519 = arith.xori %masked_sort3A_517, %masked_sort3A_514 : vector<16xi32>
      %swap3A_520 = arith.index_cast %add3A_463 : i32 to index
      %swap3A_521 = tpu.vector_load %arg12[%swap3A_520] {strides = array<i32>} : memref<2304xi32, #tpu.memory_space<vmem>>, vector<16xi32>,
      tpu.vector_store %arg12[%swap3A_520], %masked_sort3A_518 {strides = array<i32>} : memref<2304xi32, #tpu.memory_space<vmem>>, vector<16xi32>,
      %all_reduce_population_count3A_522 = tpu.all_reduce %or3A_480 {dim = 0 : i64, kind = #tpu.reduction_kind<sum>} : vector<16xi1> -> vector<16xi32>
      %slice3A_523 = vector.extract_strided_slice %all_reduce_population_count3A_522 {offsets = [0], sizes = [1], strides = [1]} : vector<16xi32> to vector<1xi32>
      %squeeze3A_524 = vector.extract %slice3A_523[0] : i32 from vector<1xi32>
      %add3A_525 = arith.addi %add3A_463, %squeeze3A_524 : i32
      scf.yield %add3A_525 : i32
    }
    %scan3A_30 = arith.constant 128 : i32
    "tpu.trace_stop"() : () -> ()
    %sub3A = arith.constant 1 : i32
    %sub3A_31 = arith.subi %scan3A_29, %sub3A : i32
    %max3A = arith.constant 0 : i32
    %max3A_32 = arith.maxsi %sub3A_31, %max3A : i32
    %get3A = arith.index_cast %max3A_32 : i32 to index
    %get3A_33 = tpu.vector_load %arg12[%get3A] {strides = array<i32>} : memref<2304xi32, #tpu.memory_space<vmem>>, vector<16xi32>,
    %slice3A = vector.extract_strided_slice %get3A_33 {offsets = [0], sizes = [1], strides = [1]} : vector<16xi32> to vector<1xi32>
    %squeeze3A = vector.extract %slice3A[0] : i32 from vector<1xi32>
    %broadcast_in_dim3A = vector.broadcast %squeeze3A : i32 to vector<16xi32>
    %add3A_34 = arith.constant 0 : i32
    %add3A_35 = arith.addi %scan3A_29, %add3A_34 : i32
    %swap3A = arith.index_cast %add3A_35 : i32 to index
    %swap3A_36 = tpu.vector_load %arg12[%swap3A] {strides = array<i32>} : memref<2304xi32, #tpu.memory_space<vmem>>, vector<16xi32>,
    tpu.vector_store %arg12[%swap3A], %broadcast_in_dim3A {strides = array<i32>} : memref<2304xi32, #tpu.memory_space<vmem>>, vector<16xi32>,
    %add3A_37 = arith.constant 16 : i32
    %add3A_38 = arith.addi %scan3A_29, %add3A_37 : i32
    %swap3A_39 = arith.index_cast %add3A_38 : i32 to index
    %swap3A_40 = tpu.vector_load %arg12[%swap3A_39] {strides = array<i32>} : memref<2304xi32, #tpu.memory_space<vmem>>, vector<16xi32>,
    tpu.vector_store %arg12[%swap3A_39], %broadcast_in_dim3A {strides = array<i32>} : memref<2304xi32, #tpu.memory_space<vmem>>, vector<16xi32>,
    %add3A_41 = arith.constant 32 : i32
    %add3A_42 = arith.addi %scan3A_29, %add3A_41 : i32
    %swap3A_43 = arith.index_cast %add3A_42 : i32 to index
    %swap3A_44 = tpu.vector_load %arg12[%swap3A_43] {strides = array<i32>} : memref<2304xi32, #tpu.memory_space<vmem>>, vector<16xi32>,
    tpu.vector_store %arg12[%swap3A_43], %broadcast_in_dim3A {strides = array<i32>} : memref<2304xi32, #tpu.memory_space<vmem>>, vector<16xi32>,
    %add3A_45 = arith.constant 48 : i32
    %add3A_46 = arith.addi %scan3A_29, %add3A_45 : i32
    %swap3A_47 = arith.index_cast %add3A_46 : i32 to index
    %swap3A_48 = tpu.vector_load %arg12[%swap3A_47] {strides = array<i32>} : memref<2304xi32, #tpu.memory_space<vmem>>, vector<16xi32>,
    tpu.vector_store %arg12[%swap3A_47], %broadcast_in_dim3A {strides = array<i32>} : memref<2304xi32, #tpu.memory_space<vmem>>, vector<16xi32>,
    %add3A_49 = arith.constant 64 : i32
    %add3A_50 = arith.addi %scan3A_29, %add3A_49 : i32
    %swap3A_51 = arith.index_cast %add3A_50 : i32 to index
    %swap3A_52 = tpu.vector_load %arg12[%swap3A_51] {strides = array<i32>} : memref<2304xi32, #tpu.memory_space<vmem>>, vector<16xi32>,
    tpu.vector_store %arg12[%swap3A_51], %broadcast_in_dim3A {strides = array<i32>} : memref<2304xi32, #tpu.memory_space<vmem>>, vector<16xi32>,
    %add3A_53 = arith.constant 80 : i32
    %add3A_54 = arith.addi %scan3A_29, %add3A_53 : i32
    %swap3A_55 = arith.index_cast %add3A_54 : i32 to index
    %swap3A_56 = tpu.vector_load %arg12[%swap3A_55] {strides = array<i32>} : memref<2304xi32, #tpu.memory_space<vmem>>, vector<16xi32>,
    tpu.vector_store %arg12[%swap3A_55], %broadcast_in_dim3A {strides = array<i32>} : memref<2304xi32, #tpu.memory_space<vmem>>, vector<16xi32>,
    %add3A_57 = arith.constant 96 : i32
    %add3A_58 = arith.addi %scan3A_29, %add3A_57 : i32
    %swap3A_59 = arith.index_cast %add3A_58 : i32 to index
    %swap3A_60 = tpu.vector_load %arg12[%swap3A_59] {strides = array<i32>} : memref<2304xi32, #tpu.memory_space<vmem>>, vector<16xi32>,
    tpu.vector_store %arg12[%swap3A_59], %broadcast_in_dim3A {strides = array<i32>} : memref<2304xi32, #tpu.memory_space<vmem>>, vector<16xi32>,
    %add3A_61 = arith.constant 112 : i32
    %add3A_62 = arith.addi %scan3A_29, %add3A_61 : i32
    %swap3A_63 = arith.index_cast %add3A_62 : i32 to index
    %swap3A_64 = tpu.vector_load %arg12[%swap3A_63] {strides = array<i32>} : memref<2304xi32, #tpu.memory_space<vmem>>, vector<16xi32>,
    tpu.vector_store %arg12[%swap3A_63], %broadcast_in_dim3A {strides = array<i32>} : memref<2304xi32, #tpu.memory_space<vmem>>, vector<16xi32>,
    %add3A_65 = arith.constant 127 : i32
    %add3A_66 = arith.addi %scan3A_29, %add3A_65 : i32
    %shift_right_logical3A = arith.constant 7 : i32
    %shift_right_logical3A_67 = arith.shrui %add3A_66, %shift_right_logical3A : i32
    %gt3A = arith.constant 0 : i32
    %gt3A_68 = arith.cmpi sgt, %shift_right_logical3A_67, %gt3A : i32
    %convert_element_type3A = arith.extui %gt3A_68 : i1 to i32
    %cond3A = arith.constant 0 : i32
    %cond3A_69 = arith.cmpi ne, %convert_element_type3A, %cond3A : i32
    scf.if %cond3A_69 {
      %get3A_407 = arith.constant 0 : index
      %get3A_408 = tpu.vector_load %arg12[%get3A_407] {strides = array<i32>} : memref<2304xi32, #tpu.memory_space<vmem>>, vector<16xi32>,
      %shift_right_logical3A_409 = arith.constant 2 : i32
      %shift_right_logical3A_410 = vector.broadcast %shift_right_logical3A_409 : i32 to vector<16xi32>
      %shift_right_logical3A_411 = arith.shrui %get3A_408, %shift_right_logical3A_410 : vector<16xi32>
      %swap3A_412 = arith.constant 0 : i32
      %swap3A_413 = arith.index_cast %swap3A_412 : i32 to index
      %swap3A_414 = arith.constant 0 : index
      %swap3A_415 = tpu.vector_load %arg13[%swap3A_413, %swap3A_414] {strides = array<i32>} : memref<4x128xi32, #tpu.memory_space<vmem>>, vector<16xi32>,
      tpu.vector_store %arg13[%swap3A_413, %swap3A_414], %shift_right_logical3A_411 {strides = array<i32>} : memref<4x128xi32, #tpu.memory_space<vmem>>, vector<16xi32>,
      %get3A_416 = arith.constant 16 : index
      %get3A_417 = tpu.vector_load %arg12[%get3A_416] {strides = array<i32>} : memref<2304xi32, #tpu.memory_space<vmem>>, vector<16xi32>,
      %shift_right_logical3A_418 = arith.constant 2 : i32
      %shift_right_logical3A_419 = vector.broadcast %shift_right_logical3A_418 : i32 to vector<16xi32>
      %shift_right_logical3A_420 = arith.shrui %get3A_417, %shift_right_logical3A_419 : vector<16xi32>
      %swap3A_421 = arith.constant 0 : i32
      %swap3A_422 = arith.index_cast %swap3A_421 : i32 to index
      %swap3A_423 = arith.constant 16 : index
      %swap3A_424 = tpu.vector_load %arg13[%swap3A_422, %swap3A_423] {strides = array<i32>} : memref<4x128xi32, #tpu.memory_space<vmem>>, vector<16xi32>,
      tpu.vector_store %arg13[%swap3A_422, %swap3A_423], %shift_right_logical3A_420 {strides = array<i32>} : memref<4x128xi32, #tpu.memory_space<vmem>>, vector<16xi32>,
      %get3A_425 = arith.constant 32 : index
      %get3A_426 = tpu.vector_load %arg12[%get3A_425] {strides = array<i32>} : memref<2304xi32, #tpu.memory_space<vmem>>, vector<16xi32>,
      %shift_right_logical3A_427 = arith.constant 2 : i32
      %shift_right_logical3A_428 = vector.broadcast %shift_right_logical3A_427 : i32 to vector<16xi32>
      %shift_right_logical3A_429 = arith.shrui %get3A_426, %shift_right_logical3A_428 : vector<16xi32>
      %swap3A_430 = arith.constant 0 : i32
      %swap3A_431 = arith.index_cast %swap3A_430 : i32 to index
      %swap3A_432 = arith.constant 32 : index
      %swap3A_433 = tpu.vector_load %arg13[%swap3A_431, %swap3A_432] {strides = array<i32>} : memref<4x128xi32, #tpu.memory_space<vmem>>, vector<16xi32>,
      tpu.vector_store %arg13[%swap3A_431, %swap3A_432], %shift_right_logical3A_429 {strides = array<i32>} : memref<4x128xi32, #tpu.memory_space<vmem>>, vector<16xi32>,
      %get3A_434 = arith.constant 48 : index
      %get3A_435 = tpu.vector_load %arg12[%get3A_434] {strides = array<i32>} : memref<2304xi32, #tpu.memory_space<vmem>>, vector<16xi32>,
      %shift_right_logical3A_436 = arith.constant 2 : i32
      %shift_right_logical3A_437 = vector.broadcast %shift_right_logical3A_436 : i32 to vector<16xi32>
      %shift_right_logical3A_438 = arith.shrui %get3A_435, %shift_right_logical3A_437 : vector<16xi32>
      %swap3A_439 = arith.constant 0 : i32
      %swap3A_440 = arith.index_cast %swap3A_439 : i32 to index
      %swap3A_441 = arith.constant 48 : index
      %swap3A_442 = tpu.vector_load %arg13[%swap3A_440, %swap3A_441] {strides = array<i32>} : memref<4x128xi32, #tpu.memory_space<vmem>>, vector<16xi32>,
      tpu.vector_store %arg13[%swap3A_440, %swap3A_441], %shift_right_logical3A_438 {strides = array<i32>} : memref<4x128xi32, #tpu.memory_space<vmem>>, vector<16xi32>,
      %get3A_443 = arith.constant 64 : index
      %get3A_444 = tpu.vector_load %arg12[%get3A_443] {strides = array<i32>} : memref<2304xi32, #tpu.memory_space<vmem>>, vector<16xi32>,
      %shift_right_logical3A_445 = arith.constant 2 : i32
      %shift_right_logical3A_446 = vector.broadcast %shift_right_logical3A_445 : i32 to vector<16xi32>
      %shift_right_logical3A_447 = arith.shrui %get3A_444, %shift_right_logical3A_446 : vector<16xi32>
      %swap3A_448 = arith.constant 0 : i32
      %swap3A_449 = arith.index_cast %swap3A_448 : i32 to index
      %swap3A_450 = arith.constant 64 : index
      %swap3A_451 = tpu.vector_load %arg13[%swap3A_449, %swap3A_450] {strides = array<i32>} : memref<4x128xi32, #tpu.memory_space<vmem>>, vector<16xi32>,
      tpu.vector_store %arg13[%swap3A_449, %swap3A_450], %shift_right_logical3A_447 {strides = array<i32>} : memref<4x128xi32, #tpu.memory_space<vmem>>, vector<16xi32>,
      %get3A_452 = arith.constant 80 : index
      %get3A_453 = tpu.vector_load %arg12[%get3A_452] {strides = array<i32>} : memref<2304xi32, #tpu.memory_space<vmem>>, vector<16xi32>,
      %shift_right_logical3A_454 = arith.constant 2 : i32
      %shift_right_logical3A_455 = vector.broadcast %shift_right_logical3A_454 : i32 to vector<16xi32>
      %shift_right_logical3A_456 = arith.shrui %get3A_453, %shift_right_logical3A_455 : vector<16xi32>
      %swap3A_457 = arith.constant 0 : i32
      %swap3A_458 = arith.index_cast %swap3A_457 : i32 to index
      %swap3A_459 = arith.constant 80 : index
      %swap3A_460 = tpu.vector_load %arg13[%swap3A_458, %swap3A_459] {strides = array<i32>} : memref<4x128xi32, #tpu.memory_space<vmem>>, vector<16xi32>,
      tpu.vector_store %arg13[%swap3A_458, %swap3A_459], %shift_right_logical3A_456 {strides = array<i32>} : memref<4x128xi32, #tpu.memory_space<vmem>>, vector<16xi32>,
      %get3A_461 = arith.constant 96 : index
      %get3A_462 = tpu.vector_load %arg12[%get3A_461] {strides = array<i32>} : memref<2304xi32, #tpu.memory_space<vmem>>, vector<16xi32>,
      %shift_right_logical3A_463 = arith.constant 2 : i32
      %shift_right_logical3A_464 = vector.broadcast %shift_right_logical3A_463 : i32 to vector<16xi32>
      %shift_right_logical3A_465 = arith.shrui %get3A_462, %shift_right_logical3A_464 : vector<16xi32>
      %swap3A_466 = arith.constant 0 : i32
      %swap3A_467 = arith.index_cast %swap3A_466 : i32 to index
      %swap3A_468 = arith.constant 96 : index
      %swap3A_469 = tpu.vector_load %arg13[%swap3A_467, %swap3A_468] {strides = array<i32>} : memref<4x128xi32, #tpu.memory_space<vmem>>, vector<16xi32>,
      tpu.vector_store %arg13[%swap3A_467, %swap3A_468], %shift_right_logical3A_465 {strides = array<i32>} : memref<4x128xi32, #tpu.memory_space<vmem>>, vector<16xi32>,
      %get3A_470 = arith.constant 112 : index
      %get3A_471 = tpu.vector_load %arg12[%get3A_470] {strides = array<i32>} : memref<2304xi32, #tpu.memory_space<vmem>>, vector<16xi32>,
      %shift_right_logical3A_472 = arith.constant 2 : i32
      %shift_right_logical3A_473 = vector.broadcast %shift_right_logical3A_472 : i32 to vector<16xi32>
      %shift_right_logical3A_474 = arith.shrui %get3A_471, %shift_right_logical3A_473 : vector<16xi32>
      %swap3A_475 = arith.constant 0 : i32
      %swap3A_476 = arith.index_cast %swap3A_475 : i32 to index
      %swap3A_477 = arith.constant 112 : index
      %swap3A_478 = tpu.vector_load %arg13[%swap3A_476, %swap3A_477] {strides = array<i32>} : memref<4x128xi32, #tpu.memory_space<vmem>>, vector<16xi32>,
      tpu.vector_store %arg13[%swap3A_476, %swap3A_477], %shift_right_logical3A_474 {strides = array<i32>} : memref<4x128xi32, #tpu.memory_space<vmem>>, vector<16xi32>,
      %dma_start3A_479 = arith.constant 0 : i32
      %dma_start3A_480 = arith.constant 0 : i32
      %dma_start3A_481 = arith.constant 0 : i32
      %dma_start3A_482 = arith.constant 0 : i32
      %dma_start3A_483 = tpu.memref_slice %arg8[%dma_start3A_480, %dma_start3A_481, %dma_start3A_482] : memref<4x128x128xf32, #tpu.memory_space<vmem>> -> memref<1x128x128xf32, #tpu.memory_space<vmem>>
      %dma_start3A_484 = tpu.memref_squeeze %dma_start3A_483 : memref<1x128x128xf32, #tpu.memory_space<vmem>> -> memref<128x128xf32, #tpu.memory_space<vmem>>
      %dma_start3A_485 = arith.constant 0 : i32
      %dma_start3A_486 = tpu.memref_slice %arg13[%dma_start3A_479, %dma_start3A_485] : memref<4x128xi32, #tpu.memory_space<vmem>> -> memref<1x128xi32, #tpu.memory_space<vmem>>
      %dma_start3A_487 = tpu.memref_squeeze %dma_start3A_486 : memref<1x128xi32, #tpu.memory_space<vmem>> -> memref<128xi32, #tpu.memory_space<vmem>>
      %dma_start3A_488 = arith.constant 0 : i32
      %dma_start3A_489 = arith.constant 0 : i32
      %dma_start3A_490 = tpu.memref_slice %arg2[%dma_start3A_488, %dma_start3A_489] : memref<65536x128xf32, #tpu.memory_space<hbm>> -> memref<65536x128xf32, #tpu.memory_space<hbm>>
      tpu.enqueue_indirect_dma source(%dma_start3A_490 : memref<65536x128xf32, #tpu.memory_space<hbm>>) target(%dma_start3A_484 : memref<128x128xf32, #tpu.memory_space<vmem>>) offsets(%dma_start3A_487 : memref<128xi32, #tpu.memory_space<vmem>>) semaphore(%arg14 : memref<!tpu.dma_semaphore, #tpu.memory_space<semaphore_mem>>)
    } else {
    }
    tpu.wait_dma2 semaphore(%arg22 : memref<!tpu.dma_semaphore, #tpu.memory_space<semaphore_mem>>) src(%arg3 : memref<2x512xf32, #tpu.memory_space<hbm>>) dst(%arg9 : memref<2x512xf32, #tpu.memory_space<vmem>>)
    %get3A_70 = arith.constant 0 : i32
    %get3A_71 = arith.index_cast %get3A_70 : i32 to index
    %get3A_72 = arith.constant 0 : index
    %get3A_73 = tpu.vector_load %arg9[%get3A_71, %get3A_72] {strides = array<i32>} : memref<2x512xf32, #tpu.memory_space<vmem>>, vector<16xf32>,
    %get3A_74 = arith.constant 1 : i32
    %get3A_75 = arith.index_cast %get3A_74 : i32 to index
    %get3A_76 = arith.constant 0 : index
    %get3A_77 = tpu.vector_load %arg9[%get3A_75, %get3A_76] {strides = array<i32>} : memref<2x512xf32, #tpu.memory_space<vmem>>, vector<16xf32>,
    %add3A_78 = arith.addf %get3A_73, %get3A_77 : vector<16xf32>
    %get3A_79 = arith.constant 0 : i32
    %get3A_80 = arith.index_cast %get3A_79 : i32 to index
    %get3A_81 = arith.constant 16 : index
    %get3A_82 = tpu.vector_load %arg9[%get3A_80, %get3A_81] {strides = array<i32>} : memref<2x512xf32, #tpu.memory_space<vmem>>, vector<16xf32>,
    %get3A_83 = arith.constant 1 : i32
    %get3A_84 = arith.index_cast %get3A_83 : i32 to index
    %get3A_85 = arith.constant 16 : index
    %get3A_86 = tpu.vector_load %arg9[%get3A_84, %get3A_85] {strides = array<i32>} : memref<2x512xf32, #tpu.memory_space<vmem>>, vector<16xf32>,
    %add3A_87 = arith.addf %get3A_82, %get3A_86 : vector<16xf32>
    %get3A_88 = arith.constant 0 : i32
    %get3A_89 = arith.index_cast %get3A_88 : i32 to index
    %get3A_90 = arith.constant 32 : index
    %get3A_91 = tpu.vector_load %arg9[%get3A_89, %get3A_90] {strides = array<i32>} : memref<2x512xf32, #tpu.memory_space<vmem>>, vector<16xf32>,
    %get3A_92 = arith.constant 1 : i32
    %get3A_93 = arith.index_cast %get3A_92 : i32 to index
    %get3A_94 = arith.constant 32 : index
    %get3A_95 = tpu.vector_load %arg9[%get3A_93, %get3A_94] {strides = array<i32>} : memref<2x512xf32, #tpu.memory_space<vmem>>, vector<16xf32>,
    %add3A_96 = arith.addf %get3A_91, %get3A_95 : vector<16xf32>
    %get3A_97 = arith.constant 0 : i32
    %get3A_98 = arith.index_cast %get3A_97 : i32 to index
    %get3A_99 = arith.constant 48 : index
    %get3A_100 = tpu.vector_load %arg9[%get3A_98, %get3A_99] {strides = array<i32>} : memref<2x512xf32, #tpu.memory_space<vmem>>, vector<16xf32>,
    %get3A_101 = arith.constant 1 : i32
    %get3A_102 = arith.index_cast %get3A_101 : i32 to index
    %get3A_103 = arith.constant 48 : index
    %get3A_104 = tpu.vector_load %arg9[%get3A_102, %get3A_103] {strides = array<i32>} : memref<2x512xf32, #tpu.memory_space<vmem>>, vector<16xf32>,
    %add3A_105 = arith.addf %get3A_100, %get3A_104 : vector<16xf32>
    %get3A_106 = arith.constant 0 : i32
    %get3A_107 = arith.index_cast %get3A_106 : i32 to index
    %get3A_108 = arith.constant 64 : index
    %get3A_109 = tpu.vector_load %arg9[%get3A_107, %get3A_108] {strides = array<i32>} : memref<2x512xf32, #tpu.memory_space<vmem>>, vector<16xf32>,
    %get3A_110 = arith.constant 1 : i32
    %get3A_111 = arith.index_cast %get3A_110 : i32 to index
    %get3A_112 = arith.constant 64 : index
    %get3A_113 = tpu.vector_load %arg9[%get3A_111, %get3A_112] {strides = array<i32>} : memref<2x512xf32, #tpu.memory_space<vmem>>, vector<16xf32>,
    %add3A_114 = arith.addf %get3A_109, %get3A_113 : vector<16xf32>
    %get3A_115 = arith.constant 0 : i32
    %get3A_116 = arith.index_cast %get3A_115 : i32 to index
    %get3A_117 = arith.constant 80 : index
    %get3A_118 = tpu.vector_load %arg9[%get3A_116, %get3A_117] {strides = array<i32>} : memref<2x512xf32, #tpu.memory_space<vmem>>, vector<16xf32>,
    %get3A_119 = arith.constant 1 : i32
    %get3A_120 = arith.index_cast %get3A_119 : i32 to index
    %get3A_121 = arith.constant 80 : index
    %get3A_122 = tpu.vector_load %arg9[%get3A_120, %get3A_121] {strides = array<i32>} : memref<2x512xf32, #tpu.memory_space<vmem>>, vector<16xf32>,
    %add3A_123 = arith.addf %get3A_118, %get3A_122 : vector<16xf32>
    %get3A_124 = arith.constant 0 : i32
    %get3A_125 = arith.index_cast %get3A_124 : i32 to index
    %get3A_126 = arith.constant 96 : index
    %get3A_127 = tpu.vector_load %arg9[%get3A_125, %get3A_126] {strides = array<i32>} : memref<2x512xf32, #tpu.memory_space<vmem>>, vector<16xf32>,
    %get3A_128 = arith.constant 1 : i32
    %get3A_129 = arith.index_cast %get3A_128 : i32 to index
    %get3A_130 = arith.constant 96 : index
    %get3A_131 = tpu.vector_load %arg9[%get3A_129, %get3A_130] {strides = array<i32>} : memref<2x512xf32, #tpu.memory_space<vmem>>, vector<16xf32>,
    %add3A_132 = arith.addf %get3A_127, %get3A_131 : vector<16xf32>
    %get3A_133 = arith.constant 0 : i32
    %get3A_134 = arith.index_cast %get3A_133 : i32 to index
    %get3A_135 = arith.constant 112 : index
    %get3A_136 = tpu.vector_load %arg9[%get3A_134, %get3A_135] {strides = array<i32>} : memref<2x512xf32, #tpu.memory_space<vmem>>, vector<16xf32>,
    %get3A_137 = arith.constant 1 : i32
    %get3A_138 = arith.index_cast %get3A_137 : i32 to index
    %get3A_139 = arith.constant 112 : index
    %get3A_140 = tpu.vector_load %arg9[%get3A_138, %get3A_139] {strides = array<i32>} : memref<2x512xf32, #tpu.memory_space<vmem>>, vector<16xf32>,
    %add3A_141 = arith.addf %get3A_136, %get3A_140 : vector<16xf32>
    %get3A_142 = arith.constant 0 : i32
    %get3A_143 = arith.index_cast %get3A_142 : i32 to index
    %get3A_144 = arith.constant 128 : index
    %get3A_145 = tpu.vector_load %arg9[%get3A_143, %get3A_144] {strides = array<i32>} : memref<2x512xf32, #tpu.memory_space<vmem>>, vector<16xf32>,
    %get3A_146 = arith.constant 1 : i32
    %get3A_147 = arith.index_cast %get3A_146 : i32 to index
    %get3A_148 = arith.constant 128 : index
    %get3A_149 = tpu.vector_load %arg9[%get3A_147, %get3A_148] {strides = array<i32>} : memref<2x512xf32, #tpu.memory_space<vmem>>, vector<16xf32>,
    %add3A_150 = arith.addf %get3A_145, %get3A_149 : vector<16xf32>
    %get3A_151 = arith.constant 0 : i32
    %get3A_152 = arith.index_cast %get3A_151 : i32 to index
    %get3A_153 = arith.constant 144 : index
    %get3A_154 = tpu.vector_load %arg9[%get3A_152, %get3A_153] {strides = array<i32>} : memref<2x512xf32, #tpu.memory_space<vmem>>, vector<16xf32>,
    %get3A_155 = arith.constant 1 : i32
    %get3A_156 = arith.index_cast %get3A_155 : i32 to index
    %get3A_157 = arith.constant 144 : index
    %get3A_158 = tpu.vector_load %arg9[%get3A_156, %get3A_157] {strides = array<i32>} : memref<2x512xf32, #tpu.memory_space<vmem>>, vector<16xf32>,
    %add3A_159 = arith.addf %get3A_154, %get3A_158 : vector<16xf32>
    %get3A_160 = arith.constant 0 : i32
    %get3A_161 = arith.index_cast %get3A_160 : i32 to index
    %get3A_162 = arith.constant 160 : index
    %get3A_163 = tpu.vector_load %arg9[%get3A_161, %get3A_162] {strides = array<i32>} : memref<2x512xf32, #tpu.memory_space<vmem>>, vector<16xf32>,
    %get3A_164 = arith.constant 1 : i32
    %get3A_165 = arith.index_cast %get3A_164 : i32 to index
    %get3A_166 = arith.constant 160 : index
    %get3A_167 = tpu.vector_load %arg9[%get3A_165, %get3A_166] {strides = array<i32>} : memref<2x512xf32, #tpu.memory_space<vmem>>, vector<16xf32>,
    %add3A_168 = arith.addf %get3A_163, %get3A_167 : vector<16xf32>
    %get3A_169 = arith.constant 0 : i32
    %get3A_170 = arith.index_cast %get3A_169 : i32 to index
    %get3A_171 = arith.constant 176 : index
    %get3A_172 = tpu.vector_load %arg9[%get3A_170, %get3A_171] {strides = array<i32>} : memref<2x512xf32, #tpu.memory_space<vmem>>, vector<16xf32>,
    %get3A_173 = arith.constant 1 : i32
    %get3A_174 = arith.index_cast %get3A_173 : i32 to index
    %get3A_175 = arith.constant 176 : index
    %get3A_176 = tpu.vector_load %arg9[%get3A_174, %get3A_175] {strides = array<i32>} : memref<2x512xf32, #tpu.memory_space<vmem>>, vector<16xf32>,
    %add3A_177 = arith.addf %get3A_172, %get3A_176 : vector<16xf32>
    %get3A_178 = arith.constant 0 : i32
    %get3A_179 = arith.index_cast %get3A_178 : i32 to index
    %get3A_180 = arith.constant 192 : index
    %get3A_181 = tpu.vector_load %arg9[%get3A_179, %get3A_180] {strides = array<i32>} : memref<2x512xf32, #tpu.memory_space<vmem>>, vector<16xf32>,
    %get3A_182 = arith.constant 1 : i32
    %get3A_183 = arith.index_cast %get3A_182 : i32 to index
    %get3A_184 = arith.constant 192 : index
    %get3A_185 = tpu.vector_load %arg9[%get3A_183, %get3A_184] {strides = array<i32>} : memref<2x512xf32, #tpu.memory_space<vmem>>, vector<16xf32>,
    %add3A_186 = arith.addf %get3A_181, %get3A_185 : vector<16xf32>
    %get3A_187 = arith.constant 0 : i32
    %get3A_188 = arith.index_cast %get3A_187 : i32 to index
    %get3A_189 = arith.constant 208 : index
    %get3A_190 = tpu.vector_load %arg9[%get3A_188, %get3A_189] {strides = array<i32>} : memref<2x512xf32, #tpu.memory_space<vmem>>, vector<16xf32>,
    %get3A_191 = arith.constant 1 : i32
    %get3A_192 = arith.index_cast %get3A_191 : i32 to index
    %get3A_193 = arith.constant 208 : index
    %get3A_194 = tpu.vector_load %arg9[%get3A_192, %get3A_193] {strides = array<i32>} : memref<2x512xf32, #tpu.memory_space<vmem>>, vector<16xf32>,
    %add3A_195 = arith.addf %get3A_190, %get3A_194 : vector<16xf32>
    %get3A_196 = arith.constant 0 : i32
    %get3A_197 = arith.index_cast %get3A_196 : i32 to index
    %get3A_198 = arith.constant 224 : index
    %get3A_199 = tpu.vector_load %arg9[%get3A_197, %get3A_198] {strides = array<i32>} : memref<2x512xf32, #tpu.memory_space<vmem>>, vector<16xf32>,
    %get3A_200 = arith.constant 1 : i32
    %get3A_201 = arith.index_cast %get3A_200 : i32 to index
    %get3A_202 = arith.constant 224 : index
    %get3A_203 = tpu.vector_load %arg9[%get3A_201, %get3A_202] {strides = array<i32>} : memref<2x512xf32, #tpu.memory_space<vmem>>, vector<16xf32>,
    %add3A_204 = arith.addf %get3A_199, %get3A_203 : vector<16xf32>
    %get3A_205 = arith.constant 0 : i32
    %get3A_206 = arith.index_cast %get3A_205 : i32 to index
    %get3A_207 = arith.constant 240 : index
    %get3A_208 = tpu.vector_load %arg9[%get3A_206, %get3A_207] {strides = array<i32>} : memref<2x512xf32, #tpu.memory_space<vmem>>, vector<16xf32>,
    %get3A_209 = arith.constant 1 : i32
    %get3A_210 = arith.index_cast %get3A_209 : i32 to index
    %get3A_211 = arith.constant 240 : index
    %get3A_212 = tpu.vector_load %arg9[%get3A_210, %get3A_211] {strides = array<i32>} : memref<2x512xf32, #tpu.memory_space<vmem>>, vector<16xf32>,
    %add3A_213 = arith.addf %get3A_208, %get3A_212 : vector<16xf32>
    %get3A_214 = arith.constant 0 : i32
    %get3A_215 = arith.index_cast %get3A_214 : i32 to index
    %get3A_216 = arith.constant 256 : index
    %get3A_217 = tpu.vector_load %arg9[%get3A_215, %get3A_216] {strides = array<i32>} : memref<2x512xf32, #tpu.memory_space<vmem>>, vector<16xf32>,
    %get3A_218 = arith.constant 1 : i32
    %get3A_219 = arith.index_cast %get3A_218 : i32 to index
    %get3A_220 = arith.constant 256 : index
    %get3A_221 = tpu.vector_load %arg9[%get3A_219, %get3A_220] {strides = array<i32>} : memref<2x512xf32, #tpu.memory_space<vmem>>, vector<16xf32>,
    %add3A_222 = arith.addf %get3A_217, %get3A_221 : vector<16xf32>
    %get3A_223 = arith.constant 0 : i32
    %get3A_224 = arith.index_cast %get3A_223 : i32 to index
    %get3A_225 = arith.constant 272 : index
    %get3A_226 = tpu.vector_load %arg9[%get3A_224, %get3A_225] {strides = array<i32>} : memref<2x512xf32, #tpu.memory_space<vmem>>, vector<16xf32>,
    %get3A_227 = arith.constant 1 : i32
    %get3A_228 = arith.index_cast %get3A_227 : i32 to index
    %get3A_229 = arith.constant 272 : index
    %get3A_230 = tpu.vector_load %arg9[%get3A_228, %get3A_229] {strides = array<i32>} : memref<2x512xf32, #tpu.memory_space<vmem>>, vector<16xf32>,
    %add3A_231 = arith.addf %get3A_226, %get3A_230 : vector<16xf32>
    %get3A_232 = arith.constant 0 : i32
    %get3A_233 = arith.index_cast %get3A_232 : i32 to index
    %get3A_234 = arith.constant 288 : index
    %get3A_235 = tpu.vector_load %arg9[%get3A_233, %get3A_234] {strides = array<i32>} : memref<2x512xf32, #tpu.memory_space<vmem>>, vector<16xf32>,
    %get3A_236 = arith.constant 1 : i32
    %get3A_237 = arith.index_cast %get3A_236 : i32 to index
    %get3A_238 = arith.constant 288 : index
    %get3A_239 = tpu.vector_load %arg9[%get3A_237, %get3A_238] {strides = array<i32>} : memref<2x512xf32, #tpu.memory_space<vmem>>, vector<16xf32>,
    %add3A_240 = arith.addf %get3A_235, %get3A_239 : vector<16xf32>
    %get3A_241 = arith.constant 0 : i32
    %get3A_242 = arith.index_cast %get3A_241 : i32 to index
    %get3A_243 = arith.constant 304 : index
    %get3A_244 = tpu.vector_load %arg9[%get3A_242, %get3A_243] {strides = array<i32>} : memref<2x512xf32, #tpu.memory_space<vmem>>, vector<16xf32>,
    %get3A_245 = arith.constant 1 : i32
    %get3A_246 = arith.index_cast %get3A_245 : i32 to index
    %get3A_247 = arith.constant 304 : index
    %get3A_248 = tpu.vector_load %arg9[%get3A_246, %get3A_247] {strides = array<i32>} : memref<2x512xf32, #tpu.memory_space<vmem>>, vector<16xf32>,
    %add3A_249 = arith.addf %get3A_244, %get3A_248 : vector<16xf32>
    %get3A_250 = arith.constant 0 : i32
    %get3A_251 = arith.index_cast %get3A_250 : i32 to index
    %get3A_252 = arith.constant 320 : index
    %get3A_253 = tpu.vector_load %arg9[%get3A_251, %get3A_252] {strides = array<i32>} : memref<2x512xf32, #tpu.memory_space<vmem>>, vector<16xf32>,
    %get3A_254 = arith.constant 1 : i32
    %get3A_255 = arith.index_cast %get3A_254 : i32 to index
    %get3A_256 = arith.constant 320 : index
    %get3A_257 = tpu.vector_load %arg9[%get3A_255, %get3A_256] {strides = array<i32>} : memref<2x512xf32, #tpu.memory_space<vmem>>, vector<16xf32>,
    %add3A_258 = arith.addf %get3A_253, %get3A_257 : vector<16xf32>
    %get3A_259 = arith.constant 0 : i32
    %get3A_260 = arith.index_cast %get3A_259 : i32 to index
    %get3A_261 = arith.constant 336 : index
    %get3A_262 = tpu.vector_load %arg9[%get3A_260, %get3A_261] {strides = array<i32>} : memref<2x512xf32, #tpu.memory_space<vmem>>, vector<16xf32>,
    %get3A_263 = arith.constant 1 : i32
    %get3A_264 = arith.index_cast %get3A_263 : i32 to index
    %get3A_265 = arith.constant 336 : index
    %get3A_266 = tpu.vector_load %arg9[%get3A_264, %get3A_265] {strides = array<i32>} : memref<2x512xf32, #tpu.memory_space<vmem>>, vector<16xf32>,
    %add3A_267 = arith.addf %get3A_262, %get3A_266 : vector<16xf32>
    %get3A_268 = arith.constant 0 : i32
    %get3A_269 = arith.index_cast %get3A_268 : i32 to index
    %get3A_270 = arith.constant 352 : index
    %get3A_271 = tpu.vector_load %arg9[%get3A_269, %get3A_270] {strides = array<i32>} : memref<2x512xf32, #tpu.memory_space<vmem>>, vector<16xf32>,
    %get3A_272 = arith.constant 1 : i32
    %get3A_273 = arith.index_cast %get3A_272 : i32 to index
    %get3A_274 = arith.constant 352 : index
    %get3A_275 = tpu.vector_load %arg9[%get3A_273, %get3A_274] {strides = array<i32>} : memref<2x512xf32, #tpu.memory_space<vmem>>, vector<16xf32>,
    %add3A_276 = arith.addf %get3A_271, %get3A_275 : vector<16xf32>
    %get3A_277 = arith.constant 0 : i32
    %get3A_278 = arith.index_cast %get3A_277 : i32 to index
    %get3A_279 = arith.constant 368 : index
    %get3A_280 = tpu.vector_load %arg9[%get3A_278, %get3A_279] {strides = array<i32>} : memref<2x512xf32, #tpu.memory_space<vmem>>, vector<16xf32>,
    %get3A_281 = arith.constant 1 : i32
    %get3A_282 = arith.index_cast %get3A_281 : i32 to index
    %get3A_283 = arith.constant 368 : index
    %get3A_284 = tpu.vector_load %arg9[%get3A_282, %get3A_283] {strides = array<i32>} : memref<2x512xf32, #tpu.memory_space<vmem>>, vector<16xf32>,
    %add3A_285 = arith.addf %get3A_280, %get3A_284 : vector<16xf32>
    %get3A_286 = arith.constant 0 : i32
    %get3A_287 = arith.index_cast %get3A_286 : i32 to index
    %get3A_288 = arith.constant 384 : index
    %get3A_289 = tpu.vector_load %arg9[%get3A_287, %get3A_288] {strides = array<i32>} : memref<2x512xf32, #tpu.memory_space<vmem>>, vector<16xf32>,
    %get3A_290 = arith.constant 1 : i32
    %get3A_291 = arith.index_cast %get3A_290 : i32 to index
    %get3A_292 = arith.constant 384 : index
    %get3A_293 = tpu.vector_load %arg9[%get3A_291, %get3A_292] {strides = array<i32>} : memref<2x512xf32, #tpu.memory_space<vmem>>, vector<16xf32>,
    %add3A_294 = arith.addf %get3A_289, %get3A_293 : vector<16xf32>
    %reduce_sum3A = arith.constant true
    %reduce_sum3A_295 = vector.broadcast %reduce_sum3A : i1 to vector<16xi1>
    %reduce_sum3A_296 = tpu.scan <sum>, %add3A_294 masked %reduce_sum3A_295 : vector<16xf32>, vector<16xi1> -> vector<16xf32>
    %reduce_sum3A_297 = vector.extract %reduce_sum3A_296[15] : f32 from vector<16xf32>
    %broadcast_in_dim3A_298 = vector.broadcast %reduce_sum3A_297 : f32 to vector<16xf32>
    %mul3A_299 = arith.constant 1.22070313E-4 : f32
    %mul3A_300 = vector.broadcast %mul3A_299 : f32 to vector<16xf32>
    %mul3A_301 = arith.mulf %add3A_78, %mul3A_300 : vector<16xf32>
    %mul3A_302 = arith.constant 1.22070313E-4 : f32
    %mul3A_303 = vector.broadcast %mul3A_302 : f32 to vector<16xf32>
    %mul3A_304 = arith.mulf %add3A_87, %mul3A_303 : vector<16xf32>
    %mul3A_305 = arith.constant 1.22070313E-4 : f32
    %mul3A_306 = vector.broadcast %mul3A_305 : f32 to vector<16xf32>
    %mul3A_307 = arith.mulf %add3A_96, %mul3A_306 : vector<16xf32>
    %mul3A_308 = arith.constant 1.22070313E-4 : f32
    %mul3A_309 = vector.broadcast %mul3A_308 : f32 to vector<16xf32>
    %mul3A_310 = arith.mulf %add3A_105, %mul3A_309 : vector<16xf32>
    %mul3A_311 = arith.constant 1.22070313E-4 : f32
    %mul3A_312 = vector.broadcast %mul3A_311 : f32 to vector<16xf32>
    %mul3A_313 = arith.mulf %add3A_114, %mul3A_312 : vector<16xf32>
    %mul3A_314 = arith.constant 1.22070313E-4 : f32
    %mul3A_315 = vector.broadcast %mul3A_314 : f32 to vector<16xf32>
    %mul3A_316 = arith.mulf %add3A_123, %mul3A_315 : vector<16xf32>
    %mul3A_317 = arith.constant 1.22070313E-4 : f32
    %mul3A_318 = vector.broadcast %mul3A_317 : f32 to vector<16xf32>
    %mul3A_319 = arith.mulf %add3A_132, %mul3A_318 : vector<16xf32>
    %mul3A_320 = arith.constant 1.22070313E-4 : f32
    %mul3A_321 = vector.broadcast %mul3A_320 : f32 to vector<16xf32>
    %mul3A_322 = arith.mulf %add3A_141, %mul3A_321 : vector<16xf32>
    %iota3A_323 = tpu.iota {dimensions = array<i32: 0>} : vector<16xi32>
    %lt3A = arith.constant 8 : i32
    %lt3A_324 = vector.broadcast %lt3A : i32 to vector<16xi32>
    %lt3A_325 = arith.cmpi slt, %iota3A_323, %lt3A_324 : vector<16xi32>
    %broadcast_in_dim3A_326 = arith.constant 0.000000e+00 : f32
    %broadcast_in_dim3A_327 = vector.broadcast %broadcast_in_dim3A_326 : f32 to vector<16xf32>
    %mul3A_328 = arith.mulf %broadcast_in_dim3A_298, %mul3A_301 : vector<16xf32>
    %select_n3A = arith.select %lt3A_325, %add3A_222, %mul3A_328 : vector<16xi1>, vector<16xf32>
    %sub3A_329 = arith.subf %add3A_150, %add3A_222 : vector<16xf32>
    %add3A_330 = arith.addf %sub3A_329, %select_n3A : vector<16xf32>
    %mul3A_331 = arith.constant 1.22070313E-4 : f32
    %mul3A_332 = vector.broadcast %mul3A_331 : f32 to vector<16xf32>
    %mul3A_333 = arith.mulf %add3A_330, %mul3A_332 : vector<16xf32>
    %mul3A_334 = arith.mulf %broadcast_in_dim3A_298, %mul3A_304 : vector<16xf32>
    %select_n3A_335 = arith.select %lt3A_325, %broadcast_in_dim3A_327, %mul3A_334 : vector<16xi1>, vector<16xf32>
    %sub3A_336 = arith.subf %add3A_159, %add3A_231 : vector<16xf32>
    %add3A_337 = arith.addf %sub3A_336, %select_n3A_335 : vector<16xf32>
    %mul3A_338 = arith.constant 1.22070313E-4 : f32
    %mul3A_339 = vector.broadcast %mul3A_338 : f32 to vector<16xf32>
    %mul3A_340 = arith.mulf %add3A_337, %mul3A_339 : vector<16xf32>
    %mul3A_341 = arith.mulf %broadcast_in_dim3A_298, %mul3A_307 : vector<16xf32>
    %sub3A_342 = arith.subf %add3A_168, %add3A_240 : vector<16xf32>
    %add3A_343 = arith.addf %sub3A_342, %mul3A_341 : vector<16xf32>
    %mul3A_344 = arith.constant 1.22070313E-4 : f32
    %mul3A_345 = vector.broadcast %mul3A_344 : f32 to vector<16xf32>
    %mul3A_346 = arith.mulf %add3A_343, %mul3A_345 : vector<16xf32>
    %mul3A_347 = arith.mulf %broadcast_in_dim3A_298, %mul3A_310 : vector<16xf32>
    %sub3A_348 = arith.subf %add3A_177, %add3A_249 : vector<16xf32>
    %add3A_349 = arith.addf %sub3A_348, %mul3A_347 : vector<16xf32>
    %mul3A_350 = arith.constant 1.22070313E-4 : f32
    %mul3A_351 = vector.broadcast %mul3A_350 : f32 to vector<16xf32>
    %mul3A_352 = arith.mulf %add3A_349, %mul3A_351 : vector<16xf32>
    %mul3A_353 = arith.mulf %broadcast_in_dim3A_298, %mul3A_313 : vector<16xf32>
    %sub3A_354 = arith.subf %add3A_186, %add3A_258 : vector<16xf32>
    %add3A_355 = arith.addf %sub3A_354, %mul3A_353 : vector<16xf32>
    %mul3A_356 = arith.constant 1.22070313E-4 : f32
    %mul3A_357 = vector.broadcast %mul3A_356 : f32 to vector<16xf32>
    %mul3A_358 = arith.mulf %add3A_355, %mul3A_357 : vector<16xf32>
    %mul3A_359 = arith.mulf %broadcast_in_dim3A_298, %mul3A_316 : vector<16xf32>
    %sub3A_360 = arith.subf %add3A_195, %add3A_267 : vector<16xf32>
    %add3A_361 = arith.addf %sub3A_360, %mul3A_359 : vector<16xf32>
    %mul3A_362 = arith.constant 1.22070313E-4 : f32
    %mul3A_363 = vector.broadcast %mul3A_362 : f32 to vector<16xf32>
    %mul3A_364 = arith.mulf %add3A_361, %mul3A_363 : vector<16xf32>
    %mul3A_365 = arith.mulf %broadcast_in_dim3A_298, %mul3A_319 : vector<16xf32>
    %sub3A_366 = arith.subf %add3A_204, %add3A_276 : vector<16xf32>
    %add3A_367 = arith.addf %sub3A_366, %mul3A_365 : vector<16xf32>
    %mul3A_368 = arith.constant 1.22070313E-4 : f32
    %mul3A_369 = vector.broadcast %mul3A_368 : f32 to vector<16xf32>
    %mul3A_370 = arith.mulf %add3A_367, %mul3A_369 : vector<16xf32>
    %mul3A_371 = arith.mulf %broadcast_in_dim3A_298, %mul3A_322 : vector<16xf32>
    %sub3A_372 = arith.subf %add3A_213, %add3A_285 : vector<16xf32>
    %add3A_373 = arith.addf %sub3A_372, %mul3A_371 : vector<16xf32>
    %mul3A_374 = arith.constant 1.22070313E-4 : f32
    %mul3A_375 = vector.broadcast %mul3A_374 : f32 to vector<16xf32>
    %mul3A_376 = arith.mulf %add3A_373, %mul3A_375 : vector<16xf32>
    %select_n3A_377 = arith.select %lt3A_325, %broadcast_in_dim3A_327, %mul3A_304 : vector<16xi1>, vector<16xf32>
    %select_n3A_378 = arith.select %lt3A_325, %broadcast_in_dim3A_327, %mul3A_340 : vector<16xi1>, vector<16xf32>
    "tpu.trace_start"() <{level = 10 : i32, message = "chunks"}> : () -> ()
    %add3A_379 = arith.constant 1 : i32
    %add3A_380 = arith.addi %shift_right_logical3A_67, %add3A_379 : i32
    %shift_right_arithmetic3A = arith.constant 1 : i32
    %shift_right_arithmetic3A_381 = arith.shrsi %add3A_380, %shift_right_arithmetic3A : i32
    %while3A = arith.constant 0 : i32
    %while3A_382 = arith.constant 0 : i32
    %while3A_383 = arith.subi %shift_right_arithmetic3A_381, %while3A : i32
    %while3A_384 = arith.addi %while3A, %while3A_383 : i32
    %while3A_385 = arith.constant 1 : i32
    %while3A_386 = arith.divsi %while3A_383, %while3A_385 : i32
    %while3A_387 = arith.muli %while3A_386, %while3A_385 : i32
    %while3A_388 = arith.addi %while3A, %while3A_387 : i32
    %while3A_389 = arith.constant 1 : i32
    %while3A_390 = scf.for %while3A_407 = %while3A to %while3A_388 step %while3A_389 iter_args(%while3A_408 = %while3A_382) -> (i32)  : i32 {
      %mul3A_409 = arith.constant 2 : i32
      %mul3A_410 = arith.muli %mul3A_409, %while3A_407 : i32
      %dma_wait3A_411 = arith.constant 0 : i32
      %dma_wait3A_412 = arith.constant 0 : i32
      %dma_wait3A_413 = arith.constant 0 : i32
      %dma_wait3A_414 = arith.constant 0 : i32
      %dma_wait3A_415 = tpu.memref_slice %arg8[%dma_wait3A_412, %dma_wait3A_413, %dma_wait3A_414] : memref<4x128x128xf32, #tpu.memory_space<vmem>> -> memref<1x128x128xf32, #tpu.memory_space<vmem>>
      %dma_wait3A_416 = tpu.memref_squeeze %dma_wait3A_415 : memref<1x128x128xf32, #tpu.memory_space<vmem>> -> memref<128x128xf32, #tpu.memory_space<vmem>>
      %dma_wait3A_417 = arith.constant 0 : i32
      %dma_wait3A_418 = tpu.memref_slice %arg13[%dma_wait3A_411, %dma_wait3A_417] : memref<4x128xi32, #tpu.memory_space<vmem>> -> memref<1x128xi32, #tpu.memory_space<vmem>>
      %dma_wait3A_419 = tpu.memref_squeeze %dma_wait3A_418 : memref<1x128xi32, #tpu.memory_space<vmem>> -> memref<128xi32, #tpu.memory_space<vmem>>
      %dma_wait3A_420 = arith.constant 0 : i32
      %dma_wait3A_421 = arith.constant 0 : i32
      %dma_wait3A_422 = tpu.memref_slice %arg2[%dma_wait3A_420, %dma_wait3A_421] : memref<65536x128xf32, #tpu.memory_space<hbm>> -> memref<65536x128xf32, #tpu.memory_space<hbm>>
      tpu.wait_indirect_dma semaphore(%arg14 : memref<!tpu.dma_semaphore, #tpu.memory_space<semaphore_mem>>) src(%dma_wait3A_422 : memref<65536x128xf32, #tpu.memory_space<hbm>>) dst(%dma_wait3A_416 : memref<128x128xf32, #tpu.memory_space<vmem>>)
      %ge3A_423 = arith.constant 1 : i32
      %ge3A_424 = arith.cmpi sge, %mul3A_410, %ge3A_423 : i32
      %convert_element_type3A_425 = arith.extui %ge3A_424 : i1 to i32
      %cond3A_426 = arith.constant 0 : i32
      %cond3A_427 = arith.cmpi ne, %convert_element_type3A_425, %cond3A_426 : i32
      scf.if %cond3A_427 {
        %dma_wait3A_462 = arith.constant 1 : i32
        %dma_wait3A_463 = arith.constant 1 : i32
        %dma_wait3A_464 = arith.constant 0 : i32
        %dma_wait3A_465 = arith.constant 0 : i32
        %dma_wait3A_466 = tpu.memref_slice %arg8[%dma_wait3A_462, %dma_wait3A_464, %dma_wait3A_465] : memref<4x128x128xf32, #tpu.memory_space<vmem>> -> memref<1x128x128xf32, #tpu.memory_space<vmem>>
        %dma_wait3A_467 = tpu.memref_squeeze %dma_wait3A_466 : memref<1x128x128xf32, #tpu.memory_space<vmem>> -> memref<128x128xf32, #tpu.memory_space<vmem>>
        %dma_wait3A_468 = arith.constant 0 : i32
        %dma_wait3A_469 = tpu.memref_slice %arg13[%dma_wait3A_463, %dma_wait3A_468] : memref<4x128xi32, #tpu.memory_space<vmem>> -> memref<1x128xi32, #tpu.memory_space<vmem>>
        %dma_wait3A_470 = tpu.memref_squeeze %dma_wait3A_469 : memref<1x128xi32, #tpu.memory_space<vmem>> -> memref<128xi32, #tpu.memory_space<vmem>>
        %dma_wait3A_471 = arith.constant 0 : i32
        %dma_wait3A_472 = arith.constant 0 : i32
        %dma_wait3A_473 = tpu.memref_slice %arg6[%dma_wait3A_471, %dma_wait3A_472] : memref<65536x128xf32, #tpu.memory_space<hbm>> -> memref<65536x128xf32, #tpu.memory_space<hbm>>
        tpu.wait_indirect_dma semaphore(%arg19 : memref<!tpu.dma_semaphore, #tpu.memory_space<semaphore_mem>>) src(%dma_wait3A_467 : memref<128x128xf32, #tpu.memory_space<vmem>>) dst(%dma_wait3A_473 : memref<65536x128xf32, #tpu.memory_space<hbm>>)
      } else {
      }
      %add3A_428 = arith.constant 1 : i32
      %add3A_429 = arith.addi %mul3A_410, %add3A_428 : i32
      %lt3A_430 = arith.cmpi slt, %add3A_429, %shift_right_logical3A_67 : i32
      %convert_element_type3A_431 = arith.extui %lt3A_430 : i1 to i32
      %cond3A_432 = arith.constant 0 : i32
      %cond3A_433 = arith.cmpi ne, %convert_element_type3A_431, %cond3A_432 : i32
      scf.if %cond3A_433 {
        %add3A_462 = arith.constant 1 : i32
        %add3A_463 = arith.addi %mul3A_410, %add3A_462 : i32
        %mul3A_464 = arith.constant 128 : i32
        %mul3A_465 = arith.muli %add3A_463, %mul3A_464 : i32
        %add3A_466 = arith.constant 0 : i32
        %add3A_467 = arith.addi %mul3A_465, %add3A_466 : i32
        %get3A_468 = arith.index_cast %add3A_467 : i32 to index
        %get3A_469 = tpu.vector_load %arg12[%get3A_468] {strides = array<i32>} : memref<2304xi32, #tpu.memory_space<vmem>>, vector<16xi32>,
        %shift_right_logical3A_470 = arith.constant 2 : i32
        %shift_right_logical3A_471 = vector.broadcast %shift_right_logical3A_470 : i32 to vector<16xi32>
        %shift_right_logical3A_472 = arith.shrui %get3A_469, %shift_right_logical3A_471 : vector<16xi32>
        %swap3A_473 = arith.constant 1 : i32
        %swap3A_474 = arith.index_cast %swap3A_473 : i32 to index
        %swap3A_475 = arith.constant 0 : index
        %swap3A_476 = tpu.vector_load %arg13[%swap3A_474, %swap3A_475] {strides = array<i32>} : memref<4x128xi32, #tpu.memory_space<vmem>>, vector<16xi32>,
        tpu.vector_store %arg13[%swap3A_474, %swap3A_475], %shift_right_logical3A_472 {strides = array<i32>} : memref<4x128xi32, #tpu.memory_space<vmem>>, vector<16xi32>,
        %add3A_477 = arith.constant 16 : i32
        %add3A_478 = arith.addi %mul3A_465, %add3A_477 : i32
        %get3A_479 = arith.index_cast %add3A_478 : i32 to index
        %get3A_480 = tpu.vector_load %arg12[%get3A_479] {strides = array<i32>} : memref<2304xi32, #tpu.memory_space<vmem>>, vector<16xi32>,
        %shift_right_logical3A_481 = arith.constant 2 : i32
        %shift_right_logical3A_482 = vector.broadcast %shift_right_logical3A_481 : i32 to vector<16xi32>
        %shift_right_logical3A_483 = arith.shrui %get3A_480, %shift_right_logical3A_482 : vector<16xi32>
        %swap3A_484 = arith.constant 1 : i32
        %swap3A_485 = arith.index_cast %swap3A_484 : i32 to index
        %swap3A_486 = arith.constant 16 : index
        %swap3A_487 = tpu.vector_load %arg13[%swap3A_485, %swap3A_486] {strides = array<i32>} : memref<4x128xi32, #tpu.memory_space<vmem>>, vector<16xi32>,
        tpu.vector_store %arg13[%swap3A_485, %swap3A_486], %shift_right_logical3A_483 {strides = array<i32>} : memref<4x128xi32, #tpu.memory_space<vmem>>, vector<16xi32>,
        %add3A_488 = arith.constant 32 : i32
        %add3A_489 = arith.addi %mul3A_465, %add3A_488 : i32
        %get3A_490 = arith.index_cast %add3A_489 : i32 to index
        %get3A_491 = tpu.vector_load %arg12[%get3A_490] {strides = array<i32>} : memref<2304xi32, #tpu.memory_space<vmem>>, vector<16xi32>,
        %shift_right_logical3A_492 = arith.constant 2 : i32
        %shift_right_logical3A_493 = vector.broadcast %shift_right_logical3A_492 : i32 to vector<16xi32>
        %shift_right_logical3A_494 = arith.shrui %get3A_491, %shift_right_logical3A_493 : vector<16xi32>
        %swap3A_495 = arith.constant 1 : i32
        %swap3A_496 = arith.index_cast %swap3A_495 : i32 to index
        %swap3A_497 = arith.constant 32 : index
        %swap3A_498 = tpu.vector_load %arg13[%swap3A_496, %swap3A_497] {strides = array<i32>} : memref<4x128xi32, #tpu.memory_space<vmem>>, vector<16xi32>,
        tpu.vector_store %arg13[%swap3A_496, %swap3A_497], %shift_right_logical3A_494 {strides = array<i32>} : memref<4x128xi32, #tpu.memory_space<vmem>>, vector<16xi32>,
        %add3A_499 = arith.constant 48 : i32
        %add3A_500 = arith.addi %mul3A_465, %add3A_499 : i32
        %get3A_501 = arith.index_cast %add3A_500 : i32 to index
        %get3A_502 = tpu.vector_load %arg12[%get3A_501] {strides = array<i32>} : memref<2304xi32, #tpu.memory_space<vmem>>, vector<16xi32>,
        %shift_right_logical3A_503 = arith.constant 2 : i32
        %shift_right_logical3A_504 = vector.broadcast %shift_right_logical3A_503 : i32 to vector<16xi32>
        %shift_right_logical3A_505 = arith.shrui %get3A_502, %shift_right_logical3A_504 : vector<16xi32>
        %swap3A_506 = arith.constant 1 : i32
        %swap3A_507 = arith.index_cast %swap3A_506 : i32 to index
        %swap3A_508 = arith.constant 48 : index
        %swap3A_509 = tpu.vector_load %arg13[%swap3A_507, %swap3A_508] {strides = array<i32>} : memref<4x128xi32, #tpu.memory_space<vmem>>, vector<16xi32>,
        tpu.vector_store %arg13[%swap3A_507, %swap3A_508], %shift_right_logical3A_505 {strides = array<i32>} : memref<4x128xi32, #tpu.memory_space<vmem>>, vector<16xi32>,
        %add3A_510 = arith.constant 64 : i32
        %add3A_511 = arith.addi %mul3A_465, %add3A_510 : i32
        %get3A_512 = arith.index_cast %add3A_511 : i32 to index
        %get3A_513 = tpu.vector_load %arg12[%get3A_512] {strides = array<i32>} : memref<2304xi32, #tpu.memory_space<vmem>>, vector<16xi32>,
        %shift_right_logical3A_514 = arith.constant 2 : i32
        %shift_right_logical3A_515 = vector.broadcast %shift_right_logical3A_514 : i32 to vector<16xi32>
        %shift_right_logical3A_516 = arith.shrui %get3A_513, %shift_right_logical3A_515 : vector<16xi32>
        %swap3A_517 = arith.constant 1 : i32
        %swap3A_518 = arith.index_cast %swap3A_517 : i32 to index
        %swap3A_519 = arith.constant 64 : index
        %swap3A_520 = tpu.vector_load %arg13[%swap3A_518, %swap3A_519] {strides = array<i32>} : memref<4x128xi32, #tpu.memory_space<vmem>>, vector<16xi32>,
        tpu.vector_store %arg13[%swap3A_518, %swap3A_519], %shift_right_logical3A_516 {strides = array<i32>} : memref<4x128xi32, #tpu.memory_space<vmem>>, vector<16xi32>,
        %add3A_521 = arith.constant 80 : i32
        %add3A_522 = arith.addi %mul3A_465, %add3A_521 : i32
        %get3A_523 = arith.index_cast %add3A_522 : i32 to index
        %get3A_524 = tpu.vector_load %arg12[%get3A_523] {strides = array<i32>} : memref<2304xi32, #tpu.memory_space<vmem>>, vector<16xi32>,
        %shift_right_logical3A_525 = arith.constant 2 : i32
        %shift_right_logical3A_526 = vector.broadcast %shift_right_logical3A_525 : i32 to vector<16xi32>
        %shift_right_logical3A_527 = arith.shrui %get3A_524, %shift_right_logical3A_526 : vector<16xi32>
        %swap3A_528 = arith.constant 1 : i32
        %swap3A_529 = arith.index_cast %swap3A_528 : i32 to index
        %swap3A_530 = arith.constant 80 : index
        %swap3A_531 = tpu.vector_load %arg13[%swap3A_529, %swap3A_530] {strides = array<i32>} : memref<4x128xi32, #tpu.memory_space<vmem>>, vector<16xi32>,
        tpu.vector_store %arg13[%swap3A_529, %swap3A_530], %shift_right_logical3A_527 {strides = array<i32>} : memref<4x128xi32, #tpu.memory_space<vmem>>, vector<16xi32>,
        %add3A_532 = arith.constant 96 : i32
        %add3A_533 = arith.addi %mul3A_465, %add3A_532 : i32
        %get3A_534 = arith.index_cast %add3A_533 : i32 to index
        %get3A_535 = tpu.vector_load %arg12[%get3A_534] {strides = array<i32>} : memref<2304xi32, #tpu.memory_space<vmem>>, vector<16xi32>,
        %shift_right_logical3A_536 = arith.constant 2 : i32
        %shift_right_logical3A_537 = vector.broadcast %shift_right_logical3A_536 : i32 to vector<16xi32>
        %shift_right_logical3A_538 = arith.shrui %get3A_535, %shift_right_logical3A_537 : vector<16xi32>
        %swap3A_539 = arith.constant 1 : i32
        %swap3A_540 = arith.index_cast %swap3A_539 : i32 to index
        %swap3A_541 = arith.constant 96 : index
        %swap3A_542 = tpu.vector_load %arg13[%swap3A_540, %swap3A_541] {strides = array<i32>} : memref<4x128xi32, #tpu.memory_space<vmem>>, vector<16xi32>,
        tpu.vector_store %arg13[%swap3A_540, %swap3A_541], %shift_right_logical3A_538 {strides = array<i32>} : memref<4x128xi32, #tpu.memory_space<vmem>>, vector<16xi32>,
        %add3A_543 = arith.constant 112 : i32
        %add3A_544 = arith.addi %mul3A_465, %add3A_543 : i32
        %get3A_545 = arith.index_cast %add3A_544 : i32 to index
        %get3A_546 = tpu.vector_load %arg12[%get3A_545] {strides = array<i32>} : memref<2304xi32, #tpu.memory_space<vmem>>, vector<16xi32>,
        %shift_right_logical3A_547 = arith.constant 2 : i32
        %shift_right_logical3A_548 = vector.broadcast %shift_right_logical3A_547 : i32 to vector<16xi32>
        %shift_right_logical3A_549 = arith.shrui %get3A_546, %shift_right_logical3A_548 : vector<16xi32>
        %swap3A_550 = arith.constant 1 : i32
        %swap3A_551 = arith.index_cast %swap3A_550 : i32 to index
        %swap3A_552 = arith.constant 112 : index
        %swap3A_553 = tpu.vector_load %arg13[%swap3A_551, %swap3A_552] {strides = array<i32>} : memref<4x128xi32, #tpu.memory_space<vmem>>, vector<16xi32>,
        tpu.vector_store %arg13[%swap3A_551, %swap3A_552], %shift_right_logical3A_549 {strides = array<i32>} : memref<4x128xi32, #tpu.memory_space<vmem>>, vector<16xi32>,
        %dma_start3A_554 = arith.constant 1 : i32
        %dma_start3A_555 = arith.constant 1 : i32
        %dma_start3A_556 = arith.constant 0 : i32
        %dma_start3A_557 = arith.constant 0 : i32
        %dma_start3A_558 = tpu.memref_slice %arg8[%dma_start3A_555, %dma_start3A_556, %dma_start3A_557] : memref<4x128x128xf32, #tpu.memory_space<vmem>> -> memref<1x128x128xf32, #tpu.memory_space<vmem>>
        %dma_start3A_559 = tpu.memref_squeeze %dma_start3A_558 : memref<1x128x128xf32, #tpu.memory_space<vmem>> -> memref<128x128xf32, #tpu.memory_space<vmem>>
        %dma_start3A_560 = arith.constant 0 : i32
        %dma_start3A_561 = tpu.memref_slice %arg13[%dma_start3A_554, %dma_start3A_560] : memref<4x128xi32, #tpu.memory_space<vmem>> -> memref<1x128xi32, #tpu.memory_space<vmem>>
        %dma_start3A_562 = tpu.memref_squeeze %dma_start3A_561 : memref<1x128xi32, #tpu.memory_space<vmem>> -> memref<128xi32, #tpu.memory_space<vmem>>
        %dma_start3A_563 = arith.constant 0 : i32
        %dma_start3A_564 = arith.constant 0 : i32
        %dma_start3A_565 = tpu.memref_slice %arg2[%dma_start3A_563, %dma_start3A_564] : memref<65536x128xf32, #tpu.memory_space<hbm>> -> memref<65536x128xf32, #tpu.memory_space<hbm>>
        tpu.enqueue_indirect_dma source(%dma_start3A_565 : memref<65536x128xf32, #tpu.memory_space<hbm>>) target(%dma_start3A_559 : memref<128x128xf32, #tpu.memory_space<vmem>>) offsets(%dma_start3A_562 : memref<128xi32, #tpu.memory_space<vmem>>) semaphore(%arg15 : memref<!tpu.dma_semaphore, #tpu.memory_space<semaphore_mem>>)
      } else {
      }
      %mul3A_434 = arith.constant 128 : i32
      %mul3A_435 = arith.muli %mul3A_410, %mul3A_434 : i32
      "tpu.trace_start"() <{level = 10 : i32, message = "fix"}> : () -> ()
      %scan3A_436 = arith.constant 0 : i32
      %scan3A_437 = arith.constant 0 : i32
      %scan3A_438 = arith.constant 128 : i32
      %scan3A_439 = arith.addi %scan3A_437, %scan3A_438 : i32
      %scan3A_440 = arith.constant 2 : i32
      %scan3A_441 = scf.for %scan3A_462 = %scan3A_437 to %scan3A_439 step %scan3A_440 iter_args(%scan3A_463 = %scan3A_436) -> (i32)  : i32 {
        %add3A_464 = arith.addi %mul3A_435, %scan3A_462 : i32
        %get3A_465 = arith.index_cast %add3A_464 : i32 to index
        %get3A_466 = tpu.vector_load %arg12[%get3A_465] {strides = array<i32>} : memref<2304xi32, #tpu.memory_space<vmem>>, vector<16xi32>,
        %slice3A_467 = vector.extract_strided_slice %get3A_466 {offsets = [0], sizes = [1], strides = [1]} : vector<16xi32> to vector<1xi32>
        %squeeze3A_468 = vector.extract %slice3A_467[0] : i32 from vector<1xi32>
        %and3A_469 = arith.constant 2 : i32
        %and3A_470 = arith.andi %squeeze3A_468, %and3A_469 : i32
        %gt3A_471 = arith.constant 0 : i32
        %gt3A_472 = arith.cmpi sgt, %and3A_470, %gt3A_471 : i32
        %and3A_473 = arith.constant 1 : i32
        %and3A_474 = arith.andi %squeeze3A_468, %and3A_473 : i32
        %gt3A_475 = arith.constant 0 : i32
        %gt3A_476 = arith.cmpi sgt, %and3A_474, %gt3A_475 : i32
        %get3A_477 = arith.constant 0 : i32
        %get3A_478 = arith.index_cast %get3A_477 : i32 to index
        %get3A_479 = arith.index_cast %scan3A_462 : i32 to index
        %get3A_480 = arith.constant 0 : index
        %get3A_481 = tpu.vector_load %arg8[%get3A_478, %get3A_479, %get3A_480] {strides = array<i32>} : memref<4x128x128xf32, #tpu.memory_space<vmem>>, vector<16xf32>,
        %select_n3A_482 = arith.select %lt3A_325, %get3A_481, %mul3A_301 : vector<16xi1>, vector<16xf32>
        %select_n3A_483 = arith.select %gt3A_472, %mul3A_301, %get3A_481 : vector<16xf32>
        %select_n3A_484 = arith.select %lt3A_325, %mul3A_333, %select_n3A_483 : vector<16xi1>, vector<16xf32>
        %select_n3A_485 = arith.select %gt3A_476, %select_n3A_484, %select_n3A_482 : vector<16xf32>
        %swap3A_486 = arith.constant 0 : i32
        %swap3A_487 = arith.index_cast %swap3A_486 : i32 to index
        %swap3A_488 = arith.index_cast %scan3A_462 : i32 to index
        %swap3A_489 = arith.constant 0 : index
        %swap3A_490 = tpu.vector_load %arg8[%swap3A_487, %swap3A_488, %swap3A_489] {strides = array<i32>} : memref<4x128x128xf32, #tpu.memory_space<vmem>>, vector<16xf32>,
        tpu.vector_store %arg8[%swap3A_487, %swap3A_488, %swap3A_489], %select_n3A_485 {strides = array<i32>} : memref<4x128x128xf32, #tpu.memory_space<vmem>>, vector<16xf32>,
        %select_n3A_491 = arith.select %gt3A_476, %select_n3A_378, %select_n3A_377 : vector<16xf32>
        %swap3A_492 = arith.constant 0 : i32
        %swap3A_493 = arith.index_cast %swap3A_492 : i32 to index
        %swap3A_494 = arith.index_cast %scan3A_462 : i32 to index
        %swap3A_495 = arith.constant 16 : index
        %swap3A_496 = tpu.vector_load %arg8[%swap3A_493, %swap3A_494, %swap3A_495] {strides = array<i32>} : memref<4x128x128xf32, #tpu.memory_space<vmem>>, vector<16xf32>,
        tpu.vector_store %arg8[%swap3A_493, %swap3A_494, %swap3A_495], %select_n3A_491 {strides = array<i32>} : memref<4x128x128xf32, #tpu.memory_space<vmem>>, vector<16xf32>,
        %select_n3A_497 = arith.select %gt3A_476, %mul3A_346, %mul3A_307 : vector<16xf32>
        %swap3A_498 = arith.constant 0 : i32
        %swap3A_499 = arith.index_cast %swap3A_498 : i32 to index
        %swap3A_500 = arith.index_cast %scan3A_462 : i32 to index
        %swap3A_501 = arith.constant 32 : index
        %swap3A_502 = tpu.vector_load %arg8[%swap3A_499, %swap3A_500, %swap3A_501] {strides = array<i32>} : memref<4x128x128xf32, #tpu.memory_space<vmem>>, vector<16xf32>,
        tpu.vector_store %arg8[%swap3A_499, %swap3A_500, %swap3A_501], %select_n3A_497 {strides = array<i32>} : memref<4x128x128xf32, #tpu.memory_space<vmem>>, vector<16xf32>,
        %select_n3A_503 = arith.select %gt3A_476, %mul3A_352, %mul3A_310 : vector<16xf32>
        %swap3A_504 = arith.constant 0 : i32
        %swap3A_505 = arith.index_cast %swap3A_504 : i32 to index
        %swap3A_506 = arith.index_cast %scan3A_462 : i32 to index
        %swap3A_507 = arith.constant 48 : index
        %swap3A_508 = tpu.vector_load %arg8[%swap3A_505, %swap3A_506, %swap3A_507] {strides = array<i32>} : memref<4x128x128xf32, #tpu.memory_space<vmem>>, vector<16xf32>,
        tpu.vector_store %arg8[%swap3A_505, %swap3A_506, %swap3A_507], %select_n3A_503 {strides = array<i32>} : memref<4x128x128xf32, #tpu.memory_space<vmem>>, vector<16xf32>,
        %select_n3A_509 = arith.select %gt3A_476, %mul3A_358, %mul3A_313 : vector<16xf32>
        %swap3A_510 = arith.constant 0 : i32
        %swap3A_511 = arith.index_cast %swap3A_510 : i32 to index
        %swap3A_512 = arith.index_cast %scan3A_462 : i32 to index
        %swap3A_513 = arith.constant 64 : index
        %swap3A_514 = tpu.vector_load %arg8[%swap3A_511, %swap3A_512, %swap3A_513] {strides = array<i32>} : memref<4x128x128xf32, #tpu.memory_space<vmem>>, vector<16xf32>,
        tpu.vector_store %arg8[%swap3A_511, %swap3A_512, %swap3A_513], %select_n3A_509 {strides = array<i32>} : memref<4x128x128xf32, #tpu.memory_space<vmem>>, vector<16xf32>,
        %select_n3A_515 = arith.select %gt3A_476, %mul3A_364, %mul3A_316 : vector<16xf32>
        %swap3A_516 = arith.constant 0 : i32
        %swap3A_517 = arith.index_cast %swap3A_516 : i32 to index
        %swap3A_518 = arith.index_cast %scan3A_462 : i32 to index
        %swap3A_519 = arith.constant 80 : index
        %swap3A_520 = tpu.vector_load %arg8[%swap3A_517, %swap3A_518, %swap3A_519] {strides = array<i32>} : memref<4x128x128xf32, #tpu.memory_space<vmem>>, vector<16xf32>,
        tpu.vector_store %arg8[%swap3A_517, %swap3A_518, %swap3A_519], %select_n3A_515 {strides = array<i32>} : memref<4x128x128xf32, #tpu.memory_space<vmem>>, vector<16xf32>,
        %select_n3A_521 = arith.select %gt3A_476, %mul3A_370, %mul3A_319 : vector<16xf32>
        %swap3A_522 = arith.constant 0 : i32
        %swap3A_523 = arith.index_cast %swap3A_522 : i32 to index
        %swap3A_524 = arith.index_cast %scan3A_462 : i32 to index
        %swap3A_525 = arith.constant 96 : index
        %swap3A_526 = tpu.vector_load %arg8[%swap3A_523, %swap3A_524, %swap3A_525] {strides = array<i32>} : memref<4x128x128xf32, #tpu.memory_space<vmem>>, vector<16xf32>,
        tpu.vector_store %arg8[%swap3A_523, %swap3A_524, %swap3A_525], %select_n3A_521 {strides = array<i32>} : memref<4x128x128xf32, #tpu.memory_space<vmem>>, vector<16xf32>,
        %select_n3A_527 = arith.select %gt3A_476, %mul3A_376, %mul3A_322 : vector<16xf32>
        %swap3A_528 = arith.constant 0 : i32
        %swap3A_529 = arith.index_cast %swap3A_528 : i32 to index
        %swap3A_530 = arith.index_cast %scan3A_462 : i32 to index
        %swap3A_531 = arith.constant 112 : index
        %swap3A_532 = tpu.vector_load %arg8[%swap3A_529, %swap3A_530, %swap3A_531] {strides = array<i32>} : memref<4x128x128xf32, #tpu.memory_space<vmem>>, vector<16xf32>,
        tpu.vector_store %arg8[%swap3A_529, %swap3A_530, %swap3A_531], %select_n3A_527 {strides = array<i32>} : memref<4x128x128xf32, #tpu.memory_space<vmem>>, vector<16xf32>,
        %scan3A_533 = arith.constant 0 : i32
        %scan3A_534 = arith.constant 1 : i32
        %scan3A_535 = arith.addi %scan3A_462, %scan3A_534 : i32
        %add3A_536 = arith.addi %mul3A_435, %scan3A_535 : i32
        %get3A_537 = arith.index_cast %add3A_536 : i32 to index
        %get3A_538 = tpu.vector_load %arg12[%get3A_537] {strides = array<i32>} : memref<2304xi32, #tpu.memory_space<vmem>>, vector<16xi32>,
        %slice3A_539 = vector.extract_strided_slice %get3A_538 {offsets = [0], sizes = [1], strides = [1]} : vector<16xi32> to vector<1xi32>
        %squeeze3A_540 = vector.extract %slice3A_539[0] : i32 from vector<1xi32>
        %and3A_541 = arith.constant 2 : i32
        %and3A_542 = arith.andi %squeeze3A_540, %and3A_541 : i32
        %gt3A_543 = arith.constant 0 : i32
        %gt3A_544 = arith.cmpi sgt, %and3A_542, %gt3A_543 : i32
        %and3A_545 = arith.constant 1 : i32
        %and3A_546 = arith.andi %squeeze3A_540, %and3A_545 : i32
        %gt3A_547 = arith.constant 0 : i32
        %gt3A_548 = arith.cmpi sgt, %and3A_546, %gt3A_547 : i32
        %get3A_549 = arith.constant 0 : i32
        %get3A_550 = arith.index_cast %get3A_549 : i32 to index
        %get3A_551 = arith.index_cast %scan3A_535 : i32 to index
        %get3A_552 = arith.constant 0 : index
        %get3A_553 = tpu.vector_load %arg8[%get3A_550, %get3A_551, %get3A_552] {strides = array<i32>} : memref<4x128x128xf32, #tpu.memory_space<vmem>>, vector<16xf32>,
        %select_n3A_554 = arith.select %lt3A_325, %get3A_553, %mul3A_301 : vector<16xi1>, vector<16xf32>
        %select_n3A_555 = arith.select %gt3A_544, %mul3A_301, %get3A_553 : vector<16xf32>
        %select_n3A_556 = arith.select %lt3A_325, %mul3A_333, %select_n3A_555 : vector<16xi1>, vector<16xf32>
        %select_n3A_557 = arith.select %gt3A_548, %select_n3A_556, %select_n3A_554 : vector<16xf32>
        %swap3A_558 = arith.constant 0 : i32
        %swap3A_559 = arith.index_cast %swap3A_558 : i32 to index
        %swap3A_560 = arith.index_cast %scan3A_535 : i32 to index
        %swap3A_561 = arith.constant 0 : index
        %swap3A_562 = tpu.vector_load %arg8[%swap3A_559, %swap3A_560, %swap3A_561] {strides = array<i32>} : memref<4x128x128xf32, #tpu.memory_space<vmem>>, vector<16xf32>,
        tpu.vector_store %arg8[%swap3A_559, %swap3A_560, %swap3A_561], %select_n3A_557 {strides = array<i32>} : memref<4x128x128xf32, #tpu.memory_space<vmem>>, vector<16xf32>,
        %select_n3A_563 = arith.select %gt3A_548, %select_n3A_378, %select_n3A_377 : vector<16xf32>
        %swap3A_564 = arith.constant 0 : i32
        %swap3A_565 = arith.index_cast %swap3A_564 : i32 to index
        %swap3A_566 = arith.index_cast %scan3A_535 : i32 to index
        %swap3A_567 = arith.constant 16 : index
        %swap3A_568 = tpu.vector_load %arg8[%swap3A_565, %swap3A_566, %swap3A_567] {strides = array<i32>} : memref<4x128x128xf32, #tpu.memory_space<vmem>>, vector<16xf32>,
        tpu.vector_store %arg8[%swap3A_565, %swap3A_566, %swap3A_567], %select_n3A_563 {strides = array<i32>} : memref<4x128x128xf32, #tpu.memory_space<vmem>>, vector<16xf32>,
        %select_n3A_569 = arith.select %gt3A_548, %mul3A_346, %mul3A_307 : vector<16xf32>
        %swap3A_570 = arith.constant 0 : i32
        %swap3A_571 = arith.index_cast %swap3A_570 : i32 to index
        %swap3A_572 = arith.index_cast %scan3A_535 : i32 to index
        %swap3A_573 = arith.constant 32 : index
        %swap3A_574 = tpu.vector_load %arg8[%swap3A_571, %swap3A_572, %swap3A_573] {strides = array<i32>} : memref<4x128x128xf32, #tpu.memory_space<vmem>>, vector<16xf32>,
        tpu.vector_store %arg8[%swap3A_571, %swap3A_572, %swap3A_573], %select_n3A_569 {strides = array<i32>} : memref<4x128x128xf32, #tpu.memory_space<vmem>>, vector<16xf32>,
        %select_n3A_575 = arith.select %gt3A_548, %mul3A_352, %mul3A_310 : vector<16xf32>
        %swap3A_576 = arith.constant 0 : i32
        %swap3A_577 = arith.index_cast %swap3A_576 : i32 to index
        %swap3A_578 = arith.index_cast %scan3A_535 : i32 to index
        %swap3A_579 = arith.constant 48 : index
        %swap3A_580 = tpu.vector_load %arg8[%swap3A_577, %swap3A_578, %swap3A_579] {strides = array<i32>} : memref<4x128x128xf32, #tpu.memory_space<vmem>>, vector<16xf32>,
        tpu.vector_store %arg8[%swap3A_577, %swap3A_578, %swap3A_579], %select_n3A_575 {strides = array<i32>} : memref<4x128x128xf32, #tpu.memory_space<vmem>>, vector<16xf32>,
        %select_n3A_581 = arith.select %gt3A_548, %mul3A_358, %mul3A_313 : vector<16xf32>
        %swap3A_582 = arith.constant 0 : i32
        %swap3A_583 = arith.index_cast %swap3A_582 : i32 to index
        %swap3A_584 = arith.index_cast %scan3A_535 : i32 to index
        %swap3A_585 = arith.constant 64 : index
        %swap3A_586 = tpu.vector_load %arg8[%swap3A_583, %swap3A_584, %swap3A_585] {strides = array<i32>} : memref<4x128x128xf32, #tpu.memory_space<vmem>>, vector<16xf32>,
        tpu.vector_store %arg8[%swap3A_583, %swap3A_584, %swap3A_585], %select_n3A_581 {strides = array<i32>} : memref<4x128x128xf32, #tpu.memory_space<vmem>>, vector<16xf32>,
        %select_n3A_587 = arith.select %gt3A_548, %mul3A_364, %mul3A_316 : vector<16xf32>
        %swap3A_588 = arith.constant 0 : i32
        %swap3A_589 = arith.index_cast %swap3A_588 : i32 to index
        %swap3A_590 = arith.index_cast %scan3A_535 : i32 to index
        %swap3A_591 = arith.constant 80 : index
        %swap3A_592 = tpu.vector_load %arg8[%swap3A_589, %swap3A_590, %swap3A_591] {strides = array<i32>} : memref<4x128x128xf32, #tpu.memory_space<vmem>>, vector<16xf32>,
        tpu.vector_store %arg8[%swap3A_589, %swap3A_590, %swap3A_591], %select_n3A_587 {strides = array<i32>} : memref<4x128x128xf32, #tpu.memory_space<vmem>>, vector<16xf32>,
        %select_n3A_593 = arith.select %gt3A_548, %mul3A_370, %mul3A_319 : vector<16xf32>
        %swap3A_594 = arith.constant 0 : i32
        %swap3A_595 = arith.index_cast %swap3A_594 : i32 to index
        %swap3A_596 = arith.index_cast %scan3A_535 : i32 to index
        %swap3A_597 = arith.constant 96 : index
        %swap3A_598 = tpu.vector_load %arg8[%swap3A_595, %swap3A_596, %swap3A_597] {strides = array<i32>} : memref<4x128x128xf32, #tpu.memory_space<vmem>>, vector<16xf32>,
        tpu.vector_store %arg8[%swap3A_595, %swap3A_596, %swap3A_597], %select_n3A_593 {strides = array<i32>} : memref<4x128x128xf32, #tpu.memory_space<vmem>>, vector<16xf32>,
        %select_n3A_599 = arith.select %gt3A_548, %mul3A_376, %mul3A_322 : vector<16xf32>
        %swap3A_600 = arith.constant 0 : i32
        %swap3A_601 = arith.index_cast %swap3A_600 : i32 to index
        %swap3A_602 = arith.index_cast %scan3A_535 : i32 to index
        %swap3A_603 = arith.constant 112 : index
        %swap3A_604 = tpu.vector_load %arg8[%swap3A_601, %swap3A_602, %swap3A_603] {strides = array<i32>} : memref<4x128x128xf32, #tpu.memory_space<vmem>>, vector<16xf32>,
        tpu.vector_store %arg8[%swap3A_601, %swap3A_602, %swap3A_603], %select_n3A_599 {strides = array<i32>} : memref<4x128x128xf32, #tpu.memory_space<vmem>>, vector<16xf32>,
        %scan3A_605 = arith.constant 0 : i32
        scf.yield %scan3A_605 : i32
      }
      %scan3A_442 = arith.constant 128 : i32
      %dma_start3A_443 = arith.constant 0 : i32
      %dma_start3A_444 = arith.constant 0 : i32
      "tpu.trace_stop"() : () -> ()
      %dma_start3A_445 = arith.constant 0 : i32
      %dma_start3A_446 = arith.constant 0 : i32
      %dma_start3A_447 = tpu.memref_slice %arg8[%dma_start3A_443, %dma_start3A_445, %dma_start3A_446] : memref<4x128x128xf32, #tpu.memory_space<vmem>> -> memref<1x128x128xf32, #tpu.memory_space<vmem>>
      %dma_start3A_448 = tpu.memref_squeeze %dma_start3A_447 : memref<1x128x128xf32, #tpu.memory_space<vmem>> -> memref<128x128xf32, #tpu.memory_space<vmem>>
      %dma_start3A_449 = arith.constant 0 : i32
      %dma_start3A_450 = tpu.memref_slice %arg13[%dma_start3A_444, %dma_start3A_449] : memref<4x128xi32, #tpu.memory_space<vmem>> -> memref<1x128xi32, #tpu.memory_space<vmem>>
      %dma_start3A_451 = tpu.memref_squeeze %dma_start3A_450 : memref<1x128xi32, #tpu.memory_space<vmem>> -> memref<128xi32, #tpu.memory_space<vmem>>
      %dma_start3A_452 = arith.constant 0 : i32
      %dma_start3A_453 = arith.constant 0 : i32
      %dma_start3A_454 = tpu.memref_slice %arg6[%dma_start3A_452, %dma_start3A_453] : memref<65536x128xf32, #tpu.memory_space<hbm>> -> memref<65536x128xf32, #tpu.memory_space<hbm>>
      tpu.enqueue_indirect_dma source(%dma_start3A_448 : memref<128x128xf32, #tpu.memory_space<vmem>>) target(%dma_start3A_454 : memref<65536x128xf32, #tpu.memory_space<hbm>>) offsets(%dma_start3A_451 : memref<128xi32, #tpu.memory_space<vmem>>) semaphore(%arg18 : memref<!tpu.dma_semaphore, #tpu.memory_space<semaphore_mem>>)
      %add3A_455 = arith.constant 1 : i32
      %add3A_456 = arith.addi %mul3A_410, %add3A_455 : i32
      %lt3A_457 = arith.cmpi slt, %add3A_456, %shift_right_logical3A_67 : i32
      %convert_element_type3A_458 = arith.extui %lt3A_457 : i1 to i32
      %cond3A_459 = arith.constant 0 : i32
      %cond3A_460 = arith.cmpi ne, %convert_element_type3A_458, %cond3A_459 : i32
      scf.if %cond3A_460 {
        %add3A_462 = arith.constant 1 : i32
        %add3A_463 = arith.addi %mul3A_410, %add3A_462 : i32
        %dma_wait3A_464 = arith.constant 1 : i32
        %dma_wait3A_465 = arith.constant 1 : i32
        %dma_wait3A_466 = arith.constant 0 : i32
        %dma_wait3A_467 = arith.constant 0 : i32
        %dma_wait3A_468 = tpu.memref_slice %arg8[%dma_wait3A_465, %dma_wait3A_466, %dma_wait3A_467] : memref<4x128x128xf32, #tpu.memory_space<vmem>> -> memref<1x128x128xf32, #tpu.memory_space<vmem>>
        %dma_wait3A_469 = tpu.memref_squeeze %dma_wait3A_468 : memref<1x128x128xf32, #tpu.memory_space<vmem>> -> memref<128x128xf32, #tpu.memory_space<vmem>>
        %dma_wait3A_470 = arith.constant 0 : i32
        %dma_wait3A_471 = tpu.memref_slice %arg13[%dma_wait3A_464, %dma_wait3A_470] : memref<4x128xi32, #tpu.memory_space<vmem>> -> memref<1x128xi32, #tpu.memory_space<vmem>>
        %dma_wait3A_472 = tpu.memref_squeeze %dma_wait3A_471 : memref<1x128xi32, #tpu.memory_space<vmem>> -> memref<128xi32, #tpu.memory_space<vmem>>
        %dma_wait3A_473 = arith.constant 0 : i32
        %dma_wait3A_474 = arith.constant 0 : i32
        %dma_wait3A_475 = tpu.memref_slice %arg2[%dma_wait3A_473, %dma_wait3A_474] : memref<65536x128xf32, #tpu.memory_space<hbm>> -> memref<65536x128xf32, #tpu.memory_space<hbm>>
        tpu.wait_indirect_dma semaphore(%arg15 : memref<!tpu.dma_semaphore, #tpu.memory_space<semaphore_mem>>) src(%dma_wait3A_475 : memref<65536x128xf32, #tpu.memory_space<hbm>>) dst(%dma_wait3A_469 : memref<128x128xf32, #tpu.memory_space<vmem>>)
        %ge3A_476 = arith.constant 1 : i32
        %ge3A_477 = arith.cmpi sge, %add3A_463, %ge3A_476 : i32
        %convert_element_type3A_478 = arith.extui %ge3A_477 : i1 to i32
        %cond3A_479 = arith.constant 0 : i32
        %cond3A_480 = arith.cmpi ne, %convert_element_type3A_478, %cond3A_479 : i32
        scf.if %cond3A_480 {
          %dma_wait3A_508 = arith.constant 0 : i32
          %dma_wait3A_509 = arith.constant 0 : i32
          %dma_wait3A_510 = arith.constant 0 : i32
          %dma_wait3A_511 = arith.constant 0 : i32
          %dma_wait3A_512 = tpu.memref_slice %arg8[%dma_wait3A_508, %dma_wait3A_510, %dma_wait3A_511] : memref<4x128x128xf32, #tpu.memory_space<vmem>> -> memref<1x128x128xf32, #tpu.memory_space<vmem>>
          %dma_wait3A_513 = tpu.memref_squeeze %dma_wait3A_512 : memref<1x128x128xf32, #tpu.memory_space<vmem>> -> memref<128x128xf32, #tpu.memory_space<vmem>>
          %dma_wait3A_514 = arith.constant 0 : i32
          %dma_wait3A_515 = tpu.memref_slice %arg13[%dma_wait3A_509, %dma_wait3A_514] : memref<4x128xi32, #tpu.memory_space<vmem>> -> memref<1x128xi32, #tpu.memory_space<vmem>>
          %dma_wait3A_516 = tpu.memref_squeeze %dma_wait3A_515 : memref<1x128xi32, #tpu.memory_space<vmem>> -> memref<128xi32, #tpu.memory_space<vmem>>
          %dma_wait3A_517 = arith.constant 0 : i32
          %dma_wait3A_518 = arith.constant 0 : i32
          %dma_wait3A_519 = tpu.memref_slice %arg6[%dma_wait3A_517, %dma_wait3A_518] : memref<65536x128xf32, #tpu.memory_space<hbm>> -> memref<65536x128xf32, #tpu.memory_space<hbm>>
          tpu.wait_indirect_dma semaphore(%arg18 : memref<!tpu.dma_semaphore, #tpu.memory_space<semaphore_mem>>) src(%dma_wait3A_513 : memref<128x128xf32, #tpu.memory_space<vmem>>) dst(%dma_wait3A_519 : memref<65536x128xf32, #tpu.memory_space<hbm>>)
        } else {
        }
        %add3A_481 = arith.constant 1 : i32
        %add3A_482 = arith.addi %add3A_463, %add3A_481 : i32
        %lt3A_483 = arith.cmpi slt, %add3A_482, %shift_right_logical3A_67 : i32
        %convert_element_type3A_484 = arith.extui %lt3A_483 : i1 to i32
        %cond3A_485 = arith.constant 0 : i32
        %cond3A_486 = arith.cmpi ne, %convert_element_type3A_484, %cond3A_485 : i32
        scf.if %cond3A_486 {
          %add3A_508 = arith.constant 1 : i32
          %add3A_509 = arith.addi %add3A_463, %add3A_508 : i32
          %mul3A_510 = arith.constant 128 : i32
          %mul3A_511 = arith.muli %add3A_509, %mul3A_510 : i32
          %add3A_512 = arith.constant 0 : i32
          %add3A_513 = arith.addi %mul3A_511, %add3A_512 : i32
          %get3A_514 = arith.index_cast %add3A_513 : i32 to index
          %get3A_515 = tpu.vector_load %arg12[%get3A_514] {strides = array<i32>} : memref<2304xi32, #tpu.memory_space<vmem>>, vector<16xi32>,
          %shift_right_logical3A_516 = arith.constant 2 : i32
          %shift_right_logical3A_517 = vector.broadcast %shift_right_logical3A_516 : i32 to vector<16xi32>
          %shift_right_logical3A_518 = arith.shrui %get3A_515, %shift_right_logical3A_517 : vector<16xi32>
          %swap3A_519 = arith.constant 0 : i32
          %swap3A_520 = arith.index_cast %swap3A_519 : i32 to index
          %swap3A_521 = arith.constant 0 : index
          %swap3A_522 = tpu.vector_load %arg13[%swap3A_520, %swap3A_521] {strides = array<i32>} : memref<4x128xi32, #tpu.memory_space<vmem>>, vector<16xi32>,
          tpu.vector_store %arg13[%swap3A_520, %swap3A_521], %shift_right_logical3A_518 {strides = array<i32>} : memref<4x128xi32, #tpu.memory_space<vmem>>, vector<16xi32>,
          %add3A_523 = arith.constant 16 : i32
          %add3A_524 = arith.addi %mul3A_511, %add3A_523 : i32
          %get3A_525 = arith.index_cast %add3A_524 : i32 to index
          %get3A_526 = tpu.vector_load %arg12[%get3A_525] {strides = array<i32>} : memref<2304xi32, #tpu.memory_space<vmem>>, vector<16xi32>,
          %shift_right_logical3A_527 = arith.constant 2 : i32
          %shift_right_logical3A_528 = vector.broadcast %shift_right_logical3A_527 : i32 to vector<16xi32>
          %shift_right_logical3A_529 = arith.shrui %get3A_526, %shift_right_logical3A_528 : vector<16xi32>
          %swap3A_530 = arith.constant 0 : i32
          %swap3A_531 = arith.index_cast %swap3A_530 : i32 to index
          %swap3A_532 = arith.constant 16 : index
          %swap3A_533 = tpu.vector_load %arg13[%swap3A_531, %swap3A_532] {strides = array<i32>} : memref<4x128xi32, #tpu.memory_space<vmem>>, vector<16xi32>,
          tpu.vector_store %arg13[%swap3A_531, %swap3A_532], %shift_right_logical3A_529 {strides = array<i32>} : memref<4x128xi32, #tpu.memory_space<vmem>>, vector<16xi32>,
          %add3A_534 = arith.constant 32 : i32
          %add3A_535 = arith.addi %mul3A_511, %add3A_534 : i32
          %get3A_536 = arith.index_cast %add3A_535 : i32 to index
          %get3A_537 = tpu.vector_load %arg12[%get3A_536] {strides = array<i32>} : memref<2304xi32, #tpu.memory_space<vmem>>, vector<16xi32>,
          %shift_right_logical3A_538 = arith.constant 2 : i32
          %shift_right_logical3A_539 = vector.broadcast %shift_right_logical3A_538 : i32 to vector<16xi32>
          %shift_right_logical3A_540 = arith.shrui %get3A_537, %shift_right_logical3A_539 : vector<16xi32>
          %swap3A_541 = arith.constant 0 : i32
          %swap3A_542 = arith.index_cast %swap3A_541 : i32 to index
          %swap3A_543 = arith.constant 32 : index
          %swap3A_544 = tpu.vector_load %arg13[%swap3A_542, %swap3A_543] {strides = array<i32>} : memref<4x128xi32, #tpu.memory_space<vmem>>, vector<16xi32>,
          tpu.vector_store %arg13[%swap3A_542, %swap3A_543], %shift_right_logical3A_540 {strides = array<i32>} : memref<4x128xi32, #tpu.memory_space<vmem>>, vector<16xi32>,
          %add3A_545 = arith.constant 48 : i32
          %add3A_546 = arith.addi %mul3A_511, %add3A_545 : i32
          %get3A_547 = arith.index_cast %add3A_546 : i32 to index
          %get3A_548 = tpu.vector_load %arg12[%get3A_547] {strides = array<i32>} : memref<2304xi32, #tpu.memory_space<vmem>>, vector<16xi32>,
          %shift_right_logical3A_549 = arith.constant 2 : i32
          %shift_right_logical3A_550 = vector.broadcast %shift_right_logical3A_549 : i32 to vector<16xi32>
          %shift_right_logical3A_551 = arith.shrui %get3A_548, %shift_right_logical3A_550 : vector<16xi32>
          %swap3A_552 = arith.constant 0 : i32
          %swap3A_553 = arith.index_cast %swap3A_552 : i32 to index
          %swap3A_554 = arith.constant 48 : index
          %swap3A_555 = tpu.vector_load %arg13[%swap3A_553, %swap3A_554] {strides = array<i32>} : memref<4x128xi32, #tpu.memory_space<vmem>>, vector<16xi32>,
          tpu.vector_store %arg13[%swap3A_553, %swap3A_554], %shift_right_logical3A_551 {strides = array<i32>} : memref<4x128xi32, #tpu.memory_space<vmem>>, vector<16xi32>,
          %add3A_556 = arith.constant 64 : i32
          %add3A_557 = arith.addi %mul3A_511, %add3A_556 : i32
          %get3A_558 = arith.index_cast %add3A_557 : i32 to index
          %get3A_559 = tpu.vector_load %arg12[%get3A_558] {strides = array<i32>} : memref<2304xi32, #tpu.memory_space<vmem>>, vector<16xi32>,
          %shift_right_logical3A_560 = arith.constant 2 : i32
          %shift_right_logical3A_561 = vector.broadcast %shift_right_logical3A_560 : i32 to vector<16xi32>
          %shift_right_logical3A_562 = arith.shrui %get3A_559, %shift_right_logical3A_561 : vector<16xi32>
          %swap3A_563 = arith.constant 0 : i32
          %swap3A_564 = arith.index_cast %swap3A_563 : i32 to index
          %swap3A_565 = arith.constant 64 : index
          %swap3A_566 = tpu.vector_load %arg13[%swap3A_564, %swap3A_565] {strides = array<i32>} : memref<4x128xi32, #tpu.memory_space<vmem>>, vector<16xi32>,
          tpu.vector_store %arg13[%swap3A_564, %swap3A_565], %shift_right_logical3A_562 {strides = array<i32>} : memref<4x128xi32, #tpu.memory_space<vmem>>, vector<16xi32>,
          %add3A_567 = arith.constant 80 : i32
          %add3A_568 = arith.addi %mul3A_511, %add3A_567 : i32
          %get3A_569 = arith.index_cast %add3A_568 : i32 to index
          %get3A_570 = tpu.vector_load %arg12[%get3A_569] {strides = array<i32>} : memref<2304xi32, #tpu.memory_space<vmem>>, vector<16xi32>,
          %shift_right_logical3A_571 = arith.constant 2 : i32
          %shift_right_logical3A_572 = vector.broadcast %shift_right_logical3A_571 : i32 to vector<16xi32>
          %shift_right_logical3A_573 = arith.shrui %get3A_570, %shift_right_logical3A_572 : vector<16xi32>
          %swap3A_574 = arith.constant 0 : i32
          %swap3A_575 = arith.index_cast %swap3A_574 : i32 to index
          %swap3A_576 = arith.constant 80 : index
          %swap3A_577 = tpu.vector_load %arg13[%swap3A_575, %swap3A_576] {strides = array<i32>} : memref<4x128xi32, #tpu.memory_space<vmem>>, vector<16xi32>,
          tpu.vector_store %arg13[%swap3A_575, %swap3A_576], %shift_right_logical3A_573 {strides = array<i32>} : memref<4x128xi32, #tpu.memory_space<vmem>>, vector<16xi32>,
          %add3A_578 = arith.constant 96 : i32
          %add3A_579 = arith.addi %mul3A_511, %add3A_578 : i32
          %get3A_580 = arith.index_cast %add3A_579 : i32 to index
          %get3A_581 = tpu.vector_load %arg12[%get3A_580] {strides = array<i32>} : memref<2304xi32, #tpu.memory_space<vmem>>, vector<16xi32>,
          %shift_right_logical3A_582 = arith.constant 2 : i32
          %shift_right_logical3A_583 = vector.broadcast %shift_right_logical3A_582 : i32 to vector<16xi32>
          %shift_right_logical3A_584 = arith.shrui %get3A_581, %shift_right_logical3A_583 : vector<16xi32>
          %swap3A_585 = arith.constant 0 : i32
          %swap3A_586 = arith.index_cast %swap3A_585 : i32 to index
          %swap3A_587 = arith.constant 96 : index
          %swap3A_588 = tpu.vector_load %arg13[%swap3A_586, %swap3A_587] {strides = array<i32>} : memref<4x128xi32, #tpu.memory_space<vmem>>, vector<16xi32>,
          tpu.vector_store %arg13[%swap3A_586, %swap3A_587], %shift_right_logical3A_584 {strides = array<i32>} : memref<4x128xi32, #tpu.memory_space<vmem>>, vector<16xi32>,
          %add3A_589 = arith.constant 112 : i32
          %add3A_590 = arith.addi %mul3A_511, %add3A_589 : i32
          %get3A_591 = arith.index_cast %add3A_590 : i32 to index
          %get3A_592 = tpu.vector_load %arg12[%get3A_591] {strides = array<i32>} : memref<2304xi32, #tpu.memory_space<vmem>>, vector<16xi32>,
          %shift_right_logical3A_593 = arith.constant 2 : i32
          %shift_right_logical3A_594 = vector.broadcast %shift_right_logical3A_593 : i32 to vector<16xi32>
          %shift_right_logical3A_595 = arith.shrui %get3A_592, %shift_right_logical3A_594 : vector<16xi32>
          %swap3A_596 = arith.constant 0 : i32
          %swap3A_597 = arith.index_cast %swap3A_596 : i32 to index
          %swap3A_598 = arith.constant 112 : index
          %swap3A_599 = tpu.vector_load %arg13[%swap3A_597, %swap3A_598] {strides = array<i32>} : memref<4x128xi32, #tpu.memory_space<vmem>>, vector<16xi32>,
          tpu.vector_store %arg13[%swap3A_597, %swap3A_598], %shift_right_logical3A_595 {strides = array<i32>} : memref<4x128xi32, #tpu.memory_space<vmem>>, vector<16xi32>,
          %dma_start3A_600 = arith.constant 0 : i32
          %dma_start3A_601 = arith.constant 0 : i32
          %dma_start3A_602 = arith.constant 0 : i32
          %dma_start3A_603 = arith.constant 0 : i32
          %dma_start3A_604 = tpu.memref_slice %arg8[%dma_start3A_601, %dma_start3A_602, %dma_start3A_603] : memref<4x128x128xf32, #tpu.memory_space<vmem>> -> memref<1x128x128xf32, #tpu.memory_space<vmem>>
          %dma_start3A_605 = tpu.memref_squeeze %dma_start3A_604 : memref<1x128x128xf32, #tpu.memory_space<vmem>> -> memref<128x128xf32, #tpu.memory_space<vmem>>
          %dma_start3A_606 = arith.constant 0 : i32
          %dma_start3A_607 = tpu.memref_slice %arg13[%dma_start3A_600, %dma_start3A_606] : memref<4x128xi32, #tpu.memory_space<vmem>> -> memref<1x128xi32, #tpu.memory_space<vmem>>
          %dma_start3A_608 = tpu.memref_squeeze %dma_start3A_607 : memref<1x128xi32, #tpu.memory_space<vmem>> -> memref<128xi32, #tpu.memory_space<vmem>>
          %dma_start3A_609 = arith.constant 0 : i32
          %dma_start3A_610 = arith.constant 0 : i32
          %dma_start3A_611 = tpu.memref_slice %arg2[%dma_start3A_609, %dma_start3A_610] : memref<65536x128xf32, #tpu.memory_space<hbm>> -> memref<65536x128xf32, #tpu.memory_space<hbm>>
          tpu.enqueue_indirect_dma source(%dma_start3A_611 : memref<65536x128xf32, #tpu.memory_space<hbm>>) target(%dma_start3A_605 : memref<128x128xf32, #tpu.memory_space<vmem>>) offsets(%dma_start3A_608 : memref<128xi32, #tpu.memory_space<vmem>>) semaphore(%arg14 : memref<!tpu.dma_semaphore, #tpu.memory_space<semaphore_mem>>)
        } else {
        }
        %mul3A_487 = arith.constant 128 : i32
        %mul3A_488 = arith.muli %add3A_463, %mul3A_487 : i32
        "tpu.trace_start"() <{level = 10 : i32, message = "fix"}> : () -> ()
        %scan3A_489 = arith.constant 0 : i32
        %scan3A_490 = arith.constant 0 : i32
        %scan3A_491 = arith.constant 128 : i32
        %scan3A_492 = arith.addi %scan3A_490, %scan3A_491 : i32
        %scan3A_493 = arith.constant 2 : i32
        %scan3A_494 = scf.for %scan3A_508 = %scan3A_490 to %scan3A_492 step %scan3A_493 iter_args(%scan3A_509 = %scan3A_489) -> (i32)  : i32 {
          %add3A_510 = arith.addi %mul3A_488, %scan3A_508 : i32
          %get3A_511 = arith.index_cast %add3A_510 : i32 to index
          %get3A_512 = tpu.vector_load %arg12[%get3A_511] {strides = array<i32>} : memref<2304xi32, #tpu.memory_space<vmem>>, vector<16xi32>,
          %slice3A_513 = vector.extract_strided_slice %get3A_512 {offsets = [0], sizes = [1], strides = [1]} : vector<16xi32> to vector<1xi32>
          %squeeze3A_514 = vector.extract %slice3A_513[0] : i32 from vector<1xi32>
          %and3A_515 = arith.constant 2 : i32
          %and3A_516 = arith.andi %squeeze3A_514, %and3A_515 : i32
          %gt3A_517 = arith.constant 0 : i32
          %gt3A_518 = arith.cmpi sgt, %and3A_516, %gt3A_517 : i32
          %and3A_519 = arith.constant 1 : i32
          %and3A_520 = arith.andi %squeeze3A_514, %and3A_519 : i32
          %gt3A_521 = arith.constant 0 : i32
          %gt3A_522 = arith.cmpi sgt, %and3A_520, %gt3A_521 : i32
          %get3A_523 = arith.constant 1 : i32
          %get3A_524 = arith.index_cast %get3A_523 : i32 to index
          %get3A_525 = arith.index_cast %scan3A_508 : i32 to index
          %get3A_526 = arith.constant 0 : index
          %get3A_527 = tpu.vector_load %arg8[%get3A_524, %get3A_525, %get3A_526] {strides = array<i32>} : memref<4x128x128xf32, #tpu.memory_space<vmem>>, vector<16xf32>,
          %select_n3A_528 = arith.select %lt3A_325, %get3A_527, %mul3A_301 : vector<16xi1>, vector<16xf32>
          %select_n3A_529 = arith.select %gt3A_518, %mul3A_301, %get3A_527 : vector<16xf32>
          %select_n3A_530 = arith.select %lt3A_325, %mul3A_333, %select_n3A_529 : vector<16xi1>, vector<16xf32>
          %select_n3A_531 = arith.select %gt3A_522, %select_n3A_530, %select_n3A_528 : vector<16xf32>
          %swap3A_532 = arith.constant 1 : i32
          %swap3A_533 = arith.index_cast %swap3A_532 : i32 to index
          %swap3A_534 = arith.index_cast %scan3A_508 : i32 to index
          %swap3A_535 = arith.constant 0 : index
          %swap3A_536 = tpu.vector_load %arg8[%swap3A_533, %swap3A_534, %swap3A_535] {strides = array<i32>} : memref<4x128x128xf32, #tpu.memory_space<vmem>>, vector<16xf32>,
          tpu.vector_store %arg8[%swap3A_533, %swap3A_534, %swap3A_535], %select_n3A_531 {strides = array<i32>} : memref<4x128x128xf32, #tpu.memory_space<vmem>>, vector<16xf32>,
          %select_n3A_537 = arith.select %gt3A_522, %select_n3A_378, %select_n3A_377 : vector<16xf32>
          %swap3A_538 = arith.constant 1 : i32
          %swap3A_539 = arith.index_cast %swap3A_538 : i32 to index
          %swap3A_540 = arith.index_cast %scan3A_508 : i32 to index
          %swap3A_541 = arith.constant 16 : index
          %swap3A_542 = tpu.vector_load %arg8[%swap3A_539, %swap3A_540, %swap3A_541] {strides = array<i32>} : memref<4x128x128xf32, #tpu.memory_space<vmem>>, vector<16xf32>,
          tpu.vector_store %arg8[%swap3A_539, %swap3A_540, %swap3A_541], %select_n3A_537 {strides = array<i32>} : memref<4x128x128xf32, #tpu.memory_space<vmem>>, vector<16xf32>,
          %select_n3A_543 = arith.select %gt3A_522, %mul3A_346, %mul3A_307 : vector<16xf32>
          %swap3A_544 = arith.constant 1 : i32
          %swap3A_545 = arith.index_cast %swap3A_544 : i32 to index
          %swap3A_546 = arith.index_cast %scan3A_508 : i32 to index
          %swap3A_547 = arith.constant 32 : index
          %swap3A_548 = tpu.vector_load %arg8[%swap3A_545, %swap3A_546, %swap3A_547] {strides = array<i32>} : memref<4x128x128xf32, #tpu.memory_space<vmem>>, vector<16xf32>,
          tpu.vector_store %arg8[%swap3A_545, %swap3A_546, %swap3A_547], %select_n3A_543 {strides = array<i32>} : memref<4x128x128xf32, #tpu.memory_space<vmem>>, vector<16xf32>,
          %select_n3A_549 = arith.select %gt3A_522, %mul3A_352, %mul3A_310 : vector<16xf32>
          %swap3A_550 = arith.constant 1 : i32
          %swap3A_551 = arith.index_cast %swap3A_550 : i32 to index
          %swap3A_552 = arith.index_cast %scan3A_508 : i32 to index
          %swap3A_553 = arith.constant 48 : index
          %swap3A_554 = tpu.vector_load %arg8[%swap3A_551, %swap3A_552, %swap3A_553] {strides = array<i32>} : memref<4x128x128xf32, #tpu.memory_space<vmem>>, vector<16xf32>,
          tpu.vector_store %arg8[%swap3A_551, %swap3A_552, %swap3A_553], %select_n3A_549 {strides = array<i32>} : memref<4x128x128xf32, #tpu.memory_space<vmem>>, vector<16xf32>,
          %select_n3A_555 = arith.select %gt3A_522, %mul3A_358, %mul3A_313 : vector<16xf32>
          %swap3A_556 = arith.constant 1 : i32
          %swap3A_557 = arith.index_cast %swap3A_556 : i32 to index
          %swap3A_558 = arith.index_cast %scan3A_508 : i32 to index
          %swap3A_559 = arith.constant 64 : index
          %swap3A_560 = tpu.vector_load %arg8[%swap3A_557, %swap3A_558, %swap3A_559] {strides = array<i32>} : memref<4x128x128xf32, #tpu.memory_space<vmem>>, vector<16xf32>,
          tpu.vector_store %arg8[%swap3A_557, %swap3A_558, %swap3A_559], %select_n3A_555 {strides = array<i32>} : memref<4x128x128xf32, #tpu.memory_space<vmem>>, vector<16xf32>,
          %select_n3A_561 = arith.select %gt3A_522, %mul3A_364, %mul3A_316 : vector<16xf32>
          %swap3A_562 = arith.constant 1 : i32
          %swap3A_563 = arith.index_cast %swap3A_562 : i32 to index
          %swap3A_564 = arith.index_cast %scan3A_508 : i32 to index
          %swap3A_565 = arith.constant 80 : index
          %swap3A_566 = tpu.vector_load %arg8[%swap3A_563, %swap3A_564, %swap3A_565] {strides = array<i32>} : memref<4x128x128xf32, #tpu.memory_space<vmem>>, vector<16xf32>,
          tpu.vector_store %arg8[%swap3A_563, %swap3A_564, %swap3A_565], %select_n3A_561 {strides = array<i32>} : memref<4x128x128xf32, #tpu.memory_space<vmem>>, vector<16xf32>,
          %select_n3A_567 = arith.select %gt3A_522, %mul3A_370, %mul3A_319 : vector<16xf32>
          %swap3A_568 = arith.constant 1 : i32
          %swap3A_569 = arith.index_cast %swap3A_568 : i32 to index
          %swap3A_570 = arith.index_cast %scan3A_508 : i32 to index
          %swap3A_571 = arith.constant 96 : index
          %swap3A_572 = tpu.vector_load %arg8[%swap3A_569, %swap3A_570, %swap3A_571] {strides = array<i32>} : memref<4x128x128xf32, #tpu.memory_space<vmem>>, vector<16xf32>,
          tpu.vector_store %arg8[%swap3A_569, %swap3A_570, %swap3A_571], %select_n3A_567 {strides = array<i32>} : memref<4x128x128xf32, #tpu.memory_space<vmem>>, vector<16xf32>,
          %select_n3A_573 = arith.select %gt3A_522, %mul3A_376, %mul3A_322 : vector<16xf32>
          %swap3A_574 = arith.constant 1 : i32
          %swap3A_575 = arith.index_cast %swap3A_574 : i32 to index
          %swap3A_576 = arith.index_cast %scan3A_508 : i32 to index
          %swap3A_577 = arith.constant 112 : index
          %swap3A_578 = tpu.vector_load %arg8[%swap3A_575, %swap3A_576, %swap3A_577] {strides = array<i32>} : memref<4x128x128xf32, #tpu.memory_space<vmem>>, vector<16xf32>,
          tpu.vector_store %arg8[%swap3A_575, %swap3A_576, %swap3A_577], %select_n3A_573 {strides = array<i32>} : memref<4x128x128xf32, #tpu.memory_space<vmem>>, vector<16xf32>,
          %scan3A_579 = arith.constant 0 : i32
          %scan3A_580 = arith.constant 1 : i32
          %scan3A_581 = arith.addi %scan3A_508, %scan3A_580 : i32
          %add3A_582 = arith.addi %mul3A_488, %scan3A_581 : i32
          %get3A_583 = arith.index_cast %add3A_582 : i32 to index
          %get3A_584 = tpu.vector_load %arg12[%get3A_583] {strides = array<i32>} : memref<2304xi32, #tpu.memory_space<vmem>>, vector<16xi32>,
          %slice3A_585 = vector.extract_strided_slice %get3A_584 {offsets = [0], sizes = [1], strides = [1]} : vector<16xi32> to vector<1xi32>
          %squeeze3A_586 = vector.extract %slice3A_585[0] : i32 from vector<1xi32>
          %and3A_587 = arith.constant 2 : i32
          %and3A_588 = arith.andi %squeeze3A_586, %and3A_587 : i32
          %gt3A_589 = arith.constant 0 : i32
          %gt3A_590 = arith.cmpi sgt, %and3A_588, %gt3A_589 : i32
          %and3A_591 = arith.constant 1 : i32
          %and3A_592 = arith.andi %squeeze3A_586, %and3A_591 : i32
          %gt3A_593 = arith.constant 0 : i32
          %gt3A_594 = arith.cmpi sgt, %and3A_592, %gt3A_593 : i32
          %get3A_595 = arith.constant 1 : i32
          %get3A_596 = arith.index_cast %get3A_595 : i32 to index
          %get3A_597 = arith.index_cast %scan3A_581 : i32 to index
          %get3A_598 = arith.constant 0 : index
          %get3A_599 = tpu.vector_load %arg8[%get3A_596, %get3A_597, %get3A_598] {strides = array<i32>} : memref<4x128x128xf32, #tpu.memory_space<vmem>>, vector<16xf32>,
          %select_n3A_600 = arith.select %lt3A_325, %get3A_599, %mul3A_301 : vector<16xi1>, vector<16xf32>
          %select_n3A_601 = arith.select %gt3A_590, %mul3A_301, %get3A_599 : vector<16xf32>
          %select_n3A_602 = arith.select %lt3A_325, %mul3A_333, %select_n3A_601 : vector<16xi1>, vector<16xf32>
          %select_n3A_603 = arith.select %gt3A_594, %select_n3A_602, %select_n3A_600 : vector<16xf32>
          %swap3A_604 = arith.constant 1 : i32
          %swap3A_605 = arith.index_cast %swap3A_604 : i32 to index
          %swap3A_606 = arith.index_cast %scan3A_581 : i32 to index
          %swap3A_607 = arith.constant 0 : index
          %swap3A_608 = tpu.vector_load %arg8[%swap3A_605, %swap3A_606, %swap3A_607] {strides = array<i32>} : memref<4x128x128xf32, #tpu.memory_space<vmem>>, vector<16xf32>,
          tpu.vector_store %arg8[%swap3A_605, %swap3A_606, %swap3A_607], %select_n3A_603 {strides = array<i32>} : memref<4x128x128xf32, #tpu.memory_space<vmem>>, vector<16xf32>,
          %select_n3A_609 = arith.select %gt3A_594, %select_n3A_378, %select_n3A_377 : vector<16xf32>
          %swap3A_610 = arith.constant 1 : i32
          %swap3A_611 = arith.index_cast %swap3A_610 : i32 to index
          %swap3A_612 = arith.index_cast %scan3A_581 : i32 to index
          %swap3A_613 = arith.constant 16 : index
          %swap3A_614 = tpu.vector_load %arg8[%swap3A_611, %swap3A_612, %swap3A_613] {strides = array<i32>} : memref<4x128x128xf32, #tpu.memory_space<vmem>>, vector<16xf32>,
          tpu.vector_store %arg8[%swap3A_611, %swap3A_612, %swap3A_613], %select_n3A_609 {strides = array<i32>} : memref<4x128x128xf32, #tpu.memory_space<vmem>>, vector<16xf32>,
          %select_n3A_615 = arith.select %gt3A_594, %mul3A_346, %mul3A_307 : vector<16xf32>
          %swap3A_616 = arith.constant 1 : i32
          %swap3A_617 = arith.index_cast %swap3A_616 : i32 to index
          %swap3A_618 = arith.index_cast %scan3A_581 : i32 to index
          %swap3A_619 = arith.constant 32 : index
          %swap3A_620 = tpu.vector_load %arg8[%swap3A_617, %swap3A_618, %swap3A_619] {strides = array<i32>} : memref<4x128x128xf32, #tpu.memory_space<vmem>>, vector<16xf32>,
          tpu.vector_store %arg8[%swap3A_617, %swap3A_618, %swap3A_619], %select_n3A_615 {strides = array<i32>} : memref<4x128x128xf32, #tpu.memory_space<vmem>>, vector<16xf32>,
          %select_n3A_621 = arith.select %gt3A_594, %mul3A_352, %mul3A_310 : vector<16xf32>
          %swap3A_622 = arith.constant 1 : i32
          %swap3A_623 = arith.index_cast %swap3A_622 : i32 to index
          %swap3A_624 = arith.index_cast %scan3A_581 : i32 to index
          %swap3A_625 = arith.constant 48 : index
          %swap3A_626 = tpu.vector_load %arg8[%swap3A_623, %swap3A_624, %swap3A_625] {strides = array<i32>} : memref<4x128x128xf32, #tpu.memory_space<vmem>>, vector<16xf32>,
          tpu.vector_store %arg8[%swap3A_623, %swap3A_624, %swap3A_625], %select_n3A_621 {strides = array<i32>} : memref<4x128x128xf32, #tpu.memory_space<vmem>>, vector<16xf32>,
          %select_n3A_627 = arith.select %gt3A_594, %mul3A_358, %mul3A_313 : vector<16xf32>
          %swap3A_628 = arith.constant 1 : i32
          %swap3A_629 = arith.index_cast %swap3A_628 : i32 to index
          %swap3A_630 = arith.index_cast %scan3A_581 : i32 to index
          %swap3A_631 = arith.constant 64 : index
          %swap3A_632 = tpu.vector_load %arg8[%swap3A_629, %swap3A_630, %swap3A_631] {strides = array<i32>} : memref<4x128x128xf32, #tpu.memory_space<vmem>>, vector<16xf32>,
          tpu.vector_store %arg8[%swap3A_629, %swap3A_630, %swap3A_631], %select_n3A_627 {strides = array<i32>} : memref<4x128x128xf32, #tpu.memory_space<vmem>>, vector<16xf32>,
          %select_n3A_633 = arith.select %gt3A_594, %mul3A_364, %mul3A_316 : vector<16xf32>
          %swap3A_634 = arith.constant 1 : i32
          %swap3A_635 = arith.index_cast %swap3A_634 : i32 to index
          %swap3A_636 = arith.index_cast %scan3A_581 : i32 to index
          %swap3A_637 = arith.constant 80 : index
          %swap3A_638 = tpu.vector_load %arg8[%swap3A_635, %swap3A_636, %swap3A_637] {strides = array<i32>} : memref<4x128x128xf32, #tpu.memory_space<vmem>>, vector<16xf32>,
          tpu.vector_store %arg8[%swap3A_635, %swap3A_636, %swap3A_637], %select_n3A_633 {strides = array<i32>} : memref<4x128x128xf32, #tpu.memory_space<vmem>>, vector<16xf32>,
          %select_n3A_639 = arith.select %gt3A_594, %mul3A_370, %mul3A_319 : vector<16xf32>
          %swap3A_640 = arith.constant 1 : i32
          %swap3A_641 = arith.index_cast %swap3A_640 : i32 to index
          %swap3A_642 = arith.index_cast %scan3A_581 : i32 to index
          %swap3A_643 = arith.constant 96 : index
          %swap3A_644 = tpu.vector_load %arg8[%swap3A_641, %swap3A_642, %swap3A_643] {strides = array<i32>} : memref<4x128x128xf32, #tpu.memory_space<vmem>>, vector<16xf32>,
          tpu.vector_store %arg8[%swap3A_641, %swap3A_642, %swap3A_643], %select_n3A_639 {strides = array<i32>} : memref<4x128x128xf32, #tpu.memory_space<vmem>>, vector<16xf32>,
          %select_n3A_645 = arith.select %gt3A_594, %mul3A_376, %mul3A_322 : vector<16xf32>
          %swap3A_646 = arith.constant 1 : i32
          %swap3A_647 = arith.index_cast %swap3A_646 : i32 to index
          %swap3A_648 = arith.index_cast %scan3A_581 : i32 to index
          %swap3A_649 = arith.constant 112 : index
          %swap3A_650 = tpu.vector_load %arg8[%swap3A_647, %swap3A_648, %swap3A_649] {strides = array<i32>} : memref<4x128x128xf32, #tpu.memory_space<vmem>>, vector<16xf32>,
          tpu.vector_store %arg8[%swap3A_647, %swap3A_648, %swap3A_649], %select_n3A_645 {strides = array<i32>} : memref<4x128x128xf32, #tpu.memory_space<vmem>>, vector<16xf32>,
          %scan3A_651 = arith.constant 0 : i32
          scf.yield %scan3A_651 : i32
        }
        %scan3A_495 = arith.constant 128 : i32
        %dma_start3A_496 = arith.constant 1 : i32
        %dma_start3A_497 = arith.constant 1 : i32
        "tpu.trace_stop"() : () -> ()
        %dma_start3A_498 = arith.constant 0 : i32
        %dma_start3A_499 = arith.constant 0 : i32
        %dma_start3A_500 = tpu.memref_slice %arg8[%dma_start3A_496, %dma_start3A_498, %dma_start3A_499] : memref<4x128x128xf32, #tpu.memory_space<vmem>> -> memref<1x128x128xf32, #tpu.memory_space<vmem>>
        %dma_start3A_501 = tpu.memref_squeeze %dma_start3A_500 : memref<1x128x128xf32, #tpu.memory_space<vmem>> -> memref<128x128xf32, #tpu.memory_space<vmem>>
        %dma_start3A_502 = arith.constant 0 : i32
        %dma_start3A_503 = tpu.memref_slice %arg13[%dma_start3A_497, %dma_start3A_502] : memref<4x128xi32, #tpu.memory_space<vmem>> -> memref<1x128xi32, #tpu.memory_space<vmem>>
        %dma_start3A_504 = tpu.memref_squeeze %dma_start3A_503 : memref<1x128xi32, #tpu.memory_space<vmem>> -> memref<128xi32, #tpu.memory_space<vmem>>
        %dma_start3A_505 = arith.constant 0 : i32
        %dma_start3A_506 = arith.constant 0 : i32
        %dma_start3A_507 = tpu.memref_slice %arg6[%dma_start3A_505, %dma_start3A_506] : memref<65536x128xf32, #tpu.memory_space<hbm>> -> memref<65536x128xf32, #tpu.memory_space<hbm>>
        tpu.enqueue_indirect_dma source(%dma_start3A_501 : memref<128x128xf32, #tpu.memory_space<vmem>>) target(%dma_start3A_507 : memref<65536x128xf32, #tpu.memory_space<hbm>>) offsets(%dma_start3A_504 : memref<128xi32, #tpu.memory_space<vmem>>) semaphore(%arg19 : memref<!tpu.dma_semaphore, #tpu.memory_space<semaphore_mem>>)
      } else {
      }
      %while3A_461 = arith.constant 0 : i32
      scf.yield %while3A_461 : i32
    }
    %while3A_391 = arith.constant 1 : i32
    %while3A_392 = scf.for %while3A_407 = %while3A_388 to %while3A_384 step %while3A_391 iter_args(%while3A_408 = %while3A_390) -> (i32)  : i32 {
      %mul3A_409 = arith.constant 2 : i32
      %mul3A_410 = arith.muli %mul3A_409, %while3A_407 : i32
      %dma_wait3A_411 = arith.constant 0 : i32
      %dma_wait3A_412 = arith.constant 0 : i32
      %dma_wait3A_413 = arith.constant 0 : i32
      %dma_wait3A_414 = arith.constant 0 : i32
      %dma_wait3A_415 = tpu.memref_slice %arg8[%dma_wait3A_412, %dma_wait3A_413, %dma_wait3A_414] : memref<4x128x128xf32, #tpu.memory_space<vmem>> -> memref<1x128x128xf32, #tpu.memory_space<vmem>>
      %dma_wait3A_416 = tpu.memref_squeeze %dma_wait3A_415 : memref<1x128x128xf32, #tpu.memory_space<vmem>> -> memref<128x128xf32, #tpu.memory_space<vmem>>
      %dma_wait3A_417 = arith.constant 0 : i32
      %dma_wait3A_418 = tpu.memref_slice %arg13[%dma_wait3A_411, %dma_wait3A_417] : memref<4x128xi32, #tpu.memory_space<vmem>> -> memref<1x128xi32, #tpu.memory_space<vmem>>
      %dma_wait3A_419 = tpu.memref_squeeze %dma_wait3A_418 : memref<1x128xi32, #tpu.memory_space<vmem>> -> memref<128xi32, #tpu.memory_space<vmem>>
      %dma_wait3A_420 = arith.constant 0 : i32
      %dma_wait3A_421 = arith.constant 0 : i32
      %dma_wait3A_422 = tpu.memref_slice %arg2[%dma_wait3A_420, %dma_wait3A_421] : memref<65536x128xf32, #tpu.memory_space<hbm>> -> memref<65536x128xf32, #tpu.memory_space<hbm>>
      tpu.wait_indirect_dma semaphore(%arg14 : memref<!tpu.dma_semaphore, #tpu.memory_space<semaphore_mem>>) src(%dma_wait3A_422 : memref<65536x128xf32, #tpu.memory_space<hbm>>) dst(%dma_wait3A_416 : memref<128x128xf32, #tpu.memory_space<vmem>>)
      %ge3A_423 = arith.constant 1 : i32
      %ge3A_424 = arith.cmpi sge, %mul3A_410, %ge3A_423 : i32
      %convert_element_type3A_425 = arith.extui %ge3A_424 : i1 to i32
      %cond3A_426 = arith.constant 0 : i32
      %cond3A_427 = arith.cmpi ne, %convert_element_type3A_425, %cond3A_426 : i32
      scf.if %cond3A_427 {
        %dma_wait3A_462 = arith.constant 1 : i32
        %dma_wait3A_463 = arith.constant 1 : i32
        %dma_wait3A_464 = arith.constant 0 : i32
        %dma_wait3A_465 = arith.constant 0 : i32
        %dma_wait3A_466 = tpu.memref_slice %arg8[%dma_wait3A_462, %dma_wait3A_464, %dma_wait3A_465] : memref<4x128x128xf32, #tpu.memory_space<vmem>> -> memref<1x128x128xf32, #tpu.memory_space<vmem>>
        %dma_wait3A_467 = tpu.memref_squeeze %dma_wait3A_466 : memref<1x128x128xf32, #tpu.memory_space<vmem>> -> memref<128x128xf32, #tpu.memory_space<vmem>>
        %dma_wait3A_468 = arith.constant 0 : i32
        %dma_wait3A_469 = tpu.memref_slice %arg13[%dma_wait3A_463, %dma_wait3A_468] : memref<4x128xi32, #tpu.memory_space<vmem>> -> memref<1x128xi32, #tpu.memory_space<vmem>>
        %dma_wait3A_470 = tpu.memref_squeeze %dma_wait3A_469 : memref<1x128xi32, #tpu.memory_space<vmem>> -> memref<128xi32, #tpu.memory_space<vmem>>
        %dma_wait3A_471 = arith.constant 0 : i32
        %dma_wait3A_472 = arith.constant 0 : i32
        %dma_wait3A_473 = tpu.memref_slice %arg6[%dma_wait3A_471, %dma_wait3A_472] : memref<65536x128xf32, #tpu.memory_space<hbm>> -> memref<65536x128xf32, #tpu.memory_space<hbm>>
        tpu.wait_indirect_dma semaphore(%arg19 : memref<!tpu.dma_semaphore, #tpu.memory_space<semaphore_mem>>) src(%dma_wait3A_467 : memref<128x128xf32, #tpu.memory_space<vmem>>) dst(%dma_wait3A_473 : memref<65536x128xf32, #tpu.memory_space<hbm>>)
      } else {
      }
      %add3A_428 = arith.constant 1 : i32
      %add3A_429 = arith.addi %mul3A_410, %add3A_428 : i32
      %lt3A_430 = arith.cmpi slt, %add3A_429, %shift_right_logical3A_67 : i32
      %convert_element_type3A_431 = arith.extui %lt3A_430 : i1 to i32
      %cond3A_432 = arith.constant 0 : i32
      %cond3A_433 = arith.cmpi ne, %convert_element_type3A_431, %cond3A_432 : i32
      scf.if %cond3A_433 {
        %add3A_462 = arith.constant 1 : i32
        %add3A_463 = arith.addi %mul3A_410, %add3A_462 : i32
        %mul3A_464 = arith.constant 128 : i32
        %mul3A_465 = arith.muli %add3A_463, %mul3A_464 : i32
        %add3A_466 = arith.constant 0 : i32
        %add3A_467 = arith.addi %mul3A_465, %add3A_466 : i32
        %get3A_468 = arith.index_cast %add3A_467 : i32 to index
        %get3A_469 = tpu.vector_load %arg12[%get3A_468] {strides = array<i32>} : memref<2304xi32, #tpu.memory_space<vmem>>, vector<16xi32>,
        %shift_right_logical3A_470 = arith.constant 2 : i32
        %shift_right_logical3A_471 = vector.broadcast %shift_right_logical3A_470 : i32 to vector<16xi32>
        %shift_right_logical3A_472 = arith.shrui %get3A_469, %shift_right_logical3A_471 : vector<16xi32>
        %swap3A_473 = arith.constant 1 : i32
        %swap3A_474 = arith.index_cast %swap3A_473 : i32 to index
        %swap3A_475 = arith.constant 0 : index
        %swap3A_476 = tpu.vector_load %arg13[%swap3A_474, %swap3A_475] {strides = array<i32>} : memref<4x128xi32, #tpu.memory_space<vmem>>, vector<16xi32>,
        tpu.vector_store %arg13[%swap3A_474, %swap3A_475], %shift_right_logical3A_472 {strides = array<i32>} : memref<4x128xi32, #tpu.memory_space<vmem>>, vector<16xi32>,
        %add3A_477 = arith.constant 16 : i32
        %add3A_478 = arith.addi %mul3A_465, %add3A_477 : i32
        %get3A_479 = arith.index_cast %add3A_478 : i32 to index
        %get3A_480 = tpu.vector_load %arg12[%get3A_479] {strides = array<i32>} : memref<2304xi32, #tpu.memory_space<vmem>>, vector<16xi32>,
        %shift_right_logical3A_481 = arith.constant 2 : i32
        %shift_right_logical3A_482 = vector.broadcast %shift_right_logical3A_481 : i32 to vector<16xi32>
        %shift_right_logical3A_483 = arith.shrui %get3A_480, %shift_right_logical3A_482 : vector<16xi32>
        %swap3A_484 = arith.constant 1 : i32
        %swap3A_485 = arith.index_cast %swap3A_484 : i32 to index
        %swap3A_486 = arith.constant 16 : index
        %swap3A_487 = tpu.vector_load %arg13[%swap3A_485, %swap3A_486] {strides = array<i32>} : memref<4x128xi32, #tpu.memory_space<vmem>>, vector<16xi32>,
        tpu.vector_store %arg13[%swap3A_485, %swap3A_486], %shift_right_logical3A_483 {strides = array<i32>} : memref<4x128xi32, #tpu.memory_space<vmem>>, vector<16xi32>,
        %add3A_488 = arith.constant 32 : i32
        %add3A_489 = arith.addi %mul3A_465, %add3A_488 : i32
        %get3A_490 = arith.index_cast %add3A_489 : i32 to index
        %get3A_491 = tpu.vector_load %arg12[%get3A_490] {strides = array<i32>} : memref<2304xi32, #tpu.memory_space<vmem>>, vector<16xi32>,
        %shift_right_logical3A_492 = arith.constant 2 : i32
        %shift_right_logical3A_493 = vector.broadcast %shift_right_logical3A_492 : i32 to vector<16xi32>
        %shift_right_logical3A_494 = arith.shrui %get3A_491, %shift_right_logical3A_493 : vector<16xi32>
        %swap3A_495 = arith.constant 1 : i32
        %swap3A_496 = arith.index_cast %swap3A_495 : i32 to index
        %swap3A_497 = arith.constant 32 : index
        %swap3A_498 = tpu.vector_load %arg13[%swap3A_496, %swap3A_497] {strides = array<i32>} : memref<4x128xi32, #tpu.memory_space<vmem>>, vector<16xi32>,
        tpu.vector_store %arg13[%swap3A_496, %swap3A_497], %shift_right_logical3A_494 {strides = array<i32>} : memref<4x128xi32, #tpu.memory_space<vmem>>, vector<16xi32>,
        %add3A_499 = arith.constant 48 : i32
        %add3A_500 = arith.addi %mul3A_465, %add3A_499 : i32
        %get3A_501 = arith.index_cast %add3A_500 : i32 to index
        %get3A_502 = tpu.vector_load %arg12[%get3A_501] {strides = array<i32>} : memref<2304xi32, #tpu.memory_space<vmem>>, vector<16xi32>,
        %shift_right_logical3A_503 = arith.constant 2 : i32
        %shift_right_logical3A_504 = vector.broadcast %shift_right_logical3A_503 : i32 to vector<16xi32>
        %shift_right_logical3A_505 = arith.shrui %get3A_502, %shift_right_logical3A_504 : vector<16xi32>
        %swap3A_506 = arith.constant 1 : i32
        %swap3A_507 = arith.index_cast %swap3A_506 : i32 to index
        %swap3A_508 = arith.constant 48 : index
        %swap3A_509 = tpu.vector_load %arg13[%swap3A_507, %swap3A_508] {strides = array<i32>} : memref<4x128xi32, #tpu.memory_space<vmem>>, vector<16xi32>,
        tpu.vector_store %arg13[%swap3A_507, %swap3A_508], %shift_right_logical3A_505 {strides = array<i32>} : memref<4x128xi32, #tpu.memory_space<vmem>>, vector<16xi32>,
        %add3A_510 = arith.constant 64 : i32
        %add3A_511 = arith.addi %mul3A_465, %add3A_510 : i32
        %get3A_512 = arith.index_cast %add3A_511 : i32 to index
        %get3A_513 = tpu.vector_load %arg12[%get3A_512] {strides = array<i32>} : memref<2304xi32, #tpu.memory_space<vmem>>, vector<16xi32>,
        %shift_right_logical3A_514 = arith.constant 2 : i32
        %shift_right_logical3A_515 = vector.broadcast %shift_right_logical3A_514 : i32 to vector<16xi32>
        %shift_right_logical3A_516 = arith.shrui %get3A_513, %shift_right_logical3A_515 : vector<16xi32>
        %swap3A_517 = arith.constant 1 : i32
        %swap3A_518 = arith.index_cast %swap3A_517 : i32 to index
        %swap3A_519 = arith.constant 64 : index
        %swap3A_520 = tpu.vector_load %arg13[%swap3A_518, %swap3A_519] {strides = array<i32>} : memref<4x128xi32, #tpu.memory_space<vmem>>, vector<16xi32>,
        tpu.vector_store %arg13[%swap3A_518, %swap3A_519], %shift_right_logical3A_516 {strides = array<i32>} : memref<4x128xi32, #tpu.memory_space<vmem>>, vector<16xi32>,
        %add3A_521 = arith.constant 80 : i32
        %add3A_522 = arith.addi %mul3A_465, %add3A_521 : i32
        %get3A_523 = arith.index_cast %add3A_522 : i32 to index
        %get3A_524 = tpu.vector_load %arg12[%get3A_523] {strides = array<i32>} : memref<2304xi32, #tpu.memory_space<vmem>>, vector<16xi32>,
        %shift_right_logical3A_525 = arith.constant 2 : i32
        %shift_right_logical3A_526 = vector.broadcast %shift_right_logical3A_525 : i32 to vector<16xi32>
        %shift_right_logical3A_527 = arith.shrui %get3A_524, %shift_right_logical3A_526 : vector<16xi32>
        %swap3A_528 = arith.constant 1 : i32
        %swap3A_529 = arith.index_cast %swap3A_528 : i32 to index
        %swap3A_530 = arith.constant 80 : index
        %swap3A_531 = tpu.vector_load %arg13[%swap3A_529, %swap3A_530] {strides = array<i32>} : memref<4x128xi32, #tpu.memory_space<vmem>>, vector<16xi32>,
        tpu.vector_store %arg13[%swap3A_529, %swap3A_530], %shift_right_logical3A_527 {strides = array<i32>} : memref<4x128xi32, #tpu.memory_space<vmem>>, vector<16xi32>,
        %add3A_532 = arith.constant 96 : i32
        %add3A_533 = arith.addi %mul3A_465, %add3A_532 : i32
        %get3A_534 = arith.index_cast %add3A_533 : i32 to index
        %get3A_535 = tpu.vector_load %arg12[%get3A_534] {strides = array<i32>} : memref<2304xi32, #tpu.memory_space<vmem>>, vector<16xi32>,
        %shift_right_logical3A_536 = arith.constant 2 : i32
        %shift_right_logical3A_537 = vector.broadcast %shift_right_logical3A_536 : i32 to vector<16xi32>
        %shift_right_logical3A_538 = arith.shrui %get3A_535, %shift_right_logical3A_537 : vector<16xi32>
        %swap3A_539 = arith.constant 1 : i32
        %swap3A_540 = arith.index_cast %swap3A_539 : i32 to index
        %swap3A_541 = arith.constant 96 : index
        %swap3A_542 = tpu.vector_load %arg13[%swap3A_540, %swap3A_541] {strides = array<i32>} : memref<4x128xi32, #tpu.memory_space<vmem>>, vector<16xi32>,
        tpu.vector_store %arg13[%swap3A_540, %swap3A_541], %shift_right_logical3A_538 {strides = array<i32>} : memref<4x128xi32, #tpu.memory_space<vmem>>, vector<16xi32>,
        %add3A_543 = arith.constant 112 : i32
        %add3A_544 = arith.addi %mul3A_465, %add3A_543 : i32
        %get3A_545 = arith.index_cast %add3A_544 : i32 to index
        %get3A_546 = tpu.vector_load %arg12[%get3A_545] {strides = array<i32>} : memref<2304xi32, #tpu.memory_space<vmem>>, vector<16xi32>,
        %shift_right_logical3A_547 = arith.constant 2 : i32
        %shift_right_logical3A_548 = vector.broadcast %shift_right_logical3A_547 : i32 to vector<16xi32>
        %shift_right_logical3A_549 = arith.shrui %get3A_546, %shift_right_logical3A_548 : vector<16xi32>
        %swap3A_550 = arith.constant 1 : i32
        %swap3A_551 = arith.index_cast %swap3A_550 : i32 to index
        %swap3A_552 = arith.constant 112 : index
        %swap3A_553 = tpu.vector_load %arg13[%swap3A_551, %swap3A_552] {strides = array<i32>} : memref<4x128xi32, #tpu.memory_space<vmem>>, vector<16xi32>,
        tpu.vector_store %arg13[%swap3A_551, %swap3A_552], %shift_right_logical3A_549 {strides = array<i32>} : memref<4x128xi32, #tpu.memory_space<vmem>>, vector<16xi32>,
        %dma_start3A_554 = arith.constant 1 : i32
        %dma_start3A_555 = arith.constant 1 : i32
        %dma_start3A_556 = arith.constant 0 : i32
        %dma_start3A_557 = arith.constant 0 : i32
        %dma_start3A_558 = tpu.memref_slice %arg8[%dma_start3A_555, %dma_start3A_556, %dma_start3A_557] : memref<4x128x128xf32, #tpu.memory_space<vmem>> -> memref<1x128x128xf32, #tpu.memory_space<vmem>>
        %dma_start3A_559 = tpu.memref_squeeze %dma_start3A_558 : memref<1x128x128xf32, #tpu.memory_space<vmem>> -> memref<128x128xf32, #tpu.memory_space<vmem>>
        %dma_start3A_560 = arith.constant 0 : i32
        %dma_start3A_561 = tpu.memref_slice %arg13[%dma_start3A_554, %dma_start3A_560] : memref<4x128xi32, #tpu.memory_space<vmem>> -> memref<1x128xi32, #tpu.memory_space<vmem>>
        %dma_start3A_562 = tpu.memref_squeeze %dma_start3A_561 : memref<1x128xi32, #tpu.memory_space<vmem>> -> memref<128xi32, #tpu.memory_space<vmem>>
        %dma_start3A_563 = arith.constant 0 : i32
        %dma_start3A_564 = arith.constant 0 : i32
        %dma_start3A_565 = tpu.memref_slice %arg2[%dma_start3A_563, %dma_start3A_564] : memref<65536x128xf32, #tpu.memory_space<hbm>> -> memref<65536x128xf32, #tpu.memory_space<hbm>>
        tpu.enqueue_indirect_dma source(%dma_start3A_565 : memref<65536x128xf32, #tpu.memory_space<hbm>>) target(%dma_start3A_559 : memref<128x128xf32, #tpu.memory_space<vmem>>) offsets(%dma_start3A_562 : memref<128xi32, #tpu.memory_space<vmem>>) semaphore(%arg15 : memref<!tpu.dma_semaphore, #tpu.memory_space<semaphore_mem>>)
      } else {
      }
      %mul3A_434 = arith.constant 128 : i32
      %mul3A_435 = arith.muli %mul3A_410, %mul3A_434 : i32
      "tpu.trace_start"() <{level = 10 : i32, message = "fix"}> : () -> ()
      %scan3A_436 = arith.constant 0 : i32
      %scan3A_437 = arith.constant 0 : i32
      %scan3A_438 = arith.constant 128 : i32
      %scan3A_439 = arith.addi %scan3A_437, %scan3A_438 : i32
      %scan3A_440 = arith.constant 2 : i32
      %scan3A_441 = scf.for %scan3A_462 = %scan3A_437 to %scan3A_439 step %scan3A_440 iter_args(%scan3A_463 = %scan3A_436) -> (i32)  : i32 {
        %add3A_464 = arith.addi %mul3A_435, %scan3A_462 : i32
        %get3A_465 = arith.index_cast %add3A_464 : i32 to index
        %get3A_466 = tpu.vector_load %arg12[%get3A_465] {strides = array<i32>} : memref<2304xi32, #tpu.memory_space<vmem>>, vector<16xi32>,
        %slice3A_467 = vector.extract_strided_slice %get3A_466 {offsets = [0], sizes = [1], strides = [1]} : vector<16xi32> to vector<1xi32>
        %squeeze3A_468 = vector.extract %slice3A_467[0] : i32 from vector<1xi32>
        %and3A_469 = arith.constant 2 : i32
        %and3A_470 = arith.andi %squeeze3A_468, %and3A_469 : i32
        %gt3A_471 = arith.constant 0 : i32
        %gt3A_472 = arith.cmpi sgt, %and3A_470, %gt3A_471 : i32
        %and3A_473 = arith.constant 1 : i32
        %and3A_474 = arith.andi %squeeze3A_468, %and3A_473 : i32
        %gt3A_475 = arith.constant 0 : i32
        %gt3A_476 = arith.cmpi sgt, %and3A_474, %gt3A_475 : i32
        %get3A_477 = arith.constant 0 : i32
        %get3A_478 = arith.index_cast %get3A_477 : i32 to index
        %get3A_479 = arith.index_cast %scan3A_462 : i32 to index
        %get3A_480 = arith.constant 0 : index
        %get3A_481 = tpu.vector_load %arg8[%get3A_478, %get3A_479, %get3A_480] {strides = array<i32>} : memref<4x128x128xf32, #tpu.memory_space<vmem>>, vector<16xf32>,
        %select_n3A_482 = arith.select %lt3A_325, %get3A_481, %mul3A_301 : vector<16xi1>, vector<16xf32>
        %select_n3A_483 = arith.select %gt3A_472, %mul3A_301, %get3A_481 : vector<16xf32>
        %select_n3A_484 = arith.select %lt3A_325, %mul3A_333, %select_n3A_483 : vector<16xi1>, vector<16xf32>
        %select_n3A_485 = arith.select %gt3A_476, %select_n3A_484, %select_n3A_482 : vector<16xf32>
        %swap3A_486 = arith.constant 0 : i32
        %swap3A_487 = arith.index_cast %swap3A_486 : i32 to index
        %swap3A_488 = arith.index_cast %scan3A_462 : i32 to index
        %swap3A_489 = arith.constant 0 : index
        %swap3A_490 = tpu.vector_load %arg8[%swap3A_487, %swap3A_488, %swap3A_489] {strides = array<i32>} : memref<4x128x128xf32, #tpu.memory_space<vmem>>, vector<16xf32>,
        tpu.vector_store %arg8[%swap3A_487, %swap3A_488, %swap3A_489], %select_n3A_485 {strides = array<i32>} : memref<4x128x128xf32, #tpu.memory_space<vmem>>, vector<16xf32>,
        %select_n3A_491 = arith.select %gt3A_476, %select_n3A_378, %select_n3A_377 : vector<16xf32>
        %swap3A_492 = arith.constant 0 : i32
        %swap3A_493 = arith.index_cast %swap3A_492 : i32 to index
        %swap3A_494 = arith.index_cast %scan3A_462 : i32 to index
        %swap3A_495 = arith.constant 16 : index
        %swap3A_496 = tpu.vector_load %arg8[%swap3A_493, %swap3A_494, %swap3A_495] {strides = array<i32>} : memref<4x128x128xf32, #tpu.memory_space<vmem>>, vector<16xf32>,
        tpu.vector_store %arg8[%swap3A_493, %swap3A_494, %swap3A_495], %select_n3A_491 {strides = array<i32>} : memref<4x128x128xf32, #tpu.memory_space<vmem>>, vector<16xf32>,
        %select_n3A_497 = arith.select %gt3A_476, %mul3A_346, %mul3A_307 : vector<16xf32>
        %swap3A_498 = arith.constant 0 : i32
        %swap3A_499 = arith.index_cast %swap3A_498 : i32 to index
        %swap3A_500 = arith.index_cast %scan3A_462 : i32 to index
        %swap3A_501 = arith.constant 32 : index
        %swap3A_502 = tpu.vector_load %arg8[%swap3A_499, %swap3A_500, %swap3A_501] {strides = array<i32>} : memref<4x128x128xf32, #tpu.memory_space<vmem>>, vector<16xf32>,
        tpu.vector_store %arg8[%swap3A_499, %swap3A_500, %swap3A_501], %select_n3A_497 {strides = array<i32>} : memref<4x128x128xf32, #tpu.memory_space<vmem>>, vector<16xf32>,
        %select_n3A_503 = arith.select %gt3A_476, %mul3A_352, %mul3A_310 : vector<16xf32>
        %swap3A_504 = arith.constant 0 : i32
        %swap3A_505 = arith.index_cast %swap3A_504 : i32 to index
        %swap3A_506 = arith.index_cast %scan3A_462 : i32 to index
        %swap3A_507 = arith.constant 48 : index
        %swap3A_508 = tpu.vector_load %arg8[%swap3A_505, %swap3A_506, %swap3A_507] {strides = array<i32>} : memref<4x128x128xf32, #tpu.memory_space<vmem>>, vector<16xf32>,
        tpu.vector_store %arg8[%swap3A_505, %swap3A_506, %swap3A_507], %select_n3A_503 {strides = array<i32>} : memref<4x128x128xf32, #tpu.memory_space<vmem>>, vector<16xf32>,
        %select_n3A_509 = arith.select %gt3A_476, %mul3A_358, %mul3A_313 : vector<16xf32>
        %swap3A_510 = arith.constant 0 : i32
        %swap3A_511 = arith.index_cast %swap3A_510 : i32 to index
        %swap3A_512 = arith.index_cast %scan3A_462 : i32 to index
        %swap3A_513 = arith.constant 64 : index
        %swap3A_514 = tpu.vector_load %arg8[%swap3A_511, %swap3A_512, %swap3A_513] {strides = array<i32>} : memref<4x128x128xf32, #tpu.memory_space<vmem>>, vector<16xf32>,
        tpu.vector_store %arg8[%swap3A_511, %swap3A_512, %swap3A_513], %select_n3A_509 {strides = array<i32>} : memref<4x128x128xf32, #tpu.memory_space<vmem>>, vector<16xf32>,
        %select_n3A_515 = arith.select %gt3A_476, %mul3A_364, %mul3A_316 : vector<16xf32>
        %swap3A_516 = arith.constant 0 : i32
        %swap3A_517 = arith.index_cast %swap3A_516 : i32 to index
        %swap3A_518 = arith.index_cast %scan3A_462 : i32 to index
        %swap3A_519 = arith.constant 80 : index
        %swap3A_520 = tpu.vector_load %arg8[%swap3A_517, %swap3A_518, %swap3A_519] {strides = array<i32>} : memref<4x128x128xf32, #tpu.memory_space<vmem>>, vector<16xf32>,
        tpu.vector_store %arg8[%swap3A_517, %swap3A_518, %swap3A_519], %select_n3A_515 {strides = array<i32>} : memref<4x128x128xf32, #tpu.memory_space<vmem>>, vector<16xf32>,
        %select_n3A_521 = arith.select %gt3A_476, %mul3A_370, %mul3A_319 : vector<16xf32>
        %swap3A_522 = arith.constant 0 : i32
        %swap3A_523 = arith.index_cast %swap3A_522 : i32 to index
        %swap3A_524 = arith.index_cast %scan3A_462 : i32 to index
        %swap3A_525 = arith.constant 96 : index
        %swap3A_526 = tpu.vector_load %arg8[%swap3A_523, %swap3A_524, %swap3A_525] {strides = array<i32>} : memref<4x128x128xf32, #tpu.memory_space<vmem>>, vector<16xf32>,
        tpu.vector_store %arg8[%swap3A_523, %swap3A_524, %swap3A_525], %select_n3A_521 {strides = array<i32>} : memref<4x128x128xf32, #tpu.memory_space<vmem>>, vector<16xf32>,
        %select_n3A_527 = arith.select %gt3A_476, %mul3A_376, %mul3A_322 : vector<16xf32>
        %swap3A_528 = arith.constant 0 : i32
        %swap3A_529 = arith.index_cast %swap3A_528 : i32 to index
        %swap3A_530 = arith.index_cast %scan3A_462 : i32 to index
        %swap3A_531 = arith.constant 112 : index
        %swap3A_532 = tpu.vector_load %arg8[%swap3A_529, %swap3A_530, %swap3A_531] {strides = array<i32>} : memref<4x128x128xf32, #tpu.memory_space<vmem>>, vector<16xf32>,
        tpu.vector_store %arg8[%swap3A_529, %swap3A_530, %swap3A_531], %select_n3A_527 {strides = array<i32>} : memref<4x128x128xf32, #tpu.memory_space<vmem>>, vector<16xf32>,
        %scan3A_533 = arith.constant 0 : i32
        %scan3A_534 = arith.constant 1 : i32
        %scan3A_535 = arith.addi %scan3A_462, %scan3A_534 : i32
        %add3A_536 = arith.addi %mul3A_435, %scan3A_535 : i32
        %get3A_537 = arith.index_cast %add3A_536 : i32 to index
        %get3A_538 = tpu.vector_load %arg12[%get3A_537] {strides = array<i32>} : memref<2304xi32, #tpu.memory_space<vmem>>, vector<16xi32>,
        %slice3A_539 = vector.extract_strided_slice %get3A_538 {offsets = [0], sizes = [1], strides = [1]} : vector<16xi32> to vector<1xi32>
        %squeeze3A_540 = vector.extract %slice3A_539[0] : i32 from vector<1xi32>
        %and3A_541 = arith.constant 2 : i32
        %and3A_542 = arith.andi %squeeze3A_540, %and3A_541 : i32
        %gt3A_543 = arith.constant 0 : i32
        %gt3A_544 = arith.cmpi sgt, %and3A_542, %gt3A_543 : i32
        %and3A_545 = arith.constant 1 : i32
        %and3A_546 = arith.andi %squeeze3A_540, %and3A_545 : i32
        %gt3A_547 = arith.constant 0 : i32
        %gt3A_548 = arith.cmpi sgt, %and3A_546, %gt3A_547 : i32
        %get3A_549 = arith.constant 0 : i32
        %get3A_550 = arith.index_cast %get3A_549 : i32 to index
        %get3A_551 = arith.index_cast %scan3A_535 : i32 to index
        %get3A_552 = arith.constant 0 : index
        %get3A_553 = tpu.vector_load %arg8[%get3A_550, %get3A_551, %get3A_552] {strides = array<i32>} : memref<4x128x128xf32, #tpu.memory_space<vmem>>, vector<16xf32>,
        %select_n3A_554 = arith.select %lt3A_325, %get3A_553, %mul3A_301 : vector<16xi1>, vector<16xf32>
        %select_n3A_555 = arith.select %gt3A_544, %mul3A_301, %get3A_553 : vector<16xf32>
        %select_n3A_556 = arith.select %lt3A_325, %mul3A_333, %select_n3A_555 : vector<16xi1>, vector<16xf32>
        %select_n3A_557 = arith.select %gt3A_548, %select_n3A_556, %select_n3A_554 : vector<16xf32>
        %swap3A_558 = arith.constant 0 : i32
        %swap3A_559 = arith.index_cast %swap3A_558 : i32 to index
        %swap3A_560 = arith.index_cast %scan3A_535 : i32 to index
        %swap3A_561 = arith.constant 0 : index
        %swap3A_562 = tpu.vector_load %arg8[%swap3A_559, %swap3A_560, %swap3A_561] {strides = array<i32>} : memref<4x128x128xf32, #tpu.memory_space<vmem>>, vector<16xf32>,
        tpu.vector_store %arg8[%swap3A_559, %swap3A_560, %swap3A_561], %select_n3A_557 {strides = array<i32>} : memref<4x128x128xf32, #tpu.memory_space<vmem>>, vector<16xf32>,
        %select_n3A_563 = arith.select %gt3A_548, %select_n3A_378, %select_n3A_377 : vector<16xf32>
        %swap3A_564 = arith.constant 0 : i32
        %swap3A_565 = arith.index_cast %swap3A_564 : i32 to index
        %swap3A_566 = arith.index_cast %scan3A_535 : i32 to index
        %swap3A_567 = arith.constant 16 : index
        %swap3A_568 = tpu.vector_load %arg8[%swap3A_565, %swap3A_566, %swap3A_567] {strides = array<i32>} : memref<4x128x128xf32, #tpu.memory_space<vmem>>, vector<16xf32>,
        tpu.vector_store %arg8[%swap3A_565, %swap3A_566, %swap3A_567], %select_n3A_563 {strides = array<i32>} : memref<4x128x128xf32, #tpu.memory_space<vmem>>, vector<16xf32>,
        %select_n3A_569 = arith.select %gt3A_548, %mul3A_346, %mul3A_307 : vector<16xf32>
        %swap3A_570 = arith.constant 0 : i32
        %swap3A_571 = arith.index_cast %swap3A_570 : i32 to index
        %swap3A_572 = arith.index_cast %scan3A_535 : i32 to index
        %swap3A_573 = arith.constant 32 : index
        %swap3A_574 = tpu.vector_load %arg8[%swap3A_571, %swap3A_572, %swap3A_573] {strides = array<i32>} : memref<4x128x128xf32, #tpu.memory_space<vmem>>, vector<16xf32>,
        tpu.vector_store %arg8[%swap3A_571, %swap3A_572, %swap3A_573], %select_n3A_569 {strides = array<i32>} : memref<4x128x128xf32, #tpu.memory_space<vmem>>, vector<16xf32>,
        %select_n3A_575 = arith.select %gt3A_548, %mul3A_352, %mul3A_310 : vector<16xf32>
        %swap3A_576 = arith.constant 0 : i32
        %swap3A_577 = arith.index_cast %swap3A_576 : i32 to index
        %swap3A_578 = arith.index_cast %scan3A_535 : i32 to index
        %swap3A_579 = arith.constant 48 : index
        %swap3A_580 = tpu.vector_load %arg8[%swap3A_577, %swap3A_578, %swap3A_579] {strides = array<i32>} : memref<4x128x128xf32, #tpu.memory_space<vmem>>, vector<16xf32>,
        tpu.vector_store %arg8[%swap3A_577, %swap3A_578, %swap3A_579], %select_n3A_575 {strides = array<i32>} : memref<4x128x128xf32, #tpu.memory_space<vmem>>, vector<16xf32>,
        %select_n3A_581 = arith.select %gt3A_548, %mul3A_358, %mul3A_313 : vector<16xf32>
        %swap3A_582 = arith.constant 0 : i32
        %swap3A_583 = arith.index_cast %swap3A_582 : i32 to index
        %swap3A_584 = arith.index_cast %scan3A_535 : i32 to index
        %swap3A_585 = arith.constant 64 : index
        %swap3A_586 = tpu.vector_load %arg8[%swap3A_583, %swap3A_584, %swap3A_585] {strides = array<i32>} : memref<4x128x128xf32, #tpu.memory_space<vmem>>, vector<16xf32>,
        tpu.vector_store %arg8[%swap3A_583, %swap3A_584, %swap3A_585], %select_n3A_581 {strides = array<i32>} : memref<4x128x128xf32, #tpu.memory_space<vmem>>, vector<16xf32>,
        %select_n3A_587 = arith.select %gt3A_548, %mul3A_364, %mul3A_316 : vector<16xf32>
        %swap3A_588 = arith.constant 0 : i32
        %swap3A_589 = arith.index_cast %swap3A_588 : i32 to index
        %swap3A_590 = arith.index_cast %scan3A_535 : i32 to index
        %swap3A_591 = arith.constant 80 : index
        %swap3A_592 = tpu.vector_load %arg8[%swap3A_589, %swap3A_590, %swap3A_591] {strides = array<i32>} : memref<4x128x128xf32, #tpu.memory_space<vmem>>, vector<16xf32>,
        tpu.vector_store %arg8[%swap3A_589, %swap3A_590, %swap3A_591], %select_n3A_587 {strides = array<i32>} : memref<4x128x128xf32, #tpu.memory_space<vmem>>, vector<16xf32>,
        %select_n3A_593 = arith.select %gt3A_548, %mul3A_370, %mul3A_319 : vector<16xf32>
        %swap3A_594 = arith.constant 0 : i32
        %swap3A_595 = arith.index_cast %swap3A_594 : i32 to index
        %swap3A_596 = arith.index_cast %scan3A_535 : i32 to index
        %swap3A_597 = arith.constant 96 : index
        %swap3A_598 = tpu.vector_load %arg8[%swap3A_595, %swap3A_596, %swap3A_597] {strides = array<i32>} : memref<4x128x128xf32, #tpu.memory_space<vmem>>, vector<16xf32>,
        tpu.vector_store %arg8[%swap3A_595, %swap3A_596, %swap3A_597], %select_n3A_593 {strides = array<i32>} : memref<4x128x128xf32, #tpu.memory_space<vmem>>, vector<16xf32>,
        %select_n3A_599 = arith.select %gt3A_548, %mul3A_376, %mul3A_322 : vector<16xf32>
        %swap3A_600 = arith.constant 0 : i32
        %swap3A_601 = arith.index_cast %swap3A_600 : i32 to index
        %swap3A_602 = arith.index_cast %scan3A_535 : i32 to index
        %swap3A_603 = arith.constant 112 : index
        %swap3A_604 = tpu.vector_load %arg8[%swap3A_601, %swap3A_602, %swap3A_603] {strides = array<i32>} : memref<4x128x128xf32, #tpu.memory_space<vmem>>, vector<16xf32>,
        tpu.vector_store %arg8[%swap3A_601, %swap3A_602, %swap3A_603], %select_n3A_599 {strides = array<i32>} : memref<4x128x128xf32, #tpu.memory_space<vmem>>, vector<16xf32>,
        %scan3A_605 = arith.constant 0 : i32
        scf.yield %scan3A_605 : i32
      }
      %scan3A_442 = arith.constant 128 : i32
      %dma_start3A_443 = arith.constant 0 : i32
      %dma_start3A_444 = arith.constant 0 : i32
      "tpu.trace_stop"() : () -> ()
      %dma_start3A_445 = arith.constant 0 : i32
      %dma_start3A_446 = arith.constant 0 : i32
      %dma_start3A_447 = tpu.memref_slice %arg8[%dma_start3A_443, %dma_start3A_445, %dma_start3A_446] : memref<4x128x128xf32, #tpu.memory_space<vmem>> -> memref<1x128x128xf32, #tpu.memory_space<vmem>>
      %dma_start3A_448 = tpu.memref_squeeze %dma_start3A_447 : memref<1x128x128xf32, #tpu.memory_space<vmem>> -> memref<128x128xf32, #tpu.memory_space<vmem>>
      %dma_start3A_449 = arith.constant 0 : i32
      %dma_start3A_450 = tpu.memref_slice %arg13[%dma_start3A_444, %dma_start3A_449] : memref<4x128xi32, #tpu.memory_space<vmem>> -> memref<1x128xi32, #tpu.memory_space<vmem>>
      %dma_start3A_451 = tpu.memref_squeeze %dma_start3A_450 : memref<1x128xi32, #tpu.memory_space<vmem>> -> memref<128xi32, #tpu.memory_space<vmem>>
      %dma_start3A_452 = arith.constant 0 : i32
      %dma_start3A_453 = arith.constant 0 : i32
      %dma_start3A_454 = tpu.memref_slice %arg6[%dma_start3A_452, %dma_start3A_453] : memref<65536x128xf32, #tpu.memory_space<hbm>> -> memref<65536x128xf32, #tpu.memory_space<hbm>>
      tpu.enqueue_indirect_dma source(%dma_start3A_448 : memref<128x128xf32, #tpu.memory_space<vmem>>) target(%dma_start3A_454 : memref<65536x128xf32, #tpu.memory_space<hbm>>) offsets(%dma_start3A_451 : memref<128xi32, #tpu.memory_space<vmem>>) semaphore(%arg18 : memref<!tpu.dma_semaphore, #tpu.memory_space<semaphore_mem>>)
      %add3A_455 = arith.constant 1 : i32
      %add3A_456 = arith.addi %mul3A_410, %add3A_455 : i32
      %lt3A_457 = arith.cmpi slt, %add3A_456, %shift_right_logical3A_67 : i32
      %convert_element_type3A_458 = arith.extui %lt3A_457 : i1 to i32
      %cond3A_459 = arith.constant 0 : i32
      %cond3A_460 = arith.cmpi ne, %convert_element_type3A_458, %cond3A_459 : i32
      scf.if %cond3A_460 {
        %add3A_462 = arith.constant 1 : i32
        %add3A_463 = arith.addi %mul3A_410, %add3A_462 : i32
        %dma_wait3A_464 = arith.constant 1 : i32
        %dma_wait3A_465 = arith.constant 1 : i32
        %dma_wait3A_466 = arith.constant 0 : i32
        %dma_wait3A_467 = arith.constant 0 : i32
        %dma_wait3A_468 = tpu.memref_slice %arg8[%dma_wait3A_465, %dma_wait3A_466, %dma_wait3A_467] : memref<4x128x128xf32, #tpu.memory_space<vmem>> -> memref<1x128x128xf32, #tpu.memory_space<vmem>>
        %dma_wait3A_469 = tpu.memref_squeeze %dma_wait3A_468 : memref<1x128x128xf32, #tpu.memory_space<vmem>> -> memref<128x128xf32, #tpu.memory_space<vmem>>
        %dma_wait3A_470 = arith.constant 0 : i32
        %dma_wait3A_471 = tpu.memref_slice %arg13[%dma_wait3A_464, %dma_wait3A_470] : memref<4x128xi32, #tpu.memory_space<vmem>> -> memref<1x128xi32, #tpu.memory_space<vmem>>
        %dma_wait3A_472 = tpu.memref_squeeze %dma_wait3A_471 : memref<1x128xi32, #tpu.memory_space<vmem>> -> memref<128xi32, #tpu.memory_space<vmem>>
        %dma_wait3A_473 = arith.constant 0 : i32
        %dma_wait3A_474 = arith.constant 0 : i32
        %dma_wait3A_475 = tpu.memref_slice %arg2[%dma_wait3A_473, %dma_wait3A_474] : memref<65536x128xf32, #tpu.memory_space<hbm>> -> memref<65536x128xf32, #tpu.memory_space<hbm>>
        tpu.wait_indirect_dma semaphore(%arg15 : memref<!tpu.dma_semaphore, #tpu.memory_space<semaphore_mem>>) src(%dma_wait3A_475 : memref<65536x128xf32, #tpu.memory_space<hbm>>) dst(%dma_wait3A_469 : memref<128x128xf32, #tpu.memory_space<vmem>>)
        %ge3A_476 = arith.constant 1 : i32
        %ge3A_477 = arith.cmpi sge, %add3A_463, %ge3A_476 : i32
        %convert_element_type3A_478 = arith.extui %ge3A_477 : i1 to i32
        %cond3A_479 = arith.constant 0 : i32
        %cond3A_480 = arith.cmpi ne, %convert_element_type3A_478, %cond3A_479 : i32
        scf.if %cond3A_480 {
          %dma_wait3A_508 = arith.constant 0 : i32
          %dma_wait3A_509 = arith.constant 0 : i32
          %dma_wait3A_510 = arith.constant 0 : i32
          %dma_wait3A_511 = arith.constant 0 : i32
          %dma_wait3A_512 = tpu.memref_slice %arg8[%dma_wait3A_508, %dma_wait3A_510, %dma_wait3A_511] : memref<4x128x128xf32, #tpu.memory_space<vmem>> -> memref<1x128x128xf32, #tpu.memory_space<vmem>>
          %dma_wait3A_513 = tpu.memref_squeeze %dma_wait3A_512 : memref<1x128x128xf32, #tpu.memory_space<vmem>> -> memref<128x128xf32, #tpu.memory_space<vmem>>
          %dma_wait3A_514 = arith.constant 0 : i32
          %dma_wait3A_515 = tpu.memref_slice %arg13[%dma_wait3A_509, %dma_wait3A_514] : memref<4x128xi32, #tpu.memory_space<vmem>> -> memref<1x128xi32, #tpu.memory_space<vmem>>
          %dma_wait3A_516 = tpu.memref_squeeze %dma_wait3A_515 : memref<1x128xi32, #tpu.memory_space<vmem>> -> memref<128xi32, #tpu.memory_space<vmem>>
          %dma_wait3A_517 = arith.constant 0 : i32
          %dma_wait3A_518 = arith.constant 0 : i32
          %dma_wait3A_519 = tpu.memref_slice %arg6[%dma_wait3A_517, %dma_wait3A_518] : memref<65536x128xf32, #tpu.memory_space<hbm>> -> memref<65536x128xf32, #tpu.memory_space<hbm>>
          tpu.wait_indirect_dma semaphore(%arg18 : memref<!tpu.dma_semaphore, #tpu.memory_space<semaphore_mem>>) src(%dma_wait3A_513 : memref<128x128xf32, #tpu.memory_space<vmem>>) dst(%dma_wait3A_519 : memref<65536x128xf32, #tpu.memory_space<hbm>>)
        } else {
        }
        %add3A_481 = arith.constant 1 : i32
        %add3A_482 = arith.addi %add3A_463, %add3A_481 : i32
        %lt3A_483 = arith.cmpi slt, %add3A_482, %shift_right_logical3A_67 : i32
        %convert_element_type3A_484 = arith.extui %lt3A_483 : i1 to i32
        %cond3A_485 = arith.constant 0 : i32
        %cond3A_486 = arith.cmpi ne, %convert_element_type3A_484, %cond3A_485 : i32
        scf.if %cond3A_486 {
          %add3A_508 = arith.constant 1 : i32
          %add3A_509 = arith.addi %add3A_463, %add3A_508 : i32
          %mul3A_510 = arith.constant 128 : i32
          %mul3A_511 = arith.muli %add3A_509, %mul3A_510 : i32
          %add3A_512 = arith.constant 0 : i32
          %add3A_513 = arith.addi %mul3A_511, %add3A_512 : i32
          %get3A_514 = arith.index_cast %add3A_513 : i32 to index
          %get3A_515 = tpu.vector_load %arg12[%get3A_514] {strides = array<i32>} : memref<2304xi32, #tpu.memory_space<vmem>>, vector<16xi32>,
          %shift_right_logical3A_516 = arith.constant 2 : i32
          %shift_right_logical3A_517 = vector.broadcast %shift_right_logical3A_516 : i32 to vector<16xi32>
          %shift_right_logical3A_518 = arith.shrui %get3A_515, %shift_right_logical3A_517 : vector<16xi32>
          %swap3A_519 = arith.constant 0 : i32
          %swap3A_520 = arith.index_cast %swap3A_519 : i32 to index
          %swap3A_521 = arith.constant 0 : index
          %swap3A_522 = tpu.vector_load %arg13[%swap3A_520, %swap3A_521] {strides = array<i32>} : memref<4x128xi32, #tpu.memory_space<vmem>>, vector<16xi32>,
          tpu.vector_store %arg13[%swap3A_520, %swap3A_521], %shift_right_logical3A_518 {strides = array<i32>} : memref<4x128xi32, #tpu.memory_space<vmem>>, vector<16xi32>,
          %add3A_523 = arith.constant 16 : i32
          %add3A_524 = arith.addi %mul3A_511, %add3A_523 : i32
          %get3A_525 = arith.index_cast %add3A_524 : i32 to index
          %get3A_526 = tpu.vector_load %arg12[%get3A_525] {strides = array<i32>} : memref<2304xi32, #tpu.memory_space<vmem>>, vector<16xi32>,
          %shift_right_logical3A_527 = arith.constant 2 : i32
          %shift_right_logical3A_528 = vector.broadcast %shift_right_logical3A_527 : i32 to vector<16xi32>
          %shift_right_logical3A_529 = arith.shrui %get3A_526, %shift_right_logical3A_528 : vector<16xi32>
          %swap3A_530 = arith.constant 0 : i32
          %swap3A_531 = arith.index_cast %swap3A_530 : i32 to index
          %swap3A_532 = arith.constant 16 : index
          %swap3A_533 = tpu.vector_load %arg13[%swap3A_531, %swap3A_532] {strides = array<i32>} : memref<4x128xi32, #tpu.memory_space<vmem>>, vector<16xi32>,
          tpu.vector_store %arg13[%swap3A_531, %swap3A_532], %shift_right_logical3A_529 {strides = array<i32>} : memref<4x128xi32, #tpu.memory_space<vmem>>, vector<16xi32>,
          %add3A_534 = arith.constant 32 : i32
          %add3A_535 = arith.addi %mul3A_511, %add3A_534 : i32
          %get3A_536 = arith.index_cast %add3A_535 : i32 to index
          %get3A_537 = tpu.vector_load %arg12[%get3A_536] {strides = array<i32>} : memref<2304xi32, #tpu.memory_space<vmem>>, vector<16xi32>,
          %shift_right_logical3A_538 = arith.constant 2 : i32
          %shift_right_logical3A_539 = vector.broadcast %shift_right_logical3A_538 : i32 to vector<16xi32>
          %shift_right_logical3A_540 = arith.shrui %get3A_537, %shift_right_logical3A_539 : vector<16xi32>
          %swap3A_541 = arith.constant 0 : i32
          %swap3A_542 = arith.index_cast %swap3A_541 : i32 to index
          %swap3A_543 = arith.constant 32 : index
          %swap3A_544 = tpu.vector_load %arg13[%swap3A_542, %swap3A_543] {strides = array<i32>} : memref<4x128xi32, #tpu.memory_space<vmem>>, vector<16xi32>,
          tpu.vector_store %arg13[%swap3A_542, %swap3A_543], %shift_right_logical3A_540 {strides = array<i32>} : memref<4x128xi32, #tpu.memory_space<vmem>>, vector<16xi32>,
          %add3A_545 = arith.constant 48 : i32
          %add3A_546 = arith.addi %mul3A_511, %add3A_545 : i32
          %get3A_547 = arith.index_cast %add3A_546 : i32 to index
          %get3A_548 = tpu.vector_load %arg12[%get3A_547] {strides = array<i32>} : memref<2304xi32, #tpu.memory_space<vmem>>, vector<16xi32>,
          %shift_right_logical3A_549 = arith.constant 2 : i32
          %shift_right_logical3A_550 = vector.broadcast %shift_right_logical3A_549 : i32 to vector<16xi32>
          %shift_right_logical3A_551 = arith.shrui %get3A_548, %shift_right_logical3A_550 : vector<16xi32>
          %swap3A_552 = arith.constant 0 : i32
          %swap3A_553 = arith.index_cast %swap3A_552 : i32 to index
          %swap3A_554 = arith.constant 48 : index
          %swap3A_555 = tpu.vector_load %arg13[%swap3A_553, %swap3A_554] {strides = array<i32>} : memref<4x128xi32, #tpu.memory_space<vmem>>, vector<16xi32>,
          tpu.vector_store %arg13[%swap3A_553, %swap3A_554], %shift_right_logical3A_551 {strides = array<i32>} : memref<4x128xi32, #tpu.memory_space<vmem>>, vector<16xi32>,
          %add3A_556 = arith.constant 64 : i32
          %add3A_557 = arith.addi %mul3A_511, %add3A_556 : i32
          %get3A_558 = arith.index_cast %add3A_557 : i32 to index
          %get3A_559 = tpu.vector_load %arg12[%get3A_558] {strides = array<i32>} : memref<2304xi32, #tpu.memory_space<vmem>>, vector<16xi32>,
          %shift_right_logical3A_560 = arith.constant 2 : i32
          %shift_right_logical3A_561 = vector.broadcast %shift_right_logical3A_560 : i32 to vector<16xi32>
          %shift_right_logical3A_562 = arith.shrui %get3A_559, %shift_right_logical3A_561 : vector<16xi32>
          %swap3A_563 = arith.constant 0 : i32
          %swap3A_564 = arith.index_cast %swap3A_563 : i32 to index
          %swap3A_565 = arith.constant 64 : index
          %swap3A_566 = tpu.vector_load %arg13[%swap3A_564, %swap3A_565] {strides = array<i32>} : memref<4x128xi32, #tpu.memory_space<vmem>>, vector<16xi32>,
          tpu.vector_store %arg13[%swap3A_564, %swap3A_565], %shift_right_logical3A_562 {strides = array<i32>} : memref<4x128xi32, #tpu.memory_space<vmem>>, vector<16xi32>,
          %add3A_567 = arith.constant 80 : i32
          %add3A_568 = arith.addi %mul3A_511, %add3A_567 : i32
          %get3A_569 = arith.index_cast %add3A_568 : i32 to index
          %get3A_570 = tpu.vector_load %arg12[%get3A_569] {strides = array<i32>} : memref<2304xi32, #tpu.memory_space<vmem>>, vector<16xi32>,
          %shift_right_logical3A_571 = arith.constant 2 : i32
          %shift_right_logical3A_572 = vector.broadcast %shift_right_logical3A_571 : i32 to vector<16xi32>
          %shift_right_logical3A_573 = arith.shrui %get3A_570, %shift_right_logical3A_572 : vector<16xi32>
          %swap3A_574 = arith.constant 0 : i32
          %swap3A_575 = arith.index_cast %swap3A_574 : i32 to index
          %swap3A_576 = arith.constant 80 : index
          %swap3A_577 = tpu.vector_load %arg13[%swap3A_575, %swap3A_576] {strides = array<i32>} : memref<4x128xi32, #tpu.memory_space<vmem>>, vector<16xi32>,
          tpu.vector_store %arg13[%swap3A_575, %swap3A_576], %shift_right_logical3A_573 {strides = array<i32>} : memref<4x128xi32, #tpu.memory_space<vmem>>, vector<16xi32>,
          %add3A_578 = arith.constant 96 : i32
          %add3A_579 = arith.addi %mul3A_511, %add3A_578 : i32
          %get3A_580 = arith.index_cast %add3A_579 : i32 to index
          %get3A_581 = tpu.vector_load %arg12[%get3A_580] {strides = array<i32>} : memref<2304xi32, #tpu.memory_space<vmem>>, vector<16xi32>,
          %shift_right_logical3A_582 = arith.constant 2 : i32
          %shift_right_logical3A_583 = vector.broadcast %shift_right_logical3A_582 : i32 to vector<16xi32>
          %shift_right_logical3A_584 = arith.shrui %get3A_581, %shift_right_logical3A_583 : vector<16xi32>
          %swap3A_585 = arith.constant 0 : i32
          %swap3A_586 = arith.index_cast %swap3A_585 : i32 to index
          %swap3A_587 = arith.constant 96 : index
          %swap3A_588 = tpu.vector_load %arg13[%swap3A_586, %swap3A_587] {strides = array<i32>} : memref<4x128xi32, #tpu.memory_space<vmem>>, vector<16xi32>,
          tpu.vector_store %arg13[%swap3A_586, %swap3A_587], %shift_right_logical3A_584 {strides = array<i32>} : memref<4x128xi32, #tpu.memory_space<vmem>>, vector<16xi32>,
          %add3A_589 = arith.constant 112 : i32
          %add3A_590 = arith.addi %mul3A_511, %add3A_589 : i32
          %get3A_591 = arith.index_cast %add3A_590 : i32 to index
          %get3A_592 = tpu.vector_load %arg12[%get3A_591] {strides = array<i32>} : memref<2304xi32, #tpu.memory_space<vmem>>, vector<16xi32>,
          %shift_right_logical3A_593 = arith.constant 2 : i32
          %shift_right_logical3A_594 = vector.broadcast %shift_right_logical3A_593 : i32 to vector<16xi32>
          %shift_right_logical3A_595 = arith.shrui %get3A_592, %shift_right_logical3A_594 : vector<16xi32>
          %swap3A_596 = arith.constant 0 : i32
          %swap3A_597 = arith.index_cast %swap3A_596 : i32 to index
          %swap3A_598 = arith.constant 112 : index
          %swap3A_599 = tpu.vector_load %arg13[%swap3A_597, %swap3A_598] {strides = array<i32>} : memref<4x128xi32, #tpu.memory_space<vmem>>, vector<16xi32>,
          tpu.vector_store %arg13[%swap3A_597, %swap3A_598], %shift_right_logical3A_595 {strides = array<i32>} : memref<4x128xi32, #tpu.memory_space<vmem>>, vector<16xi32>,
          %dma_start3A_600 = arith.constant 0 : i32
          %dma_start3A_601 = arith.constant 0 : i32
          %dma_start3A_602 = arith.constant 0 : i32
          %dma_start3A_603 = arith.constant 0 : i32
          %dma_start3A_604 = tpu.memref_slice %arg8[%dma_start3A_601, %dma_start3A_602, %dma_start3A_603] : memref<4x128x128xf32, #tpu.memory_space<vmem>> -> memref<1x128x128xf32, #tpu.memory_space<vmem>>
          %dma_start3A_605 = tpu.memref_squeeze %dma_start3A_604 : memref<1x128x128xf32, #tpu.memory_space<vmem>> -> memref<128x128xf32, #tpu.memory_space<vmem>>
          %dma_start3A_606 = arith.constant 0 : i32
          %dma_start3A_607 = tpu.memref_slice %arg13[%dma_start3A_600, %dma_start3A_606] : memref<4x128xi32, #tpu.memory_space<vmem>> -> memref<1x128xi32, #tpu.memory_space<vmem>>
          %dma_start3A_608 = tpu.memref_squeeze %dma_start3A_607 : memref<1x128xi32, #tpu.memory_space<vmem>> -> memref<128xi32, #tpu.memory_space<vmem>>
          %dma_start3A_609 = arith.constant 0 : i32
          %dma_start3A_610 = arith.constant 0 : i32
          %dma_start3A_611 = tpu.memref_slice %arg2[%dma_start3A_609, %dma_start3A_610] : memref<65536x128xf32, #tpu.memory_space<hbm>> -> memref<65536x128xf32, #tpu.memory_space<hbm>>
          tpu.enqueue_indirect_dma source(%dma_start3A_611 : memref<65536x128xf32, #tpu.memory_space<hbm>>) target(%dma_start3A_605 : memref<128x128xf32, #tpu.memory_space<vmem>>) offsets(%dma_start3A_608 : memref<128xi32, #tpu.memory_space<vmem>>) semaphore(%arg14 : memref<!tpu.dma_semaphore, #tpu.memory_space<semaphore_mem>>)
        } else {
        }
        %mul3A_487 = arith.constant 128 : i32
        %mul3A_488 = arith.muli %add3A_463, %mul3A_487 : i32
        "tpu.trace_start"() <{level = 10 : i32, message = "fix"}> : () -> ()
        %scan3A_489 = arith.constant 0 : i32
        %scan3A_490 = arith.constant 0 : i32
        %scan3A_491 = arith.constant 128 : i32
        %scan3A_492 = arith.addi %scan3A_490, %scan3A_491 : i32
        %scan3A_493 = arith.constant 2 : i32
        %scan3A_494 = scf.for %scan3A_508 = %scan3A_490 to %scan3A_492 step %scan3A_493 iter_args(%scan3A_509 = %scan3A_489) -> (i32)  : i32 {
          %add3A_510 = arith.addi %mul3A_488, %scan3A_508 : i32
          %get3A_511 = arith.index_cast %add3A_510 : i32 to index
          %get3A_512 = tpu.vector_load %arg12[%get3A_511] {strides = array<i32>} : memref<2304xi32, #tpu.memory_space<vmem>>, vector<16xi32>,
          %slice3A_513 = vector.extract_strided_slice %get3A_512 {offsets = [0], sizes = [1], strides = [1]} : vector<16xi32> to vector<1xi32>
          %squeeze3A_514 = vector.extract %slice3A_513[0] : i32 from vector<1xi32>
          %and3A_515 = arith.constant 2 : i32
          %and3A_516 = arith.andi %squeeze3A_514, %and3A_515 : i32
          %gt3A_517 = arith.constant 0 : i32
          %gt3A_518 = arith.cmpi sgt, %and3A_516, %gt3A_517 : i32
          %and3A_519 = arith.constant 1 : i32
          %and3A_520 = arith.andi %squeeze3A_514, %and3A_519 : i32
          %gt3A_521 = arith.constant 0 : i32
          %gt3A_522 = arith.cmpi sgt, %and3A_520, %gt3A_521 : i32
          %get3A_523 = arith.constant 1 : i32
          %get3A_524 = arith.index_cast %get3A_523 : i32 to index
          %get3A_525 = arith.index_cast %scan3A_508 : i32 to index
          %get3A_526 = arith.constant 0 : index
          %get3A_527 = tpu.vector_load %arg8[%get3A_524, %get3A_525, %get3A_526] {strides = array<i32>} : memref<4x128x128xf32, #tpu.memory_space<vmem>>, vector<16xf32>,
          %select_n3A_528 = arith.select %lt3A_325, %get3A_527, %mul3A_301 : vector<16xi1>, vector<16xf32>
          %select_n3A_529 = arith.select %gt3A_518, %mul3A_301, %get3A_527 : vector<16xf32>
          %select_n3A_530 = arith.select %lt3A_325, %mul3A_333, %select_n3A_529 : vector<16xi1>, vector<16xf32>
          %select_n3A_531 = arith.select %gt3A_522, %select_n3A_530, %select_n3A_528 : vector<16xf32>
          %swap3A_532 = arith.constant 1 : i32
          %swap3A_533 = arith.index_cast %swap3A_532 : i32 to index
          %swap3A_534 = arith.index_cast %scan3A_508 : i32 to index
          %swap3A_535 = arith.constant 0 : index
          %swap3A_536 = tpu.vector_load %arg8[%swap3A_533, %swap3A_534, %swap3A_535] {strides = array<i32>} : memref<4x128x128xf32, #tpu.memory_space<vmem>>, vector<16xf32>,
          tpu.vector_store %arg8[%swap3A_533, %swap3A_534, %swap3A_535], %select_n3A_531 {strides = array<i32>} : memref<4x128x128xf32, #tpu.memory_space<vmem>>, vector<16xf32>,
          %select_n3A_537 = arith.select %gt3A_522, %select_n3A_378, %select_n3A_377 : vector<16xf32>
          %swap3A_538 = arith.constant 1 : i32
          %swap3A_539 = arith.index_cast %swap3A_538 : i32 to index
          %swap3A_540 = arith.index_cast %scan3A_508 : i32 to index
          %swap3A_541 = arith.constant 16 : index
          %swap3A_542 = tpu.vector_load %arg8[%swap3A_539, %swap3A_540, %swap3A_541] {strides = array<i32>} : memref<4x128x128xf32, #tpu.memory_space<vmem>>, vector<16xf32>,
          tpu.vector_store %arg8[%swap3A_539, %swap3A_540, %swap3A_541], %select_n3A_537 {strides = array<i32>} : memref<4x128x128xf32, #tpu.memory_space<vmem>>, vector<16xf32>,
          %select_n3A_543 = arith.select %gt3A_522, %mul3A_346, %mul3A_307 : vector<16xf32>
          %swap3A_544 = arith.constant 1 : i32
          %swap3A_545 = arith.index_cast %swap3A_544 : i32 to index
          %swap3A_546 = arith.index_cast %scan3A_508 : i32 to index
          %swap3A_547 = arith.constant 32 : index
          %swap3A_548 = tpu.vector_load %arg8[%swap3A_545, %swap3A_546, %swap3A_547] {strides = array<i32>} : memref<4x128x128xf32, #tpu.memory_space<vmem>>, vector<16xf32>,
          tpu.vector_store %arg8[%swap3A_545, %swap3A_546, %swap3A_547], %select_n3A_543 {strides = array<i32>} : memref<4x128x128xf32, #tpu.memory_space<vmem>>, vector<16xf32>,
          %select_n3A_549 = arith.select %gt3A_522, %mul3A_352, %mul3A_310 : vector<16xf32>
          %swap3A_550 = arith.constant 1 : i32
          %swap3A_551 = arith.index_cast %swap3A_550 : i32 to index
          %swap3A_552 = arith.index_cast %scan3A_508 : i32 to index
          %swap3A_553 = arith.constant 48 : index
          %swap3A_554 = tpu.vector_load %arg8[%swap3A_551, %swap3A_552, %swap3A_553] {strides = array<i32>} : memref<4x128x128xf32, #tpu.memory_space<vmem>>, vector<16xf32>,
          tpu.vector_store %arg8[%swap3A_551, %swap3A_552, %swap3A_553], %select_n3A_549 {strides = array<i32>} : memref<4x128x128xf32, #tpu.memory_space<vmem>>, vector<16xf32>,
          %select_n3A_555 = arith.select %gt3A_522, %mul3A_358, %mul3A_313 : vector<16xf32>
          %swap3A_556 = arith.constant 1 : i32
          %swap3A_557 = arith.index_cast %swap3A_556 : i32 to index
          %swap3A_558 = arith.index_cast %scan3A_508 : i32 to index
          %swap3A_559 = arith.constant 64 : index
          %swap3A_560 = tpu.vector_load %arg8[%swap3A_557, %swap3A_558, %swap3A_559] {strides = array<i32>} : memref<4x128x128xf32, #tpu.memory_space<vmem>>, vector<16xf32>,
          tpu.vector_store %arg8[%swap3A_557, %swap3A_558, %swap3A_559], %select_n3A_555 {strides = array<i32>} : memref<4x128x128xf32, #tpu.memory_space<vmem>>, vector<16xf32>,
          %select_n3A_561 = arith.select %gt3A_522, %mul3A_364, %mul3A_316 : vector<16xf32>
          %swap3A_562 = arith.constant 1 : i32
          %swap3A_563 = arith.index_cast %swap3A_562 : i32 to index
          %swap3A_564 = arith.index_cast %scan3A_508 : i32 to index
          %swap3A_565 = arith.constant 80 : index
          %swap3A_566 = tpu.vector_load %arg8[%swap3A_563, %swap3A_564, %swap3A_565] {strides = array<i32>} : memref<4x128x128xf32, #tpu.memory_space<vmem>>, vector<16xf32>,
          tpu.vector_store %arg8[%swap3A_563, %swap3A_564, %swap3A_565], %select_n3A_561 {strides = array<i32>} : memref<4x128x128xf32, #tpu.memory_space<vmem>>, vector<16xf32>,
          %select_n3A_567 = arith.select %gt3A_522, %mul3A_370, %mul3A_319 : vector<16xf32>
          %swap3A_568 = arith.constant 1 : i32
          %swap3A_569 = arith.index_cast %swap3A_568 : i32 to index
          %swap3A_570 = arith.index_cast %scan3A_508 : i32 to index
          %swap3A_571 = arith.constant 96 : index
          %swap3A_572 = tpu.vector_load %arg8[%swap3A_569, %swap3A_570, %swap3A_571] {strides = array<i32>} : memref<4x128x128xf32, #tpu.memory_space<vmem>>, vector<16xf32>,
          tpu.vector_store %arg8[%swap3A_569, %swap3A_570, %swap3A_571], %select_n3A_567 {strides = array<i32>} : memref<4x128x128xf32, #tpu.memory_space<vmem>>, vector<16xf32>,
          %select_n3A_573 = arith.select %gt3A_522, %mul3A_376, %mul3A_322 : vector<16xf32>
          %swap3A_574 = arith.constant 1 : i32
          %swap3A_575 = arith.index_cast %swap3A_574 : i32 to index
          %swap3A_576 = arith.index_cast %scan3A_508 : i32 to index
          %swap3A_577 = arith.constant 112 : index
          %swap3A_578 = tpu.vector_load %arg8[%swap3A_575, %swap3A_576, %swap3A_577] {strides = array<i32>} : memref<4x128x128xf32, #tpu.memory_space<vmem>>, vector<16xf32>,
          tpu.vector_store %arg8[%swap3A_575, %swap3A_576, %swap3A_577], %select_n3A_573 {strides = array<i32>} : memref<4x128x128xf32, #tpu.memory_space<vmem>>, vector<16xf32>,
          %scan3A_579 = arith.constant 0 : i32
          %scan3A_580 = arith.constant 1 : i32
          %scan3A_581 = arith.addi %scan3A_508, %scan3A_580 : i32
          %add3A_582 = arith.addi %mul3A_488, %scan3A_581 : i32
          %get3A_583 = arith.index_cast %add3A_582 : i32 to index
          %get3A_584 = tpu.vector_load %arg12[%get3A_583] {strides = array<i32>} : memref<2304xi32, #tpu.memory_space<vmem>>, vector<16xi32>,
          %slice3A_585 = vector.extract_strided_slice %get3A_584 {offsets = [0], sizes = [1], strides = [1]} : vector<16xi32> to vector<1xi32>
          %squeeze3A_586 = vector.extract %slice3A_585[0] : i32 from vector<1xi32>
          %and3A_587 = arith.constant 2 : i32
          %and3A_588 = arith.andi %squeeze3A_586, %and3A_587 : i32
          %gt3A_589 = arith.constant 0 : i32
          %gt3A_590 = arith.cmpi sgt, %and3A_588, %gt3A_589 : i32
          %and3A_591 = arith.constant 1 : i32
          %and3A_592 = arith.andi %squeeze3A_586, %and3A_591 : i32
          %gt3A_593 = arith.constant 0 : i32
          %gt3A_594 = arith.cmpi sgt, %and3A_592, %gt3A_593 : i32
          %get3A_595 = arith.constant 1 : i32
          %get3A_596 = arith.index_cast %get3A_595 : i32 to index
          %get3A_597 = arith.index_cast %scan3A_581 : i32 to index
          %get3A_598 = arith.constant 0 : index
          %get3A_599 = tpu.vector_load %arg8[%get3A_596, %get3A_597, %get3A_598] {strides = array<i32>} : memref<4x128x128xf32, #tpu.memory_space<vmem>>, vector<16xf32>,
          %select_n3A_600 = arith.select %lt3A_325, %get3A_599, %mul3A_301 : vector<16xi1>, vector<16xf32>
          %select_n3A_601 = arith.select %gt3A_590, %mul3A_301, %get3A_599 : vector<16xf32>
          %select_n3A_602 = arith.select %lt3A_325, %mul3A_333, %select_n3A_601 : vector<16xi1>, vector<16xf32>
          %select_n3A_603 = arith.select %gt3A_594, %select_n3A_602, %select_n3A_600 : vector<16xf32>
          %swap3A_604 = arith.constant 1 : i32
          %swap3A_605 = arith.index_cast %swap3A_604 : i32 to index
          %swap3A_606 = arith.index_cast %scan3A_581 : i32 to index
          %swap3A_607 = arith.constant 0 : index
          %swap3A_608 = tpu.vector_load %arg8[%swap3A_605, %swap3A_606, %swap3A_607] {strides = array<i32>} : memref<4x128x128xf32, #tpu.memory_space<vmem>>, vector<16xf32>,
          tpu.vector_store %arg8[%swap3A_605, %swap3A_606, %swap3A_607], %select_n3A_603 {strides = array<i32>} : memref<4x128x128xf32, #tpu.memory_space<vmem>>, vector<16xf32>,
          %select_n3A_609 = arith.select %gt3A_594, %select_n3A_378, %select_n3A_377 : vector<16xf32>
          %swap3A_610 = arith.constant 1 : i32
          %swap3A_611 = arith.index_cast %swap3A_610 : i32 to index
          %swap3A_612 = arith.index_cast %scan3A_581 : i32 to index
          %swap3A_613 = arith.constant 16 : index
          %swap3A_614 = tpu.vector_load %arg8[%swap3A_611, %swap3A_612, %swap3A_613] {strides = array<i32>} : memref<4x128x128xf32, #tpu.memory_space<vmem>>, vector<16xf32>,
          tpu.vector_store %arg8[%swap3A_611, %swap3A_612, %swap3A_613], %select_n3A_609 {strides = array<i32>} : memref<4x128x128xf32, #tpu.memory_space<vmem>>, vector<16xf32>,
          %select_n3A_615 = arith.select %gt3A_594, %mul3A_346, %mul3A_307 : vector<16xf32>
          %swap3A_616 = arith.constant 1 : i32
          %swap3A_617 = arith.index_cast %swap3A_616 : i32 to index
          %swap3A_618 = arith.index_cast %scan3A_581 : i32 to index
          %swap3A_619 = arith.constant 32 : index
          %swap3A_620 = tpu.vector_load %arg8[%swap3A_617, %swap3A_618, %swap3A_619] {strides = array<i32>} : memref<4x128x128xf32, #tpu.memory_space<vmem>>, vector<16xf32>,
          tpu.vector_store %arg8[%swap3A_617, %swap3A_618, %swap3A_619], %select_n3A_615 {strides = array<i32>} : memref<4x128x128xf32, #tpu.memory_space<vmem>>, vector<16xf32>,
          %select_n3A_621 = arith.select %gt3A_594, %mul3A_352, %mul3A_310 : vector<16xf32>
          %swap3A_622 = arith.constant 1 : i32
          %swap3A_623 = arith.index_cast %swap3A_622 : i32 to index
          %swap3A_624 = arith.index_cast %scan3A_581 : i32 to index
          %swap3A_625 = arith.constant 48 : index
          %swap3A_626 = tpu.vector_load %arg8[%swap3A_623, %swap3A_624, %swap3A_625] {strides = array<i32>} : memref<4x128x128xf32, #tpu.memory_space<vmem>>, vector<16xf32>,
          tpu.vector_store %arg8[%swap3A_623, %swap3A_624, %swap3A_625], %select_n3A_621 {strides = array<i32>} : memref<4x128x128xf32, #tpu.memory_space<vmem>>, vector<16xf32>,
          %select_n3A_627 = arith.select %gt3A_594, %mul3A_358, %mul3A_313 : vector<16xf32>
          %swap3A_628 = arith.constant 1 : i32
          %swap3A_629 = arith.index_cast %swap3A_628 : i32 to index
          %swap3A_630 = arith.index_cast %scan3A_581 : i32 to index
          %swap3A_631 = arith.constant 64 : index
          %swap3A_632 = tpu.vector_load %arg8[%swap3A_629, %swap3A_630, %swap3A_631] {strides = array<i32>} : memref<4x128x128xf32, #tpu.memory_space<vmem>>, vector<16xf32>,
          tpu.vector_store %arg8[%swap3A_629, %swap3A_630, %swap3A_631], %select_n3A_627 {strides = array<i32>} : memref<4x128x128xf32, #tpu.memory_space<vmem>>, vector<16xf32>,
          %select_n3A_633 = arith.select %gt3A_594, %mul3A_364, %mul3A_316 : vector<16xf32>
          %swap3A_634 = arith.constant 1 : i32
          %swap3A_635 = arith.index_cast %swap3A_634 : i32 to index
          %swap3A_636 = arith.index_cast %scan3A_581 : i32 to index
          %swap3A_637 = arith.constant 80 : index
          %swap3A_638 = tpu.vector_load %arg8[%swap3A_635, %swap3A_636, %swap3A_637] {strides = array<i32>} : memref<4x128x128xf32, #tpu.memory_space<vmem>>, vector<16xf32>,
          tpu.vector_store %arg8[%swap3A_635, %swap3A_636, %swap3A_637], %select_n3A_633 {strides = array<i32>} : memref<4x128x128xf32, #tpu.memory_space<vmem>>, vector<16xf32>,
          %select_n3A_639 = arith.select %gt3A_594, %mul3A_370, %mul3A_319 : vector<16xf32>
          %swap3A_640 = arith.constant 1 : i32
          %swap3A_641 = arith.index_cast %swap3A_640 : i32 to index
          %swap3A_642 = arith.index_cast %scan3A_581 : i32 to index
          %swap3A_643 = arith.constant 96 : index
          %swap3A_644 = tpu.vector_load %arg8[%swap3A_641, %swap3A_642, %swap3A_643] {strides = array<i32>} : memref<4x128x128xf32, #tpu.memory_space<vmem>>, vector<16xf32>,
          tpu.vector_store %arg8[%swap3A_641, %swap3A_642, %swap3A_643], %select_n3A_639 {strides = array<i32>} : memref<4x128x128xf32, #tpu.memory_space<vmem>>, vector<16xf32>,
          %select_n3A_645 = arith.select %gt3A_594, %mul3A_376, %mul3A_322 : vector<16xf32>
          %swap3A_646 = arith.constant 1 : i32
          %swap3A_647 = arith.index_cast %swap3A_646 : i32 to index
          %swap3A_648 = arith.index_cast %scan3A_581 : i32 to index
          %swap3A_649 = arith.constant 112 : index
          %swap3A_650 = tpu.vector_load %arg8[%swap3A_647, %swap3A_648, %swap3A_649] {strides = array<i32>} : memref<4x128x128xf32, #tpu.memory_space<vmem>>, vector<16xf32>,
          tpu.vector_store %arg8[%swap3A_647, %swap3A_648, %swap3A_649], %select_n3A_645 {strides = array<i32>} : memref<4x128x128xf32, #tpu.memory_space<vmem>>, vector<16xf32>,
          %scan3A_651 = arith.constant 0 : i32
          scf.yield %scan3A_651 : i32
        }
        %scan3A_495 = arith.constant 128 : i32
        %dma_start3A_496 = arith.constant 1 : i32
        %dma_start3A_497 = arith.constant 1 : i32
        "tpu.trace_stop"() : () -> ()
        %dma_start3A_498 = arith.constant 0 : i32
        %dma_start3A_499 = arith.constant 0 : i32
        %dma_start3A_500 = tpu.memref_slice %arg8[%dma_start3A_496, %dma_start3A_498, %dma_start3A_499] : memref<4x128x128xf32, #tpu.memory_space<vmem>> -> memref<1x128x128xf32, #tpu.memory_space<vmem>>
        %dma_start3A_501 = tpu.memref_squeeze %dma_start3A_500 : memref<1x128x128xf32, #tpu.memory_space<vmem>> -> memref<128x128xf32, #tpu.memory_space<vmem>>
        %dma_start3A_502 = arith.constant 0 : i32
        %dma_start3A_503 = tpu.memref_slice %arg13[%dma_start3A_497, %dma_start3A_502] : memref<4x128xi32, #tpu.memory_space<vmem>> -> memref<1x128xi32, #tpu.memory_space<vmem>>
        %dma_start3A_504 = tpu.memref_squeeze %dma_start3A_503 : memref<1x128xi32, #tpu.memory_space<vmem>> -> memref<128xi32, #tpu.memory_space<vmem>>
        %dma_start3A_505 = arith.constant 0 : i32
        %dma_start3A_506 = arith.constant 0 : i32
        %dma_start3A_507 = tpu.memref_slice %arg6[%dma_start3A_505, %dma_start3A_506] : memref<65536x128xf32, #tpu.memory_space<hbm>> -> memref<65536x128xf32, #tpu.memory_space<hbm>>
        tpu.enqueue_indirect_dma source(%dma_start3A_501 : memref<128x128xf32, #tpu.memory_space<vmem>>) target(%dma_start3A_507 : memref<65536x128xf32, #tpu.memory_space<hbm>>) offsets(%dma_start3A_504 : memref<128xi32, #tpu.memory_space<vmem>>) semaphore(%arg19 : memref<!tpu.dma_semaphore, #tpu.memory_space<semaphore_mem>>)
      } else {
      }
      %while3A_461 = arith.constant 0 : i32
      scf.yield %while3A_461 : i32
    }
    "tpu.trace_stop"() : () -> ()
    %and3A = arith.constant 1 : i32
    %and3A_393 = arith.andi %shift_right_logical3A_67, %and3A : i32
    %eq3A = arith.constant 1 : i32
    %eq3A_394 = arith.cmpi eq, %and3A_393, %eq3A : i32
    %convert_element_type3A_395 = arith.extui %eq3A_394 : i1 to i32
    %cond3A_396 = arith.constant 0 : i32
    %cond3A_397 = arith.cmpi ne, %convert_element_type3A_395, %cond3A_396 : i32
    scf.if %cond3A_397 {
      %dma_wait3A_407 = arith.constant 0 : i32
      %dma_wait3A_408 = arith.constant 0 : i32
      %dma_wait3A_409 = arith.constant 0 : i32
      %dma_wait3A_410 = arith.constant 0 : i32
      %dma_wait3A_411 = tpu.memref_slice %arg8[%dma_wait3A_407, %dma_wait3A_409, %dma_wait3A_410] : memref<4x128x128xf32, #tpu.memory_space<vmem>> -> memref<1x128x128xf32, #tpu.memory_space<vmem>>
      %dma_wait3A_412 = tpu.memref_squeeze %dma_wait3A_411 : memref<1x128x128xf32, #tpu.memory_space<vmem>> -> memref<128x128xf32, #tpu.memory_space<vmem>>
      %dma_wait3A_413 = arith.constant 0 : i32
      %dma_wait3A_414 = tpu.memref_slice %arg13[%dma_wait3A_408, %dma_wait3A_413] : memref<4x128xi32, #tpu.memory_space<vmem>> -> memref<1x128xi32, #tpu.memory_space<vmem>>
      %dma_wait3A_415 = tpu.memref_squeeze %dma_wait3A_414 : memref<1x128xi32, #tpu.memory_space<vmem>> -> memref<128xi32, #tpu.memory_space<vmem>>
      %dma_wait3A_416 = arith.constant 0 : i32
      %dma_wait3A_417 = arith.constant 0 : i32
      %dma_wait3A_418 = tpu.memref_slice %arg6[%dma_wait3A_416, %dma_wait3A_417] : memref<65536x128xf32, #tpu.memory_space<hbm>> -> memref<65536x128xf32, #tpu.memory_space<hbm>>
      tpu.wait_indirect_dma semaphore(%arg18 : memref<!tpu.dma_semaphore, #tpu.memory_space<semaphore_mem>>) src(%dma_wait3A_412 : memref<128x128xf32, #tpu.memory_space<vmem>>) dst(%dma_wait3A_418 : memref<65536x128xf32, #tpu.memory_space<hbm>>)
    } else {
    }
    %and3A_398 = arith.constant 1 : i32
    %and3A_399 = arith.andi %shift_right_logical3A_67, %and3A_398 : i32
    %eq3A_400 = arith.constant 0 : i32
    %eq3A_401 = arith.cmpi eq, %and3A_399, %eq3A_400 : i32
    %ge3A = arith.constant 2 : i32
    %ge3A_402 = arith.cmpi sge, %shift_right_logical3A_67, %ge3A : i32
    %and3A_403 = arith.andi %eq3A_401, %ge3A_402 : i1
    %convert_element_type3A_404 = arith.extui %and3A_403 : i1 to i32
    %cond3A_405 = arith.constant 0 : i32
    %cond3A_406 = arith.cmpi ne, %convert_element_type3A_404, %cond3A_405 : i32
    scf.if %cond3A_406 {
      %dma_wait3A_407 = arith.constant 1 : i32
      %dma_wait3A_408 = arith.constant 1 : i32
      %dma_wait3A_409 = arith.constant 0 : i32
      %dma_wait3A_410 = arith.constant 0 : i32
      %dma_wait3A_411 = tpu.memref_slice %arg8[%dma_wait3A_407, %dma_wait3A_409, %dma_wait3A_410] : memref<4x128x128xf32, #tpu.memory_space<vmem>> -> memref<1x128x128xf32, #tpu.memory_space<vmem>>
      %dma_wait3A_412 = tpu.memref_squeeze %dma_wait3A_411 : memref<1x128x128xf32, #tpu.memory_space<vmem>> -> memref<128x128xf32, #tpu.memory_space<vmem>>
      %dma_wait3A_413 = arith.constant 0 : i32
      %dma_wait3A_414 = tpu.memref_slice %arg13[%dma_wait3A_408, %dma_wait3A_413] : memref<4x128xi32, #tpu.memory_space<vmem>> -> memref<1x128xi32, #tpu.memory_space<vmem>>
      %dma_wait3A_415 = tpu.memref_squeeze %dma_wait3A_414 : memref<1x128xi32, #tpu.memory_space<vmem>> -> memref<128xi32, #tpu.memory_space<vmem>>
      %dma_wait3A_416 = arith.constant 0 : i32
      %dma_wait3A_417 = arith.constant 0 : i32
      %dma_wait3A_418 = tpu.memref_slice %arg6[%dma_wait3A_416, %dma_wait3A_417] : memref<65536x128xf32, #tpu.memory_space<hbm>> -> memref<65536x128xf32, #tpu.memory_space<hbm>>
      tpu.wait_indirect_dma semaphore(%arg19 : memref<!tpu.dma_semaphore, #tpu.memory_space<semaphore_mem>>) src(%dma_wait3A_412 : memref<128x128xf32, #tpu.memory_space<vmem>>) dst(%dma_wait3A_418 : memref<65536x128xf32, #tpu.memory_space<hbm>>)
    } else {
    }
    return
  }
}

</mosaic_0001>

<sc_bundles>
// kernel: _selective_filter.4.cloned.1.call-start
scs
__scs_entry_jumppad:
0x0: {  	(pc) =	sbr.rel $0x88, $3  }
0x1: {  	(tag) =	ssettag $0x0;
	lr =	simm.s32 $0x1  }
0x2: {  	[smem:$0x3F9E] =	sst lr;
	_ =	strace $0xD0000000  }
0x3: {  	_ = 	snop  }
0x4: {  	_ = 	snop  }
0x5: {  	_ = 	snop  }
0x6: {  	_ = 	snop  }
0x7: {  	_ = 	snop  }
__scs_overlays_trampoline_lowered:
0x8: {  	[smem:$0x3FAD] =	sst s0  }
0x9: {  	[smem:$0x3FAE] =	sst s1  }
0xa: {  	[smem:$0x3FAF] =	sst s2  }
0xb: {  	[smem:$0x3FB0] =	sst s3  }
0xc: {  	[smem:$0x3FB1] =	sst s4  }
0xd: {  	[smem:$0x3FB2] =	sst s5  }
0xe: {  	[smem:$0x3FB3] =	sst s6  }
0xf: {  	[smem:$0x3FB4] =	sst s7  }
0x10: {  	[smem:$0x3FB5] =	sst s8  }
0x11: {  	[smem:$0x3FB6] =	sst s9;
	s0 =	simm.s32 @!p0 $0x0  }
0x12: {  	s1 =	sld [smem:$0x3F9C];
	s0 =	simm.s32 @p0 $0x1  }
0x13: {  	[smem:$0x3FB7] =	sst s0;
	s0 =	simm.s32 @!p1 $0x0  }
0x14: {  	s2 =	sld [smem:$0x3F9B];
	s0 =	simm.s32 @p1 $0x1  }
0x15: {  	[smem:$0x3FB8] =	sst s0;
	s0 =	simm.s32 @!p2 $0x0  }
0x16: {  	s3 =	sld [smem:$0x3FDB];
	s0 =	simm.s32 @p2 $0x1  }
0x17: {  	s4 =	simm.s32 $0x1BF5;
	[smem:$0x3FBA] =	sst s0  }
0x18: {  	s0 =	sld [smem:$0x3F9D];
	_ =	swait.ge [sflag:s4], $0x0  }
0x19: {  	s7 =	sld [smem:$0x3F9E]  }
0x1a: {  	s8 =	sadd.s32 $0xFFFFE003, lr  }
0x1b: {  	s9 =	sadd.s32 $0xFFFFFEF7, lr;
	s5 =	simm.s32 $0xFFFFFFFF;
	p2 =	slt.u32 s8, $0xFFFFF086  }
0x1c: {  	p1 =	slt.u32 s9, $0xF7A;
	s5 =	simm.s32 @!p2 $0x0  }
0x1d: {  	s5 =	simm.s32 @p1 $0x1;
	p0 =	seq.s32 s7, s2  }
0x1e: {  	s7 =	smul.u32 @!p0 $0xF7A, s2;
	p2 =	seq.s32 @!p0 s5, $0x0  }
0x1f: {  	s9 =	smul.u32 $0xF7A, s1;
	s8 =	simm.s32 @!p0 $0x1BF5;
	p2 =	por !p2, p0  }
0x20: {  	[sflag:s8] =	ssyncset.s32 @!p0 $0xFFFFF086;
	s6 =	sadd.s32 @!p0 s3, s7;
	s7 =	simm.s32 @!p0 $0x108  }
0x21: {  	s3 =	sadd.s32 s3, s9;
	s6 =	sadd.s32 @!p0 $0x88, s6;
	s7 =	simm.s32 @p2 $0x1082  }
0x22: {  	[simem:s7], [sflag:s8] =	dma.local @!p0 [hbm:s6], $0xF7A  }
0x23: {  	s9 =	sor.u32 $0xD0000000, s2;
	s6 =	simm.s32 $0x108;
	_ =	swait.ge @!p0 [sflag:s8], $0x0  }
0x24: {  	s3 =	sadd.s32 $0x88, s3;
	s6 =	simm.s32 @!p1 $0x1082;
	[sflag:s4] =	ssyncset.s32 $0xFFFFF086  }
0x25: {  	[simem:s6], [sflag:s4] =	dma.local [hbm:s3], $0xF7A  }
0x26: {  	[smem:$0x3F9E] =	sst s1;
	(tag) =	ssettag s2;
	_ =	strace s9  }
0x27: {  	s1 =	sld [smem:$0x3FAE]  }
0x28: {  	s2 =	sld [smem:$0x3FAF]  }
0x29: {  	s4 =	sld [smem:$0x3FB1]  }
0x2a: {  	p0 =	seq.s32 s5, $0x0;
	s5 =	sld [smem:$0x3FB2]  }
0x2b: {  	s6 =	sld [smem:$0x3FB3]  }
0x2c: {  	s7 =	sld [smem:$0x3FB4]  }
0x2d: {  	s3 =	simm.s32 $0x108;
	s8 =	sld [smem:$0x3FB5]  }
0x2e: {  	s3 =	simm.s32 @!p0 $0x1082;
	s9 =	sld [smem:$0x3FB6]  }
0x2f: {  	lr =	sadd.s32 s0, s3;
	s0 =	sld [smem:$0x3FAD]  }
0x30: {  	s3 =	sld [smem:$0x3FB0]  }
0x31: {  	[smem:$0x3FB9] =	sst s10  }
0x32: {  	s10 =	sld [smem:$0x3FB7];
	_ =	sdelay $0x3  }
0x33: {  	p0 =	seq.s32 s10, $0x1;
	s10 =	sld [smem:$0x3FB9];
	_ =	sdelay $0x3  }
0x34: {  	[smem:$0x3FB9] =	sst s10  }
0x35: {  	s10 =	sld [smem:$0x3FB8];
	_ =	sdelay $0x3  }
0x36: {  	p1 =	seq.s32 s10, $0x1;
	s10 =	sld [smem:$0x3FB9];
	_ =	sdelay $0x3  }
0x37: {  	[smem:$0x3FB9] =	sst s10  }
0x38: {  	s10 =	sld [smem:$0x3FBA]  }
0x39: {  	_ = 	snop;
	(pc) =	sbr.ind lr, $3  }
0x3a: {  	_ = 	snop  }
0x3b: {  	_ = 	snop  }
0x3c: {  	p2 =	seq.s32 s10, $0x1;
	s10 =	sld [smem:$0x3FB9]  }
0x3d: {  	_ =	shalt  }
0x3e: {  	_ =	shalt  }
0x3f: {  	_ =	shalt  }
0x40: {  	_ =	shalt  }
0x41: {  	_ =	shalt  }
0x42: {  	_ =	shalt  }
0x43: {  	_ =	shalt  }
0x44: {  	_ =	shalt  }
0x45: {  	_ =	shalt  }
0x46: {  	_ =	shalt  }
0x47: {  	_ =	shalt  }
0x48: {  	_ =	shalt  }
0x49: {  	_ =	shalt  }
0x4a: {  	_ =	shalt  }
0x4b: {  	_ =	shalt  }
0x4c: {  	_ =	shalt  }
0x4d: {  	_ =	shalt  }
0x4e: {  	_ =	shalt  }
0x4f: {  	_ =	shalt  }
0x50: {  	_ =	shalt  }
0x51: {  	_ =	shalt  }
0x52: {  	_ =	shalt  }
0x53: {  	_ =	shalt  }
0x54: {  	_ =	shalt  }
0x55: {  	_ =	shalt  }
0x56: {  	_ =	shalt  }
0x57: {  	_ =	shalt  }
0x58: {  	_ =	shalt  }
0x59: {  	_ =	shalt  }
0x5a: {  	_ =	shalt  }
0x5b: {  	_ =	shalt  }
0x5c: {  	_ =	shalt  }
0x5d: {  	_ =	shalt  }
0x5e: {  	_ =	shalt  }
0x5f: {  	_ =	shalt  }
0x60: {  	_ =	shalt  }
0x61: {  	_ =	shalt  }
0x62: {  	_ =	shalt  }
0x63: {  	_ =	shalt  }
0x64: {  	_ =	shalt  }
0x65: {  	_ =	shalt  }
0x66: {  	_ =	shalt  }
0x67: {  	_ =	shalt  }
0x68: {  	_ =	shalt  }
0x69: {  	_ =	shalt  }
0x6a: {  	_ =	shalt  }
0x6b: {  	_ =	shalt  }
0x6c: {  	_ =	shalt  }
0x6d: {  	_ =	shalt  }
0x6e: {  	_ =	shalt  }
0x6f: {  	_ =	shalt  }
0x70: {  	_ =	shalt  }
0x71: {  	_ =	shalt  }
0x72: {  	_ =	shalt  }
0x73: {  	_ =	shalt  }
0x74: {  	_ =	shalt  }
0x75: {  	_ =	shalt  }
0x76: {  	_ =	shalt  }
0x77: {  	_ =	shalt  }
0x78: {  	_ =	shalt  }
0x79: {  	_ =	shalt  }
0x7a: {  	_ =	shalt  }
0x7b: {  	_ =	shalt  }
0x7c: {  	_ =	shalt  }
0x7d: {  	_ =	shalt  }
0x7e: {  	_ =	shalt  }
0x7f: {  	_ =	shalt  }
0x80: {  	_ =	shalt  }
0x81: {  	_ =	shalt  }
0x82: {  	_ =	shalt  }
0x83: {  	_ =	shalt  }
0x84: {  	_ =	shalt  }
0x85: {  	_ =	shalt  }
0x86: {  	_ =	shalt  }
0x87: {  	_ =	shalt  }
.Lfunc_end0:
.L_simem_size_0:
called_computation_lowered:
.L_overlay_start_0:
0x88: {  	s2 =	sld [smem:$0x3FD9]  }
0x89: {  	s3 =	sld [smem:$0x3FFE];
	_ =	sdelay $0x1  }
0x8a: {  	s1 =	srdreg.scid  }
0x8b: {  	s0 =	sand.u32 $0x1, s1  }
0x8c: {  	s17 =	sshll.u32 s0, $0xA;
	s2 =	sadd.s32 s3, s2  }
0x8d: {  	s2 =	sadd.s32 s2, s17  }
0x8e: {  	[smem:$0x3FC5] =	sst s2  }
0x8f: {  	_ = 	snop  }
0x90: {  	s2 =	sld [smem:$0x3FC9]  }
0x91: {  	s18 =	sld [smem:$0x3FC8]  }
0x92: {  	s4 =	sld [smem:$0x3FC7];
	(tm) =	ssettm $0x1  }
0x93: {  	s5 =	sld [smem:$0x3FFB];
	_ =	sdelay $0x3  }
0x94: {  	_ =	strace s5  }
0x95: {  	s5 =	sld [smem:$0x3FFC];
	_ =	sdelay $0x3  }
0x96: {  	_ =	strace s5  }
0x97: {  	s5 =	sld [smem:$0x3FFD];
	_ =	sdelay $0x3  }
0x98: {  	_ =	strace s5  }
0x99: {  	_ =	strace $0x8FFFFFFF  }
0x9a: {  	s19 =	sld [smem:$0x3FDB];
	_ =	sdelay $0x1  }
0x9b: {  	s6 =	simm.s32 $_scs_section_size  }
0x9c: {  	s7 =	simm.s32 $_size__tile_overlayer_lowered;
	s8 =	simm.s32 $_tile_overlayer_lowered  }
0x9d: {  	s22 =	simm.s32 $0x1BFF;
	s21 =	sshll.u32 s8, $0x1;
	s5 =	sadd.s32 s6, s19  }
0x9e: {  	s9 =	simm.s32 $0x0;
	s20 =	sshll.u32 s7, $0x1;
	s7 =	sadd.s32 s21, s5  }
0x9f: {  	[timem:s9], [sflag:s22] =	dma.local [hbm:s7], s20  }
0xa0: {  	_ =	swait.ge [sflag:s22], s20  }
0xa1: {  	s6 =	ssub.s32 $0x0, s20;
	[sflag:s22] =	ssyncset.done $0x0  }
0xa2: {  	[sflag:s22] =	ssyncadd.s32 s6;
	_ =	sdelay $0x1  }
0xa3: {  	s23 =	simm.s32 $0x1B8B  }
0xa4: {  	_ =	swait.ge [sflag:s23], $0x1  }
0xa5: {  	[sflag:s23] =	ssyncset.done $0x0  }
0xa6: {  	s25 =	simm.s32 $0x1B8E;
	s24 =	sld [smem:$0x3FFE];
	[sflag:s23] =	ssyncadd.s32 $0xFFFFFFFF  }
0xa7: {  	s26 =	simm.s32 $execute0_lowered;
	[smem:$0x3FD2] =	sst s25  }
0xa8: {  	s7 =	sshll.u32 s26, $0x1;
	_ =	strace $0x80000046;
	[dreg:$0x1] =	wrdreg $0xFFFFFFFF  }
0xa9: {  	s28 =	simm.s32 $_size_execute0_lowered;
	s5 =	sadd.s32 s5, s7;
	[dreg:$0x0] =	wrdreg $0x0  }
0xaa: {  	s7 =	sshll.u32 s28, $0x1;
	[dreg:$0x2] =	wrdreg s5  }
0xab: {  	[dreg:$0x3] =	wrdreg s7  }
0xac: {  	[dreg:$0x4] =	wrdreg $0xC0  }
0xad: {  	_ =	task [dreg:s9], $0x5FFFF  }
0xae: {  	[dreg:$0x1] =	wrdreg $0xFFFFFFFF  }
0xaf: {  	[dreg:$0x0] =	wrdreg $0x60  }
0xb0: {  	[dreg:$0x2] =	wrdreg s2  }
0xb1: {  	[dreg:$0x3] =	wrdreg s18  }
0xb2: {  	[dreg:$0x4] =	wrdreg s4  }
0xb3: {  	[dreg:$0x5] =	wrdreg s24  }
0xb4: {  	[dreg:$0x6] =	wrdreg $0xFB000  }
0xb5: {  	[dreg:$0x7] =	wrdreg $0xDB000  }
0xb6: {  	[dreg:$0x8] =	wrdreg $0xEB000  }
0xb7: {  	[dreg:$0x9] =	wrdreg $0x113000  }
0xb8: {  	[dreg:$0xa] =	wrdreg $0x9  }
0xb9: {  	_ =	task.clear_ibuf [dreg:s9], $0xBFFFF;
	_ =	strace $0x90000046  }
0xba: {  	s29 =	simm.s32 $0x9;
	_ =	strace $0x80000048  }
0xbb: {  	_ =	swait.ge [sflag:s29], $0x1  }
0xbc: {  	[sflag:s29] =	ssyncadd.s32 $0xFFFFFFFF  }
0xbd: {  	_ =	strace $0x90000048  }
0xbe: {  	_ =	sfence  }
0xbf: {  	s30 =	sld [smem:$0x0];
	_ =	sdelay $0x2  }
0xc0: {  	s31 =	sshll.u32 s1, $0xD;
	s1 =	sshrl.u32 s1, $0x2  }
0xc1: {  	s3 =	sand.u32 $0x4000, s31;
	s1 =	sadd.s32 s1, s30  }
0xc2: {  	s0 =	sor.u32 s3, s0;
	s1 =	sshll.u32 s1, $0x11  }
0xc3: {  	s0 =	sor.u32 s1, s0  }
0xc4: {  	s0 =	sadd.s32 $0x8F2B, s0  }
0xc5: {  	[sflag:s0] =	ssyncadd.remote.s32 $0x1  }
0xc6: {  	_ =	sfence.sel $0xFFFF  }
0xc7: {  	[dreg:$0x0] =	wrdreg $0xFFFFFFFF;
	(pc) =	sbr.abs _section_cstart, $3  }
0xc8: {  	[dreg:$0x1] =	wrdreg $0xFFFFFFFF  }
0xc9: {  	_ =	task.clear_ibuf [dreg:s9], $0x2FFFF;
	_ =	strace $0x9FFFFFFF  }
0xca: {  	(tm) =	ssettm $0x7FFFFFFF  }
0xcb: {  	_ =	shalt  }
tec
execute0_lowered:
.L_overlay_start_1:
0x0: {  	(tag) =	ssettag $0x1  }
0x1: {  	s4 =	rddreg [dreg:$0x0]  }
0x2: {  	s1 =	rddreg [dreg:$0x1]  }
0x3: {  	s5 =	rddreg [dreg:$0x2]  }
0x4: {  	s7 =	rddreg [dreg:$0x3]  }
0x5: {  	s22 =	rddreg [dreg:$0x4]  }
0x6: {  	s3 =	rddreg [dreg:$0x5]  }
0x7: {  	s2 =	rddreg [dreg:$0x6]  }
0x8: {  	s21 =	rddreg [dreg:$0x7];
	s6 =	simm.s32 $0x0;
	s8 =	srdreg.scid  }
0x9: {  	s10 =	stileid.u32;
	[smem:$0x7FF] =	sst s6  }
0xa: {  	s8 =	sand.u32 $0x1, s8;
	s11 =	sshll.u32 s10, $0xC;
	s14 =	smul.u32 $0x30, s10  }
0xb: {  	s20 =	sshll.u32 s10, $0x5;
	p0 =	sne.s32 s10, $0x0;
	_ =	strace $0x80000047  }
0xc: {  	s9 =	sshll.u32 s8, $0x4;
	s12 =	sshll.u32 s8, $0xB;
	s0 =	ssub.s32 $0x2, s8  }
0xd: {  	s8 =	sshll.u32 s8, $0x9;
	s13 =	sadd.s32 s9, s7;
	s12 =	sor.u32 s12, s11  }
0xe: {  	s16 =	sshrl.u32 s0, $0x1;
	s8 =	sor.u32 s20, s8;
	s20 =	sshll.u32 s10, $0x7  }
0xf: {  	s15 =	sshrl.u32 s12, $0x3;
	s17 =	ssub.s32 s0, s16;
	s0 =	sadd.s32 s11, s3  }
0x10: {  	s16 =	sadd.s32 s11, s2;
	s11 =	sshll.u32 s10, $0x6;
	s20 =	sand.u32 $0x380, s20  }
0x11: {  	s31 =	sadd.s32 s1, s8;
	s7 =	sadd.s32 s15, s7;
	[dreg:$0x18] =	wrdreg s0  }
0x12: {  	s15 =	smul.u32 $0x6000, s10;
	[dreg:$0x19] =	wrdreg s16;
	s16 =	sadd.s32 $0x10, s14  }
0x13: {  	s24 =	sor.u32 $0x10, s11;
	s26 =	sor.u32 $0x20, s11;
	s28 =	sor.u32 $0x30, s11  }
0x14: {  	s29 =	sadd.s32 s1, s11;
	s18 =	sshll.u32 s16, $0x7;
	s25 =	sadd.s32 s1, s24  }
0x15: {  	s0 =	sadd.s32 s5, s24;
	s30 =	sadd.s32 s1, s28;
	s24 =	sadd.s32 s12, s3  }
0x16: {  	v2 =	vlaneseq.u32;
	s9 =	sshrl.u32 s15, $0x2;
	s15 =	sadd.s32 $0x20, s14;
	s19 =	sadd.s32 s18, s22  }
0x17: {  	v0 =	vor.u32 s14, v2;
	[dreg:$0x1d] =	wrdreg s25;
	s14 =	simm.s32 $0x3;
	s9 =	sadd.s32 s9, s22  }
0x18: {  	[dreg:$0x1a] =	wrdreg s19;
	s19 =	sshll.u32 s10, $0x9;
	s10 =	sadd.s32 s5, s26  }
0x19: {  	s18 =	sshll.u32 s15, $0x7;
	s19 =	sand.u32 $0x1000, s19;
	[dreg:$0x9] =	wrdreg s10  }
0x1a: {  	s10 =	simm.s32 $0x80;
	s19 =	sadd.s32 s19, s21;
	s21 =	sadd.s32 s18, s22  }
0x1b: {  	s18 =	sadd.s32 s5, s28;
	s28 =	sadd.s32 $0xC00, s13;
	[dreg:$0x1b] =	wrdreg s21  }
0x1c: {  	s13 =	smov.u32 s31;
	s23 =	sadd.s32 s20, s19;
	[dreg:$0xb] =	wrdreg s18  }
0x1d: {  	s20 =	sadd.s32 s1, s26;
	s26 =	sadd.s32 s5, s8;
	[dreg:$0x14] =	wrdreg s28  }
0x1e: {  	s8 =	sor.u32 $0x10, s8;
	s18 =	sadd.s32 s5, s11;
	[dreg:$0xc] =	wrdreg s13  }
0x1f: {  	s19 =	sadd.s32 $0xE00, s7;
	s21 =	simm.s32 $0x600;
	[dreg:$0x1c] =	wrdreg s23  }
0x20: {  	s1 =	sadd.s32 s1, s8;
	s8 =	sadd.s32 s5, s8;
	[dreg:$0x11] =	wrdreg s18  }
0x21: {  	[dreg:$0x12] =	wrdreg s19;
	s23 =	sadd.s32 $0x2E00, s7;
	s7 =	smov.u32 s2  }
0x22: {  	s2 =	smov.u32 s22;
	s22 =	smov.u32 s29;
	[dreg:$0xf] =	wrdreg s1  }
0x23: {  	s5 =	smov.u32 s0;
	s0 =	smov.u32 s4;
	[dreg:$0x10] =	wrdreg s8  }
0x24: {  	s4 =	smov.u32 s20;
	[dreg:$0x13] =	wrdreg s23;
	s25 =	sadd.s32 s12, s7  }
0x25: {  	s12 =	smov.u32 s30;
	s30 =	smax.u32 s17, $0x1;
	[dreg:$0xe] =	wrdreg s22  }
.Ltmp0:
0x26: {  	s1 =	sshrl.u32 s24, $0x3;
	[dreg:$0x15] =	wrdreg s30;
	(pc) =	sbr.rel .LBB2_1-.Ltmp0, $4  }
0x27: {  	s29 =	simm.s32 $0x4;
	s20 =	simm.s32 $0x1;
	[dreg:$0x16] =	wrdreg s1  }
0x28: {  	s18 =	simm.s32 $0x580;
	s17 =	smov.u32 s26;
	[dreg:$0xa] =	wrdreg s12  }
0x29: {  	v3 =	vimm.f32 $0.0e+00;
	s8 =	simm.s32 $0x2;
	s31 =	sshrl.u32 s25, $0x3;
	[dreg:$0xd] =	wrdreg s17  }
0x2a: {  	v4 =	vimm.f32 $1.000000000e+00;
	v1 =	vor.u32 s16, v2;
	v2 =	vor.u32 s15, v2;
	s26 =	simm.s32 $0x0;
	s25 =	simm.s32 $0x300;
	[dreg:$0x17] =	wrdreg s31  }
.LBB2_10:
0x2b: {  	v42 =	vld [tilespmem:s28+$0x93F0];
	s1 =	sor.u32 $0xC00, s1  }
0x2c: {  	v43 =	vld [tilespmem:s1+$0x8B00];
	[tilespmem:$0x8900] =	vst v7  }
0x2d: {  	[tilespmem:$0x8910] =	vst v10  }
0x2e: {  	[tilespmem:$0x8920] =	vst v12  }
0x2f: {  	[tilespmem:$0x8930] =	vst v13  }
0x30: {  	[tilespmem:$0x8940] =	vst v15  }
0x31: {  	[tilespmem:$0x8950] =	vst v16  }
0x32: {  	[tilespmem:$0x8960] =	vst v17  }
0x33: {  	[tilespmem:$0x8970] =	vst v18  }
0x34: {  	[tilespmem:$0x8980] =	vst v19  }
0x35: {  	[tilespmem:$0x8990] =	vst v20  }
0x36: {  	[tilespmem:$0x89A0] =	vst v21  }
0x37: {  	[tilespmem:$0x89B0] =	vst v22  }
0x38: {  	[tilespmem:$0x89C0] =	vst v23  }
0x39: {  	[tilespmem:$0x89D0] =	vst v25  }
0x3a: {  	[tilespmem:$0x89E0] =	vst v27  }
0x3b: {  	[tilespmem:$0x89F0] =	vst v29  }
0x3c: {  	v5 =	vadd.f32 v37, v5;
	v11 =	vadd.f32 v11, v35;
	[tilespmem:$0x8A00] =	vst v32  }
0x3d: {  	v61 =	vadd.f32 v36, v28;
	v7 =	vadd.f32 v14, v34;
	[tilespmem:$0x8A90] =	vst v3  }
0x3e: {  	v60 =	vadd.f32 v39, v33;
	v5 =	vadd.f32 v9, v5;
	[tilespmem:$0x8A20] =	vst v11  }
0x3f: {  	v62 =	vadd.f32 v38, v31;
	v6 =	vadd.f32 v6, v61;
	[tilespmem:$0x8A10] =	vst v7  }
0x40: {  	v63 =	vadd.f32 v40, v30;
	v7 =	vadd.f32 v8, v60;
	[tilespmem:$0x8A30] =	vst v5  }
0x41: {  	v8 =	vadd.f32 v24, v62;
	v5 =	vadd.f32 v41, v26;
	[tilespmem:$0x8A50] =	vst v6  }
0x42: {  	[tilespmem:$0x8A40] =	vst v7;
	v7 =	vadd.f32 v42, v63  }
0x43: {  	[tilespmem:$0x8A60] =	vst v8;
	v5 =	vadd.f32 v43, v5  }
0x44: {  	[tilespmem:$0x8A70] =	vst v7  }
0x45: {  	s31 =	rddreg [dreg:$0x14];
	s12 =	simm.s32 $0x100;
	s15 =	simm.s32 $0x8900;
	[tilespmem:$0x8A80] =	vst v5  }
0x46: {  	[hbm4b:s31+s10] =	stream.strided.scatter [tilespmem:s15], [sflag:$0x4], $0x200, s12, s10, $0x38;
	[tilespmem:$0x11500] =	vst v63  }
0x47: {  	s11 =	smov.u32 s7;
	_ =	swait.ge [sflag:s29], $0x200  }
0x48: {  	s5 =	smov.u32 s0;
	s0 =	smov.u32 s4;
	s12 =	rddreg [dreg:$0xa]  }
0x49: {  	s7 =	smov.u32 s2;
	s2 =	smov.u32 s9;
	s13 =	rddreg [dreg:$0xc]  }
0x4a: {  	s9 =	smov.u32 s22;
	[sflag:s29] =	ssyncset.done $0x0;
	s17 =	rddreg [dreg:$0xd]  }
0x4b: {  	s4 =	smov.u32 s23;
	s22 =	rddreg [dreg:$0xe];
	[sflag:s29] =	ssyncadd.s32 $0xFFFFFE00  }
.LBB2_11:
0x4c: {  	_ =	swait.ge [sflag:s14], $0x100  }
0x4d: {  	[sflag:s14] =	ssyncset.done $0x0  }
0x4e: {  	[sflag:s14] =	ssyncadd.s32 $0xFFFFFF00  }
0x4f: {  	_ =	swait.ge [sflag:s14], $0x100  }
0x50: {  	s26 =	sadd.s32 $0x1, s26;
	s1 =	rddreg [dreg:$0x15]  }
0x51: {  	p1 =	sne.s32 s26, s1  }
.Ltmp1:
0x52: {  	_ = 	snop;
	(pc) =	sbr.rel @!p1 .LBB2_12-.Ltmp1, $3  }
0x53: {  	_ =	sdelay $0x1  }
0x54: {  	[sflag:s14] =	ssyncset.done $0x0  }
0x55: {  	[sflag:s14] =	ssyncadd.s32 $0xFFFFFF00  }
.LBB2_1:
0x56: {  	s1 =	simm.s32 $0xC320  }
0x57: {  	[tilespmem:s1+$0xFFFFFFE0] =	vst v3  }
0x58: {  	[tilespmem:s1+$0x10] =	vst v3  }
0x59: {  	s15 =	simm.s32 $0x0;
	[tilespmem:s1+$0x0] =	vst v3  }
.LBB2_2:
0x5a: {  	s15 =	sadd.s32 $0x4, s15  }
0x5b: {  	[tilespmem:s1+$0xFFFFFFF0] =	vst v3;
	s1 =	sadd.s32 $0x40, s1;
	p1 =	slt.u32 s15, $0xFC  }
.Ltmp2:
0x5c: {  	[tilespmem:s1+$0xFFFFFFE0] =	vst v3;
	(pc) =	sbr.rel @p1 .LBB2_2-.Ltmp2, $3  }
0x5d: {  	_ =	sdelay $0x1  }
0x5e: {  	[tilespmem:s1+$0x10] =	vst v3  }
0x5f: {  	[tilespmem:s1+$0x0] =	vst v3  }
0x60: {  	[tilespmem:s1+$0xFFFFFFF0] =	vst v3;
	s30 =	simm.s32 $0xC300;
	s15 =	rddreg [dreg:$0x18]  }
0x61: {  	[spmem:s15] =	stream.linear.scatter [tilespmem:s30], [sflag:$0x4], $0x1000, $0x38;
	[tilespmem:$0x11500] =	vst v63  }
0x62: {  	_ =	swait.ge [sflag:s29], $0x1000  }
0x63: {  	[sflag:s29] =	ssyncset.done $0x0  }
0x64: {  	s31 =	rddreg [dreg:$0x19];
	[sflag:s29] =	ssyncadd.s32 $0xFFFFF000  }
0x65: {  	[spmem:s31] =	stream.linear.scatter [tilespmem:s30], [sflag:$0x4], $0x1000, $0x38;
	[tilespmem:$0x11500] =	vst v63  }
0x66: {  	_ =	swait.ge [sflag:s29], $0x1000  }
0x67: {  	[sflag:s29] =	ssyncset.done $0x0  }
0x68: {  	s1 =	simm.s32 $0x200;
	s15 =	simm.s32 $0x0;
	[sflag:s29] =	ssyncadd.s32 $0xFFFFF000  }
.LBB2_4:
0x69: {  	p1 =	sne.s32 s1, $0x1E00;
	[tilespmem:s15+$0xD370] =	vst v3  }
0x6a: {  	[tilespmem:s15+$0xD300] =	vst v3  }
0x6b: {  	[tilespmem:s15+$0xD310] =	vst v3  }
.Ltmp3:
0x6c: {  	[tilespmem:s15+$0xD320] =	vst v3;
	(pc) =	sbr.rel @p1 .LBB2_4-.Ltmp3, $4  }
0x6d: {  	[tilespmem:s15+$0xD330] =	vst v3  }
0x6e: {  	[tilespmem:s15+$0xD340] =	vst v3  }
0x6f: {  	[tilespmem:s15+$0xD350] =	vst v3  }
0x70: {  	[tilespmem:s15+$0xD360] =	vst v3;
	s15 =	sshra.s32 s1, $0x2;
	s1 =	sadd.s32 $0x200, s1  }
0x71: {  	[tilespmem:s15+$0xD370] =	vst v3  }
0x72: {  	[tilespmem:s15+$0xD300] =	vst v3  }
0x73: {  	[tilespmem:s15+$0xD310] =	vst v3  }
0x74: {  	[tilespmem:s15+$0xD320] =	vst v3  }
0x75: {  	[tilespmem:s15+$0xD330] =	vst v3  }
0x76: {  	[tilespmem:s15+$0xD340] =	vst v3  }
0x77: {  	[tilespmem:s15+$0xD350] =	vst v3  }
0x78: {  	[tilespmem:s15+$0xD360] =	vst v3;
	s1 =	simm.s32 $0xD300  }
0x79: {  	[spmem:s9] =	stream.linear.scatter [tilespmem:s1], [sflag:$0x4], $0x800, $0x38;
	[tilespmem:$0x11500] =	vst v63  }
0x7a: {  	_ =	swait.ge [sflag:s29], $0x800  }
0x7b: {  	[sflag:s29] =	ssyncset.done $0x0  }
0x7c: {  	s28 =	rddreg [dreg:$0x1a];
	[sflag:s29] =	ssyncadd.s32 $0xFFFFF800  }
0x7d: {  	[spmem:s28] =	stream.linear.scatter [tilespmem:s1], [sflag:$0x4], $0x800, $0x38;
	[tilespmem:$0x11500] =	vst v63  }
0x7e: {  	_ =	swait.ge [sflag:s29], $0x800  }
0x7f: {  	[sflag:s29] =	ssyncset.done $0x0  }
0x80: {  	s30 =	rddreg [dreg:$0x1b];
	[sflag:s29] =	ssyncadd.s32 $0xFFFFF800  }
0x81: {  	[spmem:s30] =	stream.linear.scatter [tilespmem:s1], [sflag:$0x4], $0x800, $0x38;
	[tilespmem:$0x11500] =	vst v63  }
0x82: {  	_ =	swait.ge [sflag:s29], $0x800  }
0x83: {  	[sflag:s29] =	ssyncset.done $0x0  }
0x84: {  	[sflag:s29] =	ssyncadd.s32 $0xFFFFF800  }
0x85: {  	[tilespmem:$0x600] =	vst v4  }
0x86: {  	[tilespmem:$0x610] =	vst v4  }
0x87: {  	[tilespmem:$0x620] =	vst v4  }
0x88: {  	[tilespmem:$0x630] =	vst v4  }
0x89: {  	[tilespmem:$0x640] =	vst v4  }
0x8a: {  	[tilespmem:$0x650] =	vst v4  }
0x8b: {  	[tilespmem:$0x660] =	vst v4  }
0x8c: {  	[tilespmem:$0x670] =	vst v4  }
0x8d: {  	[bflag:$0x0] =	sbarrier.arrive $0xFFFF  }
0x8e: {  	[tilespmem:s6], [sflag:$0x1] =	stream.linear.gather [hbm4b:s22+s6], $0x80, $0x38;
	[tilespmem:$0x11500] =	vst v63  }
0x8f: {  	s15 =	simm.s32 $0x200;
	s31 =	rddreg [dreg:$0x11]  }
0x90: {  	[tilespmem:s15], [sflag:$0x1] =	stream.linear.gather [hbm4b:s31+s6], $0x80, $0x38;
	[tilespmem:$0x11500] =	vst v63  }
0x91: {  	s16 =	rddreg [dreg:$0x1d]  }
0x92: {  	[tilespmem:s10], [sflag:$0x1] =	stream.linear.gather [hbm4b:s16+s6], $0x80, $0x38;
	[tilespmem:$0x11500] =	vst v63  }
0x93: {  	s16 =	simm.s32 $0x280  }
0x94: {  	[tilespmem:s16], [sflag:$0x1] =	stream.linear.gather [hbm4b:s5+s6], $0x80, $0x38;
	[tilespmem:$0x11500] =	vst v63  }
0x95: {  	s24 =	simm.s32 $0x100  }
0x96: {  	[tilespmem:s24], [sflag:$0x1] =	stream.linear.gather [hbm4b:s4+s6], $0x80, $0x38;
	[tilespmem:$0x11500] =	vst v63  }
0x97: {  	s19 =	rddreg [dreg:$0x9]  }
0x98: {  	[tilespmem:s25], [sflag:$0x1] =	stream.linear.gather [hbm4b:s19+s6], $0x80, $0x38;
	[tilespmem:$0x11500] =	vst v63  }
0x99: {  	s28 =	simm.s32 $0x180  }
0x9a: {  	[tilespmem:s28], [sflag:$0x1] =	stream.linear.gather [hbm4b:s12+s6], $0x80, $0x38;
	[tilespmem:$0x11500] =	vst v63  }
0x9b: {  	s30 =	simm.s32 $0x380;
	s23 =	rddreg [dreg:$0xb]  }
0x9c: {  	[tilespmem:s30], [sflag:$0x1] =	stream.linear.gather [hbm4b:s23+s6], $0x80, $0x38;
	[tilespmem:$0x11500] =	vst v63  }
0x9d: {  	s19 =	simm.s32 $0x400  }
0x9e: {  	[tilespmem:s19], [sflag:$0x1] =	stream.linear.gather [hbm4b:s13+s6], $0x80, $0x38;
	[tilespmem:$0x11500] =	vst v63  }
0x9f: {  	s31 =	simm.s32 $0x500  }
0xa0: {  	[tilespmem:s31], [sflag:$0x1] =	stream.linear.gather [hbm4b:s17+s6], $0x80, $0x38;
	[tilespmem:$0x11500] =	vst v63  }
0xa1: {  	s1 =	rddreg [dreg:$0xf];
	s23 =	simm.s32 $0x480  }
0xa2: {  	[tilespmem:s23], [sflag:$0x1] =	stream.linear.gather [hbm4b:s1+s6], $0x80, $0x38;
	[tilespmem:$0x11500] =	vst v63  }
0xa3: {  	s1 =	rddreg [dreg:$0x10]  }
0xa4: {  	[tilespmem:s18], [sflag:$0x1] =	stream.linear.gather [hbm4b:s1+s6], $0x80, $0x38;
	[tilespmem:$0x11500] =	vst v63  }
0xa5: {  	_ =	swait.ge [sflag:s20], $0x80  }
0xa6: {  	[sflag:s20] =	ssyncset.done $0x0  }
0xa7: {  	[sflag:s20] =	ssyncadd.s32 $0xFFFFFF80  }
0xa8: {  	_ =	swait.ge [sflag:s20], $0x80  }
0xa9: {  	[sflag:s20] =	ssyncset.done $0x0  }
0xaa: {  	[sflag:s20] =	ssyncadd.s32 $0xFFFFFF80  }
0xab: {  	_ =	swait.ge [sflag:s20], $0x80  }
0xac: {  	[sflag:s20] =	ssyncset.done $0x0  }
0xad: {  	[sflag:s20] =	ssyncadd.s32 $0xFFFFFF80  }
0xae: {  	_ =	swait.ge [sflag:s20], $0x80  }
0xaf: {  	[sflag:s20] =	ssyncset.done $0x0  }
0xb0: {  	[sflag:s20] =	ssyncadd.s32 $0xFFFFFF80  }
0xb1: {  	_ =	swait.ge [sflag:s20], $0x80  }
0xb2: {  	[sflag:s20] =	ssyncset.done $0x0  }
0xb3: {  	[sflag:s20] =	ssyncadd.s32 $0xFFFFFF80  }
0xb4: {  	_ =	swait.ge [sflag:s20], $0x80  }
0xb5: {  	[sflag:s20] =	ssyncset.done $0x0  }
0xb6: {  	[sflag:s20] =	ssyncadd.s32 $0xFFFFFF80  }
0xb7: {  	_ =	swait.ge [sflag:s20], $0x80  }
0xb8: {  	[sflag:s20] =	ssyncset.done $0x0  }
0xb9: {  	[sflag:s20] =	ssyncadd.s32 $0xFFFFFF80  }
0xba: {  	_ =	swait.ge [sflag:s20], $0x80  }
0xbb: {  	[sflag:s20] =	ssyncset.done $0x0  }
0xbc: {  	[sflag:s20] =	ssyncadd.s32 $0xFFFFFF80  }
0xbd: {  	_ =	swait.ge [sflag:s20], $0x80  }
0xbe: {  	[sflag:s20] =	ssyncset.done $0x0  }
0xbf: {  	[sflag:s20] =	ssyncadd.s32 $0xFFFFFF80  }
0xc0: {  	_ =	swait.ge [sflag:s20], $0x80  }
0xc1: {  	[sflag:s20] =	ssyncset.done $0x0  }
0xc2: {  	[sflag:s20] =	ssyncadd.s32 $0xFFFFFF80  }
0xc3: {  	_ =	swait.ge [sflag:s20], $0x80  }
0xc4: {  	[sflag:s20] =	ssyncset.done $0x0  }
0xc5: {  	[sflag:s20] =	ssyncadd.s32 $0xFFFFFF80  }
0xc6: {  	_ =	swait.ge [sflag:s20], $0x80  }
0xc7: {  	[sflag:s20] =	ssyncset.done $0x0  }
0xc8: {  	[sflag:s20] =	ssyncadd.s32 $0xFFFFFF80  }
0xc9: {  	[spmem:s3] =	stream.indirect.scatter.add.f32 [tilespmem:s21], [sflag:$0x2], $0x1, s6, s10, $0xb8;
	[tilespmem:$0x11500] =	vst v63  }
0xca: {  	_ = 	snop  }
0xcb: {  	[spmem:s7] =	stream.indirect.scatter.add.f32 [tilespmem:s21], [sflag:$0x2], $0x1, s15, s10, $0xb8;
	[tilespmem:$0x11500] =	vst v63  }
0xcc: {  	_ = 	snop  }
0xcd: {  	[spmem:s3] =	stream.indirect.scatter.add.f32 [tilespmem:s21], [sflag:$0x2], $0x1, s10, s10, $0xb8;
	[tilespmem:$0x11500] =	vst v63  }
0xce: {  	_ = 	snop  }
0xcf: {  	[spmem:s7] =	stream.indirect.scatter.add.f32 [tilespmem:s21], [sflag:$0x2], $0x1, s16, s10, $0xb8;
	[tilespmem:$0x11500] =	vst v63  }
0xd0: {  	_ = 	snop  }
0xd1: {  	[spmem:s3] =	stream.indirect.scatter.add.f32 [tilespmem:s21], [sflag:$0x2], $0x1, s24, s10, $0xb8;
	[tilespmem:$0x11500] =	vst v63  }
0xd2: {  	_ = 	snop  }
0xd3: {  	[spmem:s7] =	stream.indirect.scatter.add.f32 [tilespmem:s21], [sflag:$0x2], $0x1, s25, s10, $0xb8;
	[tilespmem:$0x11500] =	vst v63  }
0xd4: {  	_ = 	snop  }
0xd5: {  	[spmem:s3] =	stream.indirect.scatter.add.f32 [tilespmem:s21], [sflag:$0x2], $0x1, s28, s10, $0xb8;
	[tilespmem:$0x11500] =	vst v63  }
0xd6: {  	_ = 	snop  }
0xd7: {  	[spmem:s7] =	stream.indirect.scatter.add.f32 [tilespmem:s21], [sflag:$0x2], $0x1, s30, s10, $0xb8;
	[tilespmem:$0x11500] =	vst v63  }
0xd8: {  	_ =	swait.ge [sflag:s8], $0x80  }
0xd9: {  	[sflag:s8] =	ssyncset.done $0x0  }
0xda: {  	[sflag:s8] =	ssyncadd.s32 $0xFFFFFF80  }
0xdb: {  	_ =	swait.ge [sflag:s8], $0x80  }
0xdc: {  	[sflag:s8] =	ssyncset.done $0x0  }
0xdd: {  	[sflag:s8] =	ssyncadd.s32 $0xFFFFFF80  }
0xde: {  	_ =	swait.ge [sflag:s8], $0x80  }
0xdf: {  	[sflag:s8] =	ssyncset.done $0x0  }
0xe0: {  	[sflag:s8] =	ssyncadd.s32 $0xFFFFFF80  }
0xe1: {  	_ =	swait.ge [sflag:s8], $0x80  }
0xe2: {  	[sflag:s8] =	ssyncset.done $0x0  }
0xe3: {  	[sflag:s8] =	ssyncadd.s32 $0xFFFFFF80  }
0xe4: {  	_ =	swait.ge [sflag:s8], $0x80  }
0xe5: {  	[sflag:s8] =	ssyncset.done $0x0  }
0xe6: {  	[sflag:s8] =	ssyncadd.s32 $0xFFFFFF80  }
0xe7: {  	_ =	swait.ge [sflag:s8], $0x80  }
0xe8: {  	[sflag:s8] =	ssyncset.done $0x0  }
0xe9: {  	[sflag:s8] =	ssyncadd.s32 $0xFFFFFF80  }
0xea: {  	_ =	swait.ge [sflag:s8], $0x80  }
0xeb: {  	[sflag:s8] =	ssyncset.done $0x0  }
0xec: {  	[sflag:s8] =	ssyncadd.s32 $0xFFFFFF80  }
0xed: {  	_ =	swait.ge [sflag:s8], $0x80  }
0xee: {  	[sflag:s8] =	ssyncset.done $0x0  }
0xef: {  	[sflag:s8] =	ssyncadd.s32 $0xFFFFFF80  }
0xf0: {  	[bflag:$0x0] =	sbarrier.arrive $0xFFFF  }
0xf1: {  	s28 =	rddreg [dreg:$0x12]  }
0xf2: {  	s24 =	sor.u32 $0x1C03, s11;
	s30 =	rddreg [dreg:$0x16]  }
0xf3: {  	[hbm:s28], [sflag:s24] =	dma.local [spmem:s30], $0x100  }
0xf4: {  	s15 =	rddreg [dreg:$0x13]  }
0xf5: {  	s16 =	rddreg [dreg:$0x17]  }
0xf6: {  	[hbm:s15], [sflag:s24] =	dma.local [spmem:s16], $0x100;
	[tilespmem:$0x8800] =	vst v0  }
0xf7: {  	[tilespmem:$0x8810] =	vst v0  }
0xf8: {  	[tilespmem:$0x8820] =	vst v0  }
0xf9: {  	[tilespmem:$0x8830] =	vst v0  }
0xfa: {  	[tilespmem:$0x8840] =	vst v0  }
0xfb: {  	[tilespmem:$0x8850] =	vst v0  }
0xfc: {  	[tilespmem:$0x8860] =	vst v0  }
0xfd: {  	[tilespmem:$0x8870] =	vst v0;
	s16 =	simm.s32 $0x680  }
0xfe: {  	[tilespmem:s16], [sflag:$0x1] =	stream.indirect.gather [hbm4b:s0+s10], $0x80, s19, s10, $0xb8;
	[tilespmem:$0x11500] =	vst v63  }
0xff: {  	s30 =	simm.s32 $0x4680  }
0x100: {  	[tilespmem:s30], [sflag:$0x2] =	stream.indirect.gather [hbm4b:s0+s10], $0x80, s23, s10, $0xb8;
	[tilespmem:$0x11500] =	vst v63  }
0x101: {  	_ =	swait.ge [sflag:s20], $0x4000  }
0x102: {  	[sflag:s20] =	ssyncset.done $0x0  }
0x103: {  	s23 =	simm.s32 $0x8800;
	[sflag:s20] =	ssyncadd.s32 $0xFFFFC000  }
0x104: {  	[spmem:s2] =	stream.indirect.scatter.add.f32 [tilespmem:s16], [sflag:$0x4], $0x80, s23, s10, $0xb8;
	[tilespmem:$0x11500] =	vst v63  }
0x105: {  	_ =	swait.ge [sflag:s29], $0x4000  }
0x106: {  	[sflag:s29] =	ssyncset.done $0x0  }
0x107: {  	[sflag:s29] =	ssyncadd.s32 $0xFFFFC000  }
0x108: {  	_ =	swait.ge [sflag:s8], $0x4000  }
0x109: {  	[sflag:s8] =	ssyncset.done $0x0  }
0x10a: {  	[sflag:s8] =	ssyncadd.s32 $0xFFFFC000  }
0x10b: {  	[spmem:s2] =	stream.indirect.scatter.add.f32 [tilespmem:s30], [sflag:$0x4], $0x80, s23, s10, $0xb8;
	[tilespmem:$0x11500] =	vst v63  }
0x10c: {  	_ =	swait.ge [sflag:s29], $0x4000  }
0x10d: {  	[sflag:s29] =	ssyncset.done $0x0  }
0x10e: {  	[sflag:s29] =	ssyncadd.s32 $0xFFFFC000  }
0x10f: {  	[tilespmem:s16], [sflag:$0x1] =	stream.indirect.gather [hbm4b:s0+s10], $0x80, s31, s10, $0xb8;
	[tilespmem:$0x11500] =	vst v63  }
0x110: {  	_ = 	snop  }
0x111: {  	[tilespmem:s30], [sflag:$0x2] =	stream.indirect.gather [hbm4b:s0+s10], $0x80, s18, s10, $0xb8;
	[tilespmem:$0x11500] =	vst v63  }
0x112: {  	s24 =	simm.s32 $0x8680  }
0x113: {  	[tilespmem:s24], [sflag:$0x4] =	stream.indirect.gather [spmem:s3], $0x1, s31, s10, $0xb8;
	[tilespmem:$0x11500] =	vst v63  }
0x114: {  	_ =	swait.ge [sflag:s29], $0x80  }
0x115: {  	[sflag:s29] =	ssyncset.done $0x0  }
0x116: {  	[sflag:s29] =	ssyncadd.s32 $0xFFFFFF80  }
0x117: {  	v5 =	vld [tilespmem:$0x8680]  }
0x118: {  	v6 =	vld [tilespmem:$0x8690]  }
0x119: {  	v8 =	vld [tilespmem:$0x86B0]  }
0x11a: {  	v7 =	vld [tilespmem:$0x86A0]  }
0x11b: {  	v9 =	vld [tilespmem:$0x86C0];
	_ =	sdelay $0x1  }
0x11c: {  	vm1 =	vgt.f32 v5, $0.0e+00;
	v5 =	vld [tilespmem:$0x86D0]  }
0x11d: {  	vm3 =	vgt.f32 v6, $0.0e+00;
	v6 =	vld [tilespmem:$0x86E0];
	vm10 =	vgt.f32 v8, $0.0e+00;
	v10 =	vsel vm1, v1, v2  }
0x11e: {  	vm7 =	vgt.f32 v7, $0.0e+00;
	v7 =	vld [tilespmem:$0x86F0];
	v8 =	vsel vm10, v1, v2;
	[tilespmem:$0x8880] =	vst v10  }
0x11f: {  	vm11 =	vgt.f32 v9, $0.0e+00;
	v10 =	vsel vm3, v1, v2;
	[tilespmem:$0x88B0] =	vst v8  }
0x120: {  	v8 =	vsel vm11, v1, v2;
	[tilespmem:$0x8890] =	vst v10  }
0x121: {  	v10 =	vsel vm7, v1, v2;
	[tilespmem:$0x88C0] =	vst v8;
	vm8 =	vgt.f32 v5, $0.0e+00  }
0x122: {  	[tilespmem:$0x88A0] =	vst v10;
	vm5 =	vgt.f32 v6, $0.0e+00;
	v5 =	vsel vm8, v1, v2  }
0x123: {  	vm4 =	vgt.f32 v7, $0.0e+00;
	[tilespmem:$0x88D0] =	vst v5;
	v5 =	vsel vm5, v1, v2  }
0x124: {  	[tilespmem:$0x88E0] =	vst v5;
	v5 =	vsel vm4, v1, v2  }
0x125: {  	[tilespmem:$0x88F0] =	vst v5  }
0x126: {  	_ =	swait.ge [sflag:s20], $0x4000  }
0x127: {  	[sflag:s20] =	ssyncset.done $0x0  }
0x128: {  	s28 =	simm.s32 $0x8880;
	[sflag:s20] =	ssyncadd.s32 $0xFFFFC000  }
0x129: {  	[spmem:s2] =	stream.indirect.scatter.add.f32 [tilespmem:s16], [sflag:$0x4], $0x80, s28, s10, $0xb8;
	[tilespmem:$0x11500] =	vst v63  }
0x12a: {  	_ =	swait.ge [sflag:s29], $0x4000  }
0x12b: {  	[sflag:s29] =	ssyncset.done $0x0  }
0x12c: {  	[sflag:s29] =	ssyncadd.s32 $0xFFFFC000  }
0x12d: {  	[tilespmem:s24], [sflag:$0x4] =	stream.indirect.gather [spmem:s3], $0x1, s18, s10, $0xb8;
	[tilespmem:$0x11500] =	vst v63  }
0x12e: {  	_ =	swait.ge [sflag:s29], $0x80  }
0x12f: {  	[sflag:s29] =	ssyncset.done $0x0  }
0x130: {  	[sflag:s29] =	ssyncadd.s32 $0xFFFFFF80  }
0x131: {  	v5 =	vld [tilespmem:$0x8680]  }
0x132: {  	v6 =	vld [tilespmem:$0x8690]  }
0x133: {  	v8 =	vld [tilespmem:$0x86B0]  }
0x134: {  	v7 =	vld [tilespmem:$0x86A0]  }
0x135: {  	v9 =	vld [tilespmem:$0x86C0];
	_ =	sdelay $0x1  }
0x136: {  	vm15 =	vgt.f32 v5, $0.0e+00;
	v5 =	vld [tilespmem:$0x86D0]  }
0x137: {  	vm14 =	vgt.f32 v6, $0.0e+00;
	v6 =	vld [tilespmem:$0x86E0];
	vm12 =	vgt.f32 v8, $0.0e+00;
	v10 =	vsel vm15, v1, v2  }
0x138: {  	vm13 =	vgt.f32 v7, $0.0e+00;
	v7 =	vld [tilespmem:$0x86F0];
	v8 =	vsel vm12, v1, v2;
	[tilespmem:$0x8880] =	vst v10  }
0x139: {  	vm9 =	vgt.f32 v9, $0.0e+00;
	v10 =	vsel vm14, v1, v2;
	[tilespmem:$0x88B0] =	vst v8  }
0x13a: {  	v8 =	vsel vm9, v1, v2;
	[tilespmem:$0x8890] =	vst v10  }
0x13b: {  	v10 =	vsel vm13, v1, v2;
	[tilespmem:$0x88C0] =	vst v8;
	vm6 =	vgt.f32 v5, $0.0e+00  }
0x13c: {  	[tilespmem:$0x88A0] =	vst v10;
	vm2 =	vgt.f32 v6, $0.0e+00;
	v5 =	vsel vm6, v1, v2  }
0x13d: {  	vm0 =	vgt.f32 v7, $0.0e+00;
	[tilespmem:$0x88D0] =	vst v5;
	v5 =	vsel vm2, v1, v2  }
0x13e: {  	[tilespmem:$0x88E0] =	vst v5;
	v5 =	vsel vm0, v1, v2  }
0x13f: {  	[tilespmem:$0x88F0] =	vst v5  }
0x140: {  	_ =	swait.ge [sflag:s8], $0x4000  }
0x141: {  	[sflag:s8] =	ssyncset.done $0x0  }
0x142: {  	[sflag:s8] =	ssyncadd.s32 $0xFFFFC000  }
0x143: {  	[spmem:s2] =	stream.indirect.scatter.add.f32 [tilespmem:s30], [sflag:$0x4], $0x80, s28, s10, $0xb8;
	[tilespmem:$0x11500] =	vst v63  }
0x144: {  	_ =	swait.ge [sflag:s29], $0x4000  }
0x145: {  	[sflag:s29] =	ssyncset.done $0x0  }
0x146: {  	s30 =	simm.s32 $0xAB00;
	[sflag:s29] =	ssyncadd.s32 $0xFFFFC000  }
0x147: {  	[tilespmem:s30], [sflag:$0x4] =	stream.linear.gather [spmem:s9], $0x1800, $0x38;
	[tilespmem:$0x11500] =	vst v63  }
0x148: {  	_ =	swait.ge [sflag:s29], $0x1800  }
0x149: {  	[sflag:s29] =	ssyncset.done $0x0  }
0x14a: {  	s31 =	simm.s32 $0xB380;
	[sflag:s29] =	ssyncadd.s32 $0xFFFFE800  }
0x14b: {  	v5 =	vld [tilespmem:s31+$0xFFFFF800]  }
0x14c: {  	v6 =	vld [tilespmem:s31+$0xFFFFF810]  }
0x14d: {  	v7 =	vld [tilespmem:s31+$0xFFFFF820]  }
0x14e: {  	v9 =	vld [tilespmem:s31+$0xFFFFF830]  }
0x14f: {  	v10 =	vld [tilespmem:s31+$0xFFFFF840]  }
0x150: {  	v12 =	vld [tilespmem:s31+$0xFFFFF850]  }
0x151: {  	v15 =	vld [tilespmem:s31+$0xFFFFF860]  }
0x152: {  	v17 =	vld [tilespmem:s31+$0xFFFFF870]  }
0x153: {  	v18 =	vld [tilespmem:s31+$0x0]  }
0x154: {  	v21 =	vld [tilespmem:s31+$0x10]  }
0x155: {  	v22 =	vld [tilespmem:s31+$0x20]  }
0x156: {  	v25 =	vld [tilespmem:s31+$0x30]  }
0x157: {  	v27 =	vld [tilespmem:s31+$0x40]  }
0x158: {  	v29 =	vld [tilespmem:s31+$0x50]  }
0x159: {  	v30 =	vld [tilespmem:s31+$0x60]  }
0x15a: {  	v31 =	vld [tilespmem:s31+$0x70]  }
0x15b: {  	v35 =	vld [tilespmem:s31+$0x800]  }
0x15c: {  	v39 =	vld [tilespmem:s31+$0x810]  }
0x15d: {  	v23 =	vld [tilespmem:s31+$0x820]  }
0x15e: {  	v20 =	vld [tilespmem:s31+$0x830]  }
0x15f: {  	v14 =	vld [tilespmem:s31+$0x840]  }
0x160: {  	v11 =	vld [tilespmem:s31+$0xFFFFF780]  }
0x161: {  	v13 =	vld [tilespmem:s31+$0xFFFFF790]  }
0x162: {  	v16 =	vld [tilespmem:s31+$0xFFFFF7A0]  }
0x163: {  	v19 =	vld [tilespmem:s31+$0xFFFFF7B0]  }
0x164: {  	v24 =	vld [tilespmem:s31+$0xFFFFF7C0]  }
0x165: {  	v26 =	vld [tilespmem:s31+$0xFFFFF7D0]  }
0x166: {  	v8 =	vimm.f32 $0.0e+00;
	v28 =	vld [tilespmem:s31+$0xFFFFF7E0]  }
0x167: {  	v32 =	vld [tilespmem:s31+$0xFFFFF7F0];
	v11 =	vadd.f32 v11, v8  }
0x168: {  	v36 =	vld [tilespmem:s31+$0xFFFFFF80];
	v13 =	vadd.f32 v13, v8;
	v33 =	vadd.f32 v16, v8  }
0x169: {  	v37 =	vld [tilespmem:s31+$0xFFFFFF90];
	v34 =	vadd.f32 v19, v8;
	v19 =	vadd.f32 v5, v11  }
0x16a: {  	v38 =	vld [tilespmem:s31+$0xFFFFFFA0];
	v16 =	vadd.f32 v6, v13;
	v13 =	vadd.f32 v7, v33  }
0x16b: {  	v60 =	vld [tilespmem:s31+$0xFFFFFFC0];
	v11 =	vadd.f32 v9, v34;
	v5 =	vadd.f32 v24, v8  }
0x16c: {  	v61 =	vld [tilespmem:s31+$0xFFFFFFD0];
	v6 =	vadd.f32 v26, v8;
	v26 =	vadd.f32 v28, v8  }
0x16d: {  	v24 =	vld [tilespmem:s31+$0xFFFFFFB0];
	v28 =	vadd.f32 v32, v8;
	v9 =	vadd.f32 v10, v5  }
0x16e: {  	v63 =	vld [tilespmem:s31+$0x780];
	v7 =	vadd.f32 v12, v6;
	v6 =	vadd.f32 v15, v26  }
0x16f: {  	v10 =	vld [tilespmem:s31+$0xFFFFFFE0];
	v5 =	vadd.f32 v17, v28;
	v12 =	vadd.f32 v36, v8  }
0x170: {  	v15 =	vadd.f32 v37, v8;
	v17 =	vld [tilespmem:s31+$0xFFFFFFF0];
	v28 =	vadd.f32 v38, v8  }
0x171: {  	v40 =	vld [tilespmem:s31+$0x790];
	v26 =	vadd.f32 v18, v12;
	v12 =	vadd.f32 v60, v8  }
0x172: {  	v41 =	vld [tilespmem:s31+$0x7A0];
	v62 =	vadd.f32 v24, v8;
	v24 =	vadd.f32 v21, v15  }
0x173: {  	v34 =	vld [tilespmem:s31+$0x7E0];
	v21 =	vadd.f32 v22, v28;
	v15 =	vadd.f32 v61, v8  }
0x174: {  	v22 =	vld [tilespmem:s31+$0x7B0];
	v18 =	vadd.f32 v25, v62;
	v10 =	vadd.f32 v10, v8  }
0x175: {  	v33 =	vld [tilespmem:s31+$0x7F0];
	v25 =	vadd.f32 v17, v8;
	v17 =	vadd.f32 v27, v12  }
0x176: {  	v38 =	vld [tilespmem:s31+$0x7C0];
	v15 =	vadd.f32 v29, v15;
	v27 =	vadd.f32 v40, v8  }
0x177: {  	v37 =	vld [tilespmem:s31+$0x7D0];
	v12 =	vadd.f32 v30, v10;
	v10 =	vadd.f32 v31, v25  }
0x178: {  	v36 =	vld [tilespmem:s31+$0x860];
	v25 =	vadd.f32 v63, v8;
	v31 =	vadd.f32 v41, v8  }
0x179: {  	v28 =	vld [tilespmem:s31+$0x850];
	v29 =	vadd.f32 v39, v27;
	v27 =	vimm.f32 $0.0e+00;
	v32 =	vadd.f32 v22, v8  }
0x17a: {  	s1 =	simm.s32 $0x400;
	s15 =	simm.s32 $0x0;
	s16 =	simm.s32 $0xB480;
	v22 =	vimm.f32 $0.0e+00;
	v30 =	vadd.f32 v35, v25;
	v35 =	vld [tilespmem:s31+$0x870];
	v25 =	vimm.f32 $0.0e+00  }
.LBB2_6:
0x17b: {  	v39 =	vld [tilespmem:s16+$0xFFFFF800];
	v31 =	vadd.f32 v23, v31;
	v32 =	vadd.f32 v20, v32  }
0x17c: {  	v8 =	vadd.f32 v38, v8;
	v20 =	vadd.f32 v37, v27;
	v40 =	vld [tilespmem:s16+$0xFFFFF810]  }
0x17d: {  	v23 =	vadd.f32 v34, v25;
	v37 =	vld [tilespmem:s16+$0xFFFFF820];
	v22 =	vadd.f32 v33, v22  }
0x17e: {  	v8 =	vadd.f32 v14, v8;
	v27 =	vadd.f32 v28, v20;
	v33 =	vld [tilespmem:s16+$0xFFFFF830]  }
0x17f: {  	v25 =	vadd.f32 v36, v23;
	v34 =	vld [tilespmem:s16+$0xFFFFF840];
	v22 =	vadd.f32 v35, v22  }
0x180: {  	v35 =	vld [tilespmem:s16+$0xFFFFF850]  }
0x181: {  	v36 =	vld [tilespmem:s16+$0xFFFFF860]  }
0x182: {  	v38 =	vld [tilespmem:s16+$0xFFFFF870]  }
0x183: {  	v41 =	vld [tilespmem:s16+$0x0]  }
0x184: {  	v42 =	vld [tilespmem:s16+$0x10]  }
0x185: {  	v43 =	vld [tilespmem:s16+$0x20]  }
0x186: {  	v44 =	vld [tilespmem:s16+$0x30]  }
0x187: {  	v45 =	vld [tilespmem:s16+$0x40]  }
0x188: {  	v46 =	vld [tilespmem:s16+$0x50]  }
0x189: {  	v47 =	vld [tilespmem:s16+$0x60]  }
0x18a: {  	v48 =	vld [tilespmem:s16+$0x70]  }
0x18b: {  	v49 =	vld [tilespmem:s16+$0x800]  }
0x18c: {  	v50 =	vld [tilespmem:s16+$0x810]  }
0x18d: {  	v23 =	vld [tilespmem:s16+$0x820]  }
0x18e: {  	v20 =	vld [tilespmem:s16+$0x830]  }
0x18f: {  	v14 =	vld [tilespmem:s16+$0x840]  }
0x190: {  	v28 =	vld [tilespmem:s16+$0x850]  }
0x191: {  	v51 =	vld [tilespmem:s16+$0xFFFFF780]  }
0x192: {  	v52 =	vld [tilespmem:s16+$0xFFFFF790]  }
0x193: {  	v53 =	vld [tilespmem:s16+$0xFFFFF7A0]  }
0x194: {  	v54 =	vld [tilespmem:s16+$0xFFFFF7B0]  }
0x195: {  	v55 =	vld [tilespmem:s16+$0xFFFFF7C0]  }
0x196: {  	v56 =	vld [tilespmem:s16+$0xFFFFF7D0]  }
0x197: {  	v57 =	vld [tilespmem:s16+$0xFFFFF7E0]  }
0x198: {  	v19 =	vadd.f32 v51, v19;
	v16 =	vadd.f32 v52, v16;
	v51 =	vld [tilespmem:s16+$0xFFFFF7F0]  }
0x199: {  	v13 =	vadd.f32 v53, v13;
	v11 =	vadd.f32 v54, v11;
	v52 =	vld [tilespmem:s16+$0xFFFFFF80]  }
0x19a: {  	v19 =	vadd.f32 v39, v19;
	v16 =	vadd.f32 v40, v16;
	v53 =	vld [tilespmem:s16+$0xFFFFFF90]  }
0x19b: {  	v13 =	vadd.f32 v37, v13;
	v39 =	vld [tilespmem:s16+$0xFFFFFFA0];
	v11 =	vadd.f32 v33, v11  }
0x19c: {  	v9 =	vadd.f32 v55, v9;
	v7 =	vadd.f32 v56, v7;
	v33 =	vld [tilespmem:s16+$0xFFFFFFB0]  }
0x19d: {  	v6 =	vadd.f32 v57, v6;
	v5 =	vadd.f32 v51, v5;
	v37 =	vld [tilespmem:s16+$0xFFFFFFC0]  }
0x19e: {  	v9 =	vadd.f32 v34, v9;
	v7 =	vadd.f32 v35, v7;
	v40 =	vld [tilespmem:s16+$0xFFFFFFD0]  }
0x19f: {  	v6 =	vadd.f32 v36, v6;
	v34 =	vld [tilespmem:s16+$0xFFFFFFE0];
	v5 =	vadd.f32 v38, v5  }
0x1a0: {  	v26 =	vadd.f32 v52, v26;
	v24 =	vadd.f32 v53, v24;
	v35 =	vld [tilespmem:s16+$0xFFFFFFF0]  }
0x1a1: {  	v21 =	vadd.f32 v39, v21;
	v18 =	vadd.f32 v33, v18;
	v33 =	vld [tilespmem:s16+$0x780]  }
0x1a2: {  	v26 =	vadd.f32 v41, v26;
	v24 =	vadd.f32 v42, v24;
	v36 =	vld [tilespmem:s16+$0x790]  }
0x1a3: {  	v21 =	vadd.f32 v43, v21;
	v39 =	vld [tilespmem:s16+$0x7A0];
	v18 =	vadd.f32 v44, v18  }
0x1a4: {  	s15 =	sadd.s32 $0x2, s15;
	v17 =	vadd.f32 v37, v17;
	v15 =	vadd.f32 v40, v15;
	v40 =	vld [tilespmem:s16+$0x7B0]  }
0x1a5: {  	p1 =	slt.u32 s15, $0xE;
	v12 =	vadd.f32 v34, v12;
	v10 =	vadd.f32 v35, v10;
	v38 =	vld [tilespmem:s16+$0x7C0]  }
.Ltmp4:
0x1a6: {  	v17 =	vadd.f32 v45, v17;
	v15 =	vadd.f32 v46, v15;
	v37 =	vld [tilespmem:s16+$0x7D0];
	(pc) =	sbr.rel @p1 .LBB2_6-.Ltmp4, $4  }
0x1a7: {  	v12 =	vadd.f32 v47, v12;
	v34 =	vld [tilespmem:s16+$0x7E0];
	v10 =	vadd.f32 v48, v10  }
0x1a8: {  	v30 =	vadd.f32 v33, v30;
	v29 =	vadd.f32 v36, v29;
	v33 =	vld [tilespmem:s16+$0x7F0]  }
0x1a9: {  	v31 =	vadd.f32 v39, v31;
	v32 =	vadd.f32 v40, v32;
	v36 =	vld [tilespmem:s16+$0x860]  }
0x1aa: {  	v30 =	vadd.f32 v49, v30;
	v29 =	vadd.f32 v50, v29;
	v35 =	vld [tilespmem:s16+$0x870];
	s16 =	sadd.s32 $0x100, s16  }
0x1ab: {  	v39 =	vsel vm1, $0x3F800000, v3;
	v40 =	vsel vm3, $0x3F800000, v3  }
0x1ac: {  	v39 =	vadd.f32 v40, v39  }
0x1ad: {  	v45 =	vsel vm7, $0x3F800000, v3  }
0x1ae: {  	v39 =	vadd.f32 v45, v39  }
0x1af: {  	v46 =	vsel vm10, $0x3F800000, v3  }
0x1b0: {  	v39 =	vadd.f32 v46, v39  }
0x1b1: {  	v47 =	vsel vm11, $0x3F800000, v3;
	[tilespmem:$0x8900] =	vst v19  }
0x1b2: {  	[tilespmem:$0x8A00] =	vst v26;
	v39 =	vadd.f32 v47, v39  }
0x1b3: {  	v48 =	vsel vm8, $0x3F800000, v3;
	[tilespmem:$0x8910] =	vst v16  }
0x1b4: {  	[tilespmem:$0x8A10] =	vst v24;
	v19 =	vadd.f32 v48, v39  }
0x1b5: {  	v50 =	vsel vm5, $0x3F800000, v3;
	[tilespmem:$0x8920] =	vst v13  }
0x1b6: {  	[tilespmem:$0x8A20] =	vst v21;
	v51 =	vadd.f32 v50, v19  }
0x1b7: {  	v52 =	vsel vm4, $0x3F800000, v3;
	[tilespmem:$0x8930] =	vst v11  }
0x1b8: {  	[tilespmem:$0x8A30] =	vst v18;
	v16 =	vadd.f32 v52, v51  }
0x1b9: {  	v53 =	vsel vm15, $0x3F800000, v3;
	[tilespmem:$0x8940] =	vst v9  }
0x1ba: {  	[tilespmem:$0x8A40] =	vst v17;
	v13 =	vadd.f32 v53, v16  }
0x1bb: {  	v23 =	vadd.f32 v23, v31;
	v55 =	vsel vm14, $0x3F800000, v3;
	[tilespmem:$0x8950] =	vst v7  }
0x1bc: {  	v8 =	vadd.f32 v38, v8;
	[tilespmem:$0x8A50] =	vst v15;
	v13 =	vadd.f32 v55, v13  }
0x1bd: {  	v20 =	vadd.f32 v20, v32;
	v56 =	vadd.f32 v37, v27;
	v57 =	vsel vm13, $0x3F800000, v3;
	[tilespmem:$0x8960] =	vst v6  }
0x1be: {  	[tilespmem:$0x8A60] =	vst v12;
	v8 =	vadd.f32 v14, v8;
	v13 =	vadd.f32 v57, v13  }
0x1bf: {  	v59 =	vsel vm12, $0x3F800000, v3;
	[tilespmem:$0x8970] =	vst v5;
	v30 =	vadd.f32 v30, v26;
	v49 =	vadd.f32 v29, v24  }
0x1c0: {  	[tilespmem:$0x8A70] =	vst v10;
	v8 =	vadd.f32 v8, v17;
	v60 =	vadd.f32 v59, v13  }
0x1c1: {  	v61 =	vsel vm9, $0x3F800000, v3;
	[tilespmem:$0x8A90] =	vst v3;
	v58 =	vadd.f32 v34, v25;
	v23 =	vadd.f32 v23, v21  }
0x1c2: {  	v54 =	vadd.f32 v20, v18;
	[tilespmem:$0x89C0] =	vst v8;
	v8 =	vadd.f32 v61, v60  }
0x1c3: {  	v62 =	vsel vm6, $0x3F800000, v3;
	v11 =	vadd.f32 v28, v56;
	v7 =	vadd.f32 v33, v22;
	[tilespmem:$0x8980] =	vst v30  }
0x1c4: {  	[tilespmem:$0x8990] =	vst v49;
	v9 =	vadd.f32 v36, v58;
	v8 =	vadd.f32 v62, v8  }
0x1c5: {  	v6 =	vsel vm2, $0x3F800000, v3;
	[tilespmem:$0x89A0] =	vst v23;
	v11 =	vadd.f32 v11, v15;
	v7 =	vadd.f32 v35, v7  }
0x1c6: {  	[tilespmem:$0x89B0] =	vst v54;
	v9 =	vadd.f32 v9, v12;
	v6 =	vadd.f32 v6, v8  }
0x1c7: {  	v63 =	vsel vm0, $0x3F800000, v3;
	[tilespmem:$0x89D0] =	vst v11;
	v7 =	vadd.f32 v7, v10  }
0x1c8: {  	[tilespmem:$0x89E0] =	vst v9;
	v5 =	vadd.f32 v63, v6  }
0x1c9: {  	[tilespmem:$0x89F0] =	vst v7  }
0x1ca: {  	s15 =	simm.s32 $0x8900;
	s16 =	rddreg [dreg:$0x1c];
	[tilespmem:$0x8A80] =	vst v5  }
0x1cb: {  	[spmem:s16] =	stream.strided.scatter [tilespmem:s15], [sflag:$0x4], $0x200, s1, s10, $0x38;
	[tilespmem:$0x11500] =	vst v63  }
.Ltmp5:
0x1cc: {  	_ =	swait.ge [sflag:s29], $0x200;
	(pc) =	sbr.rel @p0 .LBB2_11-.Ltmp5, $3  }
0x1cd: {  	[sflag:s29] =	ssyncset.done $0x0  }
0x1ce: {  	[sflag:s29] =	ssyncadd.s32 $0xFFFFFE00  }
0x1cf: {  	[bflag:$0x0] =	sbarrier.arrive $0xFFFF;
	_ =	sdelay $0x1  }
0x1d0: {  	s1 =	rddreg [dreg:$0x7];
	s12 =	simm.s32 $0x8B00  }
0x1d1: {  	[tilespmem:s12], [sflag:$0x4] =	stream.linear.gather [spmem:s1], $0x2000, $0x38;
	[tilespmem:$0x11500] =	vst v63  }
0x1d2: {  	s15 =	simm.s32 $0x0;
	_ =	swait.ge [sflag:s29], $0x2000  }
0x1d3: {  	s19 =	sand.u32 $0x1000, s15;
	s16 =	sand.u32 $0x300, s15;
	[sflag:s29] =	ssyncset.done $0x0  }
0x1d4: {  	s28 =	sor.u32 s16, s19;
	[sflag:s29] =	ssyncadd.s32 $0xFFFFE000  }
0x1d5: {  	v7 =	vld [tilespmem:s28+$0x8B80]  }
0x1d6: {  	v10 =	vld [tilespmem:s28+$0x8B90]  }
0x1d7: {  	v12 =	vld [tilespmem:s28+$0x8BA0]  }
0x1d8: {  	v13 =	vld [tilespmem:s28+$0x8BB0]  }
0x1d9: {  	v15 =	vld [tilespmem:s28+$0x8BC0]  }
0x1da: {  	v16 =	vld [tilespmem:s28+$0x8BD0]  }
0x1db: {  	v17 =	vld [tilespmem:s28+$0x8BE0]  }
0x1dc: {  	v18 =	vld [tilespmem:s28+$0x8BF0]  }
0x1dd: {  	v19 =	vld [tilespmem:s28+$0x8F80]  }
0x1de: {  	v20 =	vld [tilespmem:s28+$0x8F90]  }
0x1df: {  	v21 =	vld [tilespmem:s28+$0x8FA0]  }
0x1e0: {  	v22 =	vld [tilespmem:s28+$0x8FB0]  }
0x1e1: {  	v23 =	vld [tilespmem:s28+$0x8FC0]  }
0x1e2: {  	v25 =	vld [tilespmem:s28+$0x8FD0]  }
0x1e3: {  	v26 =	vld [tilespmem:s28+$0x8FE0]  }
0x1e4: {  	v28 =	vld [tilespmem:s28+$0x8FF0]  }
0x1e5: {  	v30 =	vld [tilespmem:s28+$0x9380]  }
0x1e6: {  	v14 =	vld [tilespmem:s28+$0x9390]  }
0x1e7: {  	v11 =	vld [tilespmem:s28+$0x93A0]  }
0x1e8: {  	v9 =	vld [tilespmem:s28+$0x93B0]  }
0x1e9: {  	v24 =	vld [tilespmem:s28+$0x8B00]  }
0x1ea: {  	v27 =	vld [tilespmem:s28+$0x8B10]  }
0x1eb: {  	v31 =	vld [tilespmem:s28+$0x8B30]  }
0x1ec: {  	v32 =	vld [tilespmem:s28+$0x8B40]  }
0x1ed: {  	v34 =	vld [tilespmem:s28+$0x8B60]  }
0x1ee: {  	v35 =	vld [tilespmem:s28+$0x8B70]  }
0x1ef: {  	v62 =	vld [tilespmem:s28+$0x9300]  }
0x1f0: {  	v40 =	vld [tilespmem:s28+$0x9310]  }
0x1f1: {  	v5 =	vimm.f32 $0.0e+00;
	v29 =	vld [tilespmem:s28+$0x8B20]  }
0x1f2: {  	v41 =	vld [tilespmem:s28+$0x9320];
	v24 =	vadd.f32 v24, v5;
	v31 =	vadd.f32 v31, v5  }
0x1f3: {  	v33 =	vld [tilespmem:s28+$0x8B50];
	v32 =	vadd.f32 v32, v5;
	v56 =	vadd.f32 v34, v5  }
0x1f4: {  	v8 =	vld [tilespmem:s28+$0x93C0];
	v58 =	vadd.f32 v35, v5;
	v63 =	vadd.f32 v62, v5  }
0x1f5: {  	v57 =	vld [tilespmem:s28+$0x8F40];
	v34 =	vadd.f32 v40, v5;
	v7 =	vadd.f32 v7, v24  }
0x1f6: {  	v24 =	vadd.f32 v27, v5;
	v27 =	vadd.f32 v29, v5;
	v29 =	vld [tilespmem:s28+$0x8F00]  }
0x1f7: {  	v36 =	vld [tilespmem:s28+$0x8F10];
	v35 =	vadd.f32 v41, v5;
	v13 =	vadd.f32 v13, v31  }
0x1f8: {  	v59 =	vld [tilespmem:s28+$0x8F50];
	v15 =	vadd.f32 v15, v32;
	v31 =	vadd.f32 v33, v5  }
0x1f9: {  	v17 =	vadd.f32 v17, v56;
	v12 =	vadd.f32 v12, v27;
	v27 =	vld [tilespmem:s28+$0x8F30]  }
0x1fa: {  	v18 =	vadd.f32 v18, v58;
	v10 =	vadd.f32 v10, v24;
	v24 =	vld [tilespmem:s28+$0x8F20]  }
0x1fb: {  	v60 =	vld [tilespmem:s28+$0x8F70];
	v33 =	vadd.f32 v57, v5;
	v29 =	vadd.f32 v29, v5  }
0x1fc: {  	v32 =	vadd.f32 v30, v63;
	v16 =	vadd.f32 v16, v31;
	v31 =	vld [tilespmem:s28+$0x8F60]  }
0x1fd: {  	v6 =	vld [tilespmem:s28+$0x93D0];
	v19 =	vadd.f32 v19, v29;
	v29 =	vadd.f32 v36, v5  }
0x1fe: {  	v37 =	vld [tilespmem:s28+$0x9330];
	v23 =	vadd.f32 v23, v33;
	v27 =	vadd.f32 v27, v5  }
0x1ff: {  	s23 =	smov.u32 s4;
	v39 =	vld [tilespmem:s28+$0x9340];
	v61 =	vadd.f32 v24, v5;
	v20 =	vadd.f32 v20, v29  }
0x200: {  	s22 =	smov.u32 s9;
	s9 =	smov.u32 s2;
	s30 =	sor.u32 s15, s15;
	v38 =	vld [tilespmem:s28+$0x9360];
	v22 =	vadd.f32 v22, v27;
	v27 =	vadd.f32 v59, v5  }
0x201: {  	s2 =	smov.u32 s7;
	s4 =	smov.u32 s0;
	s30 =	sor.u32 $0xC00, s30;
	v40 =	vld [tilespmem:s28+$0x9370];
	v29 =	vadd.f32 v31, v5;
	v31 =	vadd.f32 v60, v5  }
0x202: {  	s0 =	smov.u32 s5;
	s7 =	smov.u32 s11;
	s24 =	sand.u32 $0x3, s15;
	v41 =	vld [tilespmem:s30+$0x8B00];
	v30 =	vimm.f32 $0.0e+00;
	v21 =	vadd.f32 v21, v61;
	v25 =	vadd.f32 v25, v27  }
0x203: {  	s31 =	simm.s32 $0x400;
	s16 =	simm.s32 $0x80;
	s1 =	sshll.u32 s24, $0x8;
	v33 =	vimm.f32 $0.0e+00;
	v36 =	vld [tilespmem:s28+$0x9350];
	v27 =	vadd.f32 v26, v29;
	v29 =	vadd.f32 v28, v31  }
0x204: {  	s19 =	simm.s32 $0x0;
	s1 =	sadd.s32 $0x80, s1;
	s30 =	simm.s32 $0x100;
	v24 =	vld [tilespmem:s28+$0x93E0];
	v28 =	vimm.f32 $0.0e+00;
	v31 =	vimm.f32 $0.0e+00;
	v26 =	vimm.f32 $0.0e+00  }
.LBB2_9:
0x205: {  	s12 =	sand.u32 $0x1000, s31;
	s24 =	sand.u32 $0x300, s30;
	v5 =	vadd.f32 v37, v5;
	v33 =	vadd.f32 v39, v33;
	v37 =	vld [tilespmem:s28+$0x93F0];
	s1 =	sor.u32 $0xC00, s1  }
0x206: {  	v34 =	vadd.f32 v14, v34;
	v35 =	vadd.f32 v11, v35;
	s28 =	sor.u32 s24, s12;
	v11 =	vld [tilespmem:s1+$0x8B00]  }
0x207: {  	v39 =	vld [tilespmem:s28+$0x8B80];
	v5 =	vadd.f32 v9, v5;
	v33 =	vadd.f32 v8, v33  }
0x208: {  	v8 =	vadd.f32 v36, v28;
	v9 =	vadd.f32 v38, v31;
	v42 =	vld [tilespmem:s28+$0x8B90]  }
0x209: {  	v14 =	vadd.f32 v40, v30;
	v26 =	vadd.f32 v41, v26;
	v36 =	vld [tilespmem:s28+$0x8BA0]  }
0x20a: {  	v28 =	vadd.f32 v6, v8;
	v31 =	vadd.f32 v24, v9;
	v38 =	vld [tilespmem:s28+$0x8BB0]  }
0x20b: {  	v30 =	vadd.f32 v37, v14;
	v40 =	vld [tilespmem:s28+$0x8BC0];
	v26 =	vadd.f32 v11, v26  }
0x20c: {  	v37 =	vld [tilespmem:s28+$0x8BD0]  }
0x20d: {  	v41 =	vld [tilespmem:s28+$0x8BE0]  }
0x20e: {  	v43 =	vld [tilespmem:s28+$0x8BF0]  }
0x20f: {  	v44 =	vld [tilespmem:s28+$0x8F80]  }
0x210: {  	v45 =	vld [tilespmem:s28+$0x8F90]  }
0x211: {  	v46 =	vld [tilespmem:s28+$0x8FA0]  }
0x212: {  	v47 =	vld [tilespmem:s28+$0x8FB0]  }
0x213: {  	v48 =	vld [tilespmem:s28+$0x8FC0]  }
0x214: {  	v49 =	vld [tilespmem:s28+$0x8FD0]  }
0x215: {  	v50 =	vld [tilespmem:s28+$0x8FE0]  }
0x216: {  	v51 =	vld [tilespmem:s28+$0x8FF0]  }
0x217: {  	v52 =	vld [tilespmem:s28+$0x9380]  }
0x218: {  	v14 =	vld [tilespmem:s28+$0x9390]  }
0x219: {  	v11 =	vld [tilespmem:s28+$0x93A0]  }
0x21a: {  	v9 =	vld [tilespmem:s28+$0x93B0]  }
0x21b: {  	v8 =	vld [tilespmem:s28+$0x93C0]  }
0x21c: {  	v6 =	vld [tilespmem:s28+$0x93D0]  }
0x21d: {  	v24 =	vld [tilespmem:s28+$0x93E0]  }
0x21e: {  	v53 =	vld [tilespmem:s28+$0x8B00]  }
0x21f: {  	v54 =	vld [tilespmem:s28+$0x8B10]  }
0x220: {  	v55 =	vld [tilespmem:s28+$0x8B20]  }
0x221: {  	v56 =	vld [tilespmem:s28+$0x8B30]  }
0x222: {  	v57 =	vld [tilespmem:s28+$0x8B40]  }
0x223: {  	v7 =	vadd.f32 v53, v7;
	v53 =	vld [tilespmem:s28+$0x8B50]  }
0x224: {  	v58 =	vld [tilespmem:s28+$0x8B60]  }
0x225: {  	v59 =	vld [tilespmem:s28+$0x8B70];
	v7 =	vadd.f32 v39, v7  }
0x226: {  	v10 =	vadd.f32 v54, v10;
	v12 =	vadd.f32 v55, v12;
	v39 =	vld [tilespmem:s28+$0x8F00]  }
0x227: {  	v13 =	vadd.f32 v56, v13;
	v15 =	vadd.f32 v57, v15;
	v54 =	vld [tilespmem:s28+$0x8F10]  }
0x228: {  	v10 =	vadd.f32 v42, v10;
	v12 =	vadd.f32 v36, v12;
	v55 =	vld [tilespmem:s28+$0x8F20]  }
0x229: {  	v13 =	vadd.f32 v38, v13;
	v36 =	vld [tilespmem:s28+$0x8F30];
	v15 =	vadd.f32 v40, v15  }
0x22a: {  	v16 =	vadd.f32 v53, v16;
	v17 =	vadd.f32 v58, v17;
	v38 =	vld [tilespmem:s28+$0x8F40]  }
0x22b: {  	v18 =	vadd.f32 v59, v18;
	v19 =	vadd.f32 v39, v19;
	v39 =	vld [tilespmem:s28+$0x8F50]  }
0x22c: {  	v16 =	vadd.f32 v37, v16;
	v17 =	vadd.f32 v41, v17;
	v40 =	vld [tilespmem:s28+$0x8F60]  }
0x22d: {  	v18 =	vadd.f32 v43, v18;
	v41 =	vld [tilespmem:s28+$0x8F70];
	v19 =	vadd.f32 v44, v19  }
0x22e: {  	v20 =	vadd.f32 v54, v20;
	v21 =	vadd.f32 v55, v21;
	v42 =	vld [tilespmem:s28+$0x9300]  }
0x22f: {  	v22 =	vadd.f32 v36, v22;
	v23 =	vadd.f32 v38, v23;
	v43 =	vld [tilespmem:s28+$0x9310]  }
0x230: {  	s19 =	sadd.s32 $0x2, s19;
	v20 =	vadd.f32 v45, v20;
	v21 =	vadd.f32 v46, v21;
	v44 =	vld [tilespmem:s28+$0x9320]  }
0x231: {  	p1 =	slt.u32 s19, $0xE;
	v22 =	vadd.f32 v47, v22;
	v37 =	vld [tilespmem:s28+$0x9330];
	v23 =	vadd.f32 v48, v23  }
.Ltmp6:
0x232: {  	v25 =	vadd.f32 v39, v25;
	v27 =	vadd.f32 v40, v27;
	v39 =	vld [tilespmem:s28+$0x9340];
	(pc) =	sbr.rel @p1 .LBB2_9-.Ltmp6, $4  }
0x233: {  	s16 =	sadd.s32 $0x400, s16;
	s15 =	sadd.s32 $0x1, s15;
	v29 =	vadd.f32 v41, v29;
	v32 =	vadd.f32 v42, v32;
	v36 =	vld [tilespmem:s28+$0x9350]  }
0x234: {  	s1 =	sand.u32 $0x3, s15;
	s12 =	sor.u32 s30, s31;
	v25 =	vadd.f32 v49, v25;
	v27 =	vadd.f32 v50, v27;
	v38 =	vld [tilespmem:s28+$0x9360]  }
0x235: {  	s1 =	sshll.u32 s1, $0x8;
	s12 =	sor.u32 $0xC00, s12;
	v29 =	vadd.f32 v51, v29;
	v40 =	vld [tilespmem:s28+$0x9370];
	v32 =	vadd.f32 v52, v32  }
0x236: {  	s30 =	sadd.s32 $0x100, s30;
	s31 =	sadd.s32 $0x400, s31;
	s1 =	sadd.s32 s1, s16;
	v34 =	vadd.f32 v43, v34;
	v35 =	vadd.f32 v44, v35;
	v41 =	vld [tilespmem:s12+$0x8B00]  }
.Ltmp7:
0x237: {  	_ = 	snop;
	(pc) =	sbr.rel .LBB2_10-.Ltmp7, $1  }
0x238: {  	_ =	sdelay $0x3  }
.LBB2_12:
0x239: {  	_ =	sfence.sel $0x180000  }
0x23a: {  	[bflag:$0x0] =	sbarrier.arrive $0xFFFF  }
0x23b: {  	_ =	strace $0x90000047  }
0x23c: {  	[bflag:$0x2] =	sbarrier.arrive $0xFFFF  }
0x23d: {  	s0 =	rddreg [dreg:$0x8]  }
0x23e: {  	s0 =	sadd.s32 @!p0 $0x100000, s0  }
0x23f: {  	[sflag:s0] =	ssyncadd.tile.s32 @!p0 $0x1;
	_ =	shalt  }
.Lfunc_end2:
_tile_overlayer_lowered:
.L_overlay_start_2:
0x240: {  	(tag) =	ssettag $0x2  }
0x241: {  	s0 =	rddreg [dreg:$0x0];
	s2 =	stileid.u32  }
0x242: {  	s1 =	rddreg [dreg:$0x1];
	p0 =	sne.s32 s2, $0x0  }
0x243: {  	s3 =	rddreg [dreg:$0x2];
	[bflag:$0x3] =	sbarrier.arrive $0xFFFF;
	s2 =	simm.s32 @!p0 $0x1C04  }
0x244: {  	[timem:s3], [sflag:s2] =	dma.local @!p0 [hbm:s0], s1  }
0x245: {  	s0 =	simm.s32 @!p0 $0x4  }
0x246: {  	_ =	swait.ge @!p0 [sflag:s0], s1  }
0x247: {  	s1 =	ssub.s32 @!p0 $0x0, s1;
	[sflag:s0] =	ssyncset.done @!p0 $0x0  }
0x248: {  	[sflag:s0] =	ssyncadd.s32 @!p0 s1  }
0x249: {  	[bflag:$0x3] =	sbarrier.arrive $0xFFFF  }
0x24a: {  	_ =	shalt  }

// kernel: _selective_filter.7.cloned.1.call-start
scs
__scs_entry_jumppad:
0x0: {  	(pc) =	sbr.rel $0x88, $3  }
0x1: {  	(tag) =	ssettag $0x0;
	lr =	simm.s32 $0x1  }
0x2: {  	[smem:$0x3F9E] =	sst lr;
	_ =	strace $0xD0000000  }
0x3: {  	_ = 	snop  }
0x4: {  	_ = 	snop  }
0x5: {  	_ = 	snop  }
0x6: {  	_ = 	snop  }
0x7: {  	_ = 	snop  }
__scs_overlays_trampoline_lowered:
0x8: {  	[smem:$0x3FAD] =	sst s0  }
0x9: {  	[smem:$0x3FAE] =	sst s1  }
0xa: {  	[smem:$0x3FAF] =	sst s2  }
0xb: {  	[smem:$0x3FB0] =	sst s3  }
0xc: {  	[smem:$0x3FB1] =	sst s4  }
0xd: {  	[smem:$0x3FB2] =	sst s5  }
0xe: {  	[smem:$0x3FB3] =	sst s6  }
0xf: {  	[smem:$0x3FB4] =	sst s7  }
0x10: {  	[smem:$0x3FB5] =	sst s8  }
0x11: {  	[smem:$0x3FB6] =	sst s9;
	s0 =	simm.s32 @!p0 $0x0  }
0x12: {  	s1 =	sld [smem:$0x3F9C];
	s0 =	simm.s32 @p0 $0x1  }
0x13: {  	[smem:$0x3FB7] =	sst s0;
	s0 =	simm.s32 @!p1 $0x0  }
0x14: {  	s2 =	sld [smem:$0x3F9B];
	s0 =	simm.s32 @p1 $0x1  }
0x15: {  	[smem:$0x3FB8] =	sst s0;
	s0 =	simm.s32 @!p2 $0x0  }
0x16: {  	s3 =	sld [smem:$0x3FDB];
	s0 =	simm.s32 @p2 $0x1  }
0x17: {  	s4 =	simm.s32 $0x1BF5;
	[smem:$0x3FBA] =	sst s0  }
0x18: {  	s0 =	sld [smem:$0x3F9D];
	_ =	swait.ge [sflag:s4], $0x0  }
0x19: {  	s7 =	sld [smem:$0x3F9E]  }
0x1a: {  	s8 =	sadd.s32 $0xFFFFE003, lr  }
0x1b: {  	s9 =	sadd.s32 $0xFFFFFEF7, lr;
	s5 =	simm.s32 $0xFFFFFFFF;
	p2 =	slt.u32 s8, $0xFFFFF086  }
0x1c: {  	p1 =	slt.u32 s9, $0xF7A;
	s5 =	simm.s32 @!p2 $0x0  }
0x1d: {  	s5 =	simm.s32 @p1 $0x1;
	p0 =	seq.s32 s7, s2  }
0x1e: {  	s7 =	smul.u32 @!p0 $0xF7A, s2;
	p2 =	seq.s32 @!p0 s5, $0x0  }
0x1f: {  	s9 =	smul.u32 $0xF7A, s1;
	s8 =	simm.s32 @!p0 $0x1BF5;
	p2 =	por !p2, p0  }
0x20: {  	[sflag:s8] =	ssyncset.s32 @!p0 $0xFFFFF086;
	s6 =	sadd.s32 @!p0 s3, s7;
	s7 =	simm.s32 @!p0 $0x108  }
0x21: {  	s3 =	sadd.s32 s3, s9;
	s6 =	sadd.s32 @!p0 $0x88, s6;
	s7 =	simm.s32 @p2 $0x1082  }
0x22: {  	[simem:s7], [sflag:s8] =	dma.local @!p0 [hbm:s6], $0xF7A  }
0x23: {  	s9 =	sor.u32 $0xD0000000, s2;
	s6 =	simm.s32 $0x108;
	_ =	swait.ge @!p0 [sflag:s8], $0x0  }
0x24: {  	s3 =	sadd.s32 $0x88, s3;
	s6 =	simm.s32 @!p1 $0x1082;
	[sflag:s4] =	ssyncset.s32 $0xFFFFF086  }
0x25: {  	[simem:s6], [sflag:s4] =	dma.local [hbm:s3], $0xF7A  }
0x26: {  	[smem:$0x3F9E] =	sst s1;
	(tag) =	ssettag s2;
	_ =	strace s9  }
0x27: {  	s1 =	sld [smem:$0x3FAE]  }
0x28: {  	s2 =	sld [smem:$0x3FAF]  }
0x29: {  	s4 =	sld [smem:$0x3FB1]  }
0x2a: {  	p0 =	seq.s32 s5, $0x0;
	s5 =	sld [smem:$0x3FB2]  }
0x2b: {  	s6 =	sld [smem:$0x3FB3]  }
0x2c: {  	s7 =	sld [smem:$0x3FB4]  }
0x2d: {  	s3 =	simm.s32 $0x108;
	s8 =	sld [smem:$0x3FB5]  }
0x2e: {  	s3 =	simm.s32 @!p0 $0x1082;
	s9 =	sld [smem:$0x3FB6]  }
0x2f: {  	lr =	sadd.s32 s0, s3;
	s0 =	sld [smem:$0x3FAD]  }
0x30: {  	s3 =	sld [smem:$0x3FB0]  }
0x31: {  	[smem:$0x3FB9] =	sst s10  }
0x32: {  	s10 =	sld [smem:$0x3FB7];
	_ =	sdelay $0x3  }
0x33: {  	p0 =	seq.s32 s10, $0x1;
	s10 =	sld [smem:$0x3FB9];
	_ =	sdelay $0x3  }
0x34: {  	[smem:$0x3FB9] =	sst s10  }
0x35: {  	s10 =	sld [smem:$0x3FB8];
	_ =	sdelay $0x3  }
0x36: {  	p1 =	seq.s32 s10, $0x1;
	s10 =	sld [smem:$0x3FB9];
	_ =	sdelay $0x3  }
0x37: {  	[smem:$0x3FB9] =	sst s10  }
0x38: {  	s10 =	sld [smem:$0x3FBA]  }
0x39: {  	_ = 	snop;
	(pc) =	sbr.ind lr, $3  }
0x3a: {  	_ = 	snop  }
0x3b: {  	_ = 	snop  }
0x3c: {  	p2 =	seq.s32 s10, $0x1;
	s10 =	sld [smem:$0x3FB9]  }
0x3d: {  	_ =	shalt  }
0x3e: {  	_ =	shalt  }
0x3f: {  	_ =	shalt  }
0x40: {  	_ =	shalt  }
0x41: {  	_ =	shalt  }
0x42: {  	_ =	shalt  }
0x43: {  	_ =	shalt  }
0x44: {  	_ =	shalt  }
0x45: {  	_ =	shalt  }
0x46: {  	_ =	shalt  }
0x47: {  	_ =	shalt  }
0x48: {  	_ =	shalt  }
0x49: {  	_ =	shalt  }
0x4a: {  	_ =	shalt  }
0x4b: {  	_ =	shalt  }
0x4c: {  	_ =	shalt  }
0x4d: {  	_ =	shalt  }
0x4e: {  	_ =	shalt  }
0x4f: {  	_ =	shalt  }
0x50: {  	_ =	shalt  }
0x51: {  	_ =	shalt  }
0x52: {  	_ =	shalt  }
0x53: {  	_ =	shalt  }
0x54: {  	_ =	shalt  }
0x55: {  	_ =	shalt  }
0x56: {  	_ =	shalt  }
0x57: {  	_ =	shalt  }
0x58: {  	_ =	shalt  }
0x59: {  	_ =	shalt  }
0x5a: {  	_ =	shalt  }
0x5b: {  	_ =	shalt  }
0x5c: {  	_ =	shalt  }
0x5d: {  	_ =	shalt  }
0x5e: {  	_ =	shalt  }
0x5f: {  	_ =	shalt  }
0x60: {  	_ =	shalt  }
0x61: {  	_ =	shalt  }
0x62: {  	_ =	shalt  }
0x63: {  	_ =	shalt  }
0x64: {  	_ =	shalt  }
0x65: {  	_ =	shalt  }
0x66: {  	_ =	shalt  }
0x67: {  	_ =	shalt  }
0x68: {  	_ =	shalt  }
0x69: {  	_ =	shalt  }
0x6a: {  	_ =	shalt  }
0x6b: {  	_ =	shalt  }
0x6c: {  	_ =	shalt  }
0x6d: {  	_ =	shalt  }
0x6e: {  	_ =	shalt  }
0x6f: {  	_ =	shalt  }
0x70: {  	_ =	shalt  }
0x71: {  	_ =	shalt  }
0x72: {  	_ =	shalt  }
0x73: {  	_ =	shalt  }
0x74: {  	_ =	shalt  }
0x75: {  	_ =	shalt  }
0x76: {  	_ =	shalt  }
0x77: {  	_ =	shalt  }
0x78: {  	_ =	shalt  }
0x79: {  	_ =	shalt  }
0x7a: {  	_ =	shalt  }
0x7b: {  	_ =	shalt  }
0x7c: {  	_ =	shalt  }
0x7d: {  	_ =	shalt  }
0x7e: {  	_ =	shalt  }
0x7f: {  	_ =	shalt  }
0x80: {  	_ =	shalt  }
0x81: {  	_ =	shalt  }
0x82: {  	_ =	shalt  }
0x83: {  	_ =	shalt  }
0x84: {  	_ =	shalt  }
0x85: {  	_ =	shalt  }
0x86: {  	_ =	shalt  }
0x87: {  	_ =	shalt  }
.Lfunc_end0:
.L_simem_size_0:
called_computation.1_lowered:
.L_overlay_start_0:
0x88: {  	s2 =	sld [smem:$0x3FD9]  }
0x89: {  	s3 =	sld [smem:$0x3FFE];
	_ =	sdelay $0x1  }
0x8a: {  	s1 =	srdreg.scid  }
0x8b: {  	s0 =	sand.u32 $0x1, s1  }
0x8c: {  	s17 =	sshll.u32 s0, $0xA;
	s2 =	sadd.s32 s3, s2  }
0x8d: {  	s2 =	sadd.s32 s2, s17  }
0x8e: {  	[smem:$0x3FC5] =	sst s2  }
0x8f: {  	_ = 	snop  }
0x90: {  	s2 =	sld [smem:$0x3FC9]  }
0x91: {  	s18 =	sld [smem:$0x3FD0];
	(tm) =	ssettm $0x1  }
0x92: {  	s4 =	sld [smem:$0x3FFB];
	_ =	sdelay $0x3  }
0x93: {  	_ =	strace s4  }
0x94: {  	s4 =	sld [smem:$0x3FFC];
	_ =	sdelay $0x3  }
0x95: {  	_ =	strace s4  }
0x96: {  	s4 =	sld [smem:$0x3FFD];
	_ =	sdelay $0x3  }
0x97: {  	_ =	strace s4  }
0x98: {  	_ =	strace $0x8FFFFFFF  }
0x99: {  	s19 =	sld [smem:$0x3FDB];
	_ =	sdelay $0x1  }
0x9a: {  	s5 =	simm.s32 $_scs_section_size  }
0x9b: {  	s6 =	simm.s32 $_size__tile_overlayer_lowered;
	s7 =	simm.s32 $_tile_overlayer_lowered  }
0x9c: {  	s22 =	simm.s32 $0x1BFF;
	s21 =	sshll.u32 s7, $0x1;
	s4 =	sadd.s32 s5, s19  }
0x9d: {  	s8 =	simm.s32 $0x0;
	s20 =	sshll.u32 s6, $0x1;
	s6 =	sadd.s32 s21, s4  }
0x9e: {  	[timem:s8], [sflag:s22] =	dma.local [hbm:s6], s20  }
0x9f: {  	_ =	swait.ge [sflag:s22], s20  }
0xa0: {  	s5 =	ssub.s32 $0x0, s20;
	[sflag:s22] =	ssyncset.done $0x0  }
0xa1: {  	[sflag:s22] =	ssyncadd.s32 s5;
	_ =	sdelay $0x1  }
0xa2: {  	s23 =	simm.s32 $0x1B8B  }
0xa3: {  	_ =	swait.ge [sflag:s23], $0x1  }
0xa4: {  	[sflag:s23] =	ssyncset.done $0x0  }
0xa5: {  	s25 =	simm.s32 $0x1B8E;
	s24 =	sld [smem:$0x3FFE];
	[sflag:s23] =	ssyncadd.s32 $0xFFFFFFFF  }
0xa6: {  	s26 =	simm.s32 $execute0_lowered;
	[smem:$0x3FD2] =	sst s25  }
0xa7: {  	s6 =	sshll.u32 s26, $0x1;
	_ =	strace $0x80000049;
	[dreg:$0x1] =	wrdreg $0xFFFFFFFF  }
0xa8: {  	s28 =	simm.s32 $_size_execute0_lowered;
	s4 =	sadd.s32 s4, s6;
	[dreg:$0x0] =	wrdreg $0x0  }
0xa9: {  	s6 =	sshll.u32 s28, $0x1;
	[dreg:$0x2] =	wrdreg s4  }
0xaa: {  	[dreg:$0x3] =	wrdreg s6  }
0xab: {  	[dreg:$0x4] =	wrdreg $0xC0  }
0xac: {  	_ =	task [dreg:s8], $0x5FFFF  }
0xad: {  	[dreg:$0x1] =	wrdreg $0xFFFFFFFF  }
0xae: {  	[dreg:$0x0] =	wrdreg $0x60  }
0xaf: {  	[dreg:$0x2] =	wrdreg s2  }
0xb0: {  	[dreg:$0x3] =	wrdreg s24  }
0xb1: {  	[dreg:$0x4] =	wrdreg s18  }
0xb2: {  	[dreg:$0x5] =	wrdreg $0x9  }
0xb3: {  	_ =	task.clear_ibuf [dreg:s8], $0x6FFFF;
	_ =	strace $0x90000049  }
0xb4: {  	s29 =	simm.s32 $0x9;
	_ =	strace $0x8000004F  }
0xb5: {  	_ =	swait.ge [sflag:s29], $0x1  }
0xb6: {  	[sflag:s29] =	ssyncadd.s32 $0xFFFFFFFF  }
0xb7: {  	_ =	strace $0x9000004F  }
0xb8: {  	_ =	sfence  }
0xb9: {  	s30 =	sld [smem:$0x0];
	_ =	sdelay $0x2  }
0xba: {  	s31 =	sshll.u32 s1, $0xD;
	s1 =	sshrl.u32 s1, $0x2  }
0xbb: {  	s3 =	sand.u32 $0x4000, s31;
	s1 =	sadd.s32 s1, s30  }
0xbc: {  	s0 =	sor.u32 s3, s0;
	s1 =	sshll.u32 s1, $0x11  }
0xbd: {  	s0 =	sor.u32 s1, s0  }
0xbe: {  	s0 =	sadd.s32 $0x8F2B, s0  }
0xbf: {  	[sflag:s0] =	ssyncadd.remote.s32 $0x1  }
0xc0: {  	_ =	sfence.sel $0xFFFF  }
0xc1: {  	[dreg:$0x0] =	wrdreg $0xFFFFFFFF;
	(pc) =	sbr.abs _section_cstart, $3  }
0xc2: {  	[dreg:$0x1] =	wrdreg $0xFFFFFFFF  }
0xc3: {  	_ =	task.clear_ibuf [dreg:s8], $0x2FFFF;
	_ =	strace $0x9FFFFFFF  }
0xc4: {  	(tm) =	ssettm $0x7FFFFFFF  }
0xc5: {  	_ =	shalt  }
tec
execute0_lowered:
.L_overlay_start_1:
0x0: {  	(tag) =	ssettag $0x1  }
0x1: {  	s1 =	rddreg [dreg:$0x0]  }
0x2: {  	s0 =	srdreg.scid;
	s2 =	rddreg [dreg:$0x1]  }
0x3: {  	s4 =	stileid.u32;
	s3 =	rddreg [dreg:$0x2];
	s13 =	simm.s32 $0x1  }
0x4: {  	s14 =	simm.s32 $0x5;
	s15 =	simm.s32 $0x3;
	s16 =	simm.s32 $0x80  }
0x5: {  	s17 =	simm.s32 $0x11E00;
	s18 =	simm.s32 $0x2;
	s19 =	simm.s32 $0x11E80  }
0x6: {  	s20 =	simm.s32 $0x4000;
	s21 =	simm.s32 $0x0;
	s0 =	sand.u32 $0x1, s0  }
0x7: {  	s5 =	sshll.u32 s4, $0xC;
	s4 =	simm.s32 $0x0;
	s6 =	sshll.u32 s0, $0xB  }
.Ltmp0:
0x8: {  	[smem:$0x7FF] =	sst s4;
	s0 =	ssub.s32 $0x2, s0;
	(pc) =	sbr.rel .LBB2_1-.Ltmp0, $4  }
0x9: {  	s9 =	sor.u32 s6, s5;
	_ =	strace $0x8000004A;
	s31 =	sshrl.u32 s0, $0x1  }
0xa: {  	s5 =	sshrl.u32 s9, $0x3;
	s0 =	ssub.s32 s0, s31;
	s9 =	sor.u32 $0x10, s9  }
0xb: {  	v1 =	vlaneseq.u32;
	s7 =	sadd.s32 s5, s2;
	s2 =	sadd.s32 $0xC00, s2;
	s8 =	smax.u32 s0, $0x1  }
0xc: {  	v0 =	vimm.s32 $0x0;
	vm0 =	vmmov $0xff;
	v1 =	vmul.u32 $0x4, v1;
	[dreg:$0x4] =	wrdreg s2;
	s6 =	sadd.s32 $0xE00, s7;
	s7 =	sadd.s32 $0x2E00, s7  }
.LBB2_14:
0xd: {  	s21 =	sadd.s32 $0x1, s21  }
0xe: {  	p0 =	sne.s32 s21, s8  }
.Ltmp1:
0xf: {  	_ = 	snop;
	(pc) =	sbr.rel @!p0 .LBB2_15-.Ltmp1, $1  }
0x10: {  	_ =	sdelay $0x3  }
.LBB2_1:
0x11: {  	s0 =	rddreg [dreg:$0x4];
	s2 =	simm.s32 $0x10000  }
0x12: {  	[tilespmem:s2], [sflag:$0x5] =	stream.linear.gather [hbm4b:s0+s4], $0x400, $0x38;
	[tilespmem:$0x12000] =	vst v63  }
0x13: {  	s26 =	simm.s32 $0x10400  }
0x14: {  	[tilespmem:s26], [sflag:$0x1] =	stream.linear.gather [hbm4b:s6+s4], $0x800, $0x38;
	[tilespmem:$0x12000] =	vst v63  }
0x15: {  	s28 =	simm.s32 $0x10C80  }
0x16: {  	[tilespmem:s28], [sflag:$0x1] =	stream.linear.gather [hbm4b:s7+s4], $0x800, $0x38;
	[tilespmem:$0x12000] =	vst v63  }
0x17: {  	_ =	swait.ge [sflag:s13], $0x800  }
0x18: {  	[sflag:s13] =	ssyncset.done $0x0  }
0x19: {  	[sflag:s13] =	ssyncadd.s32 $0xFFFFF800  }
0x1a: {  	_ =	swait.ge [sflag:s13], $0x800  }
0x1b: {  	[sflag:s13] =	ssyncset.done $0x0  }
0x1c: {  	[sflag:s13] =	ssyncadd.s32 $0xFFFFF800  }
0x1d: {  	s29 =	simm.s32 $0x10410;
	_ =	strace $0x8000004B  }
0x1e: {  	s30 =	simm.s32 $0x10C90;
	v2 =	vld [tilespmem:s29+$0xFFFFFFF0]  }
0x1f: {  	v3 =	vld [tilespmem:s30+$0xFFFFFFF0];
	_ =	sdelay $0x2  }
0x20: {  	s10 =	sadd.s32 $0xFFFFFFF0, s9  }
0x21: {  	v4 =	vmov s10  }
0x22: {  	vm1 =	vgt.f32 v2, $0.0e+00;
	vm2 =	vgt.f32 v3, $0.0e+00;
	v2 =	vshll.u32 v4, $0x2  }
0x23: {  	vm3 =	vmor vm1, vm2;
	v2 =	vor.u32 v1, v2;
	v3 =	vsel vm1, $0x2, v0  }
0x24: {  	v60 =	vsel vm3, $0x1, v0;
	v2 =	vor.u32 v2, v3;
	v3 =	vsel vm2, $0x1, v0  }
0x25: {  	v2 =	vor.u32 v3, v2;
	v3 =	vxor.u32 $0x80000001, v60  }
0x26: {  	(xrf1) =	vsort.ascd.msk.u32 $0xffff, v3, v2;
	_ =	sdelay $0xa  }
0x27: {  	v61 =	vmpcnt.ones.xlane vm3;
	_ =	sdelay $0x1  }
0x28: {  	(v2sf) =	vpush v61, $0x0  }
0x29: {  	_, v2, _ =	vpop (xrf1)  }
0x2a: {  	[tilespmem:s4+$0x11500] =	vst v2  }
0x2b: {  	v2 =	vld [tilespmem:s29+$0x0]  }
0x2c: {  	v3 =	vld [tilespmem:s30+$0x0];
	_ =	sdelay $0x3  }
0x2d: {  	v62 =	vmov s9  }
0x2e: {  	vm1 =	vgt.f32 v2, $0.0e+00;
	v2 =	vshll.u32 v62, $0x2;
	vm2 =	vgt.f32 v3, $0.0e+00  }
0x2f: {  	v2 =	vor.u32 v1, v2;
	v3 =	vsel vm1, $0x2, v0;
	vm1 =	vmor vm1, vm2  }
0x30: {  	v2 =	vor.u32 v2, v3;
	v3 =	vsel vm2, $0x1, v0;
	v63 =	vsel vm1, $0x1, v0  }
0x31: {  	v2 =	vor.u32 v3, v2;
	v3 =	vxor.u32 $0x80000001, v63  }
0x32: {  	(xrf1) =	vsort.ascd.msk.u32 $0xffff, v3, v2;
	v2 =	vmpcnt.ones.xlane vm1;
	_ =	sdelay $0x1  }
0x33: {  	s31 =	spop (v2sf);
	(v2sf) =	vpush v2, $0x0;
	_ =	sdelay $0xc  }
0x34: {  	s11 =	smov.u32 s9;
	s0 =	simm.s32 $0x0  }
0x35: {  	s2 =	simm.s32 $0x10430;
	s10 =	simm.s32 $0x10CB0;
	s22 =	sadd.s32 $0x0, s31;
	_, v2, _ =	vpop (xrf1)  }
.LBB2_2:
0x36: {  	s0 =	sadd.s32 $0x2, s0;
	[tilespmem:s22+$0x11500] =	vst v2;
	s11 =	sadd.s32 $0x20, s11;
	s23 =	spop (v2sf)  }
0x37: {  	v2 =	vld [tilespmem:s2+$0xFFFFFFF0];
	p0 =	slt.u32 s0, $0x7E;
	s22 =	sadd.s32 s22, s23  }
0x38: {  	v3 =	vld [tilespmem:s10+$0xFFFFFFF0];
	_ =	sdelay $0x2  }
0x39: {  	s23 =	sadd.s32 $0xFFFFFFF0, s11  }
0x3a: {  	v4 =	vmov s23  }
0x3b: {  	vm1 =	vgt.f32 v2, $0.0e+00;
	v2 =	vshll.u32 v4, $0x2;
	vm2 =	vgt.f32 v3, $0.0e+00  }
0x3c: {  	v2 =	vor.u32 v1, v2;
	v3 =	vsel vm1, $0x2, v0;
	vm3 =	vmor vm1, vm2  }
0x3d: {  	v2 =	vor.u32 v2, v3;
	v3 =	vsel vm2, $0x1, v0;
	v4 =	vsel vm3, $0x1, v0  }
0x3e: {  	v2 =	vor.u32 v3, v2;
	v3 =	vxor.u32 $0x80000001, v4;
	v4 =	vmpcnt.ones.xlane vm3  }
0x3f: {  	(xrf1) =	vsort.ascd.msk.u32 $0xffff, v3, v2  }
0x40: {  	(v2sf) =	vpush v4, $0x0;
	_ =	sdelay $0xc  }
0x41: {  	_, v2, _ =	vpop (xrf1)  }
0x42: {  	[tilespmem:s22+$0x11500] =	vst v2  }
0x43: {  	v2 =	vld [tilespmem:s2+$0x0];
	s23 =	spop (v2sf)  }
0x44: {  	v3 =	vld [tilespmem:s10+$0x0];
	_ =	sdelay $0x2  }
0x45: {  	v4 =	vmov s11  }
0x46: {  	vm1 =	vgt.f32 v2, $0.0e+00;
	v2 =	vshll.u32 v4, $0x2  }
0x47: {  	vm2 =	vgt.f32 v3, $0.0e+00;
	v2 =	vor.u32 v1, v2;
	v3 =	vsel vm1, $0x2, v0  }
0x48: {  	vm1 =	vmor vm1, vm2;
	v2 =	vor.u32 v2, v3;
	v3 =	vsel vm2, $0x1, v0  }
0x49: {  	v4 =	vsel vm1, $0x1, v0;
	v2 =	vor.u32 v3, v2;
	v3 =	vmpcnt.ones.xlane vm1  }
0x4a: {  	v4 =	vxor.u32 $0x80000001, v4  }
0x4b: {  	(xrf1) =	vsort.ascd.msk.u32 $0xffff, v4, v2;
	(v2sf) =	vpush v3, $0x0;
	_ =	sdelay $0x9  }
.Ltmp2:
0x4c: {  	(pc) =	sbr.rel @p0 .LBB2_2-.Ltmp2, $2  }
0x4d: {  	_ =	sdelay $0x2  }
0x4e: {  	s2 =	sadd.s32 $0x20, s2;
	s22 =	sadd.s32 s22, s23;
	s10 =	sadd.s32 $0x20, s10;
	_, v2, _ =	vpop (xrf1)  }
0x4f: {  	s0 =	spop (v2sf)  }
0x50: {  	s0 =	sadd.s32 s22, s0  }
0x51: {  	s2 =	sadd.s32 $0xFFFFFFFF, s0  }
0x52: {  	[tilespmem:s22+$0x11500] =	vst v2;
	p0 =	sgt.s32 s2, $0x0  }
0x53: {  	_ =	strace $0x9000004B;
	s2 =	simm.s32 @!p0 $0x0  }
0x54: {  	v2 =	vld.msk [tilespmem:s2+$0x11500 ss:$0x0], $0xffff;
	_ =	sdelay $0x4  }
0x55: {  	[tilespmem:s0+$0x11500] =	vst v2  }
0x56: {  	[tilespmem:s0+$0x11510] =	vst v2  }
0x57: {  	[tilespmem:s0+$0x11520] =	vst v2  }
0x58: {  	[tilespmem:s0+$0x11530] =	vst v2  }
0x59: {  	[tilespmem:s0+$0x11540] =	vst v2  }
0x5a: {  	s22 =	sadd.s32 $0x7F, s0;
	[tilespmem:s0+$0x11550] =	vst v2  }
0x5b: {  	s23 =	sshrl.u32 s22, $0x7;
	[tilespmem:s0+$0x11560] =	vst v2  }
0x5c: {  	p0 =	seq.s32 s23, $0x0;
	[tilespmem:s0+$0x11570] =	vst v2  }
0x5d: {  	v2 =	vld @!p0 [tilespmem:$0x11500]  }
0x5e: {  	v3 =	vld @!p0 [tilespmem:$0x11510]  }
0x5f: {  	v4 =	vld @!p0 [tilespmem:$0x11520]  }
0x60: {  	v5 =	vld @!p0 [tilespmem:$0x11530]  }
0x61: {  	v6 =	vld @!p0 [tilespmem:$0x11540]  }
0x62: {  	v7 =	vld @!p0 [tilespmem:$0x11550];
	v2 =	vshrl.u32 @!p0 v2, $0x2  }
0x63: {  	[tilespmem:$0x11E00] =	vst @!p0 v2;
	v2 =	vshrl.u32 @!p0 v3, $0x2;
	v3 =	vld @!p0 [tilespmem:$0x11560]  }
0x64: {  	[tilespmem:$0x11E10] =	vst @!p0 v2;
	v2 =	vshrl.u32 @!p0 v4, $0x2;
	v4 =	vld @!p0 [tilespmem:$0x11570]  }
0x65: {  	[tilespmem:$0x11E20] =	vst @!p0 v2;
	v2 =	vshrl.u32 @!p0 v5, $0x2  }
0x66: {  	[tilespmem:$0x11E30] =	vst @!p0 v2;
	v2 =	vshrl.u32 @!p0 v6, $0x2  }
0x67: {  	[tilespmem:$0x11E40] =	vst @!p0 v2;
	v2 =	vshrl.u32 @!p0 v7, $0x2  }
0x68: {  	[tilespmem:$0x11E50] =	vst @!p0 v2;
	v2 =	vshrl.u32 @!p0 v3, $0x2  }
0x69: {  	[tilespmem:$0x11E60] =	vst @!p0 v2;
	v2 =	vshrl.u32 @!p0 v4, $0x2  }
0x6a: {  	s2 =	simm.s32 @!p0 $0x11E00;
	s10 =	simm.s32 @!p0 $0x0;
	s0 =	simm.s32 @!p0 $0x80;
	[tilespmem:$0x11E70] =	vst @!p0 v2  }
0x6b: {  	[tilespmem:s10], [sflag:$0x1] =	stream.indirect.gather @!p0 [hbm4b:s1+s0], $0x80, s2, s0, $0xb8;
	[tilespmem:$0x12000] =	vst v63  }
0x6c: {  	_ =	swait.ge [sflag:s14], $0x400  }
0x6d: {  	[sflag:s14] =	ssyncset.done $0x0  }
0x6e: {  	[sflag:s14] =	ssyncadd.s32 $0xFFFFFC00  }
0x6f: {  	v2 =	vld [tilespmem:$0x10000]  }
0x70: {  	v3 =	vld [tilespmem:$0x10080]  }
0x71: {  	v4 =	vld [tilespmem:$0x10010]  }
0x72: {  	v5 =	vld [tilespmem:$0x10090]  }
0x73: {  	v6 =	vld [tilespmem:$0x10020]  }
0x74: {  	v7 =	vld [tilespmem:$0x100A0]  }
0x75: {  	v8 =	vld [tilespmem:$0x10030]  }
0x76: {  	v9 =	vld [tilespmem:$0x100B0]  }
0x77: {  	v10 =	vld [tilespmem:$0x10040]  }
0x78: {  	v11 =	vld [tilespmem:$0x100C0]  }
0x79: {  	v12 =	vld [tilespmem:$0x10050]  }
0x7a: {  	v13 =	vld [tilespmem:$0x100D0]  }
0x7b: {  	v14 =	vld [tilespmem:$0x10060]  }
0x7c: {  	v15 =	vld [tilespmem:$0x100E0]  }
0x7d: {  	v16 =	vld [tilespmem:$0x10070]  }
0x7e: {  	v17 =	vld [tilespmem:$0x100F0]  }
0x7f: {  	v18 =	vld [tilespmem:$0x10100]  }
0x80: {  	v19 =	vld [tilespmem:$0x10180]  }
0x81: {  	v20 =	vld [tilespmem:$0x10110]  }
0x82: {  	v22 =	vld [tilespmem:$0x10190]  }
0x83: {  	v23 =	vld [tilespmem:$0x10120]  }
0x84: {  	v24 =	vld [tilespmem:$0x101A0]  }
0x85: {  	v25 =	vld [tilespmem:$0x10130]  }
0x86: {  	v27 =	vld [tilespmem:$0x101B0]  }
0x87: {  	v28 =	vld [tilespmem:$0x10140]  }
0x88: {  	v29 =	vld [tilespmem:$0x101C0]  }
0x89: {  	v30 =	vld [tilespmem:$0x10150]  }
0x8a: {  	v31 =	vld [tilespmem:$0x101D0]  }
0x8b: {  	v32 =	vld [tilespmem:$0x10160]  }
0x8c: {  	v33 =	vld [tilespmem:$0x101E0]  }
0x8d: {  	v21 =	vld [tilespmem:$0x10300]  }
0x8e: {  	v26 =	vld [tilespmem:$0x10380]  }
0x8f: {  	v34 =	vld [tilespmem:$0x10170]  }
0x90: {  	v35 =	vld [tilespmem:$0x101F0]  }
0x91: {  	v36 =	vld [tilespmem:$0x10200]  }
0x92: {  	v37 =	vld [tilespmem:$0x10280]  }
0x93: {  	v38 =	vld [tilespmem:$0x10210];
	v21 =	vadd.f32 v26, v21  }
0x94: {  	v39 =	vld [tilespmem:$0x10290]  }
0x95: {  	v40 =	vld [tilespmem:$0x10220];
	(xrf2) =	vadd.scan.msk.f32 $0xffff, v21  }
0x96: {  	v42 =	vld [tilespmem:$0x102A0]  }
0x97: {  	v45 =	vld [tilespmem:$0x10230]  }
0x98: {  	v48 =	vld [tilespmem:$0x102B0]  }
0x99: {  	s31 =	sadd.s32 $0x1, s23;
	v46 =	vld [tilespmem:$0x10240]  }
0x9a: {  	s24 =	sshrl.u32 s31, $0x1;
	v49 =	vld [tilespmem:$0x102C0]  }
0x9b: {  	p0 =	seq.s32 s24, $0x0;
	v43 =	vld [tilespmem:$0x10250]  }
.Ltmp3:
0x9c: {  	v47 =	vld [tilespmem:$0x102D0];
	(pc) =	sbr.rel @p0 .LBB2_12-.Ltmp3, $4  }
0x9d: {  	v41 =	vld [tilespmem:$0x10260]  }
0x9e: {  	v44 =	vld [tilespmem:$0x102E0]  }
0x9f: {  	v26 =	vld [tilespmem:$0x102F0];
	v50, _, _ =	vpop (xrf2)  }
0xa0: {  	v21 =	vld [tilespmem:$0x10270];
	_ =	strace $0x8000004C  }
0xa1: {  	v2 =	vadd.f32 v3, v2;
	v3 =	vadd.f32 v5, v4  }
0xa2: {  	v4 =	vadd.f32 v7, v6;
	v5 =	vadd.f32 v9, v8  }
0xa3: {  	v6 =	vadd.f32 v11, v10;
	v7 =	vadd.f32 v13, v12  }
0xa4: {  	v8 =	vadd.f32 v15, v14;
	v9 =	vadd.f32 v17, v16  }
0xa5: {  	v10 =	vadd.f32 v19, v18;
	v11 =	vadd.f32 v22, v20  }
0xa6: {  	v12 =	vadd.f32 v24, v23;
	v13 =	vadd.f32 v27, v25  }
0xa7: {  	v14 =	vadd.f32 v29, v28;
	v15 =	vadd.f32 v31, v30  }
0xa8: {  	v16 =	vadd.f32 v33, v32;
	v17 =	vadd.f32 v35, v34  }
0xa9: {  	v18 =	vadd.f32 v37, v36;
	v19 =	vadd.f32 v39, v38  }
0xaa: {  	v53 =	vadd.f32 v42, v40;
	v54 =	vadd.f32 v48, v45;
	v55 =	vbroadcast v50, $0xF  }
0xab: {  	v56 =	vadd.f32 v49, v46;
	v2 =	vmul.f32 $1.220703130e-04, v2;
	v57 =	vmul.f32 $1.220703130e-04, v3  }
0xac: {  	v58 =	vadd.f32 v47, v43;
	v3 =	vmul.f32 $1.220703130e-04, v4;
	v4 =	vmul.f32 $1.220703130e-04, v5  }
0xad: {  	v59 =	vadd.f32 v44, v41;
	v5 =	vmul.f32 $1.220703130e-04, v6;
	v10 =	vsub.f32 v10, v18  }
0xae: {  	v11 =	vsub.f32 v11, v19;
	v6 =	vmul.f32 $1.220703130e-04, v7;
	v7 =	vmul.f32 $1.220703130e-04, v8  }
0xaf: {  	v12 =	vsub.f32 v12, v53;
	v60 =	vmul.f32 v55, v2;
	v61 =	vmul.f32 v55, v57  }
0xb0: {  	v13 =	vsub.f32 v13, v54;
	v15 =	vsub.f32 v15, v58;
	v19 =	vmul.f32 v55, v4  }
0xb1: {  	v62 =	vadd.f32 v26, v21;
	v8 =	vsel vm0, v18, v60;
	v11 =	vadd.f32 v61, v11  }
0xb2: {  	v18 =	vmul.f32 v55, v3;
	v10 =	vadd.f32 v8, v10;
	v8 =	vmul.f32 $1.220703130e-04, v9  }
0xb3: {  	v63 =	vmul.f32 $1.220703130e-04, v11;
	v11 =	vadd.f32 v19, v13;
	v13 =	vsub.f32 v14, v56  }
0xb4: {  	v9 =	vmul.f32 $1.220703130e-04, v10;
	v10 =	vadd.f32 v18, v12;
	v12 =	vmul.f32 v55, v5  }
0xb5: {  	v16 =	vsub.f32 v16, v59;
	v17 =	vsub.f32 v17, v62;
	v14 =	vmul.f32 v55, v6  }
0xb6: {  	v18 =	vmul.f32 v55, v7;
	v12 =	vadd.f32 v12, v13;
	v13 =	vmul.f32 v55, v8  }
.Ltmp4:
0xb7: {  	v14 =	vadd.f32 v14, v15;
	(pc) =	sbr.rel .LBB2_5-.Ltmp4, $4  }
0xb8: {  	v11 =	vmul.f32 $1.220703130e-04, v11;
	v15 =	vadd.f32 v18, v16;
	v16 =	vadd.f32 v13, v17  }
0xb9: {  	v12 =	vmul.f32 $1.220703130e-04, v12;
	v13 =	vmul.f32 $1.220703130e-04, v14  }
0xba: {  	v14 =	vmul.f32 $1.220703130e-04, v15;
	v15 =	vmul.f32 $1.220703130e-04, v16  }
0xbb: {  	s25 =	simm.s32 $0x0;
	s26 =	simm.s32 $0x11501;
	s28 =	simm.s32 $0x11581;
	v10 =	vmul.f32 $1.220703130e-04, v10;
	v17 =	vsel vm0, $0x0, v63;
	v16 =	vsel vm0, $0x0, v57  }
.LBB2_11:
0xbc: {  	s25 =	sadd.s32 $0x1, s25  }
0xbd: {  	p0 =	sne.s32 s25, s24  }
.Ltmp5:
0xbe: {  	_ = 	snop;
	(pc) =	sbr.rel @!p0 .LBB2_12-.Ltmp5, $2  }
0xbf: {  	_ =	sdelay $0x2  }
0xc0: {  	s26 =	sadd.s32 $0x100, s26;
	s28 =	sadd.s32 $0x100, s28  }
.LBB2_5:
0xc1: {  	_ =	swait.ge [sflag:s13], $0x4000  }
0xc2: {  	s29 =	sshll.u32 s25, $0x1;
	p1 =	seq.s32 s25, $0x0;
	[sflag:s13] =	ssyncset.done $0x0  }
0xc3: {  	s0 =	simm.s32 @!p1 $0x4;
	s2 =	sor.u32 $0x1, s29;
	[sflag:s13] =	ssyncadd.s32 $0xFFFFC000  }
0xc4: {  	p0 =	sge.u32 s2, s23;
	_ =	swait.ge @!p1 [sflag:s0], $0x4000  }
0xc5: {  	s2 =	sshll.u32 @!p0 s2, $0x9;
	[sflag:s0] =	ssyncset.done @!p1 $0x0  }
0xc6: {  	[sflag:s0] =	ssyncadd.s32 @!p1 $0xFFFFC000;
	s0 =	sshra.s32 @!p0 s2, $0x2  }
0xc7: {  	v18 =	vld @!p0 [tilespmem:s0+$0x11500];
	_ =	sdelay $0x4  }
0xc8: {  	v18 =	vshrl.u32 @!p0 v18, $0x2  }
0xc9: {  	[tilespmem:$0x11E80] =	vst @!p0 v18  }
0xca: {  	v18 =	vld @!p0 [tilespmem:s0+$0x11510];
	_ =	sdelay $0x4  }
0xcb: {  	v18 =	vshrl.u32 @!p0 v18, $0x2  }
0xcc: {  	[tilespmem:$0x11E90] =	vst @!p0 v18  }
0xcd: {  	v18 =	vld @!p0 [tilespmem:s0+$0x11520];
	_ =	sdelay $0x4  }
0xce: {  	v18 =	vshrl.u32 @!p0 v18, $0x2  }
0xcf: {  	[tilespmem:$0x11EA0] =	vst @!p0 v18  }
0xd0: {  	v18 =	vld @!p0 [tilespmem:s0+$0x11530];
	_ =	sdelay $0x4  }
0xd1: {  	v18 =	vshrl.u32 @!p0 v18, $0x2  }
0xd2: {  	[tilespmem:$0x11EB0] =	vst @!p0 v18  }
0xd3: {  	v18 =	vld @!p0 [tilespmem:s0+$0x11540];
	_ =	sdelay $0x4  }
0xd4: {  	v18 =	vshrl.u32 @!p0 v18, $0x2  }
0xd5: {  	[tilespmem:$0x11EC0] =	vst @!p0 v18  }
0xd6: {  	v18 =	vld @!p0 [tilespmem:s0+$0x11550];
	_ =	sdelay $0x4  }
0xd7: {  	v18 =	vshrl.u32 @!p0 v18, $0x2  }
0xd8: {  	[tilespmem:$0x11ED0] =	vst @!p0 v18  }
0xd9: {  	v18 =	vld @!p0 [tilespmem:s0+$0x11560];
	_ =	sdelay $0x4  }
0xda: {  	v18 =	vshrl.u32 @!p0 v18, $0x2  }
0xdb: {  	[tilespmem:$0x11EE0] =	vst @!p0 v18  }
0xdc: {  	v18 =	vld @!p0 [tilespmem:s0+$0x11570];
	_ =	sdelay $0x4  }
0xdd: {  	v18 =	vshrl.u32 @!p0 v18, $0x2  }
0xde: {  	s10 =	simm.s32 @!p0 $0x4000;
	s2 =	simm.s32 @!p0 $0x11E80;
	s0 =	simm.s32 @!p0 $0x80;
	[tilespmem:$0x11EF0] =	vst @!p0 v18  }
0xdf: {  	[tilespmem:s10], [sflag:$0x2] =	stream.indirect.gather @!p0 [hbm4b:s1+s0], $0x80, s2, s0, $0x2000b8;
	[tilespmem:$0x12000] =	vst v63  }
0xe0: {  	_ =	strace $0x8000004D  }
0xe1: {  	v18 =	vld [tilespmem:s26+$0xFFFFFFFF];
	_ =	sdelay $0x4  }
0xe2: {  	(v2sf) =	vpush v18, $0x0;
	_ =	sdelay $0xe  }
0xe3: {  	s31 =	simm.s32 $0x80;
	s5 =	spop (v2sf)  }
0xe4: {  	v18 =	vld [tilespmem:s31+$0xFFFFFF80];
	s10 =	sand.u32 $0x1, s5  }
0xe5: {  	p5 =	seq.s32 s10, $0x1  }
0xe6: {  	v19 =	vpsel p5, v15, v8  }
0xe7: {  	s0 =	sand.u32 $0x2, s5;
	v20 =	vpsel p5, v17, v16;
	[tilespmem:s31+$0xFFFFFFF0] =	vst v19  }
0xe8: {  	p2 =	seq.s32 s0, $0x0;
	v19 =	vpsel p5, v11, v4;
	[tilespmem:s31+$0xFFFFFF90] =	vst v20  }
0xe9: {  	v21 =	vpsel p2, v18, v2;
	v20 =	vpsel p5, v13, v6;
	[tilespmem:s31+$0xFFFFFFB0] =	vst v19  }
0xea: {  	v18 =	vsel vm0, v18, v2;
	v21 =	vsel vm0, v9, v21;
	v19 =	vpsel p5, v14, v7;
	[tilespmem:s31+$0xFFFFFFD0] =	vst v20  }
0xeb: {  	v18 =	vpsel p5, v21, v18;
	[tilespmem:s31+$0xFFFFFFE0] =	vst v19  }
0xec: {  	v19 =	vpsel p5, v10, v3;
	[tilespmem:s31+$0xFFFFFF80] =	vst v18  }
0xed: {  	v18 =	vpsel p5, v12, v5;
	[tilespmem:s31+$0xFFFFFFA0] =	vst v19  }
0xee: {  	[tilespmem:s31+$0xFFFFFFC0] =	vst v18  }
0xef: {  	v18 =	vld [tilespmem:s26+$0x0];
	_ =	sdelay $0x4  }
0xf0: {  	(v2sf) =	vpush v18, $0x0;
	_ =	sdelay $0xc  }
0xf1: {  	v18 =	vld [tilespmem:s31+$0x0];
	_ =	sdelay $0x1  }
0xf2: {  	s11 =	spop (v2sf)  }
0xf3: {  	s12 =	sand.u32 $0x2, s11;
	s0 =	sand.u32 $0x1, s11  }
0xf4: {  	p6 =	seq.s32 s12, $0x0;
	p2 =	seq.s32 s0, $0x1  }
0xf5: {  	s30 =	simm.s32 $0x180;
	s2 =	sadd.s32 $0x2, s26;
	v19 =	vpsel p6, v18, v2;
	v22 =	vpsel p2, v17, v16;
	v23 =	vpsel p2, v13, v6  }
0xf6: {  	s10 =	simm.s32 $0x2;
	s11 =	simm.s32 $0x180;
	s0 =	smov.u32 s2;
	v21 =	vpsel p2, v10, v3;
	v20 =	vpsel p2, v11, v4;
	v19 =	vsel vm0, v9, v19;
	[tilespmem:s31+$0x50] =	vst v23  }
.LBB2_6:
0xf7: {  	s10 =	sadd.s32 $0x2, s10;
	s2 =	sadd.s32 $0x2, s2;
	s11 =	sadd.s32 $0x100, s11;
	[tilespmem:s31+$0x10] =	vst v22;
	v22 =	vpsel p2, v12, v5;
	v23 =	vpsel p2, v14, v7;
	v24 =	vpsel p2, v15, v8  }
0xf8: {  	p1 =	slt.u32 s10, $0x7E;
	[tilespmem:s31+$0x40] =	vst v22  }
0xf9: {  	[tilespmem:s31+$0x60] =	vst v23  }
0xfa: {  	[tilespmem:s31+$0x70] =	vst v24  }
0xfb: {  	v18 =	vsel vm0, v18, v2;
	[tilespmem:s31+$0x20] =	vst v21  }
0xfc: {  	v18 =	vpsel p2, v19, v18;
	[tilespmem:s31+$0x30] =	vst v20  }
0xfd: {  	[tilespmem:s31+$0x0] =	vst v18;
	s31 =	smov.u32 s30;
	s30 =	smov.u32 s11  }
0xfe: {  	v18 =	vld [tilespmem:s0+$0xFFFFFFFF];
	_ =	sdelay $0x4  }
0xff: {  	(v2sf) =	vpush v18, $0x0;
	_ =	sdelay $0xe  }
0x100: {  	v18 =	vld [tilespmem:s31+$0xFFFFFF80];
	s12 =	spop (v2sf)  }
0x101: {  	s5 =	sand.u32 $0x2, s12;
	s12 =	sand.u32 $0x1, s12  }
0x102: {  	p3 =	seq.s32 s5, $0x0;
	p2 =	seq.s32 s12, $0x1  }
0x103: {  	v19 =	vpsel p2, v11, v4;
	v20 =	vpsel p2, v13, v6;
	v21 =	vpsel p2, v15, v8  }
0x104: {  	v22 =	vpsel p2, v17, v16;
	v23 =	vpsel p2, v10, v3;
	v24 =	vpsel p2, v12, v5;
	[tilespmem:s31+$0xFFFFFFF0] =	vst v21  }
0x105: {  	v21 =	vpsel p3, v18, v2;
	[tilespmem:s31+$0xFFFFFF90] =	vst v22;
	v22 =	vpsel p2, v14, v7  }
0x106: {  	v18 =	vsel vm0, v18, v2;
	v21 =	vsel vm0, v9, v21;
	[tilespmem:s31+$0xFFFFFFB0] =	vst v19  }
0x107: {  	v18 =	vpsel p2, v21, v18;
	[tilespmem:s31+$0xFFFFFFD0] =	vst v20  }
0x108: {  	[tilespmem:s31+$0xFFFFFFE0] =	vst v22  }
0x109: {  	[tilespmem:s31+$0xFFFFFF80] =	vst v18  }
0x10a: {  	[tilespmem:s31+$0xFFFFFFA0] =	vst v23  }
0x10b: {  	[tilespmem:s31+$0xFFFFFFC0] =	vst v24  }
0x10c: {  	v18 =	vld [tilespmem:s0+$0x0];
	s0 =	smov.u32 s2;
	_ =	sdelay $0x4  }
0x10d: {  	(v2sf) =	vpush v18, $0x0;
	_ =	sdelay $0xc  }
0x10e: {  	v18 =	vld [tilespmem:s31+$0x0];
	_ =	sdelay $0x1  }
.Ltmp6:
0x10f: {  	s5 =	spop (v2sf);
	(pc) =	sbr.rel @p1 .LBB2_6-.Ltmp6, $4  }
0x110: {  	s12 =	sand.u32 $0x2, s5;
	s5 =	sand.u32 $0x1, s5  }
0x111: {  	p3 =	seq.s32 s12, $0x0;
	p2 =	seq.s32 s5, $0x1  }
0x112: {  	v19 =	vpsel p3, v18, v2;
	v22 =	vpsel p2, v17, v16;
	v23 =	vpsel p2, v13, v6  }
0x113: {  	v21 =	vpsel p2, v10, v3;
	v20 =	vpsel p2, v11, v4;
	v19 =	vsel vm0, v9, v19;
	[tilespmem:s31+$0x50] =	vst v23  }
0x114: {  	[tilespmem:s31+$0x10] =	vst v22  }
0x115: {  	[tilespmem:s31+$0x20] =	vst v21  }
0x116: {  	v54 =	vpsel p2, v12, v5;
	[tilespmem:s31+$0x30] =	vst v20  }
0x117: {  	v23 =	vpsel p2, v14, v7;
	[tilespmem:s31+$0x40] =	vst v54  }
0x118: {  	v55 =	vpsel p2, v15, v8;
	v18 =	vsel vm0, v18, v2;
	[tilespmem:s31+$0x60] =	vst v23  }
0x119: {  	[tilespmem:s31+$0x70] =	vst v55;
	v18 =	vpsel p2, v19, v18  }
0x11a: {  	[tilespmem:s31+$0x0] =	vst v18  }
0x11b: {  	v18 =	vld [tilespmem:s0+$0xFFFFFFFF];
	_ =	sdelay $0x4  }
0x11c: {  	(v2sf) =	vpush v18, $0x0;
	_ =	sdelay $0xe  }
0x11d: {  	s2 =	spop (v2sf)  }
0x11e: {  	v18 =	vld [tilespmem:s30+$0xFFFFFF80];
	s5 =	sand.u32 $0x1, s2  }
0x11f: {  	p1 =	seq.s32 s5, $0x1  }
0x120: {  	v19 =	vpsel p1, v15, v8  }
0x121: {  	s2 =	sand.u32 $0x2, s2;
	v56 =	vpsel p1, v17, v16;
	[tilespmem:s30+$0xFFFFFFF0] =	vst v19  }
0x122: {  	p4 =	seq.s32 s2, $0x0;
	v57 =	vpsel p1, v13, v6;
	[tilespmem:s30+$0xFFFFFF90] =	vst v56  }
0x123: {  	v58 =	vpsel p4, v18, v2;
	v19 =	vpsel p1, v11, v4;
	[tilespmem:s30+$0xFFFFFFD0] =	vst v57  }
0x124: {  	v18 =	vsel vm0, v18, v2;
	v21 =	vsel vm0, v9, v58;
	[tilespmem:s30+$0xFFFFFFB0] =	vst v19;
	v19 =	vpsel p1, v14, v7  }
0x125: {  	v18 =	vpsel p1, v21, v18;
	[tilespmem:s30+$0xFFFFFFE0] =	vst v19  }
0x126: {  	v19 =	vpsel p1, v10, v3;
	[tilespmem:s30+$0xFFFFFF80] =	vst v18  }
0x127: {  	v18 =	vpsel p1, v12, v5;
	[tilespmem:s30+$0xFFFFFFA0] =	vst v19  }
0x128: {  	[tilespmem:s30+$0xFFFFFFC0] =	vst v18  }
0x129: {  	v18 =	vld [tilespmem:s0+$0x0];
	_ =	sdelay $0x4  }
0x12a: {  	(v2sf) =	vpush v18, $0x0;
	_ =	sdelay $0xe  }
0x12b: {  	s12 =	spop (v2sf)  }
0x12c: {  	s31 =	sand.u32 $0x1, s12  }
0x12d: {  	p5 =	seq.s32 s31, $0x1  }
0x12e: {  	v18 =	vld [tilespmem:s30+$0x0];
	v19 =	vpsel p5, v13, v6  }
0x12f: {  	v59 =	vpsel p5, v17, v16;
	[tilespmem:s30+$0x50] =	vst v19  }
0x130: {  	v60 =	vpsel p5, v14, v7;
	[tilespmem:s30+$0x10] =	vst v59  }
0x131: {  	s0 =	sand.u32 $0x2, s12;
	v62 =	vpsel p5, v10, v3;
	[tilespmem:s30+$0x60] =	vst v60  }
0x132: {  	p6 =	seq.s32 s0, $0x0;
	v19 =	vpsel p5, v12, v5;
	[tilespmem:s30+$0x20] =	vst v62  }
0x133: {  	v61 =	vpsel p6, v18, v2;
	[tilespmem:s30+$0x40] =	vst v19;
	v19 =	vpsel p5, v15, v8  }
.Ltmp7:
0x134: {  	v63 =	vpsel p5, v11, v4;
	v18 =	vsel vm0, v18, v2;
	[tilespmem:s30+$0x70] =	vst v19;
	v19 =	vsel vm0, v9, v61;
	(pc) =	sbr.rel @p0 .LBB2_11-.Ltmp7, $4  }
0x135: {  	[tilespmem:s30+$0x30] =	vst v63;
	v18 =	vpsel p5, v19, v18  }
0x136: {  	[tilespmem:s30+$0x0] =	vst v18  }
0x137: {  	_ =	strace $0x9000004D  }
0x138: {  	[hbm4b:s3+s16] =	stream.indirect.scatter [tilespmem:s4], [sflag:$0x3], $0x80, s17, s16, $0x2000b8;
	[tilespmem:$0x12000] =	vst v63  }
0x139: {  	_ =	swait.ge [sflag:s18], $0x4000  }
0x13a: {  	[sflag:s18] =	ssyncset.done $0x0  }
0x13b: {  	s0 =	sadd.s32 $0x2, s29;
	[sflag:s18] =	ssyncadd.s32 $0xFFFFC000  }
0x13c: {  	p0 =	sge.u32 s0, s23;
	_ =	swait.ge [sflag:s15], $0x4000  }
0x13d: {  	s0 =	sshll.u32 @!p0 s0, $0x9;
	[sflag:s15] =	ssyncset.done $0x0  }
0x13e: {  	s0 =	sshra.s32 @!p0 s0, $0x2;
	[sflag:s15] =	ssyncadd.s32 $0xFFFFC000  }
0x13f: {  	v18 =	vld @!p0 [tilespmem:s0+$0x11500];
	_ =	sdelay $0x4  }
0x140: {  	v18 =	vshrl.u32 @!p0 v18, $0x2  }
0x141: {  	[tilespmem:$0x11E00] =	vst @!p0 v18  }
0x142: {  	v18 =	vld @!p0 [tilespmem:s0+$0x11510];
	_ =	sdelay $0x4  }
0x143: {  	v18 =	vshrl.u32 @!p0 v18, $0x2  }
0x144: {  	[tilespmem:$0x11E10] =	vst @!p0 v18  }
0x145: {  	v18 =	vld @!p0 [tilespmem:s0+$0x11520];
	_ =	sdelay $0x4  }
0x146: {  	v18 =	vshrl.u32 @!p0 v18, $0x2  }
0x147: {  	[tilespmem:$0x11E20] =	vst @!p0 v18  }
0x148: {  	v18 =	vld @!p0 [tilespmem:s0+$0x11530];
	_ =	sdelay $0x4  }
0x149: {  	v18 =	vshrl.u32 @!p0 v18, $0x2  }
0x14a: {  	[tilespmem:$0x11E30] =	vst @!p0 v18  }
0x14b: {  	v18 =	vld @!p0 [tilespmem:s0+$0x11540];
	_ =	sdelay $0x4  }
0x14c: {  	v18 =	vshrl.u32 @!p0 v18, $0x2  }
0x14d: {  	[tilespmem:$0x11E40] =	vst @!p0 v18  }
0x14e: {  	v18 =	vld @!p0 [tilespmem:s0+$0x11550];
	_ =	sdelay $0x4  }
0x14f: {  	v18 =	vshrl.u32 @!p0 v18, $0x2  }
0x150: {  	[tilespmem:$0x11E50] =	vst @!p0 v18  }
0x151: {  	v18 =	vld @!p0 [tilespmem:s0+$0x11560];
	_ =	sdelay $0x4  }
0x152: {  	v18 =	vshrl.u32 @!p0 v18, $0x2  }
0x153: {  	[tilespmem:$0x11E60] =	vst @!p0 v18  }
0x154: {  	v18 =	vld @!p0 [tilespmem:s0+$0x11570];
	_ =	sdelay $0x4  }
0x155: {  	v18 =	vshrl.u32 @!p0 v18, $0x2  }
0x156: {  	s2 =	simm.s32 @!p0 $0x11E00;
	s5 =	simm.s32 @!p0 $0x0;
	s0 =	simm.s32 @!p0 $0x80;
	[tilespmem:$0x11E70] =	vst @!p0 v18  }
0x157: {  	[tilespmem:s5], [sflag:$0x1] =	stream.indirect.gather @!p0 [hbm4b:s1+s0], $0x80, s2, s0, $0x2000b8;
	[tilespmem:$0x12000] =	vst v63  }
0x158: {  	_ =	strace $0x8000004E  }
0x159: {  	v18 =	vld [tilespmem:s28+$0xFFFFFFFF];
	_ =	sdelay $0x4  }
0x15a: {  	(v2sf) =	vpush v18, $0x0;
	_ =	sdelay $0xe  }
0x15b: {  	s30 =	simm.s32 $0x40F0;
	s10 =	spop (v2sf)  }
0x15c: {  	v18 =	vld [tilespmem:s30+$0xFFFFFF10];
	s11 =	sand.u32 $0x1, s10  }
0x15d: {  	p5 =	seq.s32 s11, $0x1  }
0x15e: {  	v19 =	vpsel p5, v15, v8  }
0x15f: {  	s0 =	sand.u32 $0x2, s10;
	v20 =	vpsel p5, v17, v16;
	[tilespmem:s30+$0xFFFFFF80] =	vst v19  }
0x160: {  	p1 =	seq.s32 s0, $0x0;
	v19 =	vpsel p5, v11, v4;
	[tilespmem:s30+$0xFFFFFF20] =	vst v20  }
0x161: {  	v21 =	vpsel p1, v18, v2;
	v20 =	vpsel p5, v13, v6;
	[tilespmem:s30+$0xFFFFFF40] =	vst v19  }
0x162: {  	v18 =	vsel vm0, v18, v2;
	v21 =	vsel vm0, v9, v21;
	v19 =	vpsel p5, v14, v7;
	[tilespmem:s30+$0xFFFFFF60] =	vst v20  }
0x163: {  	v18 =	vpsel p5, v21, v18;
	[tilespmem:s30+$0xFFFFFF70] =	vst v19  }
0x164: {  	v19 =	vpsel p5, v10, v3;
	[tilespmem:s30+$0xFFFFFF10] =	vst v18  }
0x165: {  	v18 =	vpsel p5, v12, v5;
	[tilespmem:s30+$0xFFFFFF30] =	vst v19  }
0x166: {  	[tilespmem:s30+$0xFFFFFF50] =	vst v18  }
0x167: {  	v18 =	vld [tilespmem:s28+$0x0];
	_ =	sdelay $0x4  }
0x168: {  	(v2sf) =	vpush v18, $0x0;
	_ =	sdelay $0xc  }
0x169: {  	v18 =	vld [tilespmem:s30+$0xFFFFFF90];
	_ =	sdelay $0x1  }
0x16a: {  	s12 =	spop (v2sf)  }
0x16b: {  	s31 =	sand.u32 $0x2, s12;
	s0 =	sand.u32 $0x1, s12  }
0x16c: {  	p6 =	seq.s32 s31, $0x0;
	p1 =	seq.s32 s0, $0x1  }
0x16d: {  	s29 =	simm.s32 $0x41F0;
	s0 =	sadd.s32 $0x2, s28;
	v19 =	vpsel p6, v18, v2;
	v22 =	vpsel p1, v17, v16;
	v23 =	vpsel p1, v13, v6  }
0x16e: {  	s10 =	simm.s32 $0x2;
	s11 =	simm.s32 $0x41F0;
	v21 =	vpsel p1, v10, v3;
	v20 =	vpsel p1, v11, v4;
	s2 =	smov.u32 s0;
	v19 =	vsel vm0, v9, v19;
	[tilespmem:s30+$0xFFFFFFE0] =	vst v23  }
.LBB2_9:
0x16f: {  	s10 =	sadd.s32 $0x2, s10;
	s11 =	sadd.s32 $0x100, s11;
	s0 =	sadd.s32 $0x2, s0;
	[tilespmem:s30+$0xFFFFFFA0] =	vst v22;
	v22 =	vpsel p1, v12, v5;
	v23 =	vpsel p1, v14, v7;
	v24 =	vpsel p1, v15, v8  }
0x170: {  	p0 =	slt.u32 s10, $0x7E;
	[tilespmem:s30+$0xFFFFFFD0] =	vst v22  }
0x171: {  	[tilespmem:s30+$0xFFFFFFF0] =	vst v23  }
0x172: {  	[tilespmem:s30+$0x0] =	vst v24  }
0x173: {  	v18 =	vsel vm0, v18, v2;
	[tilespmem:s30+$0xFFFFFFB0] =	vst v21  }
0x174: {  	v18 =	vpsel p1, v19, v18;
	[tilespmem:s30+$0xFFFFFFC0] =	vst v20  }
0x175: {  	[tilespmem:s30+$0xFFFFFF90] =	vst v18;
	s30 =	smov.u32 s29;
	s29 =	smov.u32 s11  }
0x176: {  	v18 =	vld [tilespmem:s2+$0xFFFFFFFF];
	_ =	sdelay $0x4  }
0x177: {  	(v2sf) =	vpush v18, $0x0;
	_ =	sdelay $0xe  }
0x178: {  	v18 =	vld [tilespmem:s30+$0xFFFFFF10];
	s5 =	spop (v2sf)  }
0x179: {  	s12 =	sand.u32 $0x2, s5;
	s5 =	sand.u32 $0x1, s5  }
0x17a: {  	p2 =	seq.s32 s12, $0x0;
	p1 =	seq.s32 s5, $0x1  }
0x17b: {  	v19 =	vpsel p1, v11, v4;
	v20 =	vpsel p1, v13, v6;
	v21 =	vpsel p1, v15, v8  }
0x17c: {  	v22 =	vpsel p1, v17, v16;
	v23 =	vpsel p1, v10, v3;
	v24 =	vpsel p1, v12, v5;
	[tilespmem:s30+$0xFFFFFF80] =	vst v21  }
0x17d: {  	v21 =	vpsel p2, v18, v2;
	[tilespmem:s30+$0xFFFFFF20] =	vst v22;
	v22 =	vpsel p1, v14, v7  }
0x17e: {  	v18 =	vsel vm0, v18, v2;
	v21 =	vsel vm0, v9, v21;
	[tilespmem:s30+$0xFFFFFF40] =	vst v19  }
0x17f: {  	v18 =	vpsel p1, v21, v18;
	[tilespmem:s30+$0xFFFFFF60] =	vst v20  }
0x180: {  	[tilespmem:s30+$0xFFFFFF70] =	vst v22  }
0x181: {  	[tilespmem:s30+$0xFFFFFF10] =	vst v18  }
0x182: {  	[tilespmem:s30+$0xFFFFFF30] =	vst v23  }
0x183: {  	[tilespmem:s30+$0xFFFFFF50] =	vst v24  }
0x184: {  	v18 =	vld [tilespmem:s2+$0x0];
	s2 =	smov.u32 s0;
	_ =	sdelay $0x4  }
0x185: {  	(v2sf) =	vpush v18, $0x0;
	_ =	sdelay $0xc  }
0x186: {  	v18 =	vld [tilespmem:s30+$0xFFFFFF90];
	_ =	sdelay $0x1  }
.Ltmp8:
0x187: {  	s5 =	spop (v2sf);
	(pc) =	sbr.rel @p0 .LBB2_9-.Ltmp8, $4  }
0x188: {  	s12 =	sand.u32 $0x2, s5;
	s5 =	sand.u32 $0x1, s5  }
0x189: {  	p2 =	seq.s32 s12, $0x0;
	p1 =	seq.s32 s5, $0x1  }
0x18a: {  	v19 =	vpsel p2, v18, v2;
	v22 =	vpsel p1, v17, v16;
	v23 =	vpsel p1, v13, v6  }
0x18b: {  	v21 =	vpsel p1, v10, v3;
	v20 =	vpsel p1, v11, v4;
	v19 =	vsel vm0, v9, v19;
	[tilespmem:s30+$0xFFFFFFE0] =	vst v23  }
0x18c: {  	[tilespmem:s30+$0xFFFFFFA0] =	vst v22  }
0x18d: {  	[tilespmem:s30+$0xFFFFFFB0] =	vst v21  }
0x18e: {  	v54 =	vpsel p1, v12, v5;
	[tilespmem:s30+$0xFFFFFFC0] =	vst v20  }
0x18f: {  	v23 =	vpsel p1, v14, v7;
	[tilespmem:s30+$0xFFFFFFD0] =	vst v54  }
0x190: {  	v55 =	vpsel p1, v15, v8;
	v18 =	vsel vm0, v18, v2;
	[tilespmem:s30+$0xFFFFFFF0] =	vst v23  }
0x191: {  	[tilespmem:s30+$0x0] =	vst v55;
	v18 =	vpsel p1, v19, v18  }
0x192: {  	[tilespmem:s30+$0xFFFFFF90] =	vst v18  }
0x193: {  	v18 =	vld [tilespmem:s2+$0xFFFFFFFF];
	_ =	sdelay $0x4  }
0x194: {  	(v2sf) =	vpush v18, $0x0;
	_ =	sdelay $0xe  }
0x195: {  	s0 =	spop (v2sf)  }
0x196: {  	v18 =	vld [tilespmem:s29+$0xFFFFFF10];
	s5 =	sand.u32 $0x1, s0  }
0x197: {  	p0 =	seq.s32 s5, $0x1  }
0x198: {  	v19 =	vpsel p0, v15, v8  }
0x199: {  	s0 =	sand.u32 $0x2, s0;
	v56 =	vpsel p0, v17, v16;
	[tilespmem:s29+$0xFFFFFF80] =	vst v19  }
0x19a: {  	p4 =	seq.s32 s0, $0x0;
	v57 =	vpsel p0, v13, v6;
	[tilespmem:s29+$0xFFFFFF20] =	vst v56  }
0x19b: {  	v58 =	vpsel p4, v18, v2;
	v19 =	vpsel p0, v11, v4;
	[tilespmem:s29+$0xFFFFFF60] =	vst v57  }
0x19c: {  	v18 =	vsel vm0, v18, v2;
	v21 =	vsel vm0, v9, v58;
	[tilespmem:s29+$0xFFFFFF40] =	vst v19;
	v19 =	vpsel p0, v14, v7  }
0x19d: {  	v18 =	vpsel p0, v21, v18;
	[tilespmem:s29+$0xFFFFFF70] =	vst v19  }
0x19e: {  	v19 =	vpsel p0, v10, v3;
	[tilespmem:s29+$0xFFFFFF10] =	vst v18  }
0x19f: {  	v18 =	vpsel p0, v12, v5;
	[tilespmem:s29+$0xFFFFFF30] =	vst v19  }
0x1a0: {  	[tilespmem:s29+$0xFFFFFF50] =	vst v18  }
0x1a1: {  	v18 =	vld [tilespmem:s2+$0x0];
	_ =	sdelay $0x4  }
0x1a2: {  	(v2sf) =	vpush v18, $0x0;
	_ =	sdelay $0xe  }
0x1a3: {  	s30 =	spop (v2sf)  }
0x1a4: {  	s31 =	sand.u32 $0x1, s30  }
0x1a5: {  	p5 =	seq.s32 s31, $0x1  }
0x1a6: {  	v18 =	vld [tilespmem:s29+$0xFFFFFF90];
	v19 =	vpsel p5, v13, v6  }
0x1a7: {  	v59 =	vpsel p5, v17, v16;
	[tilespmem:s29+$0xFFFFFFE0] =	vst v19  }
0x1a8: {  	v60 =	vpsel p5, v14, v7;
	[tilespmem:s29+$0xFFFFFFA0] =	vst v59  }
0x1a9: {  	s0 =	sand.u32 $0x2, s30;
	v62 =	vpsel p5, v10, v3;
	[tilespmem:s29+$0xFFFFFFF0] =	vst v60  }
0x1aa: {  	p6 =	seq.s32 s0, $0x0;
	v19 =	vpsel p5, v12, v5;
	[tilespmem:s29+$0xFFFFFFB0] =	vst v62  }
0x1ab: {  	v61 =	vpsel p6, v18, v2;
	[tilespmem:s29+$0xFFFFFFD0] =	vst v19;
	v19 =	vpsel p5, v15, v8  }
.Ltmp9:
0x1ac: {  	v63 =	vpsel p5, v11, v4;
	v18 =	vsel vm0, v18, v2;
	[tilespmem:s29+$0x0] =	vst v19;
	v19 =	vsel vm0, v9, v61;
	(pc) =	sbr.rel .LBB2_11-.Ltmp9, $4  }
0x1ad: {  	[tilespmem:s29+$0xFFFFFFC0] =	vst v63;
	v18 =	vpsel p5, v19, v18  }
0x1ae: {  	[tilespmem:s29+$0xFFFFFF90] =	vst v18  }
0x1af: {  	_ =	strace $0x9000004E  }
0x1b0: {  	[hbm4b:s3+s16] =	stream.indirect.scatter [tilespmem:s20], [sflag:$0x4], $0x80, s19, s16, $0x2000b8;
	[tilespmem:$0x12000] =	vst v63  }
.LBB2_12:
0x1b1: {  	s0 =	sand.u32 $0x80, s22  }
0x1b2: {  	p0 =	sne.s32 s0, $0x0  }
0x1b3: {  	p1 =	slt.u32 @!p0 s22, $0x100  }
0x1b4: {  	p1 =	por p0, !p1  }
.Ltmp10:
0x1b5: {  	_ = 	snop;
	(pc) =	sbr.rel @!p1 .LBB2_14-.Ltmp10, $2  }
0x1b6: {  	_ =	sdelay $0x2  }
0x1b7: {  	_ =	strace $0x9000004C  }
.Ltmp11:
0x1b8: {  	s0 =	simm.s32 @!p0 $0x4;
	(pc) =	sbr.rel .LBB2_14-.Ltmp11, $4  }
0x1b9: {  	s0 =	simm.s32 @p0 $0x3  }
0x1ba: {  	_ =	swait.ge [sflag:s0], $0x4000  }
0x1bb: {  	[sflag:s0] =	ssyncset.done $0x0  }
0x1bc: {  	[sflag:s0] =	ssyncadd.s32 $0xFFFFC000  }
.LBB2_15:
0x1bd: {  	_ =	sfence.sel $0x180000  }
0x1be: {  	[bflag:$0x0] =	sbarrier.arrive $0xFFFF  }
0x1bf: {  	_ =	strace $0x9000004A  }
0x1c0: {  	s0 =	stileid.u32;
	[bflag:$0x2] =	sbarrier.arrive $0xFFFF  }
0x1c1: {  	p0 =	sne.s32 s0, $0x0;
	s0 =	rddreg [dreg:$0x3]  }
0x1c2: {  	s0 =	sadd.s32 @!p0 $0x100000, s0  }
0x1c3: {  	[sflag:s0] =	ssyncadd.tile.s32 @!p0 $0x1;
	_ =	shalt  }
.Lfunc_end2:
_tile_overlayer_lowered:
.L_overlay_start_2:
0x1c4: {  	(tag) =	ssettag $0x2  }
0x1c5: {  	s0 =	rddreg [dreg:$0x0];
	s2 =	stileid.u32  }
0x1c6: {  	s1 =	rddreg [dreg:$0x1];
	p0 =	sne.s32 s2, $0x0  }
0x1c7: {  	s3 =	rddreg [dreg:$0x2];
	[bflag:$0x3] =	sbarrier.arrive $0xFFFF;
	s2 =	simm.s32 @!p0 $0x1C06  }
0x1c8: {  	[timem:s3], [sflag:s2] =	dma.local @!p0 [hbm:s0], s1  }
0x1c9: {  	s0 =	simm.s32 @!p0 $0x6  }
0x1ca: {  	_ =	swait.ge @!p0 [sflag:s0], s1  }
0x1cb: {  	s1 =	ssub.s32 @!p0 $0x0, s1;
	[sflag:s0] =	ssyncset.done @!p0 $0x0  }
0x1cc: {  	[sflag:s0] =	ssyncadd.s32 @!p0 s1  }
0x1cd: {  	[bflag:$0x3] =	sbarrier.arrive $0xFFFF  }
0x1ce: {  	_ =	shalt  }

</sc_bundles>
